<compile_context>
chip_gen: v7x
topology: tpu7x:2x2x1
jax: 0.10.2.dev20260603
libtpu: 0.0.44.dev20260713+nightly
codegen_flags: <defaults>
</compile_context>

<pallas_src>
import functools

import jax
import jax.numpy as jnp
from jax import lax
from jax.experimental import pallas as pl
from jax.experimental.pallas import tpu as pltpu
from jax.experimental.pallas import tpu_sc as plsc

N = 10000
E = 320000
H1 = 64
H2 = 128
NCLS = 40
H3P = 48

NC = 2
NS = 16
NW = NC * NS
EPW = E // NW
CH = 80
NCHUNK = EPW // CH
N_PAD = 10240
RPS = N_PAD // NS


def _sc_mesh():
    return plsc.VectorSubcoreMesh(core_axis_name="c", subcore_axis_name="s")


_SC_PARAMS = pltpu.CompilerParams(use_tc_tiling_on_sc=False)


def _sc_degree(dst_r, zeros16, ones16):

    @functools.partial(
        pl.kernel,
        out_type=jax.ShapeDtypeStruct((NC, N_PAD, 16), jnp.float32),
        mesh=_sc_mesh(),
        compiler_params=_SC_PARAMS,
        scratch_types=[
            pltpu.VMEM((NCHUNK, CH), jnp.int32),
            pltpu.VMEM((CH, 16), jnp.float32),
            pltpu.VMEM_SHARED((N_PAD, 16), jnp.float32),
            pltpu.SemaphoreType.DMA,
        ],
    )
    def deg_kernel(dst_hbm, z_hbm, one_hbm, out_hbm, didx_v, ones_v, cnt_sh, dsem):
        c = lax.axis_index("c")
        s = lax.axis_index("s")
        wid = s * NC + c
        row0 = s * RPS
        pltpu.sync_copy(dst_hbm.at[wid], didx_v)
        pltpu.sync_copy(one_hbm, ones_v)
        pltpu.sync_copy(z_hbm.at[pl.ds(row0, RPS)], cnt_sh.at[pl.ds(row0, RPS)])
        plsc.subcore_barrier()

        @pl.loop(0, NCHUNK)
        def _(j):
            pltpu.async_copy(ones_v, cnt_sh.at[didx_v.at[j]], dsem, add=True)

        @pl.loop(0, NCHUNK)
        def _(j):
            pltpu.make_async_copy(ones_v, cnt_sh.at[didx_v.at[j]], dsem).wait()

        plsc.subcore_barrier()
        pltpu.sync_copy(cnt_sh.at[pl.ds(row0, RPS)], out_hbm.at[c, pl.ds(row0, RPS)])

    return deg_kernel(dst_r, zeros16, ones16)


def _sc_aggregate(u_pad, src_r, dst_r, zeros, nbuf):
    H = u_pad.shape[1]
    nchunk, ch = src_r.shape[1], src_r.shape[2]

    @functools.partial(
        pl.kernel,
        out_type=jax.ShapeDtypeStruct((NC, N_PAD, H), jnp.float32),
        mesh=_sc_mesh(),
        compiler_params=_SC_PARAMS,
        scratch_types=[
            pltpu.VMEM((nchunk, ch), jnp.int32),
            pltpu.VMEM((nchunk, ch), jnp.int32),
            pltpu.VMEM((nbuf, ch, H), jnp.float32),
            pltpu.VMEM_SHARED((N_PAD, H), jnp.float32),
        ]
        + [pltpu.SemaphoreType.DMA] * (2 * nbuf),
    )
    def agg_kernel(u_hbm, s_hbm, d_hbm, z_hbm, out_hbm, sidx_v, didx_v, rows_v,
                   agg_sh, *sems):
        c = lax.axis_index("c")
        s = lax.axis_index("s")
        wid = s * NC + c
        row0 = s * RPS
        pltpu.sync_copy(s_hbm.at[wid], sidx_v)
        pltpu.sync_copy(d_hbm.at[wid], didx_v)
        pltpu.sync_copy(z_hbm.at[pl.ds(row0, RPS)], agg_sh.at[pl.ds(row0, RPS)])
        plsc.subcore_barrier()

        gsem, ssem = sems[:nbuf], sems[nbuf:]

        def gather_start(b, jj):
            pltpu.async_copy(u_hbm.at[sidx_v.at[jj]], rows_v.at[b], gsem[b])

        def gather_wait(b, jj):
            pltpu.make_async_copy(u_hbm.at[sidx_v.at[jj]], rows_v.at[b],
                                  gsem[b]).wait()

        def scatter_start(b, jj):
            pltpu.async_copy(rows_v.at[b], agg_sh.at[didx_v.at[jj]], ssem[b],
                             add=True)

        def scatter_wait(b, jj):
            pltpu.make_async_copy(rows_v.at[b], agg_sh.at[didx_v.at[jj]],
                                  ssem[b]).wait()

        for b in range(nbuf):
            gather_start(b, b)

        @pl.loop(0, nchunk - nbuf, step=nbuf)
        def _(j):
            for b in range(nbuf):
                jj = j + b
                gather_wait(b, jj)
                scatter_start(b, jj)
                scatter_wait(b, jj)
                gather_start(b, jj + nbuf)

        for b in range(nbuf):
            jj = nchunk - nbuf + b
            gather_wait(b, jj)
            scatter_start(b, jj)
            scatter_wait(b, jj)
        plsc.subcore_barrier()
        pltpu.sync_copy(agg_sh.at[pl.ds(row0, RPS)], out_hbm.at[c, pl.ds(row0, RPS)])

    return agg_kernel(u_pad, src_r, dst_r, zeros)


def _tc_matmul(x, W):
    def body(x_ref, w_ref, o_ref):
        o_ref[...] = jnp.dot(x_ref[...], w_ref[...], preferred_element_type=jnp.float32)

    return pl.pallas_call(
        body,
        out_shape=jax.ShapeDtypeStruct((x.shape[0], W.shape[1]), jnp.float32),
    )(x, W)


def _tc_dinv_scale(deg_parts, h):
    def body(deg_ref, h_ref, dinv_ref, u_ref):
        deg = deg_ref[0, :N, 0:1] + deg_ref[1, :N, 0:1] + 1.0
        dinv = lax.rsqrt(deg)
        dinv_ref[...] = dinv
        u_ref[...] = h_ref[...] * dinv

    return pl.pallas_call(
        body,
        out_shape=(
            jax.ShapeDtypeStruct((N, 1), jnp.float32),
            jax.ShapeDtypeStruct(h.shape, jnp.float32),
        ),
    )(deg_parts, h)


def _tc_post(agg, u, dinv, b, g, bt, Wn):

    def body(agg_ref, u_ref, dinv_ref, b_ref, g_ref, bt_ref, w_ref, o_ref):
        dinv = dinv_ref[...]
        z = (agg_ref[0, :N] + agg_ref[1, :N] + u_ref[...]) * dinv + b_ref[...]
        m = jnp.mean(z, axis=0, keepdims=True)
        zc = z - m
        v = jnp.mean(zc * zc, axis=0, keepdims=True)
        hh = jnp.maximum(zc * lax.rsqrt(v + 1e-5) * g_ref[...] + bt_ref[...], 0.0)
        o_ref[...] = jnp.dot(hh, w_ref[...], preferred_element_type=jnp.float32) * dinv

    return pl.pallas_call(
        body,
        out_shape=jax.ShapeDtypeStruct((N, Wn.shape[1]), jnp.float32),
    )(agg, u, dinv, b, g, bt, Wn)


def _tc_out(agg, u, dinv, b):

    def body(agg_ref, u_ref, dinv_ref, b_ref, o_ref):
        z = (agg_ref[0, :N, :NCLS] + agg_ref[1, :N, :NCLS] + u_ref[...]) * dinv_ref[...] + b_ref[...]
        mx = jnp.max(z, axis=1, keepdims=True)
        lse = jnp.log(jnp.sum(jnp.exp(z - mx), axis=1, keepdims=True)) + mx
        o_ref[...] = z - lse

    return pl.pallas_call(
        body,
        out_shape=jax.ShapeDtypeStruct((N, NCLS), jnp.float32),
    )(agg, u, dinv, b)


def kernel(x, edge_index, W1, b1, g1, bt1, W2, b2, g2, bt2, W3, b3):
    src_r = edge_index[0].reshape(NW, NCHUNK, CH)
    dst_r = edge_index[1].reshape(NW, NCHUNK, CH)
    src_r40 = edge_index[0].reshape(NW, 2 * NCHUNK, CH // 2)
    dst_r40 = edge_index[1].reshape(NW, 2 * NCHUNK, CH // 2)

    zeros16 = jnp.zeros((N_PAD, 16), jnp.float32)
    ones16 = jnp.ones((CH, 16), jnp.float32)
    z1 = jnp.zeros((N_PAD, H1), jnp.float32)
    z2 = jnp.zeros((N_PAD, H2), jnp.float32)
    z3 = jnp.zeros((N_PAD, H3P), jnp.float32)

    h1 = _tc_matmul(x, W1)
    deg_parts = _sc_degree(dst_r, zeros16, ones16)
    dinv, u1 = _tc_dinv_scale(deg_parts, h1)

    agg1 = _sc_aggregate(u1, src_r, dst_r, z1, nbuf=5)
    u2 = _tc_post(agg1, u1, dinv, b1.reshape(1, -1), g1.reshape(1, -1),
                  bt1.reshape(1, -1), W2)

    agg2 = _sc_aggregate(u2, src_r40, dst_r40, z2, nbuf=5)
    u3 = _tc_post(agg2, u2, dinv, b2.reshape(1, -1), g2.reshape(1, -1),
                  bt2.reshape(1, -1), W3)

    u3p = jnp.pad(u3, ((0, 0), (0, H3P - NCLS)))
    agg3 = _sc_aggregate(u3p, src_r, dst_r, z3, nbuf=5)
    return _tc_out(agg3, u3, dinv, b3.reshape(1, -1))

# --- scband reference (transcript-rebuilt; emitter-appended) ---
"""Pipeline reference for scband-gcn-13683765805327 (READ-ONLY COPY).

The authoritative reference and input builder live on the scoring server;
editing this copy changes nothing except your own understanding.
"""

import jax, jax.numpy as jnp
import numpy as np

N = 10000
E = 320000
F_IN = 128
H1 = 64
H2 = 128
NCLS = 40


def gcn_conv(x, src, dst, W, b, n):
    # x' = x @ W, then symmetric-normalized aggregation with self-loops, then + bias
    h = x @ W
    loop = jnp.arange(n, dtype=src.dtype)
    s = jnp.concatenate([src, loop])
    d = jnp.concatenate([dst, loop])
    deg = jnp.zeros((n,), dtype=h.dtype).at[d].add(1.0)
    dinv = jnp.where(deg > 0, jax.lax.rsqrt(deg), 0.0)
    norm = dinv[s] * dinv[d]
    msg = h[s] * norm[:, None]
    out = jax.ops.segment_sum(msg, d, num_segments=n)
    return out + b


def batch_norm(x, g, b, eps=1e-5):
    m = x.mean(axis=0)
    v = x.var(axis=0)
    return (x - m) * jax.lax.rsqrt(v + eps) * g + b


def setup_inputs(seed: int = 0):
    key = jax.random.key(seed)
    ks = jax.random.split(key, 6)
    x = jax.random.normal(ks[0], (N, F_IN), dtype=jnp.float32)
    edge_index = jax.random.randint(ks[1], (2, E), 0, N, dtype=jnp.int32)
    W1 = jax.random.normal(ks[2], (F_IN, H1), dtype=jnp.float32) * (1.0 / np.sqrt(F_IN))
    b1 = jnp.zeros((H1,), dtype=jnp.float32)
    g1 = jnp.ones((H1,), dtype=jnp.float32)
    bt1 = jnp.zeros((H1,), dtype=jnp.float32)
    W2 = jax.random.normal(ks[3], (H1, H2), dtype=jnp.float32) * (1.0 / np.sqrt(H1))
    b2 = jnp.zeros((H2,), dtype=jnp.float32)
    g2 = jnp.ones((H2,), dtype=jnp.float32)
    bt2 = jnp.zeros((H2,), dtype=jnp.float32)
    W3 = jax.random.normal(ks[4], (H2, NCLS), dtype=jnp.float32) * (1.0 / np.sqrt(H2))
    b3 = jnp.zeros((NCLS,), dtype=jnp.float32)
    return {"x": x, "edge_index": edge_index, "W1": W1, "b1": b1, "g1": g1, "bt1": bt1,
            "W2": W2, "b2": b2, "g2": g2, "bt2": bt2, "W3": W3, "b3": b3}


def reference(x, edge_index, W1, b1, g1, bt1, W2, b2, g2, bt2, W3, b3):
    src = edge_index[0]
    dst = edge_index[1]
    h = jax.nn.relu(batch_norm(gcn_conv(x, src, dst, W1, b1, N), g1, bt1))
    # dropout p=0.3 is identity in eval mode
    h = jax.nn.relu(batch_norm(gcn_conv(h, src, dst, W2, b2, N), g2, bt2))
    h = gcn_conv(h, src, dst, W3, b3, N)
    return jax.nn.log_softmax(h, axis=1)

if __name__ == "__main__":
    import jax
    _d = setup_inputs()
    print(jax.jit(kernel)(*tuple(_d.values())))

</pallas_src>

<mosaic_0001>
#map = affine_map<(d0, d1) -> (0, 0, 0)>
#map1 = affine_map<(d0, d1) -> (0, 0)>
module attributes {stable_mosaic.version = 14 : i64} {
  func.func @deg_kernel(%arg0: i32, %arg1: i32, %arg2: memref<32x125x80xi32, #tpu.memory_space<hbm>>, %arg3: memref<10240x16xf32, #tpu.memory_space<hbm>>, %arg4: memref<80x16xf32, #tpu.memory_space<hbm>>, %arg5: memref<2x10240x16xf32, #tpu.memory_space<hbm>>, %arg6: memref<125x80xi32, #tpu.memory_space<vmem>>, %arg7: memref<80x16xf32, #tpu.memory_space<vmem>>, %arg8: memref<10240x16xf32, #tpu.memory_space<vmem_shared>>, %arg9: memref<!tpu.dma_semaphore, #tpu.memory_space<semaphore_mem>>) attributes {dimension_semantics = [#tpu.dimension_semantics<core_parallel>, #tpu.dimension_semantics<subcore_parallel>], iteration_bounds = array<i64: 2, 16>, scalar_prefetch = 0 : i64, scratch_operands = 4 : i64, tpu.core_type = #tpu.core_type<sc_vector_subcore>, window_params = [{transform_indices = #map}, {transform_indices = #map1}, {transform_indices = #map1}, {transform_indices = #map}]} {
    %mul3A = arith.constant 2 : i32
    %mul3A_0 = arith.muli %arg1, %mul3A : i32
    %add3A = arith.addi %mul3A_0, %arg0 : i32
    %mul3A_1 = arith.constant 640 : i32
    %mul3A_2 = arith.muli %arg1, %mul3A_1 : i32
    "tpu.region"() ({
      %run_scoped3A = tpu.sem_alloc : memref<!tpu.dma_semaphore, #tpu.memory_space<semaphore_mem>>
      %dma_start3A = arith.constant 0 : i32
      %dma_start3A_13 = arith.constant 0 : i32
      %dma_start3A_14 = tpu.memref_slice %arg2[%add3A, %dma_start3A, %dma_start3A_13] : memref<32x125x80xi32, #tpu.memory_space<hbm>> -> memref<1x125x80xi32, #tpu.memory_space<hbm>>
      %dma_start3A_15 = tpu.memref_squeeze %dma_start3A_14 : memref<1x125x80xi32, #tpu.memory_space<hbm>> -> memref<125x80xi32, #tpu.memory_space<hbm>>
      %dma_start3A_16 = arith.constant 0 : i32
      %dma_start3A_17 = arith.constant 0 : i32
      %dma_start3A_18 = tpu.memref_slice %arg2[%add3A, %dma_start3A_16, %dma_start3A_17] : memref<32x125x80xi32, #tpu.memory_space<hbm>> -> memref<1x125x80xi32, #tpu.memory_space<hbm>>
      %dma_start3A_19 = tpu.memref_squeeze %dma_start3A_18 : memref<1x125x80xi32, #tpu.memory_space<hbm>> -> memref<125x80xi32, #tpu.memory_space<hbm>>
      tpu.enqueue_dma source(%dma_start3A_19 : memref<125x80xi32, #tpu.memory_space<hbm>>) target(%arg6 : memref<125x80xi32, #tpu.memory_space<vmem>>) target_semaphore(%run_scoped3A : memref<!tpu.dma_semaphore, #tpu.memory_space<semaphore_mem>>)
      %dma_wait3A = arith.constant 0 : i32
      %dma_wait3A_20 = arith.constant 0 : i32
      %dma_wait3A_21 = tpu.memref_slice %arg2[%add3A, %dma_wait3A, %dma_wait3A_20] : memref<32x125x80xi32, #tpu.memory_space<hbm>> -> memref<1x125x80xi32, #tpu.memory_space<hbm>>
      %dma_wait3A_22 = tpu.memref_squeeze %dma_wait3A_21 : memref<1x125x80xi32, #tpu.memory_space<hbm>> -> memref<125x80xi32, #tpu.memory_space<hbm>>
      %dma_wait3A_23 = arith.constant 0 : i32
      %dma_wait3A_24 = arith.constant 0 : i32
      %dma_wait3A_25 = tpu.memref_slice %arg2[%add3A, %dma_wait3A_23, %dma_wait3A_24] : memref<32x125x80xi32, #tpu.memory_space<hbm>> -> memref<1x125x80xi32, #tpu.memory_space<hbm>>
      %dma_wait3A_26 = tpu.memref_squeeze %dma_wait3A_25 : memref<1x125x80xi32, #tpu.memory_space<hbm>> -> memref<125x80xi32, #tpu.memory_space<hbm>>
      tpu.wait_dma2 semaphore(%run_scoped3A : memref<!tpu.dma_semaphore, #tpu.memory_space<semaphore_mem>>) src(%dma_wait3A_26 : memref<125x80xi32, #tpu.memory_space<hbm>>) dst(%arg6 : memref<125x80xi32, #tpu.memory_space<vmem>>)
      tpu.yield
    }) : () -> ()
    "tpu.region"() ({
      %run_scoped3A = tpu.sem_alloc : memref<!tpu.dma_semaphore, #tpu.memory_space<semaphore_mem>>
      tpu.enqueue_dma source(%arg4 : memref<80x16xf32, #tpu.memory_space<hbm>>) target(%arg7 : memref<80x16xf32, #tpu.memory_space<vmem>>) target_semaphore(%run_scoped3A : memref<!tpu.dma_semaphore, #tpu.memory_space<semaphore_mem>>)
      tpu.wait_dma2 semaphore(%run_scoped3A : memref<!tpu.dma_semaphore, #tpu.memory_space<semaphore_mem>>) src(%arg4 : memref<80x16xf32, #tpu.memory_space<hbm>>) dst(%arg7 : memref<80x16xf32, #tpu.memory_space<vmem>>)
      tpu.yield
    }) : () -> ()
    "tpu.region"() ({
      %run_scoped3A = tpu.sem_alloc : memref<!tpu.dma_semaphore, #tpu.memory_space<semaphore_mem>>
      %dma_start3A = arith.constant 0 : i32
      %dma_start3A_13 = tpu.memref_slice %arg8[%mul3A_2, %dma_start3A] : memref<10240x16xf32, #tpu.memory_space<vmem_shared>> -> memref<640x16xf32, #tpu.memory_space<vmem_shared>>
      %dma_start3A_14 = arith.constant 0 : i32
      %dma_start3A_15 = tpu.memref_slice %arg3[%mul3A_2, %dma_start3A_14] : memref<10240x16xf32, #tpu.memory_space<hbm>> -> memref<640x16xf32, #tpu.memory_space<hbm>>
      tpu.enqueue_dma source(%dma_start3A_15 : memref<640x16xf32, #tpu.memory_space<hbm>>) target(%dma_start3A_13 : memref<640x16xf32, #tpu.memory_space<vmem_shared>>) target_semaphore(%run_scoped3A : memref<!tpu.dma_semaphore, #tpu.memory_space<semaphore_mem>>)
      %dma_wait3A = arith.constant 0 : i32
      %dma_wait3A_16 = tpu.memref_slice %arg8[%mul3A_2, %dma_wait3A] : memref<10240x16xf32, #tpu.memory_space<vmem_shared>> -> memref<640x16xf32, #tpu.memory_space<vmem_shared>>
      %dma_wait3A_17 = arith.constant 0 : i32
      %dma_wait3A_18 = tpu.memref_slice %arg3[%mul3A_2, %dma_wait3A_17] : memref<10240x16xf32, #tpu.memory_space<hbm>> -> memref<640x16xf32, #tpu.memory_space<hbm>>
      tpu.wait_dma2 semaphore(%run_scoped3A : memref<!tpu.dma_semaphore, #tpu.memory_space<semaphore_mem>>) src(%dma_wait3A_18 : memref<640x16xf32, #tpu.memory_space<hbm>>) dst(%dma_wait3A_16 : memref<640x16xf32, #tpu.memory_space<vmem_shared>>)
      tpu.yield
    }) : () -> ()
    %barrier3A = arith.constant 0 : index
    tpu.barrier barrier_id(%barrier3A)
    %scan3A = arith.constant 0 : i32
    %scan3A_3 = arith.constant 125 : i32
    %scan3A_4 = arith.addi %scan3A, %scan3A_3 : i32
    %scan3A_5 = arith.constant 1 : i32
    scf.for %scan3A_13 = %scan3A to %scan3A_4 step %scan3A_5  : i32 {
      %mul3A_14 = arith.constant 1 : i32
      %mul3A_15 = arith.muli %scan3A_13, %mul3A_14 : i32
      %add3A_16 = arith.constant 0 : i32
      %add3A_17 = arith.addi %add3A_16, %mul3A_15 : i32
      %dma_start3A = arith.constant 0 : i32
      %dma_start3A_18 = tpu.memref_slice %arg6[%add3A_17, %dma_start3A] : memref<125x80xi32, #tpu.memory_space<vmem>> -> memref<1x80xi32, #tpu.memory_space<vmem>>
      %dma_start3A_19 = tpu.memref_squeeze %dma_start3A_18 : memref<1x80xi32, #tpu.memory_space<vmem>> -> memref<80xi32, #tpu.memory_space<vmem>>
      %dma_start3A_20 = arith.constant 0 : i32
      %dma_start3A_21 = arith.constant 0 : i32
      %dma_start3A_22 = tpu.memref_slice %arg8[%dma_start3A_20, %dma_start3A_21] : memref<10240x16xf32, #tpu.memory_space<vmem_shared>> -> memref<10240x16xf32, #tpu.memory_space<vmem_shared>>
      tpu.enqueue_indirect_dma source(%arg7 : memref<80x16xf32, #tpu.memory_space<vmem>>) target(%dma_start3A_22 : memref<10240x16xf32, #tpu.memory_space<vmem_shared>>) offsets(%dma_start3A_19 : memref<80xi32, #tpu.memory_space<vmem>>) semaphore(%arg9 : memref<!tpu.dma_semaphore, #tpu.memory_space<semaphore_mem>>) {add = true}
    }
    %scan3A_6 = arith.constant 125 : i32
    %scan3A_7 = arith.constant 0 : i32
    %scan3A_8 = arith.constant 125 : i32
    %scan3A_9 = arith.addi %scan3A_7, %scan3A_8 : i32
    %scan3A_10 = arith.constant 1 : i32
    scf.for %scan3A_13 = %scan3A_7 to %scan3A_9 step %scan3A_10  : i32 {
      %mul3A_14 = arith.constant 1 : i32
      %mul3A_15 = arith.muli %scan3A_13, %mul3A_14 : i32
      %add3A_16 = arith.constant 0 : i32
      %add3A_17 = arith.addi %add3A_16, %mul3A_15 : i32
      %dma_wait3A = arith.constant 0 : i32
      %dma_wait3A_18 = tpu.memref_slice %arg6[%add3A_17, %dma_wait3A] : memref<125x80xi32, #tpu.memory_space<vmem>> -> memref<1x80xi32, #tpu.memory_space<vmem>>
      %dma_wait3A_19 = tpu.memref_squeeze %dma_wait3A_18 : memref<1x80xi32, #tpu.memory_space<vmem>> -> memref<80xi32, #tpu.memory_space<vmem>>
      %dma_wait3A_20 = arith.constant 0 : i32
      %dma_wait3A_21 = arith.constant 0 : i32
      %dma_wait3A_22 = tpu.memref_slice %arg8[%dma_wait3A_20, %dma_wait3A_21] : memref<10240x16xf32, #tpu.memory_space<vmem_shared>> -> memref<10240x16xf32, #tpu.memory_space<vmem_shared>>
      tpu.wait_indirect_dma semaphore(%arg9 : memref<!tpu.dma_semaphore, #tpu.memory_space<semaphore_mem>>) src(%arg7 : memref<80x16xf32, #tpu.memory_space<vmem>>) dst(%dma_wait3A_22 : memref<10240x16xf32, #tpu.memory_space<vmem_shared>>)
    }
    %scan3A_11 = arith.constant 125 : i32
    %barrier3A_12 = arith.constant 0 : index
    tpu.barrier barrier_id(%barrier3A_12)
    "tpu.region"() ({
      %run_scoped3A = tpu.sem_alloc : memref<!tpu.dma_semaphore, #tpu.memory_space<semaphore_mem>>
      %dma_start3A = arith.constant 0 : i32
      %dma_start3A_13 = tpu.memref_slice %arg5[%arg0, %mul3A_2, %dma_start3A] : memref<2x10240x16xf32, #tpu.memory_space<hbm>> -> memref<1x640x16xf32, #tpu.memory_space<hbm>>
      %dma_start3A_14 = tpu.memref_squeeze %dma_start3A_13 : memref<1x640x16xf32, #tpu.memory_space<hbm>> -> memref<640x16xf32, #tpu.memory_space<hbm>>
      %dma_start3A_15 = arith.constant 0 : i32
      %dma_start3A_16 = tpu.memref_slice %arg8[%mul3A_2, %dma_start3A_15] : memref<10240x16xf32, #tpu.memory_space<vmem_shared>> -> memref<640x16xf32, #tpu.memory_space<vmem_shared>>
      tpu.enqueue_dma source(%dma_start3A_16 : memref<640x16xf32, #tpu.memory_space<vmem_shared>>) target(%dma_start3A_14 : memref<640x16xf32, #tpu.memory_space<hbm>>) target_semaphore(%run_scoped3A : memref<!tpu.dma_semaphore, #tpu.memory_space<semaphore_mem>>)
      %dma_wait3A = arith.constant 0 : i32
      %dma_wait3A_17 = tpu.memref_slice %arg5[%arg0, %mul3A_2, %dma_wait3A] : memref<2x10240x16xf32, #tpu.memory_space<hbm>> -> memref<1x640x16xf32, #tpu.memory_space<hbm>>
      %dma_wait3A_18 = tpu.memref_squeeze %dma_wait3A_17 : memref<1x640x16xf32, #tpu.memory_space<hbm>> -> memref<640x16xf32, #tpu.memory_space<hbm>>
      %dma_wait3A_19 = arith.constant 0 : i32
      %dma_wait3A_20 = tpu.memref_slice %arg8[%mul3A_2, %dma_wait3A_19] : memref<10240x16xf32, #tpu.memory_space<vmem_shared>> -> memref<640x16xf32, #tpu.memory_space<vmem_shared>>
      tpu.wait_dma2 semaphore(%run_scoped3A : memref<!tpu.dma_semaphore, #tpu.memory_space<semaphore_mem>>) src(%dma_wait3A_20 : memref<640x16xf32, #tpu.memory_space<vmem_shared>>) dst(%dma_wait3A_18 : memref<640x16xf32, #tpu.memory_space<hbm>>)
      tpu.yield
    }) : () -> ()
    return
  }
}

#map = affine_map<(d0, d1) -> (0, 0)>
#map1 = affine_map<(d0, d1) -> (0, 0, 0)>
module attributes {stable_mosaic.version = 14 : i64} {
  func.func @agg_kernel(%arg0: i32, %arg1: i32, %arg2: memref<10000x128xf32, #tpu.memory_space<hbm>>, %arg3: memref<32x250x40xi32, #tpu.memory_space<hbm>>, %arg4: memref<32x250x40xi32, #tpu.memory_space<hbm>>, %arg5: memref<10240x128xf32, #tpu.memory_space<hbm>>, %arg6: memref<2x10240x128xf32, #tpu.memory_space<hbm>>, %arg7: memref<250x40xi32, #tpu.memory_space<vmem>>, %arg8: memref<250x40xi32, #tpu.memory_space<vmem>>, %arg9: memref<5x40x128xf32, #tpu.memory_space<vmem>>, %arg10: memref<10240x128xf32, #tpu.memory_space<vmem_shared>>, %arg11: memref<!tpu.dma_semaphore, #tpu.memory_space<semaphore_mem>>, %arg12: memref<!tpu.dma_semaphore, #tpu.memory_space<semaphore_mem>>, %arg13: memref<!tpu.dma_semaphore, #tpu.memory_space<semaphore_mem>>, %arg14: memref<!tpu.dma_semaphore, #tpu.memory_space<semaphore_mem>>, %arg15: memref<!tpu.dma_semaphore, #tpu.memory_space<semaphore_mem>>, %arg16: memref<!tpu.dma_semaphore, #tpu.memory_space<semaphore_mem>>, %arg17: memref<!tpu.dma_semaphore, #tpu.memory_space<semaphore_mem>>, %arg18: memref<!tpu.dma_semaphore, #tpu.memory_space<semaphore_mem>>, %arg19: memref<!tpu.dma_semaphore, #tpu.memory_space<semaphore_mem>>, %arg20: memref<!tpu.dma_semaphore, #tpu.memory_space<semaphore_mem>>) attributes {dimension_semantics = [#tpu.dimension_semantics<core_parallel>, #tpu.dimension_semantics<subcore_parallel>], iteration_bounds = array<i64: 2, 16>, scalar_prefetch = 0 : i64, scratch_operands = 14 : i64, tpu.core_type = #tpu.core_type<sc_vector_subcore>, window_params = [{transform_indices = #map}, {transform_indices = #map1}, {transform_indices = #map1}, {transform_indices = #map}, {transform_indices = #map1}]} {
    %mul3A = arith.constant 2 : i32
    %mul3A_0 = arith.muli %arg1, %mul3A : i32
    %add3A = arith.addi %mul3A_0, %arg0 : i32
    %mul3A_1 = arith.constant 640 : i32
    %mul3A_2 = arith.muli %arg1, %mul3A_1 : i32
    "tpu.region"() ({
      %run_scoped3A = tpu.sem_alloc : memref<!tpu.dma_semaphore, #tpu.memory_space<semaphore_mem>>
      %dma_start3A_246 = arith.constant 0 : i32
      %dma_start3A_247 = arith.constant 0 : i32
      %dma_start3A_248 = tpu.memref_slice %arg3[%add3A, %dma_start3A_246, %dma_start3A_247] : memref<32x250x40xi32, #tpu.memory_space<hbm>> -> memref<1x250x40xi32, #tpu.memory_space<hbm>>
      %dma_start3A_249 = tpu.memref_squeeze %dma_start3A_248 : memref<1x250x40xi32, #tpu.memory_space<hbm>> -> memref<250x40xi32, #tpu.memory_space<hbm>>
      %dma_start3A_250 = arith.constant 0 : i32
      %dma_start3A_251 = arith.constant 0 : i32
      %dma_start3A_252 = tpu.memref_slice %arg3[%add3A, %dma_start3A_250, %dma_start3A_251] : memref<32x250x40xi32, #tpu.memory_space<hbm>> -> memref<1x250x40xi32, #tpu.memory_space<hbm>>
      %dma_start3A_253 = tpu.memref_squeeze %dma_start3A_252 : memref<1x250x40xi32, #tpu.memory_space<hbm>> -> memref<250x40xi32, #tpu.memory_space<hbm>>
      tpu.enqueue_dma source(%dma_start3A_253 : memref<250x40xi32, #tpu.memory_space<hbm>>) target(%arg7 : memref<250x40xi32, #tpu.memory_space<vmem>>) target_semaphore(%run_scoped3A : memref<!tpu.dma_semaphore, #tpu.memory_space<semaphore_mem>>)
      %dma_wait3A_254 = arith.constant 0 : i32
      %dma_wait3A_255 = arith.constant 0 : i32
      %dma_wait3A_256 = tpu.memref_slice %arg3[%add3A, %dma_wait3A_254, %dma_wait3A_255] : memref<32x250x40xi32, #tpu.memory_space<hbm>> -> memref<1x250x40xi32, #tpu.memory_space<hbm>>
      %dma_wait3A_257 = tpu.memref_squeeze %dma_wait3A_256 : memref<1x250x40xi32, #tpu.memory_space<hbm>> -> memref<250x40xi32, #tpu.memory_space<hbm>>
      %dma_wait3A_258 = arith.constant 0 : i32
      %dma_wait3A_259 = arith.constant 0 : i32
      %dma_wait3A_260 = tpu.memref_slice %arg3[%add3A, %dma_wait3A_258, %dma_wait3A_259] : memref<32x250x40xi32, #tpu.memory_space<hbm>> -> memref<1x250x40xi32, #tpu.memory_space<hbm>>
      %dma_wait3A_261 = tpu.memref_squeeze %dma_wait3A_260 : memref<1x250x40xi32, #tpu.memory_space<hbm>> -> memref<250x40xi32, #tpu.memory_space<hbm>>
      tpu.wait_dma2 semaphore(%run_scoped3A : memref<!tpu.dma_semaphore, #tpu.memory_space<semaphore_mem>>) src(%dma_wait3A_261 : memref<250x40xi32, #tpu.memory_space<hbm>>) dst(%arg7 : memref<250x40xi32, #tpu.memory_space<vmem>>)
      tpu.yield
    }) : () -> ()
    "tpu.region"() ({
      %run_scoped3A = tpu.sem_alloc : memref<!tpu.dma_semaphore, #tpu.memory_space<semaphore_mem>>
      %dma_start3A_246 = arith.constant 0 : i32
      %dma_start3A_247 = arith.constant 0 : i32
      %dma_start3A_248 = tpu.memref_slice %arg4[%add3A, %dma_start3A_246, %dma_start3A_247] : memref<32x250x40xi32, #tpu.memory_space<hbm>> -> memref<1x250x40xi32, #tpu.memory_space<hbm>>
      %dma_start3A_249 = tpu.memref_squeeze %dma_start3A_248 : memref<1x250x40xi32, #tpu.memory_space<hbm>> -> memref<250x40xi32, #tpu.memory_space<hbm>>
      %dma_start3A_250 = arith.constant 0 : i32
      %dma_start3A_251 = arith.constant 0 : i32
      %dma_start3A_252 = tpu.memref_slice %arg4[%add3A, %dma_start3A_250, %dma_start3A_251] : memref<32x250x40xi32, #tpu.memory_space<hbm>> -> memref<1x250x40xi32, #tpu.memory_space<hbm>>
      %dma_start3A_253 = tpu.memref_squeeze %dma_start3A_252 : memref<1x250x40xi32, #tpu.memory_space<hbm>> -> memref<250x40xi32, #tpu.memory_space<hbm>>
      tpu.enqueue_dma source(%dma_start3A_253 : memref<250x40xi32, #tpu.memory_space<hbm>>) target(%arg8 : memref<250x40xi32, #tpu.memory_space<vmem>>) target_semaphore(%run_scoped3A : memref<!tpu.dma_semaphore, #tpu.memory_space<semaphore_mem>>)
      %dma_wait3A_254 = arith.constant 0 : i32
      %dma_wait3A_255 = arith.constant 0 : i32
      %dma_wait3A_256 = tpu.memref_slice %arg4[%add3A, %dma_wait3A_254, %dma_wait3A_255] : memref<32x250x40xi32, #tpu.memory_space<hbm>> -> memref<1x250x40xi32, #tpu.memory_space<hbm>>
      %dma_wait3A_257 = tpu.memref_squeeze %dma_wait3A_256 : memref<1x250x40xi32, #tpu.memory_space<hbm>> -> memref<250x40xi32, #tpu.memory_space<hbm>>
      %dma_wait3A_258 = arith.constant 0 : i32
      %dma_wait3A_259 = arith.constant 0 : i32
      %dma_wait3A_260 = tpu.memref_slice %arg4[%add3A, %dma_wait3A_258, %dma_wait3A_259] : memref<32x250x40xi32, #tpu.memory_space<hbm>> -> memref<1x250x40xi32, #tpu.memory_space<hbm>>
      %dma_wait3A_261 = tpu.memref_squeeze %dma_wait3A_260 : memref<1x250x40xi32, #tpu.memory_space<hbm>> -> memref<250x40xi32, #tpu.memory_space<hbm>>
      tpu.wait_dma2 semaphore(%run_scoped3A : memref<!tpu.dma_semaphore, #tpu.memory_space<semaphore_mem>>) src(%dma_wait3A_261 : memref<250x40xi32, #tpu.memory_space<hbm>>) dst(%arg8 : memref<250x40xi32, #tpu.memory_space<vmem>>)
      tpu.yield
    }) : () -> ()
    "tpu.region"() ({
      %run_scoped3A = tpu.sem_alloc : memref<!tpu.dma_semaphore, #tpu.memory_space<semaphore_mem>>
      %dma_start3A_246 = arith.constant 0 : i32
      %dma_start3A_247 = tpu.memref_slice %arg10[%mul3A_2, %dma_start3A_246] : memref<10240x128xf32, #tpu.memory_space<vmem_shared>> -> memref<640x128xf32, #tpu.memory_space<vmem_shared>>
      %dma_start3A_248 = arith.constant 0 : i32
      %dma_start3A_249 = tpu.memref_slice %arg5[%mul3A_2, %dma_start3A_248] : memref<10240x128xf32, #tpu.memory_space<hbm>> -> memref<640x128xf32, #tpu.memory_space<hbm>>
      tpu.enqueue_dma source(%dma_start3A_249 : memref<640x128xf32, #tpu.memory_space<hbm>>) target(%dma_start3A_247 : memref<640x128xf32, #tpu.memory_space<vmem_shared>>) target_semaphore(%run_scoped3A : memref<!tpu.dma_semaphore, #tpu.memory_space<semaphore_mem>>)
      %dma_wait3A_250 = arith.constant 0 : i32
      %dma_wait3A_251 = tpu.memref_slice %arg10[%mul3A_2, %dma_wait3A_250] : memref<10240x128xf32, #tpu.memory_space<vmem_shared>> -> memref<640x128xf32, #tpu.memory_space<vmem_shared>>
      %dma_wait3A_252 = arith.constant 0 : i32
      %dma_wait3A_253 = tpu.memref_slice %arg5[%mul3A_2, %dma_wait3A_252] : memref<10240x128xf32, #tpu.memory_space<hbm>> -> memref<640x128xf32, #tpu.memory_space<hbm>>
      tpu.wait_dma2 semaphore(%run_scoped3A : memref<!tpu.dma_semaphore, #tpu.memory_space<semaphore_mem>>) src(%dma_wait3A_253 : memref<640x128xf32, #tpu.memory_space<hbm>>) dst(%dma_wait3A_251 : memref<640x128xf32, #tpu.memory_space<vmem_shared>>)
      tpu.yield
    }) : () -> ()
    %barrier3A = arith.constant 0 : index
    tpu.barrier barrier_id(%barrier3A)
    %dma_start3A = arith.constant 0 : i32
    %dma_start3A_3 = arith.constant 0 : i32
    %dma_start3A_4 = arith.constant 0 : i32
    %dma_start3A_5 = arith.constant 0 : i32
    %dma_start3A_6 = tpu.memref_slice %arg9[%dma_start3A_3, %dma_start3A_4, %dma_start3A_5] : memref<5x40x128xf32, #tpu.memory_space<vmem>> -> memref<1x40x128xf32, #tpu.memory_space<vmem>>
    %dma_start3A_7 = tpu.memref_squeeze %dma_start3A_6 : memref<1x40x128xf32, #tpu.memory_space<vmem>> -> memref<40x128xf32, #tpu.memory_space<vmem>>
    %dma_start3A_8 = arith.constant 0 : i32
    %dma_start3A_9 = tpu.memref_slice %arg7[%dma_start3A, %dma_start3A_8] : memref<250x40xi32, #tpu.memory_space<vmem>> -> memref<1x40xi32, #tpu.memory_space<vmem>>
    %dma_start3A_10 = tpu.memref_squeeze %dma_start3A_9 : memref<1x40xi32, #tpu.memory_space<vmem>> -> memref<40xi32, #tpu.memory_space<vmem>>
    %dma_start3A_11 = arith.constant 0 : i32
    %dma_start3A_12 = arith.constant 0 : i32
    %dma_start3A_13 = tpu.memref_slice %arg2[%dma_start3A_11, %dma_start3A_12] : memref<10000x128xf32, #tpu.memory_space<hbm>> -> memref<10000x128xf32, #tpu.memory_space<hbm>>
    tpu.enqueue_indirect_dma source(%dma_start3A_13 : memref<10000x128xf32, #tpu.memory_space<hbm>>) target(%dma_start3A_7 : memref<40x128xf32, #tpu.memory_space<vmem>>) offsets(%dma_start3A_10 : memref<40xi32, #tpu.memory_space<vmem>>) semaphore(%arg11 : memref<!tpu.dma_semaphore, #tpu.memory_space<semaphore_mem>>)
    %dma_start3A_14 = arith.constant 1 : i32
    %dma_start3A_15 = arith.constant 1 : i32
    %dma_start3A_16 = arith.constant 0 : i32
    %dma_start3A_17 = arith.constant 0 : i32
    %dma_start3A_18 = tpu.memref_slice %arg9[%dma_start3A_15, %dma_start3A_16, %dma_start3A_17] : memref<5x40x128xf32, #tpu.memory_space<vmem>> -> memref<1x40x128xf32, #tpu.memory_space<vmem>>
    %dma_start3A_19 = tpu.memref_squeeze %dma_start3A_18 : memref<1x40x128xf32, #tpu.memory_space<vmem>> -> memref<40x128xf32, #tpu.memory_space<vmem>>
    %dma_start3A_20 = arith.constant 0 : i32
    %dma_start3A_21 = tpu.memref_slice %arg7[%dma_start3A_14, %dma_start3A_20] : memref<250x40xi32, #tpu.memory_space<vmem>> -> memref<1x40xi32, #tpu.memory_space<vmem>>
    %dma_start3A_22 = tpu.memref_squeeze %dma_start3A_21 : memref<1x40xi32, #tpu.memory_space<vmem>> -> memref<40xi32, #tpu.memory_space<vmem>>
    %dma_start3A_23 = arith.constant 0 : i32
    %dma_start3A_24 = arith.constant 0 : i32
    %dma_start3A_25 = tpu.memref_slice %arg2[%dma_start3A_23, %dma_start3A_24] : memref<10000x128xf32, #tpu.memory_space<hbm>> -> memref<10000x128xf32, #tpu.memory_space<hbm>>
    tpu.enqueue_indirect_dma source(%dma_start3A_25 : memref<10000x128xf32, #tpu.memory_space<hbm>>) target(%dma_start3A_19 : memref<40x128xf32, #tpu.memory_space<vmem>>) offsets(%dma_start3A_22 : memref<40xi32, #tpu.memory_space<vmem>>) semaphore(%arg12 : memref<!tpu.dma_semaphore, #tpu.memory_space<semaphore_mem>>)
    %dma_start3A_26 = arith.constant 2 : i32
    %dma_start3A_27 = arith.constant 2 : i32
    %dma_start3A_28 = arith.constant 0 : i32
    %dma_start3A_29 = arith.constant 0 : i32
    %dma_start3A_30 = tpu.memref_slice %arg9[%dma_start3A_27, %dma_start3A_28, %dma_start3A_29] : memref<5x40x128xf32, #tpu.memory_space<vmem>> -> memref<1x40x128xf32, #tpu.memory_space<vmem>>
    %dma_start3A_31 = tpu.memref_squeeze %dma_start3A_30 : memref<1x40x128xf32, #tpu.memory_space<vmem>> -> memref<40x128xf32, #tpu.memory_space<vmem>>
    %dma_start3A_32 = arith.constant 0 : i32
    %dma_start3A_33 = tpu.memref_slice %arg7[%dma_start3A_26, %dma_start3A_32] : memref<250x40xi32, #tpu.memory_space<vmem>> -> memref<1x40xi32, #tpu.memory_space<vmem>>
    %dma_start3A_34 = tpu.memref_squeeze %dma_start3A_33 : memref<1x40xi32, #tpu.memory_space<vmem>> -> memref<40xi32, #tpu.memory_space<vmem>>
    %dma_start3A_35 = arith.constant 0 : i32
    %dma_start3A_36 = arith.constant 0 : i32
    %dma_start3A_37 = tpu.memref_slice %arg2[%dma_start3A_35, %dma_start3A_36] : memref<10000x128xf32, #tpu.memory_space<hbm>> -> memref<10000x128xf32, #tpu.memory_space<hbm>>
    tpu.enqueue_indirect_dma source(%dma_start3A_37 : memref<10000x128xf32, #tpu.memory_space<hbm>>) target(%dma_start3A_31 : memref<40x128xf32, #tpu.memory_space<vmem>>) offsets(%dma_start3A_34 : memref<40xi32, #tpu.memory_space<vmem>>) semaphore(%arg13 : memref<!tpu.dma_semaphore, #tpu.memory_space<semaphore_mem>>)
    %dma_start3A_38 = arith.constant 3 : i32
    %dma_start3A_39 = arith.constant 3 : i32
    %dma_start3A_40 = arith.constant 0 : i32
    %dma_start3A_41 = arith.constant 0 : i32
    %dma_start3A_42 = tpu.memref_slice %arg9[%dma_start3A_39, %dma_start3A_40, %dma_start3A_41] : memref<5x40x128xf32, #tpu.memory_space<vmem>> -> memref<1x40x128xf32, #tpu.memory_space<vmem>>
    %dma_start3A_43 = tpu.memref_squeeze %dma_start3A_42 : memref<1x40x128xf32, #tpu.memory_space<vmem>> -> memref<40x128xf32, #tpu.memory_space<vmem>>
    %dma_start3A_44 = arith.constant 0 : i32
    %dma_start3A_45 = tpu.memref_slice %arg7[%dma_start3A_38, %dma_start3A_44] : memref<250x40xi32, #tpu.memory_space<vmem>> -> memref<1x40xi32, #tpu.memory_space<vmem>>
    %dma_start3A_46 = tpu.memref_squeeze %dma_start3A_45 : memref<1x40xi32, #tpu.memory_space<vmem>> -> memref<40xi32, #tpu.memory_space<vmem>>
    %dma_start3A_47 = arith.constant 0 : i32
    %dma_start3A_48 = arith.constant 0 : i32
    %dma_start3A_49 = tpu.memref_slice %arg2[%dma_start3A_47, %dma_start3A_48] : memref<10000x128xf32, #tpu.memory_space<hbm>> -> memref<10000x128xf32, #tpu.memory_space<hbm>>
    tpu.enqueue_indirect_dma source(%dma_start3A_49 : memref<10000x128xf32, #tpu.memory_space<hbm>>) target(%dma_start3A_43 : memref<40x128xf32, #tpu.memory_space<vmem>>) offsets(%dma_start3A_46 : memref<40xi32, #tpu.memory_space<vmem>>) semaphore(%arg14 : memref<!tpu.dma_semaphore, #tpu.memory_space<semaphore_mem>>)
    %dma_start3A_50 = arith.constant 4 : i32
    %dma_start3A_51 = arith.constant 4 : i32
    %dma_start3A_52 = arith.constant 0 : i32
    %dma_start3A_53 = arith.constant 0 : i32
    %dma_start3A_54 = tpu.memref_slice %arg9[%dma_start3A_51, %dma_start3A_52, %dma_start3A_53] : memref<5x40x128xf32, #tpu.memory_space<vmem>> -> memref<1x40x128xf32, #tpu.memory_space<vmem>>
    %dma_start3A_55 = tpu.memref_squeeze %dma_start3A_54 : memref<1x40x128xf32, #tpu.memory_space<vmem>> -> memref<40x128xf32, #tpu.memory_space<vmem>>
    %dma_start3A_56 = arith.constant 0 : i32
    %dma_start3A_57 = tpu.memref_slice %arg7[%dma_start3A_50, %dma_start3A_56] : memref<250x40xi32, #tpu.memory_space<vmem>> -> memref<1x40xi32, #tpu.memory_space<vmem>>
    %dma_start3A_58 = tpu.memref_squeeze %dma_start3A_57 : memref<1x40xi32, #tpu.memory_space<vmem>> -> memref<40xi32, #tpu.memory_space<vmem>>
    %dma_start3A_59 = arith.constant 0 : i32
    %dma_start3A_60 = arith.constant 0 : i32
    %dma_start3A_61 = tpu.memref_slice %arg2[%dma_start3A_59, %dma_start3A_60] : memref<10000x128xf32, #tpu.memory_space<hbm>> -> memref<10000x128xf32, #tpu.memory_space<hbm>>
    tpu.enqueue_indirect_dma source(%dma_start3A_61 : memref<10000x128xf32, #tpu.memory_space<hbm>>) target(%dma_start3A_55 : memref<40x128xf32, #tpu.memory_space<vmem>>) offsets(%dma_start3A_58 : memref<40xi32, #tpu.memory_space<vmem>>) semaphore(%arg15 : memref<!tpu.dma_semaphore, #tpu.memory_space<semaphore_mem>>)
    %scan3A = arith.constant 0 : i32
    %scan3A_62 = arith.constant 49 : i32
    %scan3A_63 = arith.addi %scan3A, %scan3A_62 : i32
    %scan3A_64 = arith.constant 1 : i32
    scf.for %scan3A_246 = %scan3A to %scan3A_63 step %scan3A_64  : i32 {
      %mul3A_247 = arith.constant 5 : i32
      %mul3A_248 = arith.muli %scan3A_246, %mul3A_247 : i32
      %add3A_249 = arith.constant 0 : i32
      %add3A_250 = arith.addi %add3A_249, %mul3A_248 : i32
      %add3A_251 = arith.constant 0 : i32
      %add3A_252 = arith.addi %add3A_250, %add3A_251 : i32
      %dma_wait3A_253 = arith.constant 0 : i32
      %dma_wait3A_254 = arith.constant 0 : i32
      %dma_wait3A_255 = arith.constant 0 : i32
      %dma_wait3A_256 = tpu.memref_slice %arg9[%dma_wait3A_253, %dma_wait3A_254, %dma_wait3A_255] : memref<5x40x128xf32, #tpu.memory_space<vmem>> -> memref<1x40x128xf32, #tpu.memory_space<vmem>>
      %dma_wait3A_257 = tpu.memref_squeeze %dma_wait3A_256 : memref<1x40x128xf32, #tpu.memory_space<vmem>> -> memref<40x128xf32, #tpu.memory_space<vmem>>
      %dma_wait3A_258 = arith.constant 0 : i32
      %dma_wait3A_259 = tpu.memref_slice %arg7[%add3A_252, %dma_wait3A_258] : memref<250x40xi32, #tpu.memory_space<vmem>> -> memref<1x40xi32, #tpu.memory_space<vmem>>
      %dma_wait3A_260 = tpu.memref_squeeze %dma_wait3A_259 : memref<1x40xi32, #tpu.memory_space<vmem>> -> memref<40xi32, #tpu.memory_space<vmem>>
      %dma_wait3A_261 = arith.constant 0 : i32
      %dma_wait3A_262 = arith.constant 0 : i32
      %dma_wait3A_263 = tpu.memref_slice %arg2[%dma_wait3A_261, %dma_wait3A_262] : memref<10000x128xf32, #tpu.memory_space<hbm>> -> memref<10000x128xf32, #tpu.memory_space<hbm>>
      tpu.wait_indirect_dma semaphore(%arg11 : memref<!tpu.dma_semaphore, #tpu.memory_space<semaphore_mem>>) src(%dma_wait3A_263 : memref<10000x128xf32, #tpu.memory_space<hbm>>) dst(%dma_wait3A_257 : memref<40x128xf32, #tpu.memory_space<vmem>>)
      %dma_start3A_264 = arith.constant 0 : i32
      %dma_start3A_265 = arith.constant 0 : i32
      %dma_start3A_266 = arith.constant 0 : i32
      %dma_start3A_267 = tpu.memref_slice %arg9[%dma_start3A_264, %dma_start3A_265, %dma_start3A_266] : memref<5x40x128xf32, #tpu.memory_space<vmem>> -> memref<1x40x128xf32, #tpu.memory_space<vmem>>
      %dma_start3A_268 = tpu.memref_squeeze %dma_start3A_267 : memref<1x40x128xf32, #tpu.memory_space<vmem>> -> memref<40x128xf32, #tpu.memory_space<vmem>>
      %dma_start3A_269 = arith.constant 0 : i32
      %dma_start3A_270 = tpu.memref_slice %arg8[%add3A_252, %dma_start3A_269] : memref<250x40xi32, #tpu.memory_space<vmem>> -> memref<1x40xi32, #tpu.memory_space<vmem>>
      %dma_start3A_271 = tpu.memref_squeeze %dma_start3A_270 : memref<1x40xi32, #tpu.memory_space<vmem>> -> memref<40xi32, #tpu.memory_space<vmem>>
      %dma_start3A_272 = arith.constant 0 : i32
      %dma_start3A_273 = arith.constant 0 : i32
      %dma_start3A_274 = tpu.memref_slice %arg10[%dma_start3A_272, %dma_start3A_273] : memref<10240x128xf32, #tpu.memory_space<vmem_shared>> -> memref<10240x128xf32, #tpu.memory_space<vmem_shared>>
      tpu.enqueue_indirect_dma source(%dma_start3A_268 : memref<40x128xf32, #tpu.memory_space<vmem>>) target(%dma_start3A_274 : memref<10240x128xf32, #tpu.memory_space<vmem_shared>>) offsets(%dma_start3A_271 : memref<40xi32, #tpu.memory_space<vmem>>) semaphore(%arg16 : memref<!tpu.dma_semaphore, #tpu.memory_space<semaphore_mem>>) {add = true}
      %dma_wait3A_275 = arith.constant 0 : i32
      %dma_wait3A_276 = arith.constant 0 : i32
      %dma_wait3A_277 = arith.constant 0 : i32
      %dma_wait3A_278 = tpu.memref_slice %arg9[%dma_wait3A_275, %dma_wait3A_276, %dma_wait3A_277] : memref<5x40x128xf32, #tpu.memory_space<vmem>> -> memref<1x40x128xf32, #tpu.memory_space<vmem>>
      %dma_wait3A_279 = tpu.memref_squeeze %dma_wait3A_278 : memref<1x40x128xf32, #tpu.memory_space<vmem>> -> memref<40x128xf32, #tpu.memory_space<vmem>>
      %dma_wait3A_280 = arith.constant 0 : i32
      %dma_wait3A_281 = tpu.memref_slice %arg8[%add3A_252, %dma_wait3A_280] : memref<250x40xi32, #tpu.memory_space<vmem>> -> memref<1x40xi32, #tpu.memory_space<vmem>>
      %dma_wait3A_282 = tpu.memref_squeeze %dma_wait3A_281 : memref<1x40xi32, #tpu.memory_space<vmem>> -> memref<40xi32, #tpu.memory_space<vmem>>
      %dma_wait3A_283 = arith.constant 0 : i32
      %dma_wait3A_284 = arith.constant 0 : i32
      %dma_wait3A_285 = tpu.memref_slice %arg10[%dma_wait3A_283, %dma_wait3A_284] : memref<10240x128xf32, #tpu.memory_space<vmem_shared>> -> memref<10240x128xf32, #tpu.memory_space<vmem_shared>>
      tpu.wait_indirect_dma semaphore(%arg16 : memref<!tpu.dma_semaphore, #tpu.memory_space<semaphore_mem>>) src(%dma_wait3A_279 : memref<40x128xf32, #tpu.memory_space<vmem>>) dst(%dma_wait3A_285 : memref<10240x128xf32, #tpu.memory_space<vmem_shared>>)
      %add3A_286 = arith.constant 5 : i32
      %add3A_287 = arith.addi %add3A_252, %add3A_286 : i32
      %dma_start3A_288 = arith.constant 0 : i32
      %dma_start3A_289 = arith.constant 0 : i32
      %dma_start3A_290 = arith.constant 0 : i32
      %dma_start3A_291 = tpu.memref_slice %arg9[%dma_start3A_288, %dma_start3A_289, %dma_start3A_290] : memref<5x40x128xf32, #tpu.memory_space<vmem>> -> memref<1x40x128xf32, #tpu.memory_space<vmem>>
      %dma_start3A_292 = tpu.memref_squeeze %dma_start3A_291 : memref<1x40x128xf32, #tpu.memory_space<vmem>> -> memref<40x128xf32, #tpu.memory_space<vmem>>
      %dma_start3A_293 = arith.constant 0 : i32
      %dma_start3A_294 = tpu.memref_slice %arg7[%add3A_287, %dma_start3A_293] : memref<250x40xi32, #tpu.memory_space<vmem>> -> memref<1x40xi32, #tpu.memory_space<vmem>>
      %dma_start3A_295 = tpu.memref_squeeze %dma_start3A_294 : memref<1x40xi32, #tpu.memory_space<vmem>> -> memref<40xi32, #tpu.memory_space<vmem>>
      %dma_start3A_296 = arith.constant 0 : i32
      %dma_start3A_297 = arith.constant 0 : i32
      %dma_start3A_298 = tpu.memref_slice %arg2[%dma_start3A_296, %dma_start3A_297] : memref<10000x128xf32, #tpu.memory_space<hbm>> -> memref<10000x128xf32, #tpu.memory_space<hbm>>
      tpu.enqueue_indirect_dma source(%dma_start3A_298 : memref<10000x128xf32, #tpu.memory_space<hbm>>) target(%dma_start3A_292 : memref<40x128xf32, #tpu.memory_space<vmem>>) offsets(%dma_start3A_295 : memref<40xi32, #tpu.memory_space<vmem>>) semaphore(%arg11 : memref<!tpu.dma_semaphore, #tpu.memory_space<semaphore_mem>>)
      %add3A_299 = arith.constant 1 : i32
      %add3A_300 = arith.addi %add3A_250, %add3A_299 : i32
      %dma_wait3A_301 = arith.constant 1 : i32
      %dma_wait3A_302 = arith.constant 0 : i32
      %dma_wait3A_303 = arith.constant 0 : i32
      %dma_wait3A_304 = tpu.memref_slice %arg9[%dma_wait3A_301, %dma_wait3A_302, %dma_wait3A_303] : memref<5x40x128xf32, #tpu.memory_space<vmem>> -> memref<1x40x128xf32, #tpu.memory_space<vmem>>
      %dma_wait3A_305 = tpu.memref_squeeze %dma_wait3A_304 : memref<1x40x128xf32, #tpu.memory_space<vmem>> -> memref<40x128xf32, #tpu.memory_space<vmem>>
      %dma_wait3A_306 = arith.constant 0 : i32
      %dma_wait3A_307 = tpu.memref_slice %arg7[%add3A_300, %dma_wait3A_306] : memref<250x40xi32, #tpu.memory_space<vmem>> -> memref<1x40xi32, #tpu.memory_space<vmem>>
      %dma_wait3A_308 = tpu.memref_squeeze %dma_wait3A_307 : memref<1x40xi32, #tpu.memory_space<vmem>> -> memref<40xi32, #tpu.memory_space<vmem>>
      %dma_wait3A_309 = arith.constant 0 : i32
      %dma_wait3A_310 = arith.constant 0 : i32
      %dma_wait3A_311 = tpu.memref_slice %arg2[%dma_wait3A_309, %dma_wait3A_310] : memref<10000x128xf32, #tpu.memory_space<hbm>> -> memref<10000x128xf32, #tpu.memory_space<hbm>>
      tpu.wait_indirect_dma semaphore(%arg12 : memref<!tpu.dma_semaphore, #tpu.memory_space<semaphore_mem>>) src(%dma_wait3A_311 : memref<10000x128xf32, #tpu.memory_space<hbm>>) dst(%dma_wait3A_305 : memref<40x128xf32, #tpu.memory_space<vmem>>)
      %dma_start3A_312 = arith.constant 1 : i32
      %dma_start3A_313 = arith.constant 0 : i32
      %dma_start3A_314 = arith.constant 0 : i32
      %dma_start3A_315 = tpu.memref_slice %arg9[%dma_start3A_312, %dma_start3A_313, %dma_start3A_314] : memref<5x40x128xf32, #tpu.memory_space<vmem>> -> memref<1x40x128xf32, #tpu.memory_space<vmem>>
      %dma_start3A_316 = tpu.memref_squeeze %dma_start3A_315 : memref<1x40x128xf32, #tpu.memory_space<vmem>> -> memref<40x128xf32, #tpu.memory_space<vmem>>
      %dma_start3A_317 = arith.constant 0 : i32
      %dma_start3A_318 = tpu.memref_slice %arg8[%add3A_300, %dma_start3A_317] : memref<250x40xi32, #tpu.memory_space<vmem>> -> memref<1x40xi32, #tpu.memory_space<vmem>>
      %dma_start3A_319 = tpu.memref_squeeze %dma_start3A_318 : memref<1x40xi32, #tpu.memory_space<vmem>> -> memref<40xi32, #tpu.memory_space<vmem>>
      %dma_start3A_320 = arith.constant 0 : i32
      %dma_start3A_321 = arith.constant 0 : i32
      %dma_start3A_322 = tpu.memref_slice %arg10[%dma_start3A_320, %dma_start3A_321] : memref<10240x128xf32, #tpu.memory_space<vmem_shared>> -> memref<10240x128xf32, #tpu.memory_space<vmem_shared>>
      tpu.enqueue_indirect_dma source(%dma_start3A_316 : memref<40x128xf32, #tpu.memory_space<vmem>>) target(%dma_start3A_322 : memref<10240x128xf32, #tpu.memory_space<vmem_shared>>) offsets(%dma_start3A_319 : memref<40xi32, #tpu.memory_space<vmem>>) semaphore(%arg17 : memref<!tpu.dma_semaphore, #tpu.memory_space<semaphore_mem>>) {add = true}
      %dma_wait3A_323 = arith.constant 1 : i32
      %dma_wait3A_324 = arith.constant 0 : i32
      %dma_wait3A_325 = arith.constant 0 : i32
      %dma_wait3A_326 = tpu.memref_slice %arg9[%dma_wait3A_323, %dma_wait3A_324, %dma_wait3A_325] : memref<5x40x128xf32, #tpu.memory_space<vmem>> -> memref<1x40x128xf32, #tpu.memory_space<vmem>>
      %dma_wait3A_327 = tpu.memref_squeeze %dma_wait3A_326 : memref<1x40x128xf32, #tpu.memory_space<vmem>> -> memref<40x128xf32, #tpu.memory_space<vmem>>
      %dma_wait3A_328 = arith.constant 0 : i32
      %dma_wait3A_329 = tpu.memref_slice %arg8[%add3A_300, %dma_wait3A_328] : memref<250x40xi32, #tpu.memory_space<vmem>> -> memref<1x40xi32, #tpu.memory_space<vmem>>
      %dma_wait3A_330 = tpu.memref_squeeze %dma_wait3A_329 : memref<1x40xi32, #tpu.memory_space<vmem>> -> memref<40xi32, #tpu.memory_space<vmem>>
      %dma_wait3A_331 = arith.constant 0 : i32
      %dma_wait3A_332 = arith.constant 0 : i32
      %dma_wait3A_333 = tpu.memref_slice %arg10[%dma_wait3A_331, %dma_wait3A_332] : memref<10240x128xf32, #tpu.memory_space<vmem_shared>> -> memref<10240x128xf32, #tpu.memory_space<vmem_shared>>
      tpu.wait_indirect_dma semaphore(%arg17 : memref<!tpu.dma_semaphore, #tpu.memory_space<semaphore_mem>>) src(%dma_wait3A_327 : memref<40x128xf32, #tpu.memory_space<vmem>>) dst(%dma_wait3A_333 : memref<10240x128xf32, #tpu.memory_space<vmem_shared>>)
      %add3A_334 = arith.constant 5 : i32
      %add3A_335 = arith.addi %add3A_300, %add3A_334 : i32
      %dma_start3A_336 = arith.constant 1 : i32
      %dma_start3A_337 = arith.constant 0 : i32
      %dma_start3A_338 = arith.constant 0 : i32
      %dma_start3A_339 = tpu.memref_slice %arg9[%dma_start3A_336, %dma_start3A_337, %dma_start3A_338] : memref<5x40x128xf32, #tpu.memory_space<vmem>> -> memref<1x40x128xf32, #tpu.memory_space<vmem>>
      %dma_start3A_340 = tpu.memref_squeeze %dma_start3A_339 : memref<1x40x128xf32, #tpu.memory_space<vmem>> -> memref<40x128xf32, #tpu.memory_space<vmem>>
      %dma_start3A_341 = arith.constant 0 : i32
      %dma_start3A_342 = tpu.memref_slice %arg7[%add3A_335, %dma_start3A_341] : memref<250x40xi32, #tpu.memory_space<vmem>> -> memref<1x40xi32, #tpu.memory_space<vmem>>
      %dma_start3A_343 = tpu.memref_squeeze %dma_start3A_342 : memref<1x40xi32, #tpu.memory_space<vmem>> -> memref<40xi32, #tpu.memory_space<vmem>>
      %dma_start3A_344 = arith.constant 0 : i32
      %dma_start3A_345 = arith.constant 0 : i32
      %dma_start3A_346 = tpu.memref_slice %arg2[%dma_start3A_344, %dma_start3A_345] : memref<10000x128xf32, #tpu.memory_space<hbm>> -> memref<10000x128xf32, #tpu.memory_space<hbm>>
      tpu.enqueue_indirect_dma source(%dma_start3A_346 : memref<10000x128xf32, #tpu.memory_space<hbm>>) target(%dma_start3A_340 : memref<40x128xf32, #tpu.memory_space<vmem>>) offsets(%dma_start3A_343 : memref<40xi32, #tpu.memory_space<vmem>>) semaphore(%arg12 : memref<!tpu.dma_semaphore, #tpu.memory_space<semaphore_mem>>)
      %add3A_347 = arith.constant 2 : i32
      %add3A_348 = arith.addi %add3A_250, %add3A_347 : i32
      %dma_wait3A_349 = arith.constant 2 : i32
      %dma_wait3A_350 = arith.constant 0 : i32
      %dma_wait3A_351 = arith.constant 0 : i32
      %dma_wait3A_352 = tpu.memref_slice %arg9[%dma_wait3A_349, %dma_wait3A_350, %dma_wait3A_351] : memref<5x40x128xf32, #tpu.memory_space<vmem>> -> memref<1x40x128xf32, #tpu.memory_space<vmem>>
      %dma_wait3A_353 = tpu.memref_squeeze %dma_wait3A_352 : memref<1x40x128xf32, #tpu.memory_space<vmem>> -> memref<40x128xf32, #tpu.memory_space<vmem>>
      %dma_wait3A_354 = arith.constant 0 : i32
      %dma_wait3A_355 = tpu.memref_slice %arg7[%add3A_348, %dma_wait3A_354] : memref<250x40xi32, #tpu.memory_space<vmem>> -> memref<1x40xi32, #tpu.memory_space<vmem>>
      %dma_wait3A_356 = tpu.memref_squeeze %dma_wait3A_355 : memref<1x40xi32, #tpu.memory_space<vmem>> -> memref<40xi32, #tpu.memory_space<vmem>>
      %dma_wait3A_357 = arith.constant 0 : i32
      %dma_wait3A_358 = arith.constant 0 : i32
      %dma_wait3A_359 = tpu.memref_slice %arg2[%dma_wait3A_357, %dma_wait3A_358] : memref<10000x128xf32, #tpu.memory_space<hbm>> -> memref<10000x128xf32, #tpu.memory_space<hbm>>
      tpu.wait_indirect_dma semaphore(%arg13 : memref<!tpu.dma_semaphore, #tpu.memory_space<semaphore_mem>>) src(%dma_wait3A_359 : memref<10000x128xf32, #tpu.memory_space<hbm>>) dst(%dma_wait3A_353 : memref<40x128xf32, #tpu.memory_space<vmem>>)
      %dma_start3A_360 = arith.constant 2 : i32
      %dma_start3A_361 = arith.constant 0 : i32
      %dma_start3A_362 = arith.constant 0 : i32
      %dma_start3A_363 = tpu.memref_slice %arg9[%dma_start3A_360, %dma_start3A_361, %dma_start3A_362] : memref<5x40x128xf32, #tpu.memory_space<vmem>> -> memref<1x40x128xf32, #tpu.memory_space<vmem>>
      %dma_start3A_364 = tpu.memref_squeeze %dma_start3A_363 : memref<1x40x128xf32, #tpu.memory_space<vmem>> -> memref<40x128xf32, #tpu.memory_space<vmem>>
      %dma_start3A_365 = arith.constant 0 : i32
      %dma_start3A_366 = tpu.memref_slice %arg8[%add3A_348, %dma_start3A_365] : memref<250x40xi32, #tpu.memory_space<vmem>> -> memref<1x40xi32, #tpu.memory_space<vmem>>
      %dma_start3A_367 = tpu.memref_squeeze %dma_start3A_366 : memref<1x40xi32, #tpu.memory_space<vmem>> -> memref<40xi32, #tpu.memory_space<vmem>>
      %dma_start3A_368 = arith.constant 0 : i32
      %dma_start3A_369 = arith.constant 0 : i32
      %dma_start3A_370 = tpu.memref_slice %arg10[%dma_start3A_368, %dma_start3A_369] : memref<10240x128xf32, #tpu.memory_space<vmem_shared>> -> memref<10240x128xf32, #tpu.memory_space<vmem_shared>>
      tpu.enqueue_indirect_dma source(%dma_start3A_364 : memref<40x128xf32, #tpu.memory_space<vmem>>) target(%dma_start3A_370 : memref<10240x128xf32, #tpu.memory_space<vmem_shared>>) offsets(%dma_start3A_367 : memref<40xi32, #tpu.memory_space<vmem>>) semaphore(%arg18 : memref<!tpu.dma_semaphore, #tpu.memory_space<semaphore_mem>>) {add = true}
      %dma_wait3A_371 = arith.constant 2 : i32
      %dma_wait3A_372 = arith.constant 0 : i32
      %dma_wait3A_373 = arith.constant 0 : i32
      %dma_wait3A_374 = tpu.memref_slice %arg9[%dma_wait3A_371, %dma_wait3A_372, %dma_wait3A_373] : memref<5x40x128xf32, #tpu.memory_space<vmem>> -> memref<1x40x128xf32, #tpu.memory_space<vmem>>
      %dma_wait3A_375 = tpu.memref_squeeze %dma_wait3A_374 : memref<1x40x128xf32, #tpu.memory_space<vmem>> -> memref<40x128xf32, #tpu.memory_space<vmem>>
      %dma_wait3A_376 = arith.constant 0 : i32
      %dma_wait3A_377 = tpu.memref_slice %arg8[%add3A_348, %dma_wait3A_376] : memref<250x40xi32, #tpu.memory_space<vmem>> -> memref<1x40xi32, #tpu.memory_space<vmem>>
      %dma_wait3A_378 = tpu.memref_squeeze %dma_wait3A_377 : memref<1x40xi32, #tpu.memory_space<vmem>> -> memref<40xi32, #tpu.memory_space<vmem>>
      %dma_wait3A_379 = arith.constant 0 : i32
      %dma_wait3A_380 = arith.constant 0 : i32
      %dma_wait3A_381 = tpu.memref_slice %arg10[%dma_wait3A_379, %dma_wait3A_380] : memref<10240x128xf32, #tpu.memory_space<vmem_shared>> -> memref<10240x128xf32, #tpu.memory_space<vmem_shared>>
      tpu.wait_indirect_dma semaphore(%arg18 : memref<!tpu.dma_semaphore, #tpu.memory_space<semaphore_mem>>) src(%dma_wait3A_375 : memref<40x128xf32, #tpu.memory_space<vmem>>) dst(%dma_wait3A_381 : memref<10240x128xf32, #tpu.memory_space<vmem_shared>>)
      %add3A_382 = arith.constant 5 : i32
      %add3A_383 = arith.addi %add3A_348, %add3A_382 : i32
      %dma_start3A_384 = arith.constant 2 : i32
      %dma_start3A_385 = arith.constant 0 : i32
      %dma_start3A_386 = arith.constant 0 : i32
      %dma_start3A_387 = tpu.memref_slice %arg9[%dma_start3A_384, %dma_start3A_385, %dma_start3A_386] : memref<5x40x128xf32, #tpu.memory_space<vmem>> -> memref<1x40x128xf32, #tpu.memory_space<vmem>>
      %dma_start3A_388 = tpu.memref_squeeze %dma_start3A_387 : memref<1x40x128xf32, #tpu.memory_space<vmem>> -> memref<40x128xf32, #tpu.memory_space<vmem>>
      %dma_start3A_389 = arith.constant 0 : i32
      %dma_start3A_390 = tpu.memref_slice %arg7[%add3A_383, %dma_start3A_389] : memref<250x40xi32, #tpu.memory_space<vmem>> -> memref<1x40xi32, #tpu.memory_space<vmem>>
      %dma_start3A_391 = tpu.memref_squeeze %dma_start3A_390 : memref<1x40xi32, #tpu.memory_space<vmem>> -> memref<40xi32, #tpu.memory_space<vmem>>
      %dma_start3A_392 = arith.constant 0 : i32
      %dma_start3A_393 = arith.constant 0 : i32
      %dma_start3A_394 = tpu.memref_slice %arg2[%dma_start3A_392, %dma_start3A_393] : memref<10000x128xf32, #tpu.memory_space<hbm>> -> memref<10000x128xf32, #tpu.memory_space<hbm>>
      tpu.enqueue_indirect_dma source(%dma_start3A_394 : memref<10000x128xf32, #tpu.memory_space<hbm>>) target(%dma_start3A_388 : memref<40x128xf32, #tpu.memory_space<vmem>>) offsets(%dma_start3A_391 : memref<40xi32, #tpu.memory_space<vmem>>) semaphore(%arg13 : memref<!tpu.dma_semaphore, #tpu.memory_space<semaphore_mem>>)
      %add3A_395 = arith.constant 3 : i32
      %add3A_396 = arith.addi %add3A_250, %add3A_395 : i32
      %dma_wait3A_397 = arith.constant 3 : i32
      %dma_wait3A_398 = arith.constant 0 : i32
      %dma_wait3A_399 = arith.constant 0 : i32
      %dma_wait3A_400 = tpu.memref_slice %arg9[%dma_wait3A_397, %dma_wait3A_398, %dma_wait3A_399] : memref<5x40x128xf32, #tpu.memory_space<vmem>> -> memref<1x40x128xf32, #tpu.memory_space<vmem>>
      %dma_wait3A_401 = tpu.memref_squeeze %dma_wait3A_400 : memref<1x40x128xf32, #tpu.memory_space<vmem>> -> memref<40x128xf32, #tpu.memory_space<vmem>>
      %dma_wait3A_402 = arith.constant 0 : i32
      %dma_wait3A_403 = tpu.memref_slice %arg7[%add3A_396, %dma_wait3A_402] : memref<250x40xi32, #tpu.memory_space<vmem>> -> memref<1x40xi32, #tpu.memory_space<vmem>>
      %dma_wait3A_404 = tpu.memref_squeeze %dma_wait3A_403 : memref<1x40xi32, #tpu.memory_space<vmem>> -> memref<40xi32, #tpu.memory_space<vmem>>
      %dma_wait3A_405 = arith.constant 0 : i32
      %dma_wait3A_406 = arith.constant 0 : i32
      %dma_wait3A_407 = tpu.memref_slice %arg2[%dma_wait3A_405, %dma_wait3A_406] : memref<10000x128xf32, #tpu.memory_space<hbm>> -> memref<10000x128xf32, #tpu.memory_space<hbm>>
      tpu.wait_indirect_dma semaphore(%arg14 : memref<!tpu.dma_semaphore, #tpu.memory_space<semaphore_mem>>) src(%dma_wait3A_407 : memref<10000x128xf32, #tpu.memory_space<hbm>>) dst(%dma_wait3A_401 : memref<40x128xf32, #tpu.memory_space<vmem>>)
      %dma_start3A_408 = arith.constant 3 : i32
      %dma_start3A_409 = arith.constant 0 : i32
      %dma_start3A_410 = arith.constant 0 : i32
      %dma_start3A_411 = tpu.memref_slice %arg9[%dma_start3A_408, %dma_start3A_409, %dma_start3A_410] : memref<5x40x128xf32, #tpu.memory_space<vmem>> -> memref<1x40x128xf32, #tpu.memory_space<vmem>>
      %dma_start3A_412 = tpu.memref_squeeze %dma_start3A_411 : memref<1x40x128xf32, #tpu.memory_space<vmem>> -> memref<40x128xf32, #tpu.memory_space<vmem>>
      %dma_start3A_413 = arith.constant 0 : i32
      %dma_start3A_414 = tpu.memref_slice %arg8[%add3A_396, %dma_start3A_413] : memref<250x40xi32, #tpu.memory_space<vmem>> -> memref<1x40xi32, #tpu.memory_space<vmem>>
      %dma_start3A_415 = tpu.memref_squeeze %dma_start3A_414 : memref<1x40xi32, #tpu.memory_space<vmem>> -> memref<40xi32, #tpu.memory_space<vmem>>
      %dma_start3A_416 = arith.constant 0 : i32
      %dma_start3A_417 = arith.constant 0 : i32
      %dma_start3A_418 = tpu.memref_slice %arg10[%dma_start3A_416, %dma_start3A_417] : memref<10240x128xf32, #tpu.memory_space<vmem_shared>> -> memref<10240x128xf32, #tpu.memory_space<vmem_shared>>
      tpu.enqueue_indirect_dma source(%dma_start3A_412 : memref<40x128xf32, #tpu.memory_space<vmem>>) target(%dma_start3A_418 : memref<10240x128xf32, #tpu.memory_space<vmem_shared>>) offsets(%dma_start3A_415 : memref<40xi32, #tpu.memory_space<vmem>>) semaphore(%arg19 : memref<!tpu.dma_semaphore, #tpu.memory_space<semaphore_mem>>) {add = true}
      %dma_wait3A_419 = arith.constant 3 : i32
      %dma_wait3A_420 = arith.constant 0 : i32
      %dma_wait3A_421 = arith.constant 0 : i32
      %dma_wait3A_422 = tpu.memref_slice %arg9[%dma_wait3A_419, %dma_wait3A_420, %dma_wait3A_421] : memref<5x40x128xf32, #tpu.memory_space<vmem>> -> memref<1x40x128xf32, #tpu.memory_space<vmem>>
      %dma_wait3A_423 = tpu.memref_squeeze %dma_wait3A_422 : memref<1x40x128xf32, #tpu.memory_space<vmem>> -> memref<40x128xf32, #tpu.memory_space<vmem>>
      %dma_wait3A_424 = arith.constant 0 : i32
      %dma_wait3A_425 = tpu.memref_slice %arg8[%add3A_396, %dma_wait3A_424] : memref<250x40xi32, #tpu.memory_space<vmem>> -> memref<1x40xi32, #tpu.memory_space<vmem>>
      %dma_wait3A_426 = tpu.memref_squeeze %dma_wait3A_425 : memref<1x40xi32, #tpu.memory_space<vmem>> -> memref<40xi32, #tpu.memory_space<vmem>>
      %dma_wait3A_427 = arith.constant 0 : i32
      %dma_wait3A_428 = arith.constant 0 : i32
      %dma_wait3A_429 = tpu.memref_slice %arg10[%dma_wait3A_427, %dma_wait3A_428] : memref<10240x128xf32, #tpu.memory_space<vmem_shared>> -> memref<10240x128xf32, #tpu.memory_space<vmem_shared>>
      tpu.wait_indirect_dma semaphore(%arg19 : memref<!tpu.dma_semaphore, #tpu.memory_space<semaphore_mem>>) src(%dma_wait3A_423 : memref<40x128xf32, #tpu.memory_space<vmem>>) dst(%dma_wait3A_429 : memref<10240x128xf32, #tpu.memory_space<vmem_shared>>)
      %add3A_430 = arith.constant 5 : i32
      %add3A_431 = arith.addi %add3A_396, %add3A_430 : i32
      %dma_start3A_432 = arith.constant 3 : i32
      %dma_start3A_433 = arith.constant 0 : i32
      %dma_start3A_434 = arith.constant 0 : i32
      %dma_start3A_435 = tpu.memref_slice %arg9[%dma_start3A_432, %dma_start3A_433, %dma_start3A_434] : memref<5x40x128xf32, #tpu.memory_space<vmem>> -> memref<1x40x128xf32, #tpu.memory_space<vmem>>
      %dma_start3A_436 = tpu.memref_squeeze %dma_start3A_435 : memref<1x40x128xf32, #tpu.memory_space<vmem>> -> memref<40x128xf32, #tpu.memory_space<vmem>>
      %dma_start3A_437 = arith.constant 0 : i32
      %dma_start3A_438 = tpu.memref_slice %arg7[%add3A_431, %dma_start3A_437] : memref<250x40xi32, #tpu.memory_space<vmem>> -> memref<1x40xi32, #tpu.memory_space<vmem>>
      %dma_start3A_439 = tpu.memref_squeeze %dma_start3A_438 : memref<1x40xi32, #tpu.memory_space<vmem>> -> memref<40xi32, #tpu.memory_space<vmem>>
      %dma_start3A_440 = arith.constant 0 : i32
      %dma_start3A_441 = arith.constant 0 : i32
      %dma_start3A_442 = tpu.memref_slice %arg2[%dma_start3A_440, %dma_start3A_441] : memref<10000x128xf32, #tpu.memory_space<hbm>> -> memref<10000x128xf32, #tpu.memory_space<hbm>>
      tpu.enqueue_indirect_dma source(%dma_start3A_442 : memref<10000x128xf32, #tpu.memory_space<hbm>>) target(%dma_start3A_436 : memref<40x128xf32, #tpu.memory_space<vmem>>) offsets(%dma_start3A_439 : memref<40xi32, #tpu.memory_space<vmem>>) semaphore(%arg14 : memref<!tpu.dma_semaphore, #tpu.memory_space<semaphore_mem>>)
      %add3A_443 = arith.constant 4 : i32
      %add3A_444 = arith.addi %add3A_250, %add3A_443 : i32
      %dma_wait3A_445 = arith.constant 4 : i32
      %dma_wait3A_446 = arith.constant 0 : i32
      %dma_wait3A_447 = arith.constant 0 : i32
      %dma_wait3A_448 = tpu.memref_slice %arg9[%dma_wait3A_445, %dma_wait3A_446, %dma_wait3A_447] : memref<5x40x128xf32, #tpu.memory_space<vmem>> -> memref<1x40x128xf32, #tpu.memory_space<vmem>>
      %dma_wait3A_449 = tpu.memref_squeeze %dma_wait3A_448 : memref<1x40x128xf32, #tpu.memory_space<vmem>> -> memref<40x128xf32, #tpu.memory_space<vmem>>
      %dma_wait3A_450 = arith.constant 0 : i32
      %dma_wait3A_451 = tpu.memref_slice %arg7[%add3A_444, %dma_wait3A_450] : memref<250x40xi32, #tpu.memory_space<vmem>> -> memref<1x40xi32, #tpu.memory_space<vmem>>
      %dma_wait3A_452 = tpu.memref_squeeze %dma_wait3A_451 : memref<1x40xi32, #tpu.memory_space<vmem>> -> memref<40xi32, #tpu.memory_space<vmem>>
      %dma_wait3A_453 = arith.constant 0 : i32
      %dma_wait3A_454 = arith.constant 0 : i32
      %dma_wait3A_455 = tpu.memref_slice %arg2[%dma_wait3A_453, %dma_wait3A_454] : memref<10000x128xf32, #tpu.memory_space<hbm>> -> memref<10000x128xf32, #tpu.memory_space<hbm>>
      tpu.wait_indirect_dma semaphore(%arg15 : memref<!tpu.dma_semaphore, #tpu.memory_space<semaphore_mem>>) src(%dma_wait3A_455 : memref<10000x128xf32, #tpu.memory_space<hbm>>) dst(%dma_wait3A_449 : memref<40x128xf32, #tpu.memory_space<vmem>>)
      %dma_start3A_456 = arith.constant 4 : i32
      %dma_start3A_457 = arith.constant 0 : i32
      %dma_start3A_458 = arith.constant 0 : i32
      %dma_start3A_459 = tpu.memref_slice %arg9[%dma_start3A_456, %dma_start3A_457, %dma_start3A_458] : memref<5x40x128xf32, #tpu.memory_space<vmem>> -> memref<1x40x128xf32, #tpu.memory_space<vmem>>
      %dma_start3A_460 = tpu.memref_squeeze %dma_start3A_459 : memref<1x40x128xf32, #tpu.memory_space<vmem>> -> memref<40x128xf32, #tpu.memory_space<vmem>>
      %dma_start3A_461 = arith.constant 0 : i32
      %dma_start3A_462 = tpu.memref_slice %arg8[%add3A_444, %dma_start3A_461] : memref<250x40xi32, #tpu.memory_space<vmem>> -> memref<1x40xi32, #tpu.memory_space<vmem>>
      %dma_start3A_463 = tpu.memref_squeeze %dma_start3A_462 : memref<1x40xi32, #tpu.memory_space<vmem>> -> memref<40xi32, #tpu.memory_space<vmem>>
      %dma_start3A_464 = arith.constant 0 : i32
      %dma_start3A_465 = arith.constant 0 : i32
      %dma_start3A_466 = tpu.memref_slice %arg10[%dma_start3A_464, %dma_start3A_465] : memref<10240x128xf32, #tpu.memory_space<vmem_shared>> -> memref<10240x128xf32, #tpu.memory_space<vmem_shared>>
      tpu.enqueue_indirect_dma source(%dma_start3A_460 : memref<40x128xf32, #tpu.memory_space<vmem>>) target(%dma_start3A_466 : memref<10240x128xf32, #tpu.memory_space<vmem_shared>>) offsets(%dma_start3A_463 : memref<40xi32, #tpu.memory_space<vmem>>) semaphore(%arg20 : memref<!tpu.dma_semaphore, #tpu.memory_space<semaphore_mem>>) {add = true}
      %dma_wait3A_467 = arith.constant 4 : i32
      %dma_wait3A_468 = arith.constant 0 : i32
      %dma_wait3A_469 = arith.constant 0 : i32
      %dma_wait3A_470 = tpu.memref_slice %arg9[%dma_wait3A_467, %dma_wait3A_468, %dma_wait3A_469] : memref<5x40x128xf32, #tpu.memory_space<vmem>> -> memref<1x40x128xf32, #tpu.memory_space<vmem>>
      %dma_wait3A_471 = tpu.memref_squeeze %dma_wait3A_470 : memref<1x40x128xf32, #tpu.memory_space<vmem>> -> memref<40x128xf32, #tpu.memory_space<vmem>>
      %dma_wait3A_472 = arith.constant 0 : i32
      %dma_wait3A_473 = tpu.memref_slice %arg8[%add3A_444, %dma_wait3A_472] : memref<250x40xi32, #tpu.memory_space<vmem>> -> memref<1x40xi32, #tpu.memory_space<vmem>>
      %dma_wait3A_474 = tpu.memref_squeeze %dma_wait3A_473 : memref<1x40xi32, #tpu.memory_space<vmem>> -> memref<40xi32, #tpu.memory_space<vmem>>
      %dma_wait3A_475 = arith.constant 0 : i32
      %dma_wait3A_476 = arith.constant 0 : i32
      %dma_wait3A_477 = tpu.memref_slice %arg10[%dma_wait3A_475, %dma_wait3A_476] : memref<10240x128xf32, #tpu.memory_space<vmem_shared>> -> memref<10240x128xf32, #tpu.memory_space<vmem_shared>>
      tpu.wait_indirect_dma semaphore(%arg20 : memref<!tpu.dma_semaphore, #tpu.memory_space<semaphore_mem>>) src(%dma_wait3A_471 : memref<40x128xf32, #tpu.memory_space<vmem>>) dst(%dma_wait3A_477 : memref<10240x128xf32, #tpu.memory_space<vmem_shared>>)
      %add3A_478 = arith.constant 5 : i32
      %add3A_479 = arith.addi %add3A_444, %add3A_478 : i32
      %dma_start3A_480 = arith.constant 4 : i32
      %dma_start3A_481 = arith.constant 0 : i32
      %dma_start3A_482 = arith.constant 0 : i32
      %dma_start3A_483 = tpu.memref_slice %arg9[%dma_start3A_480, %dma_start3A_481, %dma_start3A_482] : memref<5x40x128xf32, #tpu.memory_space<vmem>> -> memref<1x40x128xf32, #tpu.memory_space<vmem>>
      %dma_start3A_484 = tpu.memref_squeeze %dma_start3A_483 : memref<1x40x128xf32, #tpu.memory_space<vmem>> -> memref<40x128xf32, #tpu.memory_space<vmem>>
      %dma_start3A_485 = arith.constant 0 : i32
      %dma_start3A_486 = tpu.memref_slice %arg7[%add3A_479, %dma_start3A_485] : memref<250x40xi32, #tpu.memory_space<vmem>> -> memref<1x40xi32, #tpu.memory_space<vmem>>
      %dma_start3A_487 = tpu.memref_squeeze %dma_start3A_486 : memref<1x40xi32, #tpu.memory_space<vmem>> -> memref<40xi32, #tpu.memory_space<vmem>>
      %dma_start3A_488 = arith.constant 0 : i32
      %dma_start3A_489 = arith.constant 0 : i32
      %dma_start3A_490 = tpu.memref_slice %arg2[%dma_start3A_488, %dma_start3A_489] : memref<10000x128xf32, #tpu.memory_space<hbm>> -> memref<10000x128xf32, #tpu.memory_space<hbm>>
      tpu.enqueue_indirect_dma source(%dma_start3A_490 : memref<10000x128xf32, #tpu.memory_space<hbm>>) target(%dma_start3A_484 : memref<40x128xf32, #tpu.memory_space<vmem>>) offsets(%dma_start3A_487 : memref<40xi32, #tpu.memory_space<vmem>>) semaphore(%arg15 : memref<!tpu.dma_semaphore, #tpu.memory_space<semaphore_mem>>)
    }
    %scan3A_65 = arith.constant 49 : i32
    %dma_wait3A = arith.constant 245 : i32
    %dma_wait3A_66 = arith.constant 0 : i32
    %dma_wait3A_67 = arith.constant 0 : i32
    %dma_wait3A_68 = arith.constant 0 : i32
    %dma_wait3A_69 = tpu.memref_slice %arg9[%dma_wait3A_66, %dma_wait3A_67, %dma_wait3A_68] : memref<5x40x128xf32, #tpu.memory_space<vmem>> -> memref<1x40x128xf32, #tpu.memory_space<vmem>>
    %dma_wait3A_70 = tpu.memref_squeeze %dma_wait3A_69 : memref<1x40x128xf32, #tpu.memory_space<vmem>> -> memref<40x128xf32, #tpu.memory_space<vmem>>
    %dma_wait3A_71 = arith.constant 0 : i32
    %dma_wait3A_72 = tpu.memref_slice %arg7[%dma_wait3A, %dma_wait3A_71] : memref<250x40xi32, #tpu.memory_space<vmem>> -> memref<1x40xi32, #tpu.memory_space<vmem>>
    %dma_wait3A_73 = tpu.memref_squeeze %dma_wait3A_72 : memref<1x40xi32, #tpu.memory_space<vmem>> -> memref<40xi32, #tpu.memory_space<vmem>>
    %dma_wait3A_74 = arith.constant 0 : i32
    %dma_wait3A_75 = arith.constant 0 : i32
    %dma_wait3A_76 = tpu.memref_slice %arg2[%dma_wait3A_74, %dma_wait3A_75] : memref<10000x128xf32, #tpu.memory_space<hbm>> -> memref<10000x128xf32, #tpu.memory_space<hbm>>
    tpu.wait_indirect_dma semaphore(%arg11 : memref<!tpu.dma_semaphore, #tpu.memory_space<semaphore_mem>>) src(%dma_wait3A_76 : memref<10000x128xf32, #tpu.memory_space<hbm>>) dst(%dma_wait3A_70 : memref<40x128xf32, #tpu.memory_space<vmem>>)
    %dma_start3A_77 = arith.constant 0 : i32
    %dma_start3A_78 = arith.constant 245 : i32
    %dma_start3A_79 = arith.constant 0 : i32
    %dma_start3A_80 = arith.constant 0 : i32
    %dma_start3A_81 = tpu.memref_slice %arg9[%dma_start3A_77, %dma_start3A_79, %dma_start3A_80] : memref<5x40x128xf32, #tpu.memory_space<vmem>> -> memref<1x40x128xf32, #tpu.memory_space<vmem>>
    %dma_start3A_82 = tpu.memref_squeeze %dma_start3A_81 : memref<1x40x128xf32, #tpu.memory_space<vmem>> -> memref<40x128xf32, #tpu.memory_space<vmem>>
    %dma_start3A_83 = arith.constant 0 : i32
    %dma_start3A_84 = tpu.memref_slice %arg8[%dma_start3A_78, %dma_start3A_83] : memref<250x40xi32, #tpu.memory_space<vmem>> -> memref<1x40xi32, #tpu.memory_space<vmem>>
    %dma_start3A_85 = tpu.memref_squeeze %dma_start3A_84 : memref<1x40xi32, #tpu.memory_space<vmem>> -> memref<40xi32, #tpu.memory_space<vmem>>
    %dma_start3A_86 = arith.constant 0 : i32
    %dma_start3A_87 = arith.constant 0 : i32
    %dma_start3A_88 = tpu.memref_slice %arg10[%dma_start3A_86, %dma_start3A_87] : memref<10240x128xf32, #tpu.memory_space<vmem_shared>> -> memref<10240x128xf32, #tpu.memory_space<vmem_shared>>
    tpu.enqueue_indirect_dma source(%dma_start3A_82 : memref<40x128xf32, #tpu.memory_space<vmem>>) target(%dma_start3A_88 : memref<10240x128xf32, #tpu.memory_space<vmem_shared>>) offsets(%dma_start3A_85 : memref<40xi32, #tpu.memory_space<vmem>>) semaphore(%arg16 : memref<!tpu.dma_semaphore, #tpu.memory_space<semaphore_mem>>) {add = true}
    %dma_wait3A_89 = arith.constant 0 : i32
    %dma_wait3A_90 = arith.constant 245 : i32
    %dma_wait3A_91 = arith.constant 0 : i32
    %dma_wait3A_92 = arith.constant 0 : i32
    %dma_wait3A_93 = tpu.memref_slice %arg9[%dma_wait3A_89, %dma_wait3A_91, %dma_wait3A_92] : memref<5x40x128xf32, #tpu.memory_space<vmem>> -> memref<1x40x128xf32, #tpu.memory_space<vmem>>
    %dma_wait3A_94 = tpu.memref_squeeze %dma_wait3A_93 : memref<1x40x128xf32, #tpu.memory_space<vmem>> -> memref<40x128xf32, #tpu.memory_space<vmem>>
    %dma_wait3A_95 = arith.constant 0 : i32
    %dma_wait3A_96 = tpu.memref_slice %arg8[%dma_wait3A_90, %dma_wait3A_95] : memref<250x40xi32, #tpu.memory_space<vmem>> -> memref<1x40xi32, #tpu.memory_space<vmem>>
    %dma_wait3A_97 = tpu.memref_squeeze %dma_wait3A_96 : memref<1x40xi32, #tpu.memory_space<vmem>> -> memref<40xi32, #tpu.memory_space<vmem>>
    %dma_wait3A_98 = arith.constant 0 : i32
    %dma_wait3A_99 = arith.constant 0 : i32
    %dma_wait3A_100 = tpu.memref_slice %arg10[%dma_wait3A_98, %dma_wait3A_99] : memref<10240x128xf32, #tpu.memory_space<vmem_shared>> -> memref<10240x128xf32, #tpu.memory_space<vmem_shared>>
    tpu.wait_indirect_dma semaphore(%arg16 : memref<!tpu.dma_semaphore, #tpu.memory_space<semaphore_mem>>) src(%dma_wait3A_94 : memref<40x128xf32, #tpu.memory_space<vmem>>) dst(%dma_wait3A_100 : memref<10240x128xf32, #tpu.memory_space<vmem_shared>>)
    %dma_wait3A_101 = arith.constant 246 : i32
    %dma_wait3A_102 = arith.constant 1 : i32
    %dma_wait3A_103 = arith.constant 0 : i32
    %dma_wait3A_104 = arith.constant 0 : i32
    %dma_wait3A_105 = tpu.memref_slice %arg9[%dma_wait3A_102, %dma_wait3A_103, %dma_wait3A_104] : memref<5x40x128xf32, #tpu.memory_space<vmem>> -> memref<1x40x128xf32, #tpu.memory_space<vmem>>
    %dma_wait3A_106 = tpu.memref_squeeze %dma_wait3A_105 : memref<1x40x128xf32, #tpu.memory_space<vmem>> -> memref<40x128xf32, #tpu.memory_space<vmem>>
    %dma_wait3A_107 = arith.constant 0 : i32
    %dma_wait3A_108 = tpu.memref_slice %arg7[%dma_wait3A_101, %dma_wait3A_107] : memref<250x40xi32, #tpu.memory_space<vmem>> -> memref<1x40xi32, #tpu.memory_space<vmem>>
    %dma_wait3A_109 = tpu.memref_squeeze %dma_wait3A_108 : memref<1x40xi32, #tpu.memory_space<vmem>> -> memref<40xi32, #tpu.memory_space<vmem>>
    %dma_wait3A_110 = arith.constant 0 : i32
    %dma_wait3A_111 = arith.constant 0 : i32
    %dma_wait3A_112 = tpu.memref_slice %arg2[%dma_wait3A_110, %dma_wait3A_111] : memref<10000x128xf32, #tpu.memory_space<hbm>> -> memref<10000x128xf32, #tpu.memory_space<hbm>>
    tpu.wait_indirect_dma semaphore(%arg12 : memref<!tpu.dma_semaphore, #tpu.memory_space<semaphore_mem>>) src(%dma_wait3A_112 : memref<10000x128xf32, #tpu.memory_space<hbm>>) dst(%dma_wait3A_106 : memref<40x128xf32, #tpu.memory_space<vmem>>)
    %dma_start3A_113 = arith.constant 1 : i32
    %dma_start3A_114 = arith.constant 246 : i32
    %dma_start3A_115 = arith.constant 0 : i32
    %dma_start3A_116 = arith.constant 0 : i32
    %dma_start3A_117 = tpu.memref_slice %arg9[%dma_start3A_113, %dma_start3A_115, %dma_start3A_116] : memref<5x40x128xf32, #tpu.memory_space<vmem>> -> memref<1x40x128xf32, #tpu.memory_space<vmem>>
    %dma_start3A_118 = tpu.memref_squeeze %dma_start3A_117 : memref<1x40x128xf32, #tpu.memory_space<vmem>> -> memref<40x128xf32, #tpu.memory_space<vmem>>
    %dma_start3A_119 = arith.constant 0 : i32
    %dma_start3A_120 = tpu.memref_slice %arg8[%dma_start3A_114, %dma_start3A_119] : memref<250x40xi32, #tpu.memory_space<vmem>> -> memref<1x40xi32, #tpu.memory_space<vmem>>
    %dma_start3A_121 = tpu.memref_squeeze %dma_start3A_120 : memref<1x40xi32, #tpu.memory_space<vmem>> -> memref<40xi32, #tpu.memory_space<vmem>>
    %dma_start3A_122 = arith.constant 0 : i32
    %dma_start3A_123 = arith.constant 0 : i32
    %dma_start3A_124 = tpu.memref_slice %arg10[%dma_start3A_122, %dma_start3A_123] : memref<10240x128xf32, #tpu.memory_space<vmem_shared>> -> memref<10240x128xf32, #tpu.memory_space<vmem_shared>>
    tpu.enqueue_indirect_dma source(%dma_start3A_118 : memref<40x128xf32, #tpu.memory_space<vmem>>) target(%dma_start3A_124 : memref<10240x128xf32, #tpu.memory_space<vmem_shared>>) offsets(%dma_start3A_121 : memref<40xi32, #tpu.memory_space<vmem>>) semaphore(%arg17 : memref<!tpu.dma_semaphore, #tpu.memory_space<semaphore_mem>>) {add = true}
    %dma_wait3A_125 = arith.constant 1 : i32
    %dma_wait3A_126 = arith.constant 246 : i32
    %dma_wait3A_127 = arith.constant 0 : i32
    %dma_wait3A_128 = arith.constant 0 : i32
    %dma_wait3A_129 = tpu.memref_slice %arg9[%dma_wait3A_125, %dma_wait3A_127, %dma_wait3A_128] : memref<5x40x128xf32, #tpu.memory_space<vmem>> -> memref<1x40x128xf32, #tpu.memory_space<vmem>>
    %dma_wait3A_130 = tpu.memref_squeeze %dma_wait3A_129 : memref<1x40x128xf32, #tpu.memory_space<vmem>> -> memref<40x128xf32, #tpu.memory_space<vmem>>
    %dma_wait3A_131 = arith.constant 0 : i32
    %dma_wait3A_132 = tpu.memref_slice %arg8[%dma_wait3A_126, %dma_wait3A_131] : memref<250x40xi32, #tpu.memory_space<vmem>> -> memref<1x40xi32, #tpu.memory_space<vmem>>
    %dma_wait3A_133 = tpu.memref_squeeze %dma_wait3A_132 : memref<1x40xi32, #tpu.memory_space<vmem>> -> memref<40xi32, #tpu.memory_space<vmem>>
    %dma_wait3A_134 = arith.constant 0 : i32
    %dma_wait3A_135 = arith.constant 0 : i32
    %dma_wait3A_136 = tpu.memref_slice %arg10[%dma_wait3A_134, %dma_wait3A_135] : memref<10240x128xf32, #tpu.memory_space<vmem_shared>> -> memref<10240x128xf32, #tpu.memory_space<vmem_shared>>
    tpu.wait_indirect_dma semaphore(%arg17 : memref<!tpu.dma_semaphore, #tpu.memory_space<semaphore_mem>>) src(%dma_wait3A_130 : memref<40x128xf32, #tpu.memory_space<vmem>>) dst(%dma_wait3A_136 : memref<10240x128xf32, #tpu.memory_space<vmem_shared>>)
    %dma_wait3A_137 = arith.constant 247 : i32
    %dma_wait3A_138 = arith.constant 2 : i32
    %dma_wait3A_139 = arith.constant 0 : i32
    %dma_wait3A_140 = arith.constant 0 : i32
    %dma_wait3A_141 = tpu.memref_slice %arg9[%dma_wait3A_138, %dma_wait3A_139, %dma_wait3A_140] : memref<5x40x128xf32, #tpu.memory_space<vmem>> -> memref<1x40x128xf32, #tpu.memory_space<vmem>>
    %dma_wait3A_142 = tpu.memref_squeeze %dma_wait3A_141 : memref<1x40x128xf32, #tpu.memory_space<vmem>> -> memref<40x128xf32, #tpu.memory_space<vmem>>
    %dma_wait3A_143 = arith.constant 0 : i32
    %dma_wait3A_144 = tpu.memref_slice %arg7[%dma_wait3A_137, %dma_wait3A_143] : memref<250x40xi32, #tpu.memory_space<vmem>> -> memref<1x40xi32, #tpu.memory_space<vmem>>
    %dma_wait3A_145 = tpu.memref_squeeze %dma_wait3A_144 : memref<1x40xi32, #tpu.memory_space<vmem>> -> memref<40xi32, #tpu.memory_space<vmem>>
    %dma_wait3A_146 = arith.constant 0 : i32
    %dma_wait3A_147 = arith.constant 0 : i32
    %dma_wait3A_148 = tpu.memref_slice %arg2[%dma_wait3A_146, %dma_wait3A_147] : memref<10000x128xf32, #tpu.memory_space<hbm>> -> memref<10000x128xf32, #tpu.memory_space<hbm>>
    tpu.wait_indirect_dma semaphore(%arg13 : memref<!tpu.dma_semaphore, #tpu.memory_space<semaphore_mem>>) src(%dma_wait3A_148 : memref<10000x128xf32, #tpu.memory_space<hbm>>) dst(%dma_wait3A_142 : memref<40x128xf32, #tpu.memory_space<vmem>>)
    %dma_start3A_149 = arith.constant 2 : i32
    %dma_start3A_150 = arith.constant 247 : i32
    %dma_start3A_151 = arith.constant 0 : i32
    %dma_start3A_152 = arith.constant 0 : i32
    %dma_start3A_153 = tpu.memref_slice %arg9[%dma_start3A_149, %dma_start3A_151, %dma_start3A_152] : memref<5x40x128xf32, #tpu.memory_space<vmem>> -> memref<1x40x128xf32, #tpu.memory_space<vmem>>
    %dma_start3A_154 = tpu.memref_squeeze %dma_start3A_153 : memref<1x40x128xf32, #tpu.memory_space<vmem>> -> memref<40x128xf32, #tpu.memory_space<vmem>>
    %dma_start3A_155 = arith.constant 0 : i32
    %dma_start3A_156 = tpu.memref_slice %arg8[%dma_start3A_150, %dma_start3A_155] : memref<250x40xi32, #tpu.memory_space<vmem>> -> memref<1x40xi32, #tpu.memory_space<vmem>>
    %dma_start3A_157 = tpu.memref_squeeze %dma_start3A_156 : memref<1x40xi32, #tpu.memory_space<vmem>> -> memref<40xi32, #tpu.memory_space<vmem>>
    %dma_start3A_158 = arith.constant 0 : i32
    %dma_start3A_159 = arith.constant 0 : i32
    %dma_start3A_160 = tpu.memref_slice %arg10[%dma_start3A_158, %dma_start3A_159] : memref<10240x128xf32, #tpu.memory_space<vmem_shared>> -> memref<10240x128xf32, #tpu.memory_space<vmem_shared>>
    tpu.enqueue_indirect_dma source(%dma_start3A_154 : memref<40x128xf32, #tpu.memory_space<vmem>>) target(%dma_start3A_160 : memref<10240x128xf32, #tpu.memory_space<vmem_shared>>) offsets(%dma_start3A_157 : memref<40xi32, #tpu.memory_space<vmem>>) semaphore(%arg18 : memref<!tpu.dma_semaphore, #tpu.memory_space<semaphore_mem>>) {add = true}
    %dma_wait3A_161 = arith.constant 2 : i32
    %dma_wait3A_162 = arith.constant 247 : i32
    %dma_wait3A_163 = arith.constant 0 : i32
    %dma_wait3A_164 = arith.constant 0 : i32
    %dma_wait3A_165 = tpu.memref_slice %arg9[%dma_wait3A_161, %dma_wait3A_163, %dma_wait3A_164] : memref<5x40x128xf32, #tpu.memory_space<vmem>> -> memref<1x40x128xf32, #tpu.memory_space<vmem>>
    %dma_wait3A_166 = tpu.memref_squeeze %dma_wait3A_165 : memref<1x40x128xf32, #tpu.memory_space<vmem>> -> memref<40x128xf32, #tpu.memory_space<vmem>>
    %dma_wait3A_167 = arith.constant 0 : i32
    %dma_wait3A_168 = tpu.memref_slice %arg8[%dma_wait3A_162, %dma_wait3A_167] : memref<250x40xi32, #tpu.memory_space<vmem>> -> memref<1x40xi32, #tpu.memory_space<vmem>>
    %dma_wait3A_169 = tpu.memref_squeeze %dma_wait3A_168 : memref<1x40xi32, #tpu.memory_space<vmem>> -> memref<40xi32, #tpu.memory_space<vmem>>
    %dma_wait3A_170 = arith.constant 0 : i32
    %dma_wait3A_171 = arith.constant 0 : i32
    %dma_wait3A_172 = tpu.memref_slice %arg10[%dma_wait3A_170, %dma_wait3A_171] : memref<10240x128xf32, #tpu.memory_space<vmem_shared>> -> memref<10240x128xf32, #tpu.memory_space<vmem_shared>>
    tpu.wait_indirect_dma semaphore(%arg18 : memref<!tpu.dma_semaphore, #tpu.memory_space<semaphore_mem>>) src(%dma_wait3A_166 : memref<40x128xf32, #tpu.memory_space<vmem>>) dst(%dma_wait3A_172 : memref<10240x128xf32, #tpu.memory_space<vmem_shared>>)
    %dma_wait3A_173 = arith.constant 248 : i32
    %dma_wait3A_174 = arith.constant 3 : i32
    %dma_wait3A_175 = arith.constant 0 : i32
    %dma_wait3A_176 = arith.constant 0 : i32
    %dma_wait3A_177 = tpu.memref_slice %arg9[%dma_wait3A_174, %dma_wait3A_175, %dma_wait3A_176] : memref<5x40x128xf32, #tpu.memory_space<vmem>> -> memref<1x40x128xf32, #tpu.memory_space<vmem>>
    %dma_wait3A_178 = tpu.memref_squeeze %dma_wait3A_177 : memref<1x40x128xf32, #tpu.memory_space<vmem>> -> memref<40x128xf32, #tpu.memory_space<vmem>>
    %dma_wait3A_179 = arith.constant 0 : i32
    %dma_wait3A_180 = tpu.memref_slice %arg7[%dma_wait3A_173, %dma_wait3A_179] : memref<250x40xi32, #tpu.memory_space<vmem>> -> memref<1x40xi32, #tpu.memory_space<vmem>>
    %dma_wait3A_181 = tpu.memref_squeeze %dma_wait3A_180 : memref<1x40xi32, #tpu.memory_space<vmem>> -> memref<40xi32, #tpu.memory_space<vmem>>
    %dma_wait3A_182 = arith.constant 0 : i32
    %dma_wait3A_183 = arith.constant 0 : i32
    %dma_wait3A_184 = tpu.memref_slice %arg2[%dma_wait3A_182, %dma_wait3A_183] : memref<10000x128xf32, #tpu.memory_space<hbm>> -> memref<10000x128xf32, #tpu.memory_space<hbm>>
    tpu.wait_indirect_dma semaphore(%arg14 : memref<!tpu.dma_semaphore, #tpu.memory_space<semaphore_mem>>) src(%dma_wait3A_184 : memref<10000x128xf32, #tpu.memory_space<hbm>>) dst(%dma_wait3A_178 : memref<40x128xf32, #tpu.memory_space<vmem>>)
    %dma_start3A_185 = arith.constant 3 : i32
    %dma_start3A_186 = arith.constant 248 : i32
    %dma_start3A_187 = arith.constant 0 : i32
    %dma_start3A_188 = arith.constant 0 : i32
    %dma_start3A_189 = tpu.memref_slice %arg9[%dma_start3A_185, %dma_start3A_187, %dma_start3A_188] : memref<5x40x128xf32, #tpu.memory_space<vmem>> -> memref<1x40x128xf32, #tpu.memory_space<vmem>>
    %dma_start3A_190 = tpu.memref_squeeze %dma_start3A_189 : memref<1x40x128xf32, #tpu.memory_space<vmem>> -> memref<40x128xf32, #tpu.memory_space<vmem>>
    %dma_start3A_191 = arith.constant 0 : i32
    %dma_start3A_192 = tpu.memref_slice %arg8[%dma_start3A_186, %dma_start3A_191] : memref<250x40xi32, #tpu.memory_space<vmem>> -> memref<1x40xi32, #tpu.memory_space<vmem>>
    %dma_start3A_193 = tpu.memref_squeeze %dma_start3A_192 : memref<1x40xi32, #tpu.memory_space<vmem>> -> memref<40xi32, #tpu.memory_space<vmem>>
    %dma_start3A_194 = arith.constant 0 : i32
    %dma_start3A_195 = arith.constant 0 : i32
    %dma_start3A_196 = tpu.memref_slice %arg10[%dma_start3A_194, %dma_start3A_195] : memref<10240x128xf32, #tpu.memory_space<vmem_shared>> -> memref<10240x128xf32, #tpu.memory_space<vmem_shared>>
    tpu.enqueue_indirect_dma source(%dma_start3A_190 : memref<40x128xf32, #tpu.memory_space<vmem>>) target(%dma_start3A_196 : memref<10240x128xf32, #tpu.memory_space<vmem_shared>>) offsets(%dma_start3A_193 : memref<40xi32, #tpu.memory_space<vmem>>) semaphore(%arg19 : memref<!tpu.dma_semaphore, #tpu.memory_space<semaphore_mem>>) {add = true}
    %dma_wait3A_197 = arith.constant 3 : i32
    %dma_wait3A_198 = arith.constant 248 : i32
    %dma_wait3A_199 = arith.constant 0 : i32
    %dma_wait3A_200 = arith.constant 0 : i32
    %dma_wait3A_201 = tpu.memref_slice %arg9[%dma_wait3A_197, %dma_wait3A_199, %dma_wait3A_200] : memref<5x40x128xf32, #tpu.memory_space<vmem>> -> memref<1x40x128xf32, #tpu.memory_space<vmem>>
    %dma_wait3A_202 = tpu.memref_squeeze %dma_wait3A_201 : memref<1x40x128xf32, #tpu.memory_space<vmem>> -> memref<40x128xf32, #tpu.memory_space<vmem>>
    %dma_wait3A_203 = arith.constant 0 : i32
    %dma_wait3A_204 = tpu.memref_slice %arg8[%dma_wait3A_198, %dma_wait3A_203] : memref<250x40xi32, #tpu.memory_space<vmem>> -> memref<1x40xi32, #tpu.memory_space<vmem>>
    %dma_wait3A_205 = tpu.memref_squeeze %dma_wait3A_204 : memref<1x40xi32, #tpu.memory_space<vmem>> -> memref<40xi32, #tpu.memory_space<vmem>>
    %dma_wait3A_206 = arith.constant 0 : i32
    %dma_wait3A_207 = arith.constant 0 : i32
    %dma_wait3A_208 = tpu.memref_slice %arg10[%dma_wait3A_206, %dma_wait3A_207] : memref<10240x128xf32, #tpu.memory_space<vmem_shared>> -> memref<10240x128xf32, #tpu.memory_space<vmem_shared>>
    tpu.wait_indirect_dma semaphore(%arg19 : memref<!tpu.dma_semaphore, #tpu.memory_space<semaphore_mem>>) src(%dma_wait3A_202 : memref<40x128xf32, #tpu.memory_space<vmem>>) dst(%dma_wait3A_208 : memref<10240x128xf32, #tpu.memory_space<vmem_shared>>)
    %dma_wait3A_209 = arith.constant 249 : i32
    %dma_wait3A_210 = arith.constant 4 : i32
    %dma_wait3A_211 = arith.constant 0 : i32
    %dma_wait3A_212 = arith.constant 0 : i32
    %dma_wait3A_213 = tpu.memref_slice %arg9[%dma_wait3A_210, %dma_wait3A_211, %dma_wait3A_212] : memref<5x40x128xf32, #tpu.memory_space<vmem>> -> memref<1x40x128xf32, #tpu.memory_space<vmem>>
    %dma_wait3A_214 = tpu.memref_squeeze %dma_wait3A_213 : memref<1x40x128xf32, #tpu.memory_space<vmem>> -> memref<40x128xf32, #tpu.memory_space<vmem>>
    %dma_wait3A_215 = arith.constant 0 : i32
    %dma_wait3A_216 = tpu.memref_slice %arg7[%dma_wait3A_209, %dma_wait3A_215] : memref<250x40xi32, #tpu.memory_space<vmem>> -> memref<1x40xi32, #tpu.memory_space<vmem>>
    %dma_wait3A_217 = tpu.memref_squeeze %dma_wait3A_216 : memref<1x40xi32, #tpu.memory_space<vmem>> -> memref<40xi32, #tpu.memory_space<vmem>>
    %dma_wait3A_218 = arith.constant 0 : i32
    %dma_wait3A_219 = arith.constant 0 : i32
    %dma_wait3A_220 = tpu.memref_slice %arg2[%dma_wait3A_218, %dma_wait3A_219] : memref<10000x128xf32, #tpu.memory_space<hbm>> -> memref<10000x128xf32, #tpu.memory_space<hbm>>
    tpu.wait_indirect_dma semaphore(%arg15 : memref<!tpu.dma_semaphore, #tpu.memory_space<semaphore_mem>>) src(%dma_wait3A_220 : memref<10000x128xf32, #tpu.memory_space<hbm>>) dst(%dma_wait3A_214 : memref<40x128xf32, #tpu.memory_space<vmem>>)
    %dma_start3A_221 = arith.constant 4 : i32
    %dma_start3A_222 = arith.constant 249 : i32
    %dma_start3A_223 = arith.constant 0 : i32
    %dma_start3A_224 = arith.constant 0 : i32
    %dma_start3A_225 = tpu.memref_slice %arg9[%dma_start3A_221, %dma_start3A_223, %dma_start3A_224] : memref<5x40x128xf32, #tpu.memory_space<vmem>> -> memref<1x40x128xf32, #tpu.memory_space<vmem>>
    %dma_start3A_226 = tpu.memref_squeeze %dma_start3A_225 : memref<1x40x128xf32, #tpu.memory_space<vmem>> -> memref<40x128xf32, #tpu.memory_space<vmem>>
    %dma_start3A_227 = arith.constant 0 : i32
    %dma_start3A_228 = tpu.memref_slice %arg8[%dma_start3A_222, %dma_start3A_227] : memref<250x40xi32, #tpu.memory_space<vmem>> -> memref<1x40xi32, #tpu.memory_space<vmem>>
    %dma_start3A_229 = tpu.memref_squeeze %dma_start3A_228 : memref<1x40xi32, #tpu.memory_space<vmem>> -> memref<40xi32, #tpu.memory_space<vmem>>
    %dma_start3A_230 = arith.constant 0 : i32
    %dma_start3A_231 = arith.constant 0 : i32
    %dma_start3A_232 = tpu.memref_slice %arg10[%dma_start3A_230, %dma_start3A_231] : memref<10240x128xf32, #tpu.memory_space<vmem_shared>> -> memref<10240x128xf32, #tpu.memory_space<vmem_shared>>
    tpu.enqueue_indirect_dma source(%dma_start3A_226 : memref<40x128xf32, #tpu.memory_space<vmem>>) target(%dma_start3A_232 : memref<10240x128xf32, #tpu.memory_space<vmem_shared>>) offsets(%dma_start3A_229 : memref<40xi32, #tpu.memory_space<vmem>>) semaphore(%arg20 : memref<!tpu.dma_semaphore, #tpu.memory_space<semaphore_mem>>) {add = true}
    %dma_wait3A_233 = arith.constant 4 : i32
    %dma_wait3A_234 = arith.constant 249 : i32
    %dma_wait3A_235 = arith.constant 0 : i32
    %dma_wait3A_236 = arith.constant 0 : i32
    %dma_wait3A_237 = tpu.memref_slice %arg9[%dma_wait3A_233, %dma_wait3A_235, %dma_wait3A_236] : memref<5x40x128xf32, #tpu.memory_space<vmem>> -> memref<1x40x128xf32, #tpu.memory_space<vmem>>
    %dma_wait3A_238 = tpu.memref_squeeze %dma_wait3A_237 : memref<1x40x128xf32, #tpu.memory_space<vmem>> -> memref<40x128xf32, #tpu.memory_space<vmem>>
    %dma_wait3A_239 = arith.constant 0 : i32
    %dma_wait3A_240 = tpu.memref_slice %arg8[%dma_wait3A_234, %dma_wait3A_239] : memref<250x40xi32, #tpu.memory_space<vmem>> -> memref<1x40xi32, #tpu.memory_space<vmem>>
    %dma_wait3A_241 = tpu.memref_squeeze %dma_wait3A_240 : memref<1x40xi32, #tpu.memory_space<vmem>> -> memref<40xi32, #tpu.memory_space<vmem>>
    %dma_wait3A_242 = arith.constant 0 : i32
    %dma_wait3A_243 = arith.constant 0 : i32
    %dma_wait3A_244 = tpu.memref_slice %arg10[%dma_wait3A_242, %dma_wait3A_243] : memref<10240x128xf32, #tpu.memory_space<vmem_shared>> -> memref<10240x128xf32, #tpu.memory_space<vmem_shared>>
    tpu.wait_indirect_dma semaphore(%arg20 : memref<!tpu.dma_semaphore, #tpu.memory_space<semaphore_mem>>) src(%dma_wait3A_238 : memref<40x128xf32, #tpu.memory_space<vmem>>) dst(%dma_wait3A_244 : memref<10240x128xf32, #tpu.memory_space<vmem_shared>>)
    %barrier3A_245 = arith.constant 0 : index
    tpu.barrier barrier_id(%barrier3A_245)
    "tpu.region"() ({
      %run_scoped3A = tpu.sem_alloc : memref<!tpu.dma_semaphore, #tpu.memory_space<semaphore_mem>>
      %dma_start3A_246 = arith.constant 0 : i32
      %dma_start3A_247 = tpu.memref_slice %arg6[%arg0, %mul3A_2, %dma_start3A_246] : memref<2x10240x128xf32, #tpu.memory_space<hbm>> -> memref<1x640x128xf32, #tpu.memory_space<hbm>>
      %dma_start3A_248 = tpu.memref_squeeze %dma_start3A_247 : memref<1x640x128xf32, #tpu.memory_space<hbm>> -> memref<640x128xf32, #tpu.memory_space<hbm>>
      %dma_start3A_249 = arith.constant 0 : i32
      %dma_start3A_250 = tpu.memref_slice %arg10[%mul3A_2, %dma_start3A_249] : memref<10240x128xf32, #tpu.memory_space<vmem_shared>> -> memref<640x128xf32, #tpu.memory_space<vmem_shared>>
      tpu.enqueue_dma source(%dma_start3A_250 : memref<640x128xf32, #tpu.memory_space<vmem_shared>>) target(%dma_start3A_248 : memref<640x128xf32, #tpu.memory_space<hbm>>) target_semaphore(%run_scoped3A : memref<!tpu.dma_semaphore, #tpu.memory_space<semaphore_mem>>)
      %dma_wait3A_251 = arith.constant 0 : i32
      %dma_wait3A_252 = tpu.memref_slice %arg6[%arg0, %mul3A_2, %dma_wait3A_251] : memref<2x10240x128xf32, #tpu.memory_space<hbm>> -> memref<1x640x128xf32, #tpu.memory_space<hbm>>
      %dma_wait3A_253 = tpu.memref_squeeze %dma_wait3A_252 : memref<1x640x128xf32, #tpu.memory_space<hbm>> -> memref<640x128xf32, #tpu.memory_space<hbm>>
      %dma_wait3A_254 = arith.constant 0 : i32
      %dma_wait3A_255 = tpu.memref_slice %arg10[%mul3A_2, %dma_wait3A_254] : memref<10240x128xf32, #tpu.memory_space<vmem_shared>> -> memref<640x128xf32, #tpu.memory_space<vmem_shared>>
      tpu.wait_dma2 semaphore(%run_scoped3A : memref<!tpu.dma_semaphore, #tpu.memory_space<semaphore_mem>>) src(%dma_wait3A_255 : memref<640x128xf32, #tpu.memory_space<vmem_shared>>) dst(%dma_wait3A_253 : memref<640x128xf32, #tpu.memory_space<hbm>>)
      tpu.yield
    }) : () -> ()
    return
  }
}

#map = affine_map<(d0, d1) -> (0, 0)>
#map1 = affine_map<(d0, d1) -> (0, 0, 0)>
module attributes {stable_mosaic.version = 14 : i64} {
  func.func @agg_kernel(%arg0: i32, %arg1: i32, %arg2: memref<10000x64xf32, #tpu.memory_space<hbm>>, %arg3: memref<32x125x80xi32, #tpu.memory_space<hbm>>, %arg4: memref<32x125x80xi32, #tpu.memory_space<hbm>>, %arg5: memref<10240x64xf32, #tpu.memory_space<hbm>>, %arg6: memref<2x10240x64xf32, #tpu.memory_space<hbm>>, %arg7: memref<125x80xi32, #tpu.memory_space<vmem>>, %arg8: memref<125x80xi32, #tpu.memory_space<vmem>>, %arg9: memref<5x80x64xf32, #tpu.memory_space<vmem>>, %arg10: memref<10240x64xf32, #tpu.memory_space<vmem_shared>>, %arg11: memref<!tpu.dma_semaphore, #tpu.memory_space<semaphore_mem>>, %arg12: memref<!tpu.dma_semaphore, #tpu.memory_space<semaphore_mem>>, %arg13: memref<!tpu.dma_semaphore, #tpu.memory_space<semaphore_mem>>, %arg14: memref<!tpu.dma_semaphore, #tpu.memory_space<semaphore_mem>>, %arg15: memref<!tpu.dma_semaphore, #tpu.memory_space<semaphore_mem>>, %arg16: memref<!tpu.dma_semaphore, #tpu.memory_space<semaphore_mem>>, %arg17: memref<!tpu.dma_semaphore, #tpu.memory_space<semaphore_mem>>, %arg18: memref<!tpu.dma_semaphore, #tpu.memory_space<semaphore_mem>>, %arg19: memref<!tpu.dma_semaphore, #tpu.memory_space<semaphore_mem>>, %arg20: memref<!tpu.dma_semaphore, #tpu.memory_space<semaphore_mem>>) attributes {dimension_semantics = [#tpu.dimension_semantics<core_parallel>, #tpu.dimension_semantics<subcore_parallel>], iteration_bounds = array<i64: 2, 16>, scalar_prefetch = 0 : i64, scratch_operands = 14 : i64, tpu.core_type = #tpu.core_type<sc_vector_subcore>, window_params = [{transform_indices = #map}, {transform_indices = #map1}, {transform_indices = #map1}, {transform_indices = #map}, {transform_indices = #map1}]} {
    %mul3A = arith.constant 2 : i32
    %mul3A_0 = arith.muli %arg1, %mul3A : i32
    %add3A = arith.addi %mul3A_0, %arg0 : i32
    %mul3A_1 = arith.constant 640 : i32
    %mul3A_2 = arith.muli %arg1, %mul3A_1 : i32
    "tpu.region"() ({
      %run_scoped3A = tpu.sem_alloc : memref<!tpu.dma_semaphore, #tpu.memory_space<semaphore_mem>>
      %dma_start3A_246 = arith.constant 0 : i32
      %dma_start3A_247 = arith.constant 0 : i32
      %dma_start3A_248 = tpu.memref_slice %arg3[%add3A, %dma_start3A_246, %dma_start3A_247] : memref<32x125x80xi32, #tpu.memory_space<hbm>> -> memref<1x125x80xi32, #tpu.memory_space<hbm>>
      %dma_start3A_249 = tpu.memref_squeeze %dma_start3A_248 : memref<1x125x80xi32, #tpu.memory_space<hbm>> -> memref<125x80xi32, #tpu.memory_space<hbm>>
      %dma_start3A_250 = arith.constant 0 : i32
      %dma_start3A_251 = arith.constant 0 : i32
      %dma_start3A_252 = tpu.memref_slice %arg3[%add3A, %dma_start3A_250, %dma_start3A_251] : memref<32x125x80xi32, #tpu.memory_space<hbm>> -> memref<1x125x80xi32, #tpu.memory_space<hbm>>
      %dma_start3A_253 = tpu.memref_squeeze %dma_start3A_252 : memref<1x125x80xi32, #tpu.memory_space<hbm>> -> memref<125x80xi32, #tpu.memory_space<hbm>>
      tpu.enqueue_dma source(%dma_start3A_253 : memref<125x80xi32, #tpu.memory_space<hbm>>) target(%arg7 : memref<125x80xi32, #tpu.memory_space<vmem>>) target_semaphore(%run_scoped3A : memref<!tpu.dma_semaphore, #tpu.memory_space<semaphore_mem>>)
      %dma_wait3A_254 = arith.constant 0 : i32
      %dma_wait3A_255 = arith.constant 0 : i32
      %dma_wait3A_256 = tpu.memref_slice %arg3[%add3A, %dma_wait3A_254, %dma_wait3A_255] : memref<32x125x80xi32, #tpu.memory_space<hbm>> -> memref<1x125x80xi32, #tpu.memory_space<hbm>>
      %dma_wait3A_257 = tpu.memref_squeeze %dma_wait3A_256 : memref<1x125x80xi32, #tpu.memory_space<hbm>> -> memref<125x80xi32, #tpu.memory_space<hbm>>
      %dma_wait3A_258 = arith.constant 0 : i32
      %dma_wait3A_259 = arith.constant 0 : i32
      %dma_wait3A_260 = tpu.memref_slice %arg3[%add3A, %dma_wait3A_258, %dma_wait3A_259] : memref<32x125x80xi32, #tpu.memory_space<hbm>> -> memref<1x125x80xi32, #tpu.memory_space<hbm>>
      %dma_wait3A_261 = tpu.memref_squeeze %dma_wait3A_260 : memref<1x125x80xi32, #tpu.memory_space<hbm>> -> memref<125x80xi32, #tpu.memory_space<hbm>>
      tpu.wait_dma2 semaphore(%run_scoped3A : memref<!tpu.dma_semaphore, #tpu.memory_space<semaphore_mem>>) src(%dma_wait3A_261 : memref<125x80xi32, #tpu.memory_space<hbm>>) dst(%arg7 : memref<125x80xi32, #tpu.memory_space<vmem>>)
      tpu.yield
    }) : () -> ()
    "tpu.region"() ({
      %run_scoped3A = tpu.sem_alloc : memref<!tpu.dma_semaphore, #tpu.memory_space<semaphore_mem>>
      %dma_start3A_246 = arith.constant 0 : i32
      %dma_start3A_247 = arith.constant 0 : i32
      %dma_start3A_248 = tpu.memref_slice %arg4[%add3A, %dma_start3A_246, %dma_start3A_247] : memref<32x125x80xi32, #tpu.memory_space<hbm>> -> memref<1x125x80xi32, #tpu.memory_space<hbm>>
      %dma_start3A_249 = tpu.memref_squeeze %dma_start3A_248 : memref<1x125x80xi32, #tpu.memory_space<hbm>> -> memref<125x80xi32, #tpu.memory_space<hbm>>
      %dma_start3A_250 = arith.constant 0 : i32
      %dma_start3A_251 = arith.constant 0 : i32
      %dma_start3A_252 = tpu.memref_slice %arg4[%add3A, %dma_start3A_250, %dma_start3A_251] : memref<32x125x80xi32, #tpu.memory_space<hbm>> -> memref<1x125x80xi32, #tpu.memory_space<hbm>>
      %dma_start3A_253 = tpu.memref_squeeze %dma_start3A_252 : memref<1x125x80xi32, #tpu.memory_space<hbm>> -> memref<125x80xi32, #tpu.memory_space<hbm>>
      tpu.enqueue_dma source(%dma_start3A_253 : memref<125x80xi32, #tpu.memory_space<hbm>>) target(%arg8 : memref<125x80xi32, #tpu.memory_space<vmem>>) target_semaphore(%run_scoped3A : memref<!tpu.dma_semaphore, #tpu.memory_space<semaphore_mem>>)
      %dma_wait3A_254 = arith.constant 0 : i32
      %dma_wait3A_255 = arith.constant 0 : i32
      %dma_wait3A_256 = tpu.memref_slice %arg4[%add3A, %dma_wait3A_254, %dma_wait3A_255] : memref<32x125x80xi32, #tpu.memory_space<hbm>> -> memref<1x125x80xi32, #tpu.memory_space<hbm>>
      %dma_wait3A_257 = tpu.memref_squeeze %dma_wait3A_256 : memref<1x125x80xi32, #tpu.memory_space<hbm>> -> memref<125x80xi32, #tpu.memory_space<hbm>>
      %dma_wait3A_258 = arith.constant 0 : i32
      %dma_wait3A_259 = arith.constant 0 : i32
      %dma_wait3A_260 = tpu.memref_slice %arg4[%add3A, %dma_wait3A_258, %dma_wait3A_259] : memref<32x125x80xi32, #tpu.memory_space<hbm>> -> memref<1x125x80xi32, #tpu.memory_space<hbm>>
      %dma_wait3A_261 = tpu.memref_squeeze %dma_wait3A_260 : memref<1x125x80xi32, #tpu.memory_space<hbm>> -> memref<125x80xi32, #tpu.memory_space<hbm>>
      tpu.wait_dma2 semaphore(%run_scoped3A : memref<!tpu.dma_semaphore, #tpu.memory_space<semaphore_mem>>) src(%dma_wait3A_261 : memref<125x80xi32, #tpu.memory_space<hbm>>) dst(%arg8 : memref<125x80xi32, #tpu.memory_space<vmem>>)
      tpu.yield
    }) : () -> ()
    "tpu.region"() ({
      %run_scoped3A = tpu.sem_alloc : memref<!tpu.dma_semaphore, #tpu.memory_space<semaphore_mem>>
      %dma_start3A_246 = arith.constant 0 : i32
      %dma_start3A_247 = tpu.memref_slice %arg10[%mul3A_2, %dma_start3A_246] : memref<10240x64xf32, #tpu.memory_space<vmem_shared>> -> memref<640x64xf32, #tpu.memory_space<vmem_shared>>
      %dma_start3A_248 = arith.constant 0 : i32
      %dma_start3A_249 = tpu.memref_slice %arg5[%mul3A_2, %dma_start3A_248] : memref<10240x64xf32, #tpu.memory_space<hbm>> -> memref<640x64xf32, #tpu.memory_space<hbm>>
      tpu.enqueue_dma source(%dma_start3A_249 : memref<640x64xf32, #tpu.memory_space<hbm>>) target(%dma_start3A_247 : memref<640x64xf32, #tpu.memory_space<vmem_shared>>) target_semaphore(%run_scoped3A : memref<!tpu.dma_semaphore, #tpu.memory_space<semaphore_mem>>)
      %dma_wait3A_250 = arith.constant 0 : i32
      %dma_wait3A_251 = tpu.memref_slice %arg10[%mul3A_2, %dma_wait3A_250] : memref<10240x64xf32, #tpu.memory_space<vmem_shared>> -> memref<640x64xf32, #tpu.memory_space<vmem_shared>>
      %dma_wait3A_252 = arith.constant 0 : i32
      %dma_wait3A_253 = tpu.memref_slice %arg5[%mul3A_2, %dma_wait3A_252] : memref<10240x64xf32, #tpu.memory_space<hbm>> -> memref<640x64xf32, #tpu.memory_space<hbm>>
      tpu.wait_dma2 semaphore(%run_scoped3A : memref<!tpu.dma_semaphore, #tpu.memory_space<semaphore_mem>>) src(%dma_wait3A_253 : memref<640x64xf32, #tpu.memory_space<hbm>>) dst(%dma_wait3A_251 : memref<640x64xf32, #tpu.memory_space<vmem_shared>>)
      tpu.yield
    }) : () -> ()
    %barrier3A = arith.constant 0 : index
    tpu.barrier barrier_id(%barrier3A)
    %dma_start3A = arith.constant 0 : i32
    %dma_start3A_3 = arith.constant 0 : i32
    %dma_start3A_4 = arith.constant 0 : i32
    %dma_start3A_5 = arith.constant 0 : i32
    %dma_start3A_6 = tpu.memref_slice %arg9[%dma_start3A_3, %dma_start3A_4, %dma_start3A_5] : memref<5x80x64xf32, #tpu.memory_space<vmem>> -> memref<1x80x64xf32, #tpu.memory_space<vmem>>
    %dma_start3A_7 = tpu.memref_squeeze %dma_start3A_6 : memref<1x80x64xf32, #tpu.memory_space<vmem>> -> memref<80x64xf32, #tpu.memory_space<vmem>>
    %dma_start3A_8 = arith.constant 0 : i32
    %dma_start3A_9 = tpu.memref_slice %arg7[%dma_start3A, %dma_start3A_8] : memref<125x80xi32, #tpu.memory_space<vmem>> -> memref<1x80xi32, #tpu.memory_space<vmem>>
    %dma_start3A_10 = tpu.memref_squeeze %dma_start3A_9 : memref<1x80xi32, #tpu.memory_space<vmem>> -> memref<80xi32, #tpu.memory_space<vmem>>
    %dma_start3A_11 = arith.constant 0 : i32
    %dma_start3A_12 = arith.constant 0 : i32
    %dma_start3A_13 = tpu.memref_slice %arg2[%dma_start3A_11, %dma_start3A_12] : memref<10000x64xf32, #tpu.memory_space<hbm>> -> memref<10000x64xf32, #tpu.memory_space<hbm>>
    tpu.enqueue_indirect_dma source(%dma_start3A_13 : memref<10000x64xf32, #tpu.memory_space<hbm>>) target(%dma_start3A_7 : memref<80x64xf32, #tpu.memory_space<vmem>>) offsets(%dma_start3A_10 : memref<80xi32, #tpu.memory_space<vmem>>) semaphore(%arg11 : memref<!tpu.dma_semaphore, #tpu.memory_space<semaphore_mem>>)
    %dma_start3A_14 = arith.constant 1 : i32
    %dma_start3A_15 = arith.constant 1 : i32
    %dma_start3A_16 = arith.constant 0 : i32
    %dma_start3A_17 = arith.constant 0 : i32
    %dma_start3A_18 = tpu.memref_slice %arg9[%dma_start3A_15, %dma_start3A_16, %dma_start3A_17] : memref<5x80x64xf32, #tpu.memory_space<vmem>> -> memref<1x80x64xf32, #tpu.memory_space<vmem>>
    %dma_start3A_19 = tpu.memref_squeeze %dma_start3A_18 : memref<1x80x64xf32, #tpu.memory_space<vmem>> -> memref<80x64xf32, #tpu.memory_space<vmem>>
    %dma_start3A_20 = arith.constant 0 : i32
    %dma_start3A_21 = tpu.memref_slice %arg7[%dma_start3A_14, %dma_start3A_20] : memref<125x80xi32, #tpu.memory_space<vmem>> -> memref<1x80xi32, #tpu.memory_space<vmem>>
    %dma_start3A_22 = tpu.memref_squeeze %dma_start3A_21 : memref<1x80xi32, #tpu.memory_space<vmem>> -> memref<80xi32, #tpu.memory_space<vmem>>
    %dma_start3A_23 = arith.constant 0 : i32
    %dma_start3A_24 = arith.constant 0 : i32
    %dma_start3A_25 = tpu.memref_slice %arg2[%dma_start3A_23, %dma_start3A_24] : memref<10000x64xf32, #tpu.memory_space<hbm>> -> memref<10000x64xf32, #tpu.memory_space<hbm>>
    tpu.enqueue_indirect_dma source(%dma_start3A_25 : memref<10000x64xf32, #tpu.memory_space<hbm>>) target(%dma_start3A_19 : memref<80x64xf32, #tpu.memory_space<vmem>>) offsets(%dma_start3A_22 : memref<80xi32, #tpu.memory_space<vmem>>) semaphore(%arg12 : memref<!tpu.dma_semaphore, #tpu.memory_space<semaphore_mem>>)
    %dma_start3A_26 = arith.constant 2 : i32
    %dma_start3A_27 = arith.constant 2 : i32
    %dma_start3A_28 = arith.constant 0 : i32
    %dma_start3A_29 = arith.constant 0 : i32
    %dma_start3A_30 = tpu.memref_slice %arg9[%dma_start3A_27, %dma_start3A_28, %dma_start3A_29] : memref<5x80x64xf32, #tpu.memory_space<vmem>> -> memref<1x80x64xf32, #tpu.memory_space<vmem>>
    %dma_start3A_31 = tpu.memref_squeeze %dma_start3A_30 : memref<1x80x64xf32, #tpu.memory_space<vmem>> -> memref<80x64xf32, #tpu.memory_space<vmem>>
    %dma_start3A_32 = arith.constant 0 : i32
    %dma_start3A_33 = tpu.memref_slice %arg7[%dma_start3A_26, %dma_start3A_32] : memref<125x80xi32, #tpu.memory_space<vmem>> -> memref<1x80xi32, #tpu.memory_space<vmem>>
    %dma_start3A_34 = tpu.memref_squeeze %dma_start3A_33 : memref<1x80xi32, #tpu.memory_space<vmem>> -> memref<80xi32, #tpu.memory_space<vmem>>
    %dma_start3A_35 = arith.constant 0 : i32
    %dma_start3A_36 = arith.constant 0 : i32
    %dma_start3A_37 = tpu.memref_slice %arg2[%dma_start3A_35, %dma_start3A_36] : memref<10000x64xf32, #tpu.memory_space<hbm>> -> memref<10000x64xf32, #tpu.memory_space<hbm>>
    tpu.enqueue_indirect_dma source(%dma_start3A_37 : memref<10000x64xf32, #tpu.memory_space<hbm>>) target(%dma_start3A_31 : memref<80x64xf32, #tpu.memory_space<vmem>>) offsets(%dma_start3A_34 : memref<80xi32, #tpu.memory_space<vmem>>) semaphore(%arg13 : memref<!tpu.dma_semaphore, #tpu.memory_space<semaphore_mem>>)
    %dma_start3A_38 = arith.constant 3 : i32
    %dma_start3A_39 = arith.constant 3 : i32
    %dma_start3A_40 = arith.constant 0 : i32
    %dma_start3A_41 = arith.constant 0 : i32
    %dma_start3A_42 = tpu.memref_slice %arg9[%dma_start3A_39, %dma_start3A_40, %dma_start3A_41] : memref<5x80x64xf32, #tpu.memory_space<vmem>> -> memref<1x80x64xf32, #tpu.memory_space<vmem>>
    %dma_start3A_43 = tpu.memref_squeeze %dma_start3A_42 : memref<1x80x64xf32, #tpu.memory_space<vmem>> -> memref<80x64xf32, #tpu.memory_space<vmem>>
    %dma_start3A_44 = arith.constant 0 : i32
    %dma_start3A_45 = tpu.memref_slice %arg7[%dma_start3A_38, %dma_start3A_44] : memref<125x80xi32, #tpu.memory_space<vmem>> -> memref<1x80xi32, #tpu.memory_space<vmem>>
    %dma_start3A_46 = tpu.memref_squeeze %dma_start3A_45 : memref<1x80xi32, #tpu.memory_space<vmem>> -> memref<80xi32, #tpu.memory_space<vmem>>
    %dma_start3A_47 = arith.constant 0 : i32
    %dma_start3A_48 = arith.constant 0 : i32
    %dma_start3A_49 = tpu.memref_slice %arg2[%dma_start3A_47, %dma_start3A_48] : memref<10000x64xf32, #tpu.memory_space<hbm>> -> memref<10000x64xf32, #tpu.memory_space<hbm>>
    tpu.enqueue_indirect_dma source(%dma_start3A_49 : memref<10000x64xf32, #tpu.memory_space<hbm>>) target(%dma_start3A_43 : memref<80x64xf32, #tpu.memory_space<vmem>>) offsets(%dma_start3A_46 : memref<80xi32, #tpu.memory_space<vmem>>) semaphore(%arg14 : memref<!tpu.dma_semaphore, #tpu.memory_space<semaphore_mem>>)
    %dma_start3A_50 = arith.constant 4 : i32
    %dma_start3A_51 = arith.constant 4 : i32
    %dma_start3A_52 = arith.constant 0 : i32
    %dma_start3A_53 = arith.constant 0 : i32
    %dma_start3A_54 = tpu.memref_slice %arg9[%dma_start3A_51, %dma_start3A_52, %dma_start3A_53] : memref<5x80x64xf32, #tpu.memory_space<vmem>> -> memref<1x80x64xf32, #tpu.memory_space<vmem>>
    %dma_start3A_55 = tpu.memref_squeeze %dma_start3A_54 : memref<1x80x64xf32, #tpu.memory_space<vmem>> -> memref<80x64xf32, #tpu.memory_space<vmem>>
    %dma_start3A_56 = arith.constant 0 : i32
    %dma_start3A_57 = tpu.memref_slice %arg7[%dma_start3A_50, %dma_start3A_56] : memref<125x80xi32, #tpu.memory_space<vmem>> -> memref<1x80xi32, #tpu.memory_space<vmem>>
    %dma_start3A_58 = tpu.memref_squeeze %dma_start3A_57 : memref<1x80xi32, #tpu.memory_space<vmem>> -> memref<80xi32, #tpu.memory_space<vmem>>
    %dma_start3A_59 = arith.constant 0 : i32
    %dma_start3A_60 = arith.constant 0 : i32
    %dma_start3A_61 = tpu.memref_slice %arg2[%dma_start3A_59, %dma_start3A_60] : memref<10000x64xf32, #tpu.memory_space<hbm>> -> memref<10000x64xf32, #tpu.memory_space<hbm>>
    tpu.enqueue_indirect_dma source(%dma_start3A_61 : memref<10000x64xf32, #tpu.memory_space<hbm>>) target(%dma_start3A_55 : memref<80x64xf32, #tpu.memory_space<vmem>>) offsets(%dma_start3A_58 : memref<80xi32, #tpu.memory_space<vmem>>) semaphore(%arg15 : memref<!tpu.dma_semaphore, #tpu.memory_space<semaphore_mem>>)
    %scan3A = arith.constant 0 : i32
    %scan3A_62 = arith.constant 24 : i32
    %scan3A_63 = arith.addi %scan3A, %scan3A_62 : i32
    %scan3A_64 = arith.constant 1 : i32
    scf.for %scan3A_246 = %scan3A to %scan3A_63 step %scan3A_64  : i32 {
      %mul3A_247 = arith.constant 5 : i32
      %mul3A_248 = arith.muli %scan3A_246, %mul3A_247 : i32
      %add3A_249 = arith.constant 0 : i32
      %add3A_250 = arith.addi %add3A_249, %mul3A_248 : i32
      %add3A_251 = arith.constant 0 : i32
      %add3A_252 = arith.addi %add3A_250, %add3A_251 : i32
      %dma_wait3A_253 = arith.constant 0 : i32
      %dma_wait3A_254 = arith.constant 0 : i32
      %dma_wait3A_255 = arith.constant 0 : i32
      %dma_wait3A_256 = tpu.memref_slice %arg9[%dma_wait3A_253, %dma_wait3A_254, %dma_wait3A_255] : memref<5x80x64xf32, #tpu.memory_space<vmem>> -> memref<1x80x64xf32, #tpu.memory_space<vmem>>
      %dma_wait3A_257 = tpu.memref_squeeze %dma_wait3A_256 : memref<1x80x64xf32, #tpu.memory_space<vmem>> -> memref<80x64xf32, #tpu.memory_space<vmem>>
      %dma_wait3A_258 = arith.constant 0 : i32
      %dma_wait3A_259 = tpu.memref_slice %arg7[%add3A_252, %dma_wait3A_258] : memref<125x80xi32, #tpu.memory_space<vmem>> -> memref<1x80xi32, #tpu.memory_space<vmem>>
      %dma_wait3A_260 = tpu.memref_squeeze %dma_wait3A_259 : memref<1x80xi32, #tpu.memory_space<vmem>> -> memref<80xi32, #tpu.memory_space<vmem>>
      %dma_wait3A_261 = arith.constant 0 : i32
      %dma_wait3A_262 = arith.constant 0 : i32
      %dma_wait3A_263 = tpu.memref_slice %arg2[%dma_wait3A_261, %dma_wait3A_262] : memref<10000x64xf32, #tpu.memory_space<hbm>> -> memref<10000x64xf32, #tpu.memory_space<hbm>>
      tpu.wait_indirect_dma semaphore(%arg11 : memref<!tpu.dma_semaphore, #tpu.memory_space<semaphore_mem>>) src(%dma_wait3A_263 : memref<10000x64xf32, #tpu.memory_space<hbm>>) dst(%dma_wait3A_257 : memref<80x64xf32, #tpu.memory_space<vmem>>)
      %dma_start3A_264 = arith.constant 0 : i32
      %dma_start3A_265 = arith.constant 0 : i32
      %dma_start3A_266 = arith.constant 0 : i32
      %dma_start3A_267 = tpu.memref_slice %arg9[%dma_start3A_264, %dma_start3A_265, %dma_start3A_266] : memref<5x80x64xf32, #tpu.memory_space<vmem>> -> memref<1x80x64xf32, #tpu.memory_space<vmem>>
      %dma_start3A_268 = tpu.memref_squeeze %dma_start3A_267 : memref<1x80x64xf32, #tpu.memory_space<vmem>> -> memref<80x64xf32, #tpu.memory_space<vmem>>
      %dma_start3A_269 = arith.constant 0 : i32
      %dma_start3A_270 = tpu.memref_slice %arg8[%add3A_252, %dma_start3A_269] : memref<125x80xi32, #tpu.memory_space<vmem>> -> memref<1x80xi32, #tpu.memory_space<vmem>>
      %dma_start3A_271 = tpu.memref_squeeze %dma_start3A_270 : memref<1x80xi32, #tpu.memory_space<vmem>> -> memref<80xi32, #tpu.memory_space<vmem>>
      %dma_start3A_272 = arith.constant 0 : i32
      %dma_start3A_273 = arith.constant 0 : i32
      %dma_start3A_274 = tpu.memref_slice %arg10[%dma_start3A_272, %dma_start3A_273] : memref<10240x64xf32, #tpu.memory_space<vmem_shared>> -> memref<10240x64xf32, #tpu.memory_space<vmem_shared>>
      tpu.enqueue_indirect_dma source(%dma_start3A_268 : memref<80x64xf32, #tpu.memory_space<vmem>>) target(%dma_start3A_274 : memref<10240x64xf32, #tpu.memory_space<vmem_shared>>) offsets(%dma_start3A_271 : memref<80xi32, #tpu.memory_space<vmem>>) semaphore(%arg16 : memref<!tpu.dma_semaphore, #tpu.memory_space<semaphore_mem>>) {add = true}
      %dma_wait3A_275 = arith.constant 0 : i32
      %dma_wait3A_276 = arith.constant 0 : i32
      %dma_wait3A_277 = arith.constant 0 : i32
      %dma_wait3A_278 = tpu.memref_slice %arg9[%dma_wait3A_275, %dma_wait3A_276, %dma_wait3A_277] : memref<5x80x64xf32, #tpu.memory_space<vmem>> -> memref<1x80x64xf32, #tpu.memory_space<vmem>>
      %dma_wait3A_279 = tpu.memref_squeeze %dma_wait3A_278 : memref<1x80x64xf32, #tpu.memory_space<vmem>> -> memref<80x64xf32, #tpu.memory_space<vmem>>
      %dma_wait3A_280 = arith.constant 0 : i32
      %dma_wait3A_281 = tpu.memref_slice %arg8[%add3A_252, %dma_wait3A_280] : memref<125x80xi32, #tpu.memory_space<vmem>> -> memref<1x80xi32, #tpu.memory_space<vmem>>
      %dma_wait3A_282 = tpu.memref_squeeze %dma_wait3A_281 : memref<1x80xi32, #tpu.memory_space<vmem>> -> memref<80xi32, #tpu.memory_space<vmem>>
      %dma_wait3A_283 = arith.constant 0 : i32
      %dma_wait3A_284 = arith.constant 0 : i32
      %dma_wait3A_285 = tpu.memref_slice %arg10[%dma_wait3A_283, %dma_wait3A_284] : memref<10240x64xf32, #tpu.memory_space<vmem_shared>> -> memref<10240x64xf32, #tpu.memory_space<vmem_shared>>
      tpu.wait_indirect_dma semaphore(%arg16 : memref<!tpu.dma_semaphore, #tpu.memory_space<semaphore_mem>>) src(%dma_wait3A_279 : memref<80x64xf32, #tpu.memory_space<vmem>>) dst(%dma_wait3A_285 : memref<10240x64xf32, #tpu.memory_space<vmem_shared>>)
      %add3A_286 = arith.constant 5 : i32
      %add3A_287 = arith.addi %add3A_252, %add3A_286 : i32
      %dma_start3A_288 = arith.constant 0 : i32
      %dma_start3A_289 = arith.constant 0 : i32
      %dma_start3A_290 = arith.constant 0 : i32
      %dma_start3A_291 = tpu.memref_slice %arg9[%dma_start3A_288, %dma_start3A_289, %dma_start3A_290] : memref<5x80x64xf32, #tpu.memory_space<vmem>> -> memref<1x80x64xf32, #tpu.memory_space<vmem>>
      %dma_start3A_292 = tpu.memref_squeeze %dma_start3A_291 : memref<1x80x64xf32, #tpu.memory_space<vmem>> -> memref<80x64xf32, #tpu.memory_space<vmem>>
      %dma_start3A_293 = arith.constant 0 : i32
      %dma_start3A_294 = tpu.memref_slice %arg7[%add3A_287, %dma_start3A_293] : memref<125x80xi32, #tpu.memory_space<vmem>> -> memref<1x80xi32, #tpu.memory_space<vmem>>
      %dma_start3A_295 = tpu.memref_squeeze %dma_start3A_294 : memref<1x80xi32, #tpu.memory_space<vmem>> -> memref<80xi32, #tpu.memory_space<vmem>>
      %dma_start3A_296 = arith.constant 0 : i32
      %dma_start3A_297 = arith.constant 0 : i32
      %dma_start3A_298 = tpu.memref_slice %arg2[%dma_start3A_296, %dma_start3A_297] : memref<10000x64xf32, #tpu.memory_space<hbm>> -> memref<10000x64xf32, #tpu.memory_space<hbm>>
      tpu.enqueue_indirect_dma source(%dma_start3A_298 : memref<10000x64xf32, #tpu.memory_space<hbm>>) target(%dma_start3A_292 : memref<80x64xf32, #tpu.memory_space<vmem>>) offsets(%dma_start3A_295 : memref<80xi32, #tpu.memory_space<vmem>>) semaphore(%arg11 : memref<!tpu.dma_semaphore, #tpu.memory_space<semaphore_mem>>)
      %add3A_299 = arith.constant 1 : i32
      %add3A_300 = arith.addi %add3A_250, %add3A_299 : i32
      %dma_wait3A_301 = arith.constant 1 : i32
      %dma_wait3A_302 = arith.constant 0 : i32
      %dma_wait3A_303 = arith.constant 0 : i32
      %dma_wait3A_304 = tpu.memref_slice %arg9[%dma_wait3A_301, %dma_wait3A_302, %dma_wait3A_303] : memref<5x80x64xf32, #tpu.memory_space<vmem>> -> memref<1x80x64xf32, #tpu.memory_space<vmem>>
      %dma_wait3A_305 = tpu.memref_squeeze %dma_wait3A_304 : memref<1x80x64xf32, #tpu.memory_space<vmem>> -> memref<80x64xf32, #tpu.memory_space<vmem>>
      %dma_wait3A_306 = arith.constant 0 : i32
      %dma_wait3A_307 = tpu.memref_slice %arg7[%add3A_300, %dma_wait3A_306] : memref<125x80xi32, #tpu.memory_space<vmem>> -> memref<1x80xi32, #tpu.memory_space<vmem>>
      %dma_wait3A_308 = tpu.memref_squeeze %dma_wait3A_307 : memref<1x80xi32, #tpu.memory_space<vmem>> -> memref<80xi32, #tpu.memory_space<vmem>>
      %dma_wait3A_309 = arith.constant 0 : i32
      %dma_wait3A_310 = arith.constant 0 : i32
      %dma_wait3A_311 = tpu.memref_slice %arg2[%dma_wait3A_309, %dma_wait3A_310] : memref<10000x64xf32, #tpu.memory_space<hbm>> -> memref<10000x64xf32, #tpu.memory_space<hbm>>
      tpu.wait_indirect_dma semaphore(%arg12 : memref<!tpu.dma_semaphore, #tpu.memory_space<semaphore_mem>>) src(%dma_wait3A_311 : memref<10000x64xf32, #tpu.memory_space<hbm>>) dst(%dma_wait3A_305 : memref<80x64xf32, #tpu.memory_space<vmem>>)
      %dma_start3A_312 = arith.constant 1 : i32
      %dma_start3A_313 = arith.constant 0 : i32
      %dma_start3A_314 = arith.constant 0 : i32
      %dma_start3A_315 = tpu.memref_slice %arg9[%dma_start3A_312, %dma_start3A_313, %dma_start3A_314] : memref<5x80x64xf32, #tpu.memory_space<vmem>> -> memref<1x80x64xf32, #tpu.memory_space<vmem>>
      %dma_start3A_316 = tpu.memref_squeeze %dma_start3A_315 : memref<1x80x64xf32, #tpu.memory_space<vmem>> -> memref<80x64xf32, #tpu.memory_space<vmem>>
      %dma_start3A_317 = arith.constant 0 : i32
      %dma_start3A_318 = tpu.memref_slice %arg8[%add3A_300, %dma_start3A_317] : memref<125x80xi32, #tpu.memory_space<vmem>> -> memref<1x80xi32, #tpu.memory_space<vmem>>
      %dma_start3A_319 = tpu.memref_squeeze %dma_start3A_318 : memref<1x80xi32, #tpu.memory_space<vmem>> -> memref<80xi32, #tpu.memory_space<vmem>>
      %dma_start3A_320 = arith.constant 0 : i32
      %dma_start3A_321 = arith.constant 0 : i32
      %dma_start3A_322 = tpu.memref_slice %arg10[%dma_start3A_320, %dma_start3A_321] : memref<10240x64xf32, #tpu.memory_space<vmem_shared>> -> memref<10240x64xf32, #tpu.memory_space<vmem_shared>>
      tpu.enqueue_indirect_dma source(%dma_start3A_316 : memref<80x64xf32, #tpu.memory_space<vmem>>) target(%dma_start3A_322 : memref<10240x64xf32, #tpu.memory_space<vmem_shared>>) offsets(%dma_start3A_319 : memref<80xi32, #tpu.memory_space<vmem>>) semaphore(%arg17 : memref<!tpu.dma_semaphore, #tpu.memory_space<semaphore_mem>>) {add = true}
      %dma_wait3A_323 = arith.constant 1 : i32
      %dma_wait3A_324 = arith.constant 0 : i32
      %dma_wait3A_325 = arith.constant 0 : i32
      %dma_wait3A_326 = tpu.memref_slice %arg9[%dma_wait3A_323, %dma_wait3A_324, %dma_wait3A_325] : memref<5x80x64xf32, #tpu.memory_space<vmem>> -> memref<1x80x64xf32, #tpu.memory_space<vmem>>
      %dma_wait3A_327 = tpu.memref_squeeze %dma_wait3A_326 : memref<1x80x64xf32, #tpu.memory_space<vmem>> -> memref<80x64xf32, #tpu.memory_space<vmem>>
      %dma_wait3A_328 = arith.constant 0 : i32
      %dma_wait3A_329 = tpu.memref_slice %arg8[%add3A_300, %dma_wait3A_328] : memref<125x80xi32, #tpu.memory_space<vmem>> -> memref<1x80xi32, #tpu.memory_space<vmem>>
      %dma_wait3A_330 = tpu.memref_squeeze %dma_wait3A_329 : memref<1x80xi32, #tpu.memory_space<vmem>> -> memref<80xi32, #tpu.memory_space<vmem>>
      %dma_wait3A_331 = arith.constant 0 : i32
      %dma_wait3A_332 = arith.constant 0 : i32
      %dma_wait3A_333 = tpu.memref_slice %arg10[%dma_wait3A_331, %dma_wait3A_332] : memref<10240x64xf32, #tpu.memory_space<vmem_shared>> -> memref<10240x64xf32, #tpu.memory_space<vmem_shared>>
      tpu.wait_indirect_dma semaphore(%arg17 : memref<!tpu.dma_semaphore, #tpu.memory_space<semaphore_mem>>) src(%dma_wait3A_327 : memref<80x64xf32, #tpu.memory_space<vmem>>) dst(%dma_wait3A_333 : memref<10240x64xf32, #tpu.memory_space<vmem_shared>>)
      %add3A_334 = arith.constant 5 : i32
      %add3A_335 = arith.addi %add3A_300, %add3A_334 : i32
      %dma_start3A_336 = arith.constant 1 : i32
      %dma_start3A_337 = arith.constant 0 : i32
      %dma_start3A_338 = arith.constant 0 : i32
      %dma_start3A_339 = tpu.memref_slice %arg9[%dma_start3A_336, %dma_start3A_337, %dma_start3A_338] : memref<5x80x64xf32, #tpu.memory_space<vmem>> -> memref<1x80x64xf32, #tpu.memory_space<vmem>>
      %dma_start3A_340 = tpu.memref_squeeze %dma_start3A_339 : memref<1x80x64xf32, #tpu.memory_space<vmem>> -> memref<80x64xf32, #tpu.memory_space<vmem>>
      %dma_start3A_341 = arith.constant 0 : i32
      %dma_start3A_342 = tpu.memref_slice %arg7[%add3A_335, %dma_start3A_341] : memref<125x80xi32, #tpu.memory_space<vmem>> -> memref<1x80xi32, #tpu.memory_space<vmem>>
      %dma_start3A_343 = tpu.memref_squeeze %dma_start3A_342 : memref<1x80xi32, #tpu.memory_space<vmem>> -> memref<80xi32, #tpu.memory_space<vmem>>
      %dma_start3A_344 = arith.constant 0 : i32
      %dma_start3A_345 = arith.constant 0 : i32
      %dma_start3A_346 = tpu.memref_slice %arg2[%dma_start3A_344, %dma_start3A_345] : memref<10000x64xf32, #tpu.memory_space<hbm>> -> memref<10000x64xf32, #tpu.memory_space<hbm>>
      tpu.enqueue_indirect_dma source(%dma_start3A_346 : memref<10000x64xf32, #tpu.memory_space<hbm>>) target(%dma_start3A_340 : memref<80x64xf32, #tpu.memory_space<vmem>>) offsets(%dma_start3A_343 : memref<80xi32, #tpu.memory_space<vmem>>) semaphore(%arg12 : memref<!tpu.dma_semaphore, #tpu.memory_space<semaphore_mem>>)
      %add3A_347 = arith.constant 2 : i32
      %add3A_348 = arith.addi %add3A_250, %add3A_347 : i32
      %dma_wait3A_349 = arith.constant 2 : i32
      %dma_wait3A_350 = arith.constant 0 : i32
      %dma_wait3A_351 = arith.constant 0 : i32
      %dma_wait3A_352 = tpu.memref_slice %arg9[%dma_wait3A_349, %dma_wait3A_350, %dma_wait3A_351] : memref<5x80x64xf32, #tpu.memory_space<vmem>> -> memref<1x80x64xf32, #tpu.memory_space<vmem>>
      %dma_wait3A_353 = tpu.memref_squeeze %dma_wait3A_352 : memref<1x80x64xf32, #tpu.memory_space<vmem>> -> memref<80x64xf32, #tpu.memory_space<vmem>>
      %dma_wait3A_354 = arith.constant 0 : i32
      %dma_wait3A_355 = tpu.memref_slice %arg7[%add3A_348, %dma_wait3A_354] : memref<125x80xi32, #tpu.memory_space<vmem>> -> memref<1x80xi32, #tpu.memory_space<vmem>>
      %dma_wait3A_356 = tpu.memref_squeeze %dma_wait3A_355 : memref<1x80xi32, #tpu.memory_space<vmem>> -> memref<80xi32, #tpu.memory_space<vmem>>
      %dma_wait3A_357 = arith.constant 0 : i32
      %dma_wait3A_358 = arith.constant 0 : i32
      %dma_wait3A_359 = tpu.memref_slice %arg2[%dma_wait3A_357, %dma_wait3A_358] : memref<10000x64xf32, #tpu.memory_space<hbm>> -> memref<10000x64xf32, #tpu.memory_space<hbm>>
      tpu.wait_indirect_dma semaphore(%arg13 : memref<!tpu.dma_semaphore, #tpu.memory_space<semaphore_mem>>) src(%dma_wait3A_359 : memref<10000x64xf32, #tpu.memory_space<hbm>>) dst(%dma_wait3A_353 : memref<80x64xf32, #tpu.memory_space<vmem>>)
      %dma_start3A_360 = arith.constant 2 : i32
      %dma_start3A_361 = arith.constant 0 : i32
      %dma_start3A_362 = arith.constant 0 : i32
      %dma_start3A_363 = tpu.memref_slice %arg9[%dma_start3A_360, %dma_start3A_361, %dma_start3A_362] : memref<5x80x64xf32, #tpu.memory_space<vmem>> -> memref<1x80x64xf32, #tpu.memory_space<vmem>>
      %dma_start3A_364 = tpu.memref_squeeze %dma_start3A_363 : memref<1x80x64xf32, #tpu.memory_space<vmem>> -> memref<80x64xf32, #tpu.memory_space<vmem>>
      %dma_start3A_365 = arith.constant 0 : i32
      %dma_start3A_366 = tpu.memref_slice %arg8[%add3A_348, %dma_start3A_365] : memref<125x80xi32, #tpu.memory_space<vmem>> -> memref<1x80xi32, #tpu.memory_space<vmem>>
      %dma_start3A_367 = tpu.memref_squeeze %dma_start3A_366 : memref<1x80xi32, #tpu.memory_space<vmem>> -> memref<80xi32, #tpu.memory_space<vmem>>
      %dma_start3A_368 = arith.constant 0 : i32
      %dma_start3A_369 = arith.constant 0 : i32
      %dma_start3A_370 = tpu.memref_slice %arg10[%dma_start3A_368, %dma_start3A_369] : memref<10240x64xf32, #tpu.memory_space<vmem_shared>> -> memref<10240x64xf32, #tpu.memory_space<vmem_shared>>
      tpu.enqueue_indirect_dma source(%dma_start3A_364 : memref<80x64xf32, #tpu.memory_space<vmem>>) target(%dma_start3A_370 : memref<10240x64xf32, #tpu.memory_space<vmem_shared>>) offsets(%dma_start3A_367 : memref<80xi32, #tpu.memory_space<vmem>>) semaphore(%arg18 : memref<!tpu.dma_semaphore, #tpu.memory_space<semaphore_mem>>) {add = true}
      %dma_wait3A_371 = arith.constant 2 : i32
      %dma_wait3A_372 = arith.constant 0 : i32
      %dma_wait3A_373 = arith.constant 0 : i32
      %dma_wait3A_374 = tpu.memref_slice %arg9[%dma_wait3A_371, %dma_wait3A_372, %dma_wait3A_373] : memref<5x80x64xf32, #tpu.memory_space<vmem>> -> memref<1x80x64xf32, #tpu.memory_space<vmem>>
      %dma_wait3A_375 = tpu.memref_squeeze %dma_wait3A_374 : memref<1x80x64xf32, #tpu.memory_space<vmem>> -> memref<80x64xf32, #tpu.memory_space<vmem>>
      %dma_wait3A_376 = arith.constant 0 : i32
      %dma_wait3A_377 = tpu.memref_slice %arg8[%add3A_348, %dma_wait3A_376] : memref<125x80xi32, #tpu.memory_space<vmem>> -> memref<1x80xi32, #tpu.memory_space<vmem>>
      %dma_wait3A_378 = tpu.memref_squeeze %dma_wait3A_377 : memref<1x80xi32, #tpu.memory_space<vmem>> -> memref<80xi32, #tpu.memory_space<vmem>>
      %dma_wait3A_379 = arith.constant 0 : i32
      %dma_wait3A_380 = arith.constant 0 : i32
      %dma_wait3A_381 = tpu.memref_slice %arg10[%dma_wait3A_379, %dma_wait3A_380] : memref<10240x64xf32, #tpu.memory_space<vmem_shared>> -> memref<10240x64xf32, #tpu.memory_space<vmem_shared>>
      tpu.wait_indirect_dma semaphore(%arg18 : memref<!tpu.dma_semaphore, #tpu.memory_space<semaphore_mem>>) src(%dma_wait3A_375 : memref<80x64xf32, #tpu.memory_space<vmem>>) dst(%dma_wait3A_381 : memref<10240x64xf32, #tpu.memory_space<vmem_shared>>)
      %add3A_382 = arith.constant 5 : i32
      %add3A_383 = arith.addi %add3A_348, %add3A_382 : i32
      %dma_start3A_384 = arith.constant 2 : i32
      %dma_start3A_385 = arith.constant 0 : i32
      %dma_start3A_386 = arith.constant 0 : i32
      %dma_start3A_387 = tpu.memref_slice %arg9[%dma_start3A_384, %dma_start3A_385, %dma_start3A_386] : memref<5x80x64xf32, #tpu.memory_space<vmem>> -> memref<1x80x64xf32, #tpu.memory_space<vmem>>
      %dma_start3A_388 = tpu.memref_squeeze %dma_start3A_387 : memref<1x80x64xf32, #tpu.memory_space<vmem>> -> memref<80x64xf32, #tpu.memory_space<vmem>>
      %dma_start3A_389 = arith.constant 0 : i32
      %dma_start3A_390 = tpu.memref_slice %arg7[%add3A_383, %dma_start3A_389] : memref<125x80xi32, #tpu.memory_space<vmem>> -> memref<1x80xi32, #tpu.memory_space<vmem>>
      %dma_start3A_391 = tpu.memref_squeeze %dma_start3A_390 : memref<1x80xi32, #tpu.memory_space<vmem>> -> memref<80xi32, #tpu.memory_space<vmem>>
      %dma_start3A_392 = arith.constant 0 : i32
      %dma_start3A_393 = arith.constant 0 : i32
      %dma_start3A_394 = tpu.memref_slice %arg2[%dma_start3A_392, %dma_start3A_393] : memref<10000x64xf32, #tpu.memory_space<hbm>> -> memref<10000x64xf32, #tpu.memory_space<hbm>>
      tpu.enqueue_indirect_dma source(%dma_start3A_394 : memref<10000x64xf32, #tpu.memory_space<hbm>>) target(%dma_start3A_388 : memref<80x64xf32, #tpu.memory_space<vmem>>) offsets(%dma_start3A_391 : memref<80xi32, #tpu.memory_space<vmem>>) semaphore(%arg13 : memref<!tpu.dma_semaphore, #tpu.memory_space<semaphore_mem>>)
      %add3A_395 = arith.constant 3 : i32
      %add3A_396 = arith.addi %add3A_250, %add3A_395 : i32
      %dma_wait3A_397 = arith.constant 3 : i32
      %dma_wait3A_398 = arith.constant 0 : i32
      %dma_wait3A_399 = arith.constant 0 : i32
      %dma_wait3A_400 = tpu.memref_slice %arg9[%dma_wait3A_397, %dma_wait3A_398, %dma_wait3A_399] : memref<5x80x64xf32, #tpu.memory_space<vmem>> -> memref<1x80x64xf32, #tpu.memory_space<vmem>>
      %dma_wait3A_401 = tpu.memref_squeeze %dma_wait3A_400 : memref<1x80x64xf32, #tpu.memory_space<vmem>> -> memref<80x64xf32, #tpu.memory_space<vmem>>
      %dma_wait3A_402 = arith.constant 0 : i32
      %dma_wait3A_403 = tpu.memref_slice %arg7[%add3A_396, %dma_wait3A_402] : memref<125x80xi32, #tpu.memory_space<vmem>> -> memref<1x80xi32, #tpu.memory_space<vmem>>
      %dma_wait3A_404 = tpu.memref_squeeze %dma_wait3A_403 : memref<1x80xi32, #tpu.memory_space<vmem>> -> memref<80xi32, #tpu.memory_space<vmem>>
      %dma_wait3A_405 = arith.constant 0 : i32
      %dma_wait3A_406 = arith.constant 0 : i32
      %dma_wait3A_407 = tpu.memref_slice %arg2[%dma_wait3A_405, %dma_wait3A_406] : memref<10000x64xf32, #tpu.memory_space<hbm>> -> memref<10000x64xf32, #tpu.memory_space<hbm>>
      tpu.wait_indirect_dma semaphore(%arg14 : memref<!tpu.dma_semaphore, #tpu.memory_space<semaphore_mem>>) src(%dma_wait3A_407 : memref<10000x64xf32, #tpu.memory_space<hbm>>) dst(%dma_wait3A_401 : memref<80x64xf32, #tpu.memory_space<vmem>>)
      %dma_start3A_408 = arith.constant 3 : i32
      %dma_start3A_409 = arith.constant 0 : i32
      %dma_start3A_410 = arith.constant 0 : i32
      %dma_start3A_411 = tpu.memref_slice %arg9[%dma_start3A_408, %dma_start3A_409, %dma_start3A_410] : memref<5x80x64xf32, #tpu.memory_space<vmem>> -> memref<1x80x64xf32, #tpu.memory_space<vmem>>
      %dma_start3A_412 = tpu.memref_squeeze %dma_start3A_411 : memref<1x80x64xf32, #tpu.memory_space<vmem>> -> memref<80x64xf32, #tpu.memory_space<vmem>>
      %dma_start3A_413 = arith.constant 0 : i32
      %dma_start3A_414 = tpu.memref_slice %arg8[%add3A_396, %dma_start3A_413] : memref<125x80xi32, #tpu.memory_space<vmem>> -> memref<1x80xi32, #tpu.memory_space<vmem>>
      %dma_start3A_415 = tpu.memref_squeeze %dma_start3A_414 : memref<1x80xi32, #tpu.memory_space<vmem>> -> memref<80xi32, #tpu.memory_space<vmem>>
      %dma_start3A_416 = arith.constant 0 : i32
      %dma_start3A_417 = arith.constant 0 : i32
      %dma_start3A_418 = tpu.memref_slice %arg10[%dma_start3A_416, %dma_start3A_417] : memref<10240x64xf32, #tpu.memory_space<vmem_shared>> -> memref<10240x64xf32, #tpu.memory_space<vmem_shared>>
      tpu.enqueue_indirect_dma source(%dma_start3A_412 : memref<80x64xf32, #tpu.memory_space<vmem>>) target(%dma_start3A_418 : memref<10240x64xf32, #tpu.memory_space<vmem_shared>>) offsets(%dma_start3A_415 : memref<80xi32, #tpu.memory_space<vmem>>) semaphore(%arg19 : memref<!tpu.dma_semaphore, #tpu.memory_space<semaphore_mem>>) {add = true}
      %dma_wait3A_419 = arith.constant 3 : i32
      %dma_wait3A_420 = arith.constant 0 : i32
      %dma_wait3A_421 = arith.constant 0 : i32
      %dma_wait3A_422 = tpu.memref_slice %arg9[%dma_wait3A_419, %dma_wait3A_420, %dma_wait3A_421] : memref<5x80x64xf32, #tpu.memory_space<vmem>> -> memref<1x80x64xf32, #tpu.memory_space<vmem>>
      %dma_wait3A_423 = tpu.memref_squeeze %dma_wait3A_422 : memref<1x80x64xf32, #tpu.memory_space<vmem>> -> memref<80x64xf32, #tpu.memory_space<vmem>>
      %dma_wait3A_424 = arith.constant 0 : i32
      %dma_wait3A_425 = tpu.memref_slice %arg8[%add3A_396, %dma_wait3A_424] : memref<125x80xi32, #tpu.memory_space<vmem>> -> memref<1x80xi32, #tpu.memory_space<vmem>>
      %dma_wait3A_426 = tpu.memref_squeeze %dma_wait3A_425 : memref<1x80xi32, #tpu.memory_space<vmem>> -> memref<80xi32, #tpu.memory_space<vmem>>
      %dma_wait3A_427 = arith.constant 0 : i32
      %dma_wait3A_428 = arith.constant 0 : i32
      %dma_wait3A_429 = tpu.memref_slice %arg10[%dma_wait3A_427, %dma_wait3A_428] : memref<10240x64xf32, #tpu.memory_space<vmem_shared>> -> memref<10240x64xf32, #tpu.memory_space<vmem_shared>>
      tpu.wait_indirect_dma semaphore(%arg19 : memref<!tpu.dma_semaphore, #tpu.memory_space<semaphore_mem>>) src(%dma_wait3A_423 : memref<80x64xf32, #tpu.memory_space<vmem>>) dst(%dma_wait3A_429 : memref<10240x64xf32, #tpu.memory_space<vmem_shared>>)
      %add3A_430 = arith.constant 5 : i32
      %add3A_431 = arith.addi %add3A_396, %add3A_430 : i32
      %dma_start3A_432 = arith.constant 3 : i32
      %dma_start3A_433 = arith.constant 0 : i32
      %dma_start3A_434 = arith.constant 0 : i32
      %dma_start3A_435 = tpu.memref_slice %arg9[%dma_start3A_432, %dma_start3A_433, %dma_start3A_434] : memref<5x80x64xf32, #tpu.memory_space<vmem>> -> memref<1x80x64xf32, #tpu.memory_space<vmem>>
      %dma_start3A_436 = tpu.memref_squeeze %dma_start3A_435 : memref<1x80x64xf32, #tpu.memory_space<vmem>> -> memref<80x64xf32, #tpu.memory_space<vmem>>
      %dma_start3A_437 = arith.constant 0 : i32
      %dma_start3A_438 = tpu.memref_slice %arg7[%add3A_431, %dma_start3A_437] : memref<125x80xi32, #tpu.memory_space<vmem>> -> memref<1x80xi32, #tpu.memory_space<vmem>>
      %dma_start3A_439 = tpu.memref_squeeze %dma_start3A_438 : memref<1x80xi32, #tpu.memory_space<vmem>> -> memref<80xi32, #tpu.memory_space<vmem>>
      %dma_start3A_440 = arith.constant 0 : i32
      %dma_start3A_441 = arith.constant 0 : i32
      %dma_start3A_442 = tpu.memref_slice %arg2[%dma_start3A_440, %dma_start3A_441] : memref<10000x64xf32, #tpu.memory_space<hbm>> -> memref<10000x64xf32, #tpu.memory_space<hbm>>
      tpu.enqueue_indirect_dma source(%dma_start3A_442 : memref<10000x64xf32, #tpu.memory_space<hbm>>) target(%dma_start3A_436 : memref<80x64xf32, #tpu.memory_space<vmem>>) offsets(%dma_start3A_439 : memref<80xi32, #tpu.memory_space<vmem>>) semaphore(%arg14 : memref<!tpu.dma_semaphore, #tpu.memory_space<semaphore_mem>>)
      %add3A_443 = arith.constant 4 : i32
      %add3A_444 = arith.addi %add3A_250, %add3A_443 : i32
      %dma_wait3A_445 = arith.constant 4 : i32
      %dma_wait3A_446 = arith.constant 0 : i32
      %dma_wait3A_447 = arith.constant 0 : i32
      %dma_wait3A_448 = tpu.memref_slice %arg9[%dma_wait3A_445, %dma_wait3A_446, %dma_wait3A_447] : memref<5x80x64xf32, #tpu.memory_space<vmem>> -> memref<1x80x64xf32, #tpu.memory_space<vmem>>
      %dma_wait3A_449 = tpu.memref_squeeze %dma_wait3A_448 : memref<1x80x64xf32, #tpu.memory_space<vmem>> -> memref<80x64xf32, #tpu.memory_space<vmem>>
      %dma_wait3A_450 = arith.constant 0 : i32
      %dma_wait3A_451 = tpu.memref_slice %arg7[%add3A_444, %dma_wait3A_450] : memref<125x80xi32, #tpu.memory_space<vmem>> -> memref<1x80xi32, #tpu.memory_space<vmem>>
      %dma_wait3A_452 = tpu.memref_squeeze %dma_wait3A_451 : memref<1x80xi32, #tpu.memory_space<vmem>> -> memref<80xi32, #tpu.memory_space<vmem>>
      %dma_wait3A_453 = arith.constant 0 : i32
      %dma_wait3A_454 = arith.constant 0 : i32
      %dma_wait3A_455 = tpu.memref_slice %arg2[%dma_wait3A_453, %dma_wait3A_454] : memref<10000x64xf32, #tpu.memory_space<hbm>> -> memref<10000x64xf32, #tpu.memory_space<hbm>>
      tpu.wait_indirect_dma semaphore(%arg15 : memref<!tpu.dma_semaphore, #tpu.memory_space<semaphore_mem>>) src(%dma_wait3A_455 : memref<10000x64xf32, #tpu.memory_space<hbm>>) dst(%dma_wait3A_449 : memref<80x64xf32, #tpu.memory_space<vmem>>)
      %dma_start3A_456 = arith.constant 4 : i32
      %dma_start3A_457 = arith.constant 0 : i32
      %dma_start3A_458 = arith.constant 0 : i32
      %dma_start3A_459 = tpu.memref_slice %arg9[%dma_start3A_456, %dma_start3A_457, %dma_start3A_458] : memref<5x80x64xf32, #tpu.memory_space<vmem>> -> memref<1x80x64xf32, #tpu.memory_space<vmem>>
      %dma_start3A_460 = tpu.memref_squeeze %dma_start3A_459 : memref<1x80x64xf32, #tpu.memory_space<vmem>> -> memref<80x64xf32, #tpu.memory_space<vmem>>
      %dma_start3A_461 = arith.constant 0 : i32
      %dma_start3A_462 = tpu.memref_slice %arg8[%add3A_444, %dma_start3A_461] : memref<125x80xi32, #tpu.memory_space<vmem>> -> memref<1x80xi32, #tpu.memory_space<vmem>>
      %dma_start3A_463 = tpu.memref_squeeze %dma_start3A_462 : memref<1x80xi32, #tpu.memory_space<vmem>> -> memref<80xi32, #tpu.memory_space<vmem>>
      %dma_start3A_464 = arith.constant 0 : i32
      %dma_start3A_465 = arith.constant 0 : i32
      %dma_start3A_466 = tpu.memref_slice %arg10[%dma_start3A_464, %dma_start3A_465] : memref<10240x64xf32, #tpu.memory_space<vmem_shared>> -> memref<10240x64xf32, #tpu.memory_space<vmem_shared>>
      tpu.enqueue_indirect_dma source(%dma_start3A_460 : memref<80x64xf32, #tpu.memory_space<vmem>>) target(%dma_start3A_466 : memref<10240x64xf32, #tpu.memory_space<vmem_shared>>) offsets(%dma_start3A_463 : memref<80xi32, #tpu.memory_space<vmem>>) semaphore(%arg20 : memref<!tpu.dma_semaphore, #tpu.memory_space<semaphore_mem>>) {add = true}
      %dma_wait3A_467 = arith.constant 4 : i32
      %dma_wait3A_468 = arith.constant 0 : i32
      %dma_wait3A_469 = arith.constant 0 : i32
      %dma_wait3A_470 = tpu.memref_slice %arg9[%dma_wait3A_467, %dma_wait3A_468, %dma_wait3A_469] : memref<5x80x64xf32, #tpu.memory_space<vmem>> -> memref<1x80x64xf32, #tpu.memory_space<vmem>>
      %dma_wait3A_471 = tpu.memref_squeeze %dma_wait3A_470 : memref<1x80x64xf32, #tpu.memory_space<vmem>> -> memref<80x64xf32, #tpu.memory_space<vmem>>
      %dma_wait3A_472 = arith.constant 0 : i32
      %dma_wait3A_473 = tpu.memref_slice %arg8[%add3A_444, %dma_wait3A_472] : memref<125x80xi32, #tpu.memory_space<vmem>> -> memref<1x80xi32, #tpu.memory_space<vmem>>
      %dma_wait3A_474 = tpu.memref_squeeze %dma_wait3A_473 : memref<1x80xi32, #tpu.memory_space<vmem>> -> memref<80xi32, #tpu.memory_space<vmem>>
      %dma_wait3A_475 = arith.constant 0 : i32
      %dma_wait3A_476 = arith.constant 0 : i32
      %dma_wait3A_477 = tpu.memref_slice %arg10[%dma_wait3A_475, %dma_wait3A_476] : memref<10240x64xf32, #tpu.memory_space<vmem_shared>> -> memref<10240x64xf32, #tpu.memory_space<vmem_shared>>
      tpu.wait_indirect_dma semaphore(%arg20 : memref<!tpu.dma_semaphore, #tpu.memory_space<semaphore_mem>>) src(%dma_wait3A_471 : memref<80x64xf32, #tpu.memory_space<vmem>>) dst(%dma_wait3A_477 : memref<10240x64xf32, #tpu.memory_space<vmem_shared>>)
      %add3A_478 = arith.constant 5 : i32
      %add3A_479 = arith.addi %add3A_444, %add3A_478 : i32
      %dma_start3A_480 = arith.constant 4 : i32
      %dma_start3A_481 = arith.constant 0 : i32
      %dma_start3A_482 = arith.constant 0 : i32
      %dma_start3A_483 = tpu.memref_slice %arg9[%dma_start3A_480, %dma_start3A_481, %dma_start3A_482] : memref<5x80x64xf32, #tpu.memory_space<vmem>> -> memref<1x80x64xf32, #tpu.memory_space<vmem>>
      %dma_start3A_484 = tpu.memref_squeeze %dma_start3A_483 : memref<1x80x64xf32, #tpu.memory_space<vmem>> -> memref<80x64xf32, #tpu.memory_space<vmem>>
      %dma_start3A_485 = arith.constant 0 : i32
      %dma_start3A_486 = tpu.memref_slice %arg7[%add3A_479, %dma_start3A_485] : memref<125x80xi32, #tpu.memory_space<vmem>> -> memref<1x80xi32, #tpu.memory_space<vmem>>
      %dma_start3A_487 = tpu.memref_squeeze %dma_start3A_486 : memref<1x80xi32, #tpu.memory_space<vmem>> -> memref<80xi32, #tpu.memory_space<vmem>>
      %dma_start3A_488 = arith.constant 0 : i32
      %dma_start3A_489 = arith.constant 0 : i32
      %dma_start3A_490 = tpu.memref_slice %arg2[%dma_start3A_488, %dma_start3A_489] : memref<10000x64xf32, #tpu.memory_space<hbm>> -> memref<10000x64xf32, #tpu.memory_space<hbm>>
      tpu.enqueue_indirect_dma source(%dma_start3A_490 : memref<10000x64xf32, #tpu.memory_space<hbm>>) target(%dma_start3A_484 : memref<80x64xf32, #tpu.memory_space<vmem>>) offsets(%dma_start3A_487 : memref<80xi32, #tpu.memory_space<vmem>>) semaphore(%arg15 : memref<!tpu.dma_semaphore, #tpu.memory_space<semaphore_mem>>)
    }
    %scan3A_65 = arith.constant 24 : i32
    %dma_wait3A = arith.constant 120 : i32
    %dma_wait3A_66 = arith.constant 0 : i32
    %dma_wait3A_67 = arith.constant 0 : i32
    %dma_wait3A_68 = arith.constant 0 : i32
    %dma_wait3A_69 = tpu.memref_slice %arg9[%dma_wait3A_66, %dma_wait3A_67, %dma_wait3A_68] : memref<5x80x64xf32, #tpu.memory_space<vmem>> -> memref<1x80x64xf32, #tpu.memory_space<vmem>>
    %dma_wait3A_70 = tpu.memref_squeeze %dma_wait3A_69 : memref<1x80x64xf32, #tpu.memory_space<vmem>> -> memref<80x64xf32, #tpu.memory_space<vmem>>
    %dma_wait3A_71 = arith.constant 0 : i32
    %dma_wait3A_72 = tpu.memref_slice %arg7[%dma_wait3A, %dma_wait3A_71] : memref<125x80xi32, #tpu.memory_space<vmem>> -> memref<1x80xi32, #tpu.memory_space<vmem>>
    %dma_wait3A_73 = tpu.memref_squeeze %dma_wait3A_72 : memref<1x80xi32, #tpu.memory_space<vmem>> -> memref<80xi32, #tpu.memory_space<vmem>>
    %dma_wait3A_74 = arith.constant 0 : i32
    %dma_wait3A_75 = arith.constant 0 : i32
    %dma_wait3A_76 = tpu.memref_slice %arg2[%dma_wait3A_74, %dma_wait3A_75] : memref<10000x64xf32, #tpu.memory_space<hbm>> -> memref<10000x64xf32, #tpu.memory_space<hbm>>
    tpu.wait_indirect_dma semaphore(%arg11 : memref<!tpu.dma_semaphore, #tpu.memory_space<semaphore_mem>>) src(%dma_wait3A_76 : memref<10000x64xf32, #tpu.memory_space<hbm>>) dst(%dma_wait3A_70 : memref<80x64xf32, #tpu.memory_space<vmem>>)
    %dma_start3A_77 = arith.constant 0 : i32
    %dma_start3A_78 = arith.constant 120 : i32
    %dma_start3A_79 = arith.constant 0 : i32
    %dma_start3A_80 = arith.constant 0 : i32
    %dma_start3A_81 = tpu.memref_slice %arg9[%dma_start3A_77, %dma_start3A_79, %dma_start3A_80] : memref<5x80x64xf32, #tpu.memory_space<vmem>> -> memref<1x80x64xf32, #tpu.memory_space<vmem>>
    %dma_start3A_82 = tpu.memref_squeeze %dma_start3A_81 : memref<1x80x64xf32, #tpu.memory_space<vmem>> -> memref<80x64xf32, #tpu.memory_space<vmem>>
    %dma_start3A_83 = arith.constant 0 : i32
    %dma_start3A_84 = tpu.memref_slice %arg8[%dma_start3A_78, %dma_start3A_83] : memref<125x80xi32, #tpu.memory_space<vmem>> -> memref<1x80xi32, #tpu.memory_space<vmem>>
    %dma_start3A_85 = tpu.memref_squeeze %dma_start3A_84 : memref<1x80xi32, #tpu.memory_space<vmem>> -> memref<80xi32, #tpu.memory_space<vmem>>
    %dma_start3A_86 = arith.constant 0 : i32
    %dma_start3A_87 = arith.constant 0 : i32
    %dma_start3A_88 = tpu.memref_slice %arg10[%dma_start3A_86, %dma_start3A_87] : memref<10240x64xf32, #tpu.memory_space<vmem_shared>> -> memref<10240x64xf32, #tpu.memory_space<vmem_shared>>
    tpu.enqueue_indirect_dma source(%dma_start3A_82 : memref<80x64xf32, #tpu.memory_space<vmem>>) target(%dma_start3A_88 : memref<10240x64xf32, #tpu.memory_space<vmem_shared>>) offsets(%dma_start3A_85 : memref<80xi32, #tpu.memory_space<vmem>>) semaphore(%arg16 : memref<!tpu.dma_semaphore, #tpu.memory_space<semaphore_mem>>) {add = true}
    %dma_wait3A_89 = arith.constant 0 : i32
    %dma_wait3A_90 = arith.constant 120 : i32
    %dma_wait3A_91 = arith.constant 0 : i32
    %dma_wait3A_92 = arith.constant 0 : i32
    %dma_wait3A_93 = tpu.memref_slice %arg9[%dma_wait3A_89, %dma_wait3A_91, %dma_wait3A_92] : memref<5x80x64xf32, #tpu.memory_space<vmem>> -> memref<1x80x64xf32, #tpu.memory_space<vmem>>
    %dma_wait3A_94 = tpu.memref_squeeze %dma_wait3A_93 : memref<1x80x64xf32, #tpu.memory_space<vmem>> -> memref<80x64xf32, #tpu.memory_space<vmem>>
    %dma_wait3A_95 = arith.constant 0 : i32
    %dma_wait3A_96 = tpu.memref_slice %arg8[%dma_wait3A_90, %dma_wait3A_95] : memref<125x80xi32, #tpu.memory_space<vmem>> -> memref<1x80xi32, #tpu.memory_space<vmem>>
    %dma_wait3A_97 = tpu.memref_squeeze %dma_wait3A_96 : memref<1x80xi32, #tpu.memory_space<vmem>> -> memref<80xi32, #tpu.memory_space<vmem>>
    %dma_wait3A_98 = arith.constant 0 : i32
    %dma_wait3A_99 = arith.constant 0 : i32
    %dma_wait3A_100 = tpu.memref_slice %arg10[%dma_wait3A_98, %dma_wait3A_99] : memref<10240x64xf32, #tpu.memory_space<vmem_shared>> -> memref<10240x64xf32, #tpu.memory_space<vmem_shared>>
    tpu.wait_indirect_dma semaphore(%arg16 : memref<!tpu.dma_semaphore, #tpu.memory_space<semaphore_mem>>) src(%dma_wait3A_94 : memref<80x64xf32, #tpu.memory_space<vmem>>) dst(%dma_wait3A_100 : memref<10240x64xf32, #tpu.memory_space<vmem_shared>>)
    %dma_wait3A_101 = arith.constant 121 : i32
    %dma_wait3A_102 = arith.constant 1 : i32
    %dma_wait3A_103 = arith.constant 0 : i32
    %dma_wait3A_104 = arith.constant 0 : i32
    %dma_wait3A_105 = tpu.memref_slice %arg9[%dma_wait3A_102, %dma_wait3A_103, %dma_wait3A_104] : memref<5x80x64xf32, #tpu.memory_space<vmem>> -> memref<1x80x64xf32, #tpu.memory_space<vmem>>
    %dma_wait3A_106 = tpu.memref_squeeze %dma_wait3A_105 : memref<1x80x64xf32, #tpu.memory_space<vmem>> -> memref<80x64xf32, #tpu.memory_space<vmem>>
    %dma_wait3A_107 = arith.constant 0 : i32
    %dma_wait3A_108 = tpu.memref_slice %arg7[%dma_wait3A_101, %dma_wait3A_107] : memref<125x80xi32, #tpu.memory_space<vmem>> -> memref<1x80xi32, #tpu.memory_space<vmem>>
    %dma_wait3A_109 = tpu.memref_squeeze %dma_wait3A_108 : memref<1x80xi32, #tpu.memory_space<vmem>> -> memref<80xi32, #tpu.memory_space<vmem>>
    %dma_wait3A_110 = arith.constant 0 : i32
    %dma_wait3A_111 = arith.constant 0 : i32
    %dma_wait3A_112 = tpu.memref_slice %arg2[%dma_wait3A_110, %dma_wait3A_111] : memref<10000x64xf32, #tpu.memory_space<hbm>> -> memref<10000x64xf32, #tpu.memory_space<hbm>>
    tpu.wait_indirect_dma semaphore(%arg12 : memref<!tpu.dma_semaphore, #tpu.memory_space<semaphore_mem>>) src(%dma_wait3A_112 : memref<10000x64xf32, #tpu.memory_space<hbm>>) dst(%dma_wait3A_106 : memref<80x64xf32, #tpu.memory_space<vmem>>)
    %dma_start3A_113 = arith.constant 1 : i32
    %dma_start3A_114 = arith.constant 121 : i32
    %dma_start3A_115 = arith.constant 0 : i32
    %dma_start3A_116 = arith.constant 0 : i32
    %dma_start3A_117 = tpu.memref_slice %arg9[%dma_start3A_113, %dma_start3A_115, %dma_start3A_116] : memref<5x80x64xf32, #tpu.memory_space<vmem>> -> memref<1x80x64xf32, #tpu.memory_space<vmem>>
    %dma_start3A_118 = tpu.memref_squeeze %dma_start3A_117 : memref<1x80x64xf32, #tpu.memory_space<vmem>> -> memref<80x64xf32, #tpu.memory_space<vmem>>
    %dma_start3A_119 = arith.constant 0 : i32
    %dma_start3A_120 = tpu.memref_slice %arg8[%dma_start3A_114, %dma_start3A_119] : memref<125x80xi32, #tpu.memory_space<vmem>> -> memref<1x80xi32, #tpu.memory_space<vmem>>
    %dma_start3A_121 = tpu.memref_squeeze %dma_start3A_120 : memref<1x80xi32, #tpu.memory_space<vmem>> -> memref<80xi32, #tpu.memory_space<vmem>>
    %dma_start3A_122 = arith.constant 0 : i32
    %dma_start3A_123 = arith.constant 0 : i32
    %dma_start3A_124 = tpu.memref_slice %arg10[%dma_start3A_122, %dma_start3A_123] : memref<10240x64xf32, #tpu.memory_space<vmem_shared>> -> memref<10240x64xf32, #tpu.memory_space<vmem_shared>>
    tpu.enqueue_indirect_dma source(%dma_start3A_118 : memref<80x64xf32, #tpu.memory_space<vmem>>) target(%dma_start3A_124 : memref<10240x64xf32, #tpu.memory_space<vmem_shared>>) offsets(%dma_start3A_121 : memref<80xi32, #tpu.memory_space<vmem>>) semaphore(%arg17 : memref<!tpu.dma_semaphore, #tpu.memory_space<semaphore_mem>>) {add = true}
    %dma_wait3A_125 = arith.constant 1 : i32
    %dma_wait3A_126 = arith.constant 121 : i32
    %dma_wait3A_127 = arith.constant 0 : i32
    %dma_wait3A_128 = arith.constant 0 : i32
    %dma_wait3A_129 = tpu.memref_slice %arg9[%dma_wait3A_125, %dma_wait3A_127, %dma_wait3A_128] : memref<5x80x64xf32, #tpu.memory_space<vmem>> -> memref<1x80x64xf32, #tpu.memory_space<vmem>>
    %dma_wait3A_130 = tpu.memref_squeeze %dma_wait3A_129 : memref<1x80x64xf32, #tpu.memory_space<vmem>> -> memref<80x64xf32, #tpu.memory_space<vmem>>
    %dma_wait3A_131 = arith.constant 0 : i32
    %dma_wait3A_132 = tpu.memref_slice %arg8[%dma_wait3A_126, %dma_wait3A_131] : memref<125x80xi32, #tpu.memory_space<vmem>> -> memref<1x80xi32, #tpu.memory_space<vmem>>
    %dma_wait3A_133 = tpu.memref_squeeze %dma_wait3A_132 : memref<1x80xi32, #tpu.memory_space<vmem>> -> memref<80xi32, #tpu.memory_space<vmem>>
    %dma_wait3A_134 = arith.constant 0 : i32
    %dma_wait3A_135 = arith.constant 0 : i32
    %dma_wait3A_136 = tpu.memref_slice %arg10[%dma_wait3A_134, %dma_wait3A_135] : memref<10240x64xf32, #tpu.memory_space<vmem_shared>> -> memref<10240x64xf32, #tpu.memory_space<vmem_shared>>
    tpu.wait_indirect_dma semaphore(%arg17 : memref<!tpu.dma_semaphore, #tpu.memory_space<semaphore_mem>>) src(%dma_wait3A_130 : memref<80x64xf32, #tpu.memory_space<vmem>>) dst(%dma_wait3A_136 : memref<10240x64xf32, #tpu.memory_space<vmem_shared>>)
    %dma_wait3A_137 = arith.constant 122 : i32
    %dma_wait3A_138 = arith.constant 2 : i32
    %dma_wait3A_139 = arith.constant 0 : i32
    %dma_wait3A_140 = arith.constant 0 : i32
    %dma_wait3A_141 = tpu.memref_slice %arg9[%dma_wait3A_138, %dma_wait3A_139, %dma_wait3A_140] : memref<5x80x64xf32, #tpu.memory_space<vmem>> -> memref<1x80x64xf32, #tpu.memory_space<vmem>>
    %dma_wait3A_142 = tpu.memref_squeeze %dma_wait3A_141 : memref<1x80x64xf32, #tpu.memory_space<vmem>> -> memref<80x64xf32, #tpu.memory_space<vmem>>
    %dma_wait3A_143 = arith.constant 0 : i32
    %dma_wait3A_144 = tpu.memref_slice %arg7[%dma_wait3A_137, %dma_wait3A_143] : memref<125x80xi32, #tpu.memory_space<vmem>> -> memref<1x80xi32, #tpu.memory_space<vmem>>
    %dma_wait3A_145 = tpu.memref_squeeze %dma_wait3A_144 : memref<1x80xi32, #tpu.memory_space<vmem>> -> memref<80xi32, #tpu.memory_space<vmem>>
    %dma_wait3A_146 = arith.constant 0 : i32
    %dma_wait3A_147 = arith.constant 0 : i32
    %dma_wait3A_148 = tpu.memref_slice %arg2[%dma_wait3A_146, %dma_wait3A_147] : memref<10000x64xf32, #tpu.memory_space<hbm>> -> memref<10000x64xf32, #tpu.memory_space<hbm>>
    tpu.wait_indirect_dma semaphore(%arg13 : memref<!tpu.dma_semaphore, #tpu.memory_space<semaphore_mem>>) src(%dma_wait3A_148 : memref<10000x64xf32, #tpu.memory_space<hbm>>) dst(%dma_wait3A_142 : memref<80x64xf32, #tpu.memory_space<vmem>>)
    %dma_start3A_149 = arith.constant 2 : i32
    %dma_start3A_150 = arith.constant 122 : i32
    %dma_start3A_151 = arith.constant 0 : i32
    %dma_start3A_152 = arith.constant 0 : i32
    %dma_start3A_153 = tpu.memref_slice %arg9[%dma_start3A_149, %dma_start3A_151, %dma_start3A_152] : memref<5x80x64xf32, #tpu.memory_space<vmem>> -> memref<1x80x64xf32, #tpu.memory_space<vmem>>
    %dma_start3A_154 = tpu.memref_squeeze %dma_start3A_153 : memref<1x80x64xf32, #tpu.memory_space<vmem>> -> memref<80x64xf32, #tpu.memory_space<vmem>>
    %dma_start3A_155 = arith.constant 0 : i32
    %dma_start3A_156 = tpu.memref_slice %arg8[%dma_start3A_150, %dma_start3A_155] : memref<125x80xi32, #tpu.memory_space<vmem>> -> memref<1x80xi32, #tpu.memory_space<vmem>>
    %dma_start3A_157 = tpu.memref_squeeze %dma_start3A_156 : memref<1x80xi32, #tpu.memory_space<vmem>> -> memref<80xi32, #tpu.memory_space<vmem>>
    %dma_start3A_158 = arith.constant 0 : i32
    %dma_start3A_159 = arith.constant 0 : i32
    %dma_start3A_160 = tpu.memref_slice %arg10[%dma_start3A_158, %dma_start3A_159] : memref<10240x64xf32, #tpu.memory_space<vmem_shared>> -> memref<10240x64xf32, #tpu.memory_space<vmem_shared>>
    tpu.enqueue_indirect_dma source(%dma_start3A_154 : memref<80x64xf32, #tpu.memory_space<vmem>>) target(%dma_start3A_160 : memref<10240x64xf32, #tpu.memory_space<vmem_shared>>) offsets(%dma_start3A_157 : memref<80xi32, #tpu.memory_space<vmem>>) semaphore(%arg18 : memref<!tpu.dma_semaphore, #tpu.memory_space<semaphore_mem>>) {add = true}
    %dma_wait3A_161 = arith.constant 2 : i32
    %dma_wait3A_162 = arith.constant 122 : i32
    %dma_wait3A_163 = arith.constant 0 : i32
    %dma_wait3A_164 = arith.constant 0 : i32
    %dma_wait3A_165 = tpu.memref_slice %arg9[%dma_wait3A_161, %dma_wait3A_163, %dma_wait3A_164] : memref<5x80x64xf32, #tpu.memory_space<vmem>> -> memref<1x80x64xf32, #tpu.memory_space<vmem>>
    %dma_wait3A_166 = tpu.memref_squeeze %dma_wait3A_165 : memref<1x80x64xf32, #tpu.memory_space<vmem>> -> memref<80x64xf32, #tpu.memory_space<vmem>>
    %dma_wait3A_167 = arith.constant 0 : i32
    %dma_wait3A_168 = tpu.memref_slice %arg8[%dma_wait3A_162, %dma_wait3A_167] : memref<125x80xi32, #tpu.memory_space<vmem>> -> memref<1x80xi32, #tpu.memory_space<vmem>>
    %dma_wait3A_169 = tpu.memref_squeeze %dma_wait3A_168 : memref<1x80xi32, #tpu.memory_space<vmem>> -> memref<80xi32, #tpu.memory_space<vmem>>
    %dma_wait3A_170 = arith.constant 0 : i32
    %dma_wait3A_171 = arith.constant 0 : i32
    %dma_wait3A_172 = tpu.memref_slice %arg10[%dma_wait3A_170, %dma_wait3A_171] : memref<10240x64xf32, #tpu.memory_space<vmem_shared>> -> memref<10240x64xf32, #tpu.memory_space<vmem_shared>>
    tpu.wait_indirect_dma semaphore(%arg18 : memref<!tpu.dma_semaphore, #tpu.memory_space<semaphore_mem>>) src(%dma_wait3A_166 : memref<80x64xf32, #tpu.memory_space<vmem>>) dst(%dma_wait3A_172 : memref<10240x64xf32, #tpu.memory_space<vmem_shared>>)
    %dma_wait3A_173 = arith.constant 123 : i32
    %dma_wait3A_174 = arith.constant 3 : i32
    %dma_wait3A_175 = arith.constant 0 : i32
    %dma_wait3A_176 = arith.constant 0 : i32
    %dma_wait3A_177 = tpu.memref_slice %arg9[%dma_wait3A_174, %dma_wait3A_175, %dma_wait3A_176] : memref<5x80x64xf32, #tpu.memory_space<vmem>> -> memref<1x80x64xf32, #tpu.memory_space<vmem>>
    %dma_wait3A_178 = tpu.memref_squeeze %dma_wait3A_177 : memref<1x80x64xf32, #tpu.memory_space<vmem>> -> memref<80x64xf32, #tpu.memory_space<vmem>>
    %dma_wait3A_179 = arith.constant 0 : i32
    %dma_wait3A_180 = tpu.memref_slice %arg7[%dma_wait3A_173, %dma_wait3A_179] : memref<125x80xi32, #tpu.memory_space<vmem>> -> memref<1x80xi32, #tpu.memory_space<vmem>>
    %dma_wait3A_181 = tpu.memref_squeeze %dma_wait3A_180 : memref<1x80xi32, #tpu.memory_space<vmem>> -> memref<80xi32, #tpu.memory_space<vmem>>
    %dma_wait3A_182 = arith.constant 0 : i32
    %dma_wait3A_183 = arith.constant 0 : i32
    %dma_wait3A_184 = tpu.memref_slice %arg2[%dma_wait3A_182, %dma_wait3A_183] : memref<10000x64xf32, #tpu.memory_space<hbm>> -> memref<10000x64xf32, #tpu.memory_space<hbm>>
    tpu.wait_indirect_dma semaphore(%arg14 : memref<!tpu.dma_semaphore, #tpu.memory_space<semaphore_mem>>) src(%dma_wait3A_184 : memref<10000x64xf32, #tpu.memory_space<hbm>>) dst(%dma_wait3A_178 : memref<80x64xf32, #tpu.memory_space<vmem>>)
    %dma_start3A_185 = arith.constant 3 : i32
    %dma_start3A_186 = arith.constant 123 : i32
    %dma_start3A_187 = arith.constant 0 : i32
    %dma_start3A_188 = arith.constant 0 : i32
    %dma_start3A_189 = tpu.memref_slice %arg9[%dma_start3A_185, %dma_start3A_187, %dma_start3A_188] : memref<5x80x64xf32, #tpu.memory_space<vmem>> -> memref<1x80x64xf32, #tpu.memory_space<vmem>>
    %dma_start3A_190 = tpu.memref_squeeze %dma_start3A_189 : memref<1x80x64xf32, #tpu.memory_space<vmem>> -> memref<80x64xf32, #tpu.memory_space<vmem>>
    %dma_start3A_191 = arith.constant 0 : i32
    %dma_start3A_192 = tpu.memref_slice %arg8[%dma_start3A_186, %dma_start3A_191] : memref<125x80xi32, #tpu.memory_space<vmem>> -> memref<1x80xi32, #tpu.memory_space<vmem>>
    %dma_start3A_193 = tpu.memref_squeeze %dma_start3A_192 : memref<1x80xi32, #tpu.memory_space<vmem>> -> memref<80xi32, #tpu.memory_space<vmem>>
    %dma_start3A_194 = arith.constant 0 : i32
    %dma_start3A_195 = arith.constant 0 : i32
    %dma_start3A_196 = tpu.memref_slice %arg10[%dma_start3A_194, %dma_start3A_195] : memref<10240x64xf32, #tpu.memory_space<vmem_shared>> -> memref<10240x64xf32, #tpu.memory_space<vmem_shared>>
    tpu.enqueue_indirect_dma source(%dma_start3A_190 : memref<80x64xf32, #tpu.memory_space<vmem>>) target(%dma_start3A_196 : memref<10240x64xf32, #tpu.memory_space<vmem_shared>>) offsets(%dma_start3A_193 : memref<80xi32, #tpu.memory_space<vmem>>) semaphore(%arg19 : memref<!tpu.dma_semaphore, #tpu.memory_space<semaphore_mem>>) {add = true}
    %dma_wait3A_197 = arith.constant 3 : i32
    %dma_wait3A_198 = arith.constant 123 : i32
    %dma_wait3A_199 = arith.constant 0 : i32
    %dma_wait3A_200 = arith.constant 0 : i32
    %dma_wait3A_201 = tpu.memref_slice %arg9[%dma_wait3A_197, %dma_wait3A_199, %dma_wait3A_200] : memref<5x80x64xf32, #tpu.memory_space<vmem>> -> memref<1x80x64xf32, #tpu.memory_space<vmem>>
    %dma_wait3A_202 = tpu.memref_squeeze %dma_wait3A_201 : memref<1x80x64xf32, #tpu.memory_space<vmem>> -> memref<80x64xf32, #tpu.memory_space<vmem>>
    %dma_wait3A_203 = arith.constant 0 : i32
    %dma_wait3A_204 = tpu.memref_slice %arg8[%dma_wait3A_198, %dma_wait3A_203] : memref<125x80xi32, #tpu.memory_space<vmem>> -> memref<1x80xi32, #tpu.memory_space<vmem>>
    %dma_wait3A_205 = tpu.memref_squeeze %dma_wait3A_204 : memref<1x80xi32, #tpu.memory_space<vmem>> -> memref<80xi32, #tpu.memory_space<vmem>>
    %dma_wait3A_206 = arith.constant 0 : i32
    %dma_wait3A_207 = arith.constant 0 : i32
    %dma_wait3A_208 = tpu.memref_slice %arg10[%dma_wait3A_206, %dma_wait3A_207] : memref<10240x64xf32, #tpu.memory_space<vmem_shared>> -> memref<10240x64xf32, #tpu.memory_space<vmem_shared>>
    tpu.wait_indirect_dma semaphore(%arg19 : memref<!tpu.dma_semaphore, #tpu.memory_space<semaphore_mem>>) src(%dma_wait3A_202 : memref<80x64xf32, #tpu.memory_space<vmem>>) dst(%dma_wait3A_208 : memref<10240x64xf32, #tpu.memory_space<vmem_shared>>)
    %dma_wait3A_209 = arith.constant 124 : i32
    %dma_wait3A_210 = arith.constant 4 : i32
    %dma_wait3A_211 = arith.constant 0 : i32
    %dma_wait3A_212 = arith.constant 0 : i32
    %dma_wait3A_213 = tpu.memref_slice %arg9[%dma_wait3A_210, %dma_wait3A_211, %dma_wait3A_212] : memref<5x80x64xf32, #tpu.memory_space<vmem>> -> memref<1x80x64xf32, #tpu.memory_space<vmem>>
    %dma_wait3A_214 = tpu.memref_squeeze %dma_wait3A_213 : memref<1x80x64xf32, #tpu.memory_space<vmem>> -> memref<80x64xf32, #tpu.memory_space<vmem>>
    %dma_wait3A_215 = arith.constant 0 : i32
    %dma_wait3A_216 = tpu.memref_slice %arg7[%dma_wait3A_209, %dma_wait3A_215] : memref<125x80xi32, #tpu.memory_space<vmem>> -> memref<1x80xi32, #tpu.memory_space<vmem>>
    %dma_wait3A_217 = tpu.memref_squeeze %dma_wait3A_216 : memref<1x80xi32, #tpu.memory_space<vmem>> -> memref<80xi32, #tpu.memory_space<vmem>>
    %dma_wait3A_218 = arith.constant 0 : i32
    %dma_wait3A_219 = arith.constant 0 : i32
    %dma_wait3A_220 = tpu.memref_slice %arg2[%dma_wait3A_218, %dma_wait3A_219] : memref<10000x64xf32, #tpu.memory_space<hbm>> -> memref<10000x64xf32, #tpu.memory_space<hbm>>
    tpu.wait_indirect_dma semaphore(%arg15 : memref<!tpu.dma_semaphore, #tpu.memory_space<semaphore_mem>>) src(%dma_wait3A_220 : memref<10000x64xf32, #tpu.memory_space<hbm>>) dst(%dma_wait3A_214 : memref<80x64xf32, #tpu.memory_space<vmem>>)
    %dma_start3A_221 = arith.constant 4 : i32
    %dma_start3A_222 = arith.constant 124 : i32
    %dma_start3A_223 = arith.constant 0 : i32
    %dma_start3A_224 = arith.constant 0 : i32
    %dma_start3A_225 = tpu.memref_slice %arg9[%dma_start3A_221, %dma_start3A_223, %dma_start3A_224] : memref<5x80x64xf32, #tpu.memory_space<vmem>> -> memref<1x80x64xf32, #tpu.memory_space<vmem>>
    %dma_start3A_226 = tpu.memref_squeeze %dma_start3A_225 : memref<1x80x64xf32, #tpu.memory_space<vmem>> -> memref<80x64xf32, #tpu.memory_space<vmem>>
    %dma_start3A_227 = arith.constant 0 : i32
    %dma_start3A_228 = tpu.memref_slice %arg8[%dma_start3A_222, %dma_start3A_227] : memref<125x80xi32, #tpu.memory_space<vmem>> -> memref<1x80xi32, #tpu.memory_space<vmem>>
    %dma_start3A_229 = tpu.memref_squeeze %dma_start3A_228 : memref<1x80xi32, #tpu.memory_space<vmem>> -> memref<80xi32, #tpu.memory_space<vmem>>
    %dma_start3A_230 = arith.constant 0 : i32
    %dma_start3A_231 = arith.constant 0 : i32
    %dma_start3A_232 = tpu.memref_slice %arg10[%dma_start3A_230, %dma_start3A_231] : memref<10240x64xf32, #tpu.memory_space<vmem_shared>> -> memref<10240x64xf32, #tpu.memory_space<vmem_shared>>
    tpu.enqueue_indirect_dma source(%dma_start3A_226 : memref<80x64xf32, #tpu.memory_space<vmem>>) target(%dma_start3A_232 : memref<10240x64xf32, #tpu.memory_space<vmem_shared>>) offsets(%dma_start3A_229 : memref<80xi32, #tpu.memory_space<vmem>>) semaphore(%arg20 : memref<!tpu.dma_semaphore, #tpu.memory_space<semaphore_mem>>) {add = true}
    %dma_wait3A_233 = arith.constant 4 : i32
    %dma_wait3A_234 = arith.constant 124 : i32
    %dma_wait3A_235 = arith.constant 0 : i32
    %dma_wait3A_236 = arith.constant 0 : i32
    %dma_wait3A_237 = tpu.memref_slice %arg9[%dma_wait3A_233, %dma_wait3A_235, %dma_wait3A_236] : memref<5x80x64xf32, #tpu.memory_space<vmem>> -> memref<1x80x64xf32, #tpu.memory_space<vmem>>
    %dma_wait3A_238 = tpu.memref_squeeze %dma_wait3A_237 : memref<1x80x64xf32, #tpu.memory_space<vmem>> -> memref<80x64xf32, #tpu.memory_space<vmem>>
    %dma_wait3A_239 = arith.constant 0 : i32
    %dma_wait3A_240 = tpu.memref_slice %arg8[%dma_wait3A_234, %dma_wait3A_239] : memref<125x80xi32, #tpu.memory_space<vmem>> -> memref<1x80xi32, #tpu.memory_space<vmem>>
    %dma_wait3A_241 = tpu.memref_squeeze %dma_wait3A_240 : memref<1x80xi32, #tpu.memory_space<vmem>> -> memref<80xi32, #tpu.memory_space<vmem>>
    %dma_wait3A_242 = arith.constant 0 : i32
    %dma_wait3A_243 = arith.constant 0 : i32
    %dma_wait3A_244 = tpu.memref_slice %arg10[%dma_wait3A_242, %dma_wait3A_243] : memref<10240x64xf32, #tpu.memory_space<vmem_shared>> -> memref<10240x64xf32, #tpu.memory_space<vmem_shared>>
    tpu.wait_indirect_dma semaphore(%arg20 : memref<!tpu.dma_semaphore, #tpu.memory_space<semaphore_mem>>) src(%dma_wait3A_238 : memref<80x64xf32, #tpu.memory_space<vmem>>) dst(%dma_wait3A_244 : memref<10240x64xf32, #tpu.memory_space<vmem_shared>>)
    %barrier3A_245 = arith.constant 0 : index
    tpu.barrier barrier_id(%barrier3A_245)
    "tpu.region"() ({
      %run_scoped3A = tpu.sem_alloc : memref<!tpu.dma_semaphore, #tpu.memory_space<semaphore_mem>>
      %dma_start3A_246 = arith.constant 0 : i32
      %dma_start3A_247 = tpu.memref_slice %arg6[%arg0, %mul3A_2, %dma_start3A_246] : memref<2x10240x64xf32, #tpu.memory_space<hbm>> -> memref<1x640x64xf32, #tpu.memory_space<hbm>>
      %dma_start3A_248 = tpu.memref_squeeze %dma_start3A_247 : memref<1x640x64xf32, #tpu.memory_space<hbm>> -> memref<640x64xf32, #tpu.memory_space<hbm>>
      %dma_start3A_249 = arith.constant 0 : i32
      %dma_start3A_250 = tpu.memref_slice %arg10[%mul3A_2, %dma_start3A_249] : memref<10240x64xf32, #tpu.memory_space<vmem_shared>> -> memref<640x64xf32, #tpu.memory_space<vmem_shared>>
      tpu.enqueue_dma source(%dma_start3A_250 : memref<640x64xf32, #tpu.memory_space<vmem_shared>>) target(%dma_start3A_248 : memref<640x64xf32, #tpu.memory_space<hbm>>) target_semaphore(%run_scoped3A : memref<!tpu.dma_semaphore, #tpu.memory_space<semaphore_mem>>)
      %dma_wait3A_251 = arith.constant 0 : i32
      %dma_wait3A_252 = tpu.memref_slice %arg6[%arg0, %mul3A_2, %dma_wait3A_251] : memref<2x10240x64xf32, #tpu.memory_space<hbm>> -> memref<1x640x64xf32, #tpu.memory_space<hbm>>
      %dma_wait3A_253 = tpu.memref_squeeze %dma_wait3A_252 : memref<1x640x64xf32, #tpu.memory_space<hbm>> -> memref<640x64xf32, #tpu.memory_space<hbm>>
      %dma_wait3A_254 = arith.constant 0 : i32
      %dma_wait3A_255 = tpu.memref_slice %arg10[%mul3A_2, %dma_wait3A_254] : memref<10240x64xf32, #tpu.memory_space<vmem_shared>> -> memref<640x64xf32, #tpu.memory_space<vmem_shared>>
      tpu.wait_dma2 semaphore(%run_scoped3A : memref<!tpu.dma_semaphore, #tpu.memory_space<semaphore_mem>>) src(%dma_wait3A_255 : memref<640x64xf32, #tpu.memory_space<vmem_shared>>) dst(%dma_wait3A_253 : memref<640x64xf32, #tpu.memory_space<hbm>>)
      tpu.yield
    }) : () -> ()
    return
  }
}

#map = affine_map<(d0, d1) -> (0, 0)>
#map1 = affine_map<(d0, d1) -> (0, 0, 0)>
module attributes {stable_mosaic.version = 14 : i64} {
  func.func @agg_kernel(%arg0: i32, %arg1: i32, %arg2: memref<10000x48xf32, #tpu.memory_space<hbm>>, %arg3: memref<32x125x80xi32, #tpu.memory_space<hbm>>, %arg4: memref<32x125x80xi32, #tpu.memory_space<hbm>>, %arg5: memref<10240x48xf32, #tpu.memory_space<hbm>>, %arg6: memref<2x10240x48xf32, #tpu.memory_space<hbm>>, %arg7: memref<125x80xi32, #tpu.memory_space<vmem>>, %arg8: memref<125x80xi32, #tpu.memory_space<vmem>>, %arg9: memref<5x80x48xf32, #tpu.memory_space<vmem>>, %arg10: memref<10240x48xf32, #tpu.memory_space<vmem_shared>>, %arg11: memref<!tpu.dma_semaphore, #tpu.memory_space<semaphore_mem>>, %arg12: memref<!tpu.dma_semaphore, #tpu.memory_space<semaphore_mem>>, %arg13: memref<!tpu.dma_semaphore, #tpu.memory_space<semaphore_mem>>, %arg14: memref<!tpu.dma_semaphore, #tpu.memory_space<semaphore_mem>>, %arg15: memref<!tpu.dma_semaphore, #tpu.memory_space<semaphore_mem>>, %arg16: memref<!tpu.dma_semaphore, #tpu.memory_space<semaphore_mem>>, %arg17: memref<!tpu.dma_semaphore, #tpu.memory_space<semaphore_mem>>, %arg18: memref<!tpu.dma_semaphore, #tpu.memory_space<semaphore_mem>>, %arg19: memref<!tpu.dma_semaphore, #tpu.memory_space<semaphore_mem>>, %arg20: memref<!tpu.dma_semaphore, #tpu.memory_space<semaphore_mem>>) attributes {dimension_semantics = [#tpu.dimension_semantics<core_parallel>, #tpu.dimension_semantics<subcore_parallel>], iteration_bounds = array<i64: 2, 16>, scalar_prefetch = 0 : i64, scratch_operands = 14 : i64, tpu.core_type = #tpu.core_type<sc_vector_subcore>, window_params = [{transform_indices = #map}, {transform_indices = #map1}, {transform_indices = #map1}, {transform_indices = #map}, {transform_indices = #map1}]} {
    %mul3A = arith.constant 2 : i32
    %mul3A_0 = arith.muli %arg1, %mul3A : i32
    %add3A = arith.addi %mul3A_0, %arg0 : i32
    %mul3A_1 = arith.constant 640 : i32
    %mul3A_2 = arith.muli %arg1, %mul3A_1 : i32
    "tpu.region"() ({
      %run_scoped3A = tpu.sem_alloc : memref<!tpu.dma_semaphore, #tpu.memory_space<semaphore_mem>>
      %dma_start3A_246 = arith.constant 0 : i32
      %dma_start3A_247 = arith.constant 0 : i32
      %dma_start3A_248 = tpu.memref_slice %arg3[%add3A, %dma_start3A_246, %dma_start3A_247] : memref<32x125x80xi32, #tpu.memory_space<hbm>> -> memref<1x125x80xi32, #tpu.memory_space<hbm>>
      %dma_start3A_249 = tpu.memref_squeeze %dma_start3A_248 : memref<1x125x80xi32, #tpu.memory_space<hbm>> -> memref<125x80xi32, #tpu.memory_space<hbm>>
      %dma_start3A_250 = arith.constant 0 : i32
      %dma_start3A_251 = arith.constant 0 : i32
      %dma_start3A_252 = tpu.memref_slice %arg3[%add3A, %dma_start3A_250, %dma_start3A_251] : memref<32x125x80xi32, #tpu.memory_space<hbm>> -> memref<1x125x80xi32, #tpu.memory_space<hbm>>
      %dma_start3A_253 = tpu.memref_squeeze %dma_start3A_252 : memref<1x125x80xi32, #tpu.memory_space<hbm>> -> memref<125x80xi32, #tpu.memory_space<hbm>>
      tpu.enqueue_dma source(%dma_start3A_253 : memref<125x80xi32, #tpu.memory_space<hbm>>) target(%arg7 : memref<125x80xi32, #tpu.memory_space<vmem>>) target_semaphore(%run_scoped3A : memref<!tpu.dma_semaphore, #tpu.memory_space<semaphore_mem>>)
      %dma_wait3A_254 = arith.constant 0 : i32
      %dma_wait3A_255 = arith.constant 0 : i32
      %dma_wait3A_256 = tpu.memref_slice %arg3[%add3A, %dma_wait3A_254, %dma_wait3A_255] : memref<32x125x80xi32, #tpu.memory_space<hbm>> -> memref<1x125x80xi32, #tpu.memory_space<hbm>>
      %dma_wait3A_257 = tpu.memref_squeeze %dma_wait3A_256 : memref<1x125x80xi32, #tpu.memory_space<hbm>> -> memref<125x80xi32, #tpu.memory_space<hbm>>
      %dma_wait3A_258 = arith.constant 0 : i32
      %dma_wait3A_259 = arith.constant 0 : i32
      %dma_wait3A_260 = tpu.memref_slice %arg3[%add3A, %dma_wait3A_258, %dma_wait3A_259] : memref<32x125x80xi32, #tpu.memory_space<hbm>> -> memref<1x125x80xi32, #tpu.memory_space<hbm>>
      %dma_wait3A_261 = tpu.memref_squeeze %dma_wait3A_260 : memref<1x125x80xi32, #tpu.memory_space<hbm>> -> memref<125x80xi32, #tpu.memory_space<hbm>>
      tpu.wait_dma2 semaphore(%run_scoped3A : memref<!tpu.dma_semaphore, #tpu.memory_space<semaphore_mem>>) src(%dma_wait3A_261 : memref<125x80xi32, #tpu.memory_space<hbm>>) dst(%arg7 : memref<125x80xi32, #tpu.memory_space<vmem>>)
      tpu.yield
    }) : () -> ()
    "tpu.region"() ({
      %run_scoped3A = tpu.sem_alloc : memref<!tpu.dma_semaphore, #tpu.memory_space<semaphore_mem>>
      %dma_start3A_246 = arith.constant 0 : i32
      %dma_start3A_247 = arith.constant 0 : i32
      %dma_start3A_248 = tpu.memref_slice %arg4[%add3A, %dma_start3A_246, %dma_start3A_247] : memref<32x125x80xi32, #tpu.memory_space<hbm>> -> memref<1x125x80xi32, #tpu.memory_space<hbm>>
      %dma_start3A_249 = tpu.memref_squeeze %dma_start3A_248 : memref<1x125x80xi32, #tpu.memory_space<hbm>> -> memref<125x80xi32, #tpu.memory_space<hbm>>
      %dma_start3A_250 = arith.constant 0 : i32
      %dma_start3A_251 = arith.constant 0 : i32
      %dma_start3A_252 = tpu.memref_slice %arg4[%add3A, %dma_start3A_250, %dma_start3A_251] : memref<32x125x80xi32, #tpu.memory_space<hbm>> -> memref<1x125x80xi32, #tpu.memory_space<hbm>>
      %dma_start3A_253 = tpu.memref_squeeze %dma_start3A_252 : memref<1x125x80xi32, #tpu.memory_space<hbm>> -> memref<125x80xi32, #tpu.memory_space<hbm>>
      tpu.enqueue_dma source(%dma_start3A_253 : memref<125x80xi32, #tpu.memory_space<hbm>>) target(%arg8 : memref<125x80xi32, #tpu.memory_space<vmem>>) target_semaphore(%run_scoped3A : memref<!tpu.dma_semaphore, #tpu.memory_space<semaphore_mem>>)
      %dma_wait3A_254 = arith.constant 0 : i32
      %dma_wait3A_255 = arith.constant 0 : i32
      %dma_wait3A_256 = tpu.memref_slice %arg4[%add3A, %dma_wait3A_254, %dma_wait3A_255] : memref<32x125x80xi32, #tpu.memory_space<hbm>> -> memref<1x125x80xi32, #tpu.memory_space<hbm>>
      %dma_wait3A_257 = tpu.memref_squeeze %dma_wait3A_256 : memref<1x125x80xi32, #tpu.memory_space<hbm>> -> memref<125x80xi32, #tpu.memory_space<hbm>>
      %dma_wait3A_258 = arith.constant 0 : i32
      %dma_wait3A_259 = arith.constant 0 : i32
      %dma_wait3A_260 = tpu.memref_slice %arg4[%add3A, %dma_wait3A_258, %dma_wait3A_259] : memref<32x125x80xi32, #tpu.memory_space<hbm>> -> memref<1x125x80xi32, #tpu.memory_space<hbm>>
      %dma_wait3A_261 = tpu.memref_squeeze %dma_wait3A_260 : memref<1x125x80xi32, #tpu.memory_space<hbm>> -> memref<125x80xi32, #tpu.memory_space<hbm>>
      tpu.wait_dma2 semaphore(%run_scoped3A : memref<!tpu.dma_semaphore, #tpu.memory_space<semaphore_mem>>) src(%dma_wait3A_261 : memref<125x80xi32, #tpu.memory_space<hbm>>) dst(%arg8 : memref<125x80xi32, #tpu.memory_space<vmem>>)
      tpu.yield
    }) : () -> ()
    "tpu.region"() ({
      %run_scoped3A = tpu.sem_alloc : memref<!tpu.dma_semaphore, #tpu.memory_space<semaphore_mem>>
      %dma_start3A_246 = arith.constant 0 : i32
      %dma_start3A_247 = tpu.memref_slice %arg10[%mul3A_2, %dma_start3A_246] : memref<10240x48xf32, #tpu.memory_space<vmem_shared>> -> memref<640x48xf32, #tpu.memory_space<vmem_shared>>
      %dma_start3A_248 = arith.constant 0 : i32
      %dma_start3A_249 = tpu.memref_slice %arg5[%mul3A_2, %dma_start3A_248] : memref<10240x48xf32, #tpu.memory_space<hbm>> -> memref<640x48xf32, #tpu.memory_space<hbm>>
      tpu.enqueue_dma source(%dma_start3A_249 : memref<640x48xf32, #tpu.memory_space<hbm>>) target(%dma_start3A_247 : memref<640x48xf32, #tpu.memory_space<vmem_shared>>) target_semaphore(%run_scoped3A : memref<!tpu.dma_semaphore, #tpu.memory_space<semaphore_mem>>)
      %dma_wait3A_250 = arith.constant 0 : i32
      %dma_wait3A_251 = tpu.memref_slice %arg10[%mul3A_2, %dma_wait3A_250] : memref<10240x48xf32, #tpu.memory_space<vmem_shared>> -> memref<640x48xf32, #tpu.memory_space<vmem_shared>>
      %dma_wait3A_252 = arith.constant 0 : i32
      %dma_wait3A_253 = tpu.memref_slice %arg5[%mul3A_2, %dma_wait3A_252] : memref<10240x48xf32, #tpu.memory_space<hbm>> -> memref<640x48xf32, #tpu.memory_space<hbm>>
      tpu.wait_dma2 semaphore(%run_scoped3A : memref<!tpu.dma_semaphore, #tpu.memory_space<semaphore_mem>>) src(%dma_wait3A_253 : memref<640x48xf32, #tpu.memory_space<hbm>>) dst(%dma_wait3A_251 : memref<640x48xf32, #tpu.memory_space<vmem_shared>>)
      tpu.yield
    }) : () -> ()
    %barrier3A = arith.constant 0 : index
    tpu.barrier barrier_id(%barrier3A)
    %dma_start3A = arith.constant 0 : i32
    %dma_start3A_3 = arith.constant 0 : i32
    %dma_start3A_4 = arith.constant 0 : i32
    %dma_start3A_5 = arith.constant 0 : i32
    %dma_start3A_6 = tpu.memref_slice %arg9[%dma_start3A_3, %dma_start3A_4, %dma_start3A_5] : memref<5x80x48xf32, #tpu.memory_space<vmem>> -> memref<1x80x48xf32, #tpu.memory_space<vmem>>
    %dma_start3A_7 = tpu.memref_squeeze %dma_start3A_6 : memref<1x80x48xf32, #tpu.memory_space<vmem>> -> memref<80x48xf32, #tpu.memory_space<vmem>>
    %dma_start3A_8 = arith.constant 0 : i32
    %dma_start3A_9 = tpu.memref_slice %arg7[%dma_start3A, %dma_start3A_8] : memref<125x80xi32, #tpu.memory_space<vmem>> -> memref<1x80xi32, #tpu.memory_space<vmem>>
    %dma_start3A_10 = tpu.memref_squeeze %dma_start3A_9 : memref<1x80xi32, #tpu.memory_space<vmem>> -> memref<80xi32, #tpu.memory_space<vmem>>
    %dma_start3A_11 = arith.constant 0 : i32
    %dma_start3A_12 = arith.constant 0 : i32
    %dma_start3A_13 = tpu.memref_slice %arg2[%dma_start3A_11, %dma_start3A_12] : memref<10000x48xf32, #tpu.memory_space<hbm>> -> memref<10000x48xf32, #tpu.memory_space<hbm>>
    tpu.enqueue_indirect_dma source(%dma_start3A_13 : memref<10000x48xf32, #tpu.memory_space<hbm>>) target(%dma_start3A_7 : memref<80x48xf32, #tpu.memory_space<vmem>>) offsets(%dma_start3A_10 : memref<80xi32, #tpu.memory_space<vmem>>) semaphore(%arg11 : memref<!tpu.dma_semaphore, #tpu.memory_space<semaphore_mem>>)
    %dma_start3A_14 = arith.constant 1 : i32
    %dma_start3A_15 = arith.constant 1 : i32
    %dma_start3A_16 = arith.constant 0 : i32
    %dma_start3A_17 = arith.constant 0 : i32
    %dma_start3A_18 = tpu.memref_slice %arg9[%dma_start3A_15, %dma_start3A_16, %dma_start3A_17] : memref<5x80x48xf32, #tpu.memory_space<vmem>> -> memref<1x80x48xf32, #tpu.memory_space<vmem>>
    %dma_start3A_19 = tpu.memref_squeeze %dma_start3A_18 : memref<1x80x48xf32, #tpu.memory_space<vmem>> -> memref<80x48xf32, #tpu.memory_space<vmem>>
    %dma_start3A_20 = arith.constant 0 : i32
    %dma_start3A_21 = tpu.memref_slice %arg7[%dma_start3A_14, %dma_start3A_20] : memref<125x80xi32, #tpu.memory_space<vmem>> -> memref<1x80xi32, #tpu.memory_space<vmem>>
    %dma_start3A_22 = tpu.memref_squeeze %dma_start3A_21 : memref<1x80xi32, #tpu.memory_space<vmem>> -> memref<80xi32, #tpu.memory_space<vmem>>
    %dma_start3A_23 = arith.constant 0 : i32
    %dma_start3A_24 = arith.constant 0 : i32
    %dma_start3A_25 = tpu.memref_slice %arg2[%dma_start3A_23, %dma_start3A_24] : memref<10000x48xf32, #tpu.memory_space<hbm>> -> memref<10000x48xf32, #tpu.memory_space<hbm>>
    tpu.enqueue_indirect_dma source(%dma_start3A_25 : memref<10000x48xf32, #tpu.memory_space<hbm>>) target(%dma_start3A_19 : memref<80x48xf32, #tpu.memory_space<vmem>>) offsets(%dma_start3A_22 : memref<80xi32, #tpu.memory_space<vmem>>) semaphore(%arg12 : memref<!tpu.dma_semaphore, #tpu.memory_space<semaphore_mem>>)
    %dma_start3A_26 = arith.constant 2 : i32
    %dma_start3A_27 = arith.constant 2 : i32
    %dma_start3A_28 = arith.constant 0 : i32
    %dma_start3A_29 = arith.constant 0 : i32
    %dma_start3A_30 = tpu.memref_slice %arg9[%dma_start3A_27, %dma_start3A_28, %dma_start3A_29] : memref<5x80x48xf32, #tpu.memory_space<vmem>> -> memref<1x80x48xf32, #tpu.memory_space<vmem>>
    %dma_start3A_31 = tpu.memref_squeeze %dma_start3A_30 : memref<1x80x48xf32, #tpu.memory_space<vmem>> -> memref<80x48xf32, #tpu.memory_space<vmem>>
    %dma_start3A_32 = arith.constant 0 : i32
    %dma_start3A_33 = tpu.memref_slice %arg7[%dma_start3A_26, %dma_start3A_32] : memref<125x80xi32, #tpu.memory_space<vmem>> -> memref<1x80xi32, #tpu.memory_space<vmem>>
    %dma_start3A_34 = tpu.memref_squeeze %dma_start3A_33 : memref<1x80xi32, #tpu.memory_space<vmem>> -> memref<80xi32, #tpu.memory_space<vmem>>
    %dma_start3A_35 = arith.constant 0 : i32
    %dma_start3A_36 = arith.constant 0 : i32
    %dma_start3A_37 = tpu.memref_slice %arg2[%dma_start3A_35, %dma_start3A_36] : memref<10000x48xf32, #tpu.memory_space<hbm>> -> memref<10000x48xf32, #tpu.memory_space<hbm>>
    tpu.enqueue_indirect_dma source(%dma_start3A_37 : memref<10000x48xf32, #tpu.memory_space<hbm>>) target(%dma_start3A_31 : memref<80x48xf32, #tpu.memory_space<vmem>>) offsets(%dma_start3A_34 : memref<80xi32, #tpu.memory_space<vmem>>) semaphore(%arg13 : memref<!tpu.dma_semaphore, #tpu.memory_space<semaphore_mem>>)
    %dma_start3A_38 = arith.constant 3 : i32
    %dma_start3A_39 = arith.constant 3 : i32
    %dma_start3A_40 = arith.constant 0 : i32
    %dma_start3A_41 = arith.constant 0 : i32
    %dma_start3A_42 = tpu.memref_slice %arg9[%dma_start3A_39, %dma_start3A_40, %dma_start3A_41] : memref<5x80x48xf32, #tpu.memory_space<vmem>> -> memref<1x80x48xf32, #tpu.memory_space<vmem>>
    %dma_start3A_43 = tpu.memref_squeeze %dma_start3A_42 : memref<1x80x48xf32, #tpu.memory_space<vmem>> -> memref<80x48xf32, #tpu.memory_space<vmem>>
    %dma_start3A_44 = arith.constant 0 : i32
    %dma_start3A_45 = tpu.memref_slice %arg7[%dma_start3A_38, %dma_start3A_44] : memref<125x80xi32, #tpu.memory_space<vmem>> -> memref<1x80xi32, #tpu.memory_space<vmem>>
    %dma_start3A_46 = tpu.memref_squeeze %dma_start3A_45 : memref<1x80xi32, #tpu.memory_space<vmem>> -> memref<80xi32, #tpu.memory_space<vmem>>
    %dma_start3A_47 = arith.constant 0 : i32
    %dma_start3A_48 = arith.constant 0 : i32
    %dma_start3A_49 = tpu.memref_slice %arg2[%dma_start3A_47, %dma_start3A_48] : memref<10000x48xf32, #tpu.memory_space<hbm>> -> memref<10000x48xf32, #tpu.memory_space<hbm>>
    tpu.enqueue_indirect_dma source(%dma_start3A_49 : memref<10000x48xf32, #tpu.memory_space<hbm>>) target(%dma_start3A_43 : memref<80x48xf32, #tpu.memory_space<vmem>>) offsets(%dma_start3A_46 : memref<80xi32, #tpu.memory_space<vmem>>) semaphore(%arg14 : memref<!tpu.dma_semaphore, #tpu.memory_space<semaphore_mem>>)
    %dma_start3A_50 = arith.constant 4 : i32
    %dma_start3A_51 = arith.constant 4 : i32
    %dma_start3A_52 = arith.constant 0 : i32
    %dma_start3A_53 = arith.constant 0 : i32
    %dma_start3A_54 = tpu.memref_slice %arg9[%dma_start3A_51, %dma_start3A_52, %dma_start3A_53] : memref<5x80x48xf32, #tpu.memory_space<vmem>> -> memref<1x80x48xf32, #tpu.memory_space<vmem>>
    %dma_start3A_55 = tpu.memref_squeeze %dma_start3A_54 : memref<1x80x48xf32, #tpu.memory_space<vmem>> -> memref<80x48xf32, #tpu.memory_space<vmem>>
    %dma_start3A_56 = arith.constant 0 : i32
    %dma_start3A_57 = tpu.memref_slice %arg7[%dma_start3A_50, %dma_start3A_56] : memref<125x80xi32, #tpu.memory_space<vmem>> -> memref<1x80xi32, #tpu.memory_space<vmem>>
    %dma_start3A_58 = tpu.memref_squeeze %dma_start3A_57 : memref<1x80xi32, #tpu.memory_space<vmem>> -> memref<80xi32, #tpu.memory_space<vmem>>
    %dma_start3A_59 = arith.constant 0 : i32
    %dma_start3A_60 = arith.constant 0 : i32
    %dma_start3A_61 = tpu.memref_slice %arg2[%dma_start3A_59, %dma_start3A_60] : memref<10000x48xf32, #tpu.memory_space<hbm>> -> memref<10000x48xf32, #tpu.memory_space<hbm>>
    tpu.enqueue_indirect_dma source(%dma_start3A_61 : memref<10000x48xf32, #tpu.memory_space<hbm>>) target(%dma_start3A_55 : memref<80x48xf32, #tpu.memory_space<vmem>>) offsets(%dma_start3A_58 : memref<80xi32, #tpu.memory_space<vmem>>) semaphore(%arg15 : memref<!tpu.dma_semaphore, #tpu.memory_space<semaphore_mem>>)
    %scan3A = arith.constant 0 : i32
    %scan3A_62 = arith.constant 24 : i32
    %scan3A_63 = arith.addi %scan3A, %scan3A_62 : i32
    %scan3A_64 = arith.constant 1 : i32
    scf.for %scan3A_246 = %scan3A to %scan3A_63 step %scan3A_64  : i32 {
      %mul3A_247 = arith.constant 5 : i32
      %mul3A_248 = arith.muli %scan3A_246, %mul3A_247 : i32
      %add3A_249 = arith.constant 0 : i32
      %add3A_250 = arith.addi %add3A_249, %mul3A_248 : i32
      %add3A_251 = arith.constant 0 : i32
      %add3A_252 = arith.addi %add3A_250, %add3A_251 : i32
      %dma_wait3A_253 = arith.constant 0 : i32
      %dma_wait3A_254 = arith.constant 0 : i32
      %dma_wait3A_255 = arith.constant 0 : i32
      %dma_wait3A_256 = tpu.memref_slice %arg9[%dma_wait3A_253, %dma_wait3A_254, %dma_wait3A_255] : memref<5x80x48xf32, #tpu.memory_space<vmem>> -> memref<1x80x48xf32, #tpu.memory_space<vmem>>
      %dma_wait3A_257 = tpu.memref_squeeze %dma_wait3A_256 : memref<1x80x48xf32, #tpu.memory_space<vmem>> -> memref<80x48xf32, #tpu.memory_space<vmem>>
      %dma_wait3A_258 = arith.constant 0 : i32
      %dma_wait3A_259 = tpu.memref_slice %arg7[%add3A_252, %dma_wait3A_258] : memref<125x80xi32, #tpu.memory_space<vmem>> -> memref<1x80xi32, #tpu.memory_space<vmem>>
      %dma_wait3A_260 = tpu.memref_squeeze %dma_wait3A_259 : memref<1x80xi32, #tpu.memory_space<vmem>> -> memref<80xi32, #tpu.memory_space<vmem>>
      %dma_wait3A_261 = arith.constant 0 : i32
      %dma_wait3A_262 = arith.constant 0 : i32
      %dma_wait3A_263 = tpu.memref_slice %arg2[%dma_wait3A_261, %dma_wait3A_262] : memref<10000x48xf32, #tpu.memory_space<hbm>> -> memref<10000x48xf32, #tpu.memory_space<hbm>>
      tpu.wait_indirect_dma semaphore(%arg11 : memref<!tpu.dma_semaphore, #tpu.memory_space<semaphore_mem>>) src(%dma_wait3A_263 : memref<10000x48xf32, #tpu.memory_space<hbm>>) dst(%dma_wait3A_257 : memref<80x48xf32, #tpu.memory_space<vmem>>)
      %dma_start3A_264 = arith.constant 0 : i32
      %dma_start3A_265 = arith.constant 0 : i32
      %dma_start3A_266 = arith.constant 0 : i32
      %dma_start3A_267 = tpu.memref_slice %arg9[%dma_start3A_264, %dma_start3A_265, %dma_start3A_266] : memref<5x80x48xf32, #tpu.memory_space<vmem>> -> memref<1x80x48xf32, #tpu.memory_space<vmem>>
      %dma_start3A_268 = tpu.memref_squeeze %dma_start3A_267 : memref<1x80x48xf32, #tpu.memory_space<vmem>> -> memref<80x48xf32, #tpu.memory_space<vmem>>
      %dma_start3A_269 = arith.constant 0 : i32
      %dma_start3A_270 = tpu.memref_slice %arg8[%add3A_252, %dma_start3A_269] : memref<125x80xi32, #tpu.memory_space<vmem>> -> memref<1x80xi32, #tpu.memory_space<vmem>>
      %dma_start3A_271 = tpu.memref_squeeze %dma_start3A_270 : memref<1x80xi32, #tpu.memory_space<vmem>> -> memref<80xi32, #tpu.memory_space<vmem>>
      %dma_start3A_272 = arith.constant 0 : i32
      %dma_start3A_273 = arith.constant 0 : i32
      %dma_start3A_274 = tpu.memref_slice %arg10[%dma_start3A_272, %dma_start3A_273] : memref<10240x48xf32, #tpu.memory_space<vmem_shared>> -> memref<10240x48xf32, #tpu.memory_space<vmem_shared>>
      tpu.enqueue_indirect_dma source(%dma_start3A_268 : memref<80x48xf32, #tpu.memory_space<vmem>>) target(%dma_start3A_274 : memref<10240x48xf32, #tpu.memory_space<vmem_shared>>) offsets(%dma_start3A_271 : memref<80xi32, #tpu.memory_space<vmem>>) semaphore(%arg16 : memref<!tpu.dma_semaphore, #tpu.memory_space<semaphore_mem>>) {add = true}
      %dma_wait3A_275 = arith.constant 0 : i32
      %dma_wait3A_276 = arith.constant 0 : i32
      %dma_wait3A_277 = arith.constant 0 : i32
      %dma_wait3A_278 = tpu.memref_slice %arg9[%dma_wait3A_275, %dma_wait3A_276, %dma_wait3A_277] : memref<5x80x48xf32, #tpu.memory_space<vmem>> -> memref<1x80x48xf32, #tpu.memory_space<vmem>>
      %dma_wait3A_279 = tpu.memref_squeeze %dma_wait3A_278 : memref<1x80x48xf32, #tpu.memory_space<vmem>> -> memref<80x48xf32, #tpu.memory_space<vmem>>
      %dma_wait3A_280 = arith.constant 0 : i32
      %dma_wait3A_281 = tpu.memref_slice %arg8[%add3A_252, %dma_wait3A_280] : memref<125x80xi32, #tpu.memory_space<vmem>> -> memref<1x80xi32, #tpu.memory_space<vmem>>
      %dma_wait3A_282 = tpu.memref_squeeze %dma_wait3A_281 : memref<1x80xi32, #tpu.memory_space<vmem>> -> memref<80xi32, #tpu.memory_space<vmem>>
      %dma_wait3A_283 = arith.constant 0 : i32
      %dma_wait3A_284 = arith.constant 0 : i32
      %dma_wait3A_285 = tpu.memref_slice %arg10[%dma_wait3A_283, %dma_wait3A_284] : memref<10240x48xf32, #tpu.memory_space<vmem_shared>> -> memref<10240x48xf32, #tpu.memory_space<vmem_shared>>
      tpu.wait_indirect_dma semaphore(%arg16 : memref<!tpu.dma_semaphore, #tpu.memory_space<semaphore_mem>>) src(%dma_wait3A_279 : memref<80x48xf32, #tpu.memory_space<vmem>>) dst(%dma_wait3A_285 : memref<10240x48xf32, #tpu.memory_space<vmem_shared>>)
      %add3A_286 = arith.constant 5 : i32
      %add3A_287 = arith.addi %add3A_252, %add3A_286 : i32
      %dma_start3A_288 = arith.constant 0 : i32
      %dma_start3A_289 = arith.constant 0 : i32
      %dma_start3A_290 = arith.constant 0 : i32
      %dma_start3A_291 = tpu.memref_slice %arg9[%dma_start3A_288, %dma_start3A_289, %dma_start3A_290] : memref<5x80x48xf32, #tpu.memory_space<vmem>> -> memref<1x80x48xf32, #tpu.memory_space<vmem>>
      %dma_start3A_292 = tpu.memref_squeeze %dma_start3A_291 : memref<1x80x48xf32, #tpu.memory_space<vmem>> -> memref<80x48xf32, #tpu.memory_space<vmem>>
      %dma_start3A_293 = arith.constant 0 : i32
      %dma_start3A_294 = tpu.memref_slice %arg7[%add3A_287, %dma_start3A_293] : memref<125x80xi32, #tpu.memory_space<vmem>> -> memref<1x80xi32, #tpu.memory_space<vmem>>
      %dma_start3A_295 = tpu.memref_squeeze %dma_start3A_294 : memref<1x80xi32, #tpu.memory_space<vmem>> -> memref<80xi32, #tpu.memory_space<vmem>>
      %dma_start3A_296 = arith.constant 0 : i32
      %dma_start3A_297 = arith.constant 0 : i32
      %dma_start3A_298 = tpu.memref_slice %arg2[%dma_start3A_296, %dma_start3A_297] : memref<10000x48xf32, #tpu.memory_space<hbm>> -> memref<10000x48xf32, #tpu.memory_space<hbm>>
      tpu.enqueue_indirect_dma source(%dma_start3A_298 : memref<10000x48xf32, #tpu.memory_space<hbm>>) target(%dma_start3A_292 : memref<80x48xf32, #tpu.memory_space<vmem>>) offsets(%dma_start3A_295 : memref<80xi32, #tpu.memory_space<vmem>>) semaphore(%arg11 : memref<!tpu.dma_semaphore, #tpu.memory_space<semaphore_mem>>)
      %add3A_299 = arith.constant 1 : i32
      %add3A_300 = arith.addi %add3A_250, %add3A_299 : i32
      %dma_wait3A_301 = arith.constant 1 : i32
      %dma_wait3A_302 = arith.constant 0 : i32
      %dma_wait3A_303 = arith.constant 0 : i32
      %dma_wait3A_304 = tpu.memref_slice %arg9[%dma_wait3A_301, %dma_wait3A_302, %dma_wait3A_303] : memref<5x80x48xf32, #tpu.memory_space<vmem>> -> memref<1x80x48xf32, #tpu.memory_space<vmem>>
      %dma_wait3A_305 = tpu.memref_squeeze %dma_wait3A_304 : memref<1x80x48xf32, #tpu.memory_space<vmem>> -> memref<80x48xf32, #tpu.memory_space<vmem>>
      %dma_wait3A_306 = arith.constant 0 : i32
      %dma_wait3A_307 = tpu.memref_slice %arg7[%add3A_300, %dma_wait3A_306] : memref<125x80xi32, #tpu.memory_space<vmem>> -> memref<1x80xi32, #tpu.memory_space<vmem>>
      %dma_wait3A_308 = tpu.memref_squeeze %dma_wait3A_307 : memref<1x80xi32, #tpu.memory_space<vmem>> -> memref<80xi32, #tpu.memory_space<vmem>>
      %dma_wait3A_309 = arith.constant 0 : i32
      %dma_wait3A_310 = arith.constant 0 : i32
      %dma_wait3A_311 = tpu.memref_slice %arg2[%dma_wait3A_309, %dma_wait3A_310] : memref<10000x48xf32, #tpu.memory_space<hbm>> -> memref<10000x48xf32, #tpu.memory_space<hbm>>
      tpu.wait_indirect_dma semaphore(%arg12 : memref<!tpu.dma_semaphore, #tpu.memory_space<semaphore_mem>>) src(%dma_wait3A_311 : memref<10000x48xf32, #tpu.memory_space<hbm>>) dst(%dma_wait3A_305 : memref<80x48xf32, #tpu.memory_space<vmem>>)
      %dma_start3A_312 = arith.constant 1 : i32
      %dma_start3A_313 = arith.constant 0 : i32
      %dma_start3A_314 = arith.constant 0 : i32
      %dma_start3A_315 = tpu.memref_slice %arg9[%dma_start3A_312, %dma_start3A_313, %dma_start3A_314] : memref<5x80x48xf32, #tpu.memory_space<vmem>> -> memref<1x80x48xf32, #tpu.memory_space<vmem>>
      %dma_start3A_316 = tpu.memref_squeeze %dma_start3A_315 : memref<1x80x48xf32, #tpu.memory_space<vmem>> -> memref<80x48xf32, #tpu.memory_space<vmem>>
      %dma_start3A_317 = arith.constant 0 : i32
      %dma_start3A_318 = tpu.memref_slice %arg8[%add3A_300, %dma_start3A_317] : memref<125x80xi32, #tpu.memory_space<vmem>> -> memref<1x80xi32, #tpu.memory_space<vmem>>
      %dma_start3A_319 = tpu.memref_squeeze %dma_start3A_318 : memref<1x80xi32, #tpu.memory_space<vmem>> -> memref<80xi32, #tpu.memory_space<vmem>>
      %dma_start3A_320 = arith.constant 0 : i32
      %dma_start3A_321 = arith.constant 0 : i32
      %dma_start3A_322 = tpu.memref_slice %arg10[%dma_start3A_320, %dma_start3A_321] : memref<10240x48xf32, #tpu.memory_space<vmem_shared>> -> memref<10240x48xf32, #tpu.memory_space<vmem_shared>>
      tpu.enqueue_indirect_dma source(%dma_start3A_316 : memref<80x48xf32, #tpu.memory_space<vmem>>) target(%dma_start3A_322 : memref<10240x48xf32, #tpu.memory_space<vmem_shared>>) offsets(%dma_start3A_319 : memref<80xi32, #tpu.memory_space<vmem>>) semaphore(%arg17 : memref<!tpu.dma_semaphore, #tpu.memory_space<semaphore_mem>>) {add = true}
      %dma_wait3A_323 = arith.constant 1 : i32
      %dma_wait3A_324 = arith.constant 0 : i32
      %dma_wait3A_325 = arith.constant 0 : i32
      %dma_wait3A_326 = tpu.memref_slice %arg9[%dma_wait3A_323, %dma_wait3A_324, %dma_wait3A_325] : memref<5x80x48xf32, #tpu.memory_space<vmem>> -> memref<1x80x48xf32, #tpu.memory_space<vmem>>
      %dma_wait3A_327 = tpu.memref_squeeze %dma_wait3A_326 : memref<1x80x48xf32, #tpu.memory_space<vmem>> -> memref<80x48xf32, #tpu.memory_space<vmem>>
      %dma_wait3A_328 = arith.constant 0 : i32
      %dma_wait3A_329 = tpu.memref_slice %arg8[%add3A_300, %dma_wait3A_328] : memref<125x80xi32, #tpu.memory_space<vmem>> -> memref<1x80xi32, #tpu.memory_space<vmem>>
      %dma_wait3A_330 = tpu.memref_squeeze %dma_wait3A_329 : memref<1x80xi32, #tpu.memory_space<vmem>> -> memref<80xi32, #tpu.memory_space<vmem>>
      %dma_wait3A_331 = arith.constant 0 : i32
      %dma_wait3A_332 = arith.constant 0 : i32
      %dma_wait3A_333 = tpu.memref_slice %arg10[%dma_wait3A_331, %dma_wait3A_332] : memref<10240x48xf32, #tpu.memory_space<vmem_shared>> -> memref<10240x48xf32, #tpu.memory_space<vmem_shared>>
      tpu.wait_indirect_dma semaphore(%arg17 : memref<!tpu.dma_semaphore, #tpu.memory_space<semaphore_mem>>) src(%dma_wait3A_327 : memref<80x48xf32, #tpu.memory_space<vmem>>) dst(%dma_wait3A_333 : memref<10240x48xf32, #tpu.memory_space<vmem_shared>>)
      %add3A_334 = arith.constant 5 : i32
      %add3A_335 = arith.addi %add3A_300, %add3A_334 : i32
      %dma_start3A_336 = arith.constant 1 : i32
      %dma_start3A_337 = arith.constant 0 : i32
      %dma_start3A_338 = arith.constant 0 : i32
      %dma_start3A_339 = tpu.memref_slice %arg9[%dma_start3A_336, %dma_start3A_337, %dma_start3A_338] : memref<5x80x48xf32, #tpu.memory_space<vmem>> -> memref<1x80x48xf32, #tpu.memory_space<vmem>>
      %dma_start3A_340 = tpu.memref_squeeze %dma_start3A_339 : memref<1x80x48xf32, #tpu.memory_space<vmem>> -> memref<80x48xf32, #tpu.memory_space<vmem>>
      %dma_start3A_341 = arith.constant 0 : i32
      %dma_start3A_342 = tpu.memref_slice %arg7[%add3A_335, %dma_start3A_341] : memref<125x80xi32, #tpu.memory_space<vmem>> -> memref<1x80xi32, #tpu.memory_space<vmem>>
      %dma_start3A_343 = tpu.memref_squeeze %dma_start3A_342 : memref<1x80xi32, #tpu.memory_space<vmem>> -> memref<80xi32, #tpu.memory_space<vmem>>
      %dma_start3A_344 = arith.constant 0 : i32
      %dma_start3A_345 = arith.constant 0 : i32
      %dma_start3A_346 = tpu.memref_slice %arg2[%dma_start3A_344, %dma_start3A_345] : memref<10000x48xf32, #tpu.memory_space<hbm>> -> memref<10000x48xf32, #tpu.memory_space<hbm>>
      tpu.enqueue_indirect_dma source(%dma_start3A_346 : memref<10000x48xf32, #tpu.memory_space<hbm>>) target(%dma_start3A_340 : memref<80x48xf32, #tpu.memory_space<vmem>>) offsets(%dma_start3A_343 : memref<80xi32, #tpu.memory_space<vmem>>) semaphore(%arg12 : memref<!tpu.dma_semaphore, #tpu.memory_space<semaphore_mem>>)
      %add3A_347 = arith.constant 2 : i32
      %add3A_348 = arith.addi %add3A_250, %add3A_347 : i32
      %dma_wait3A_349 = arith.constant 2 : i32
      %dma_wait3A_350 = arith.constant 0 : i32
      %dma_wait3A_351 = arith.constant 0 : i32
      %dma_wait3A_352 = tpu.memref_slice %arg9[%dma_wait3A_349, %dma_wait3A_350, %dma_wait3A_351] : memref<5x80x48xf32, #tpu.memory_space<vmem>> -> memref<1x80x48xf32, #tpu.memory_space<vmem>>
      %dma_wait3A_353 = tpu.memref_squeeze %dma_wait3A_352 : memref<1x80x48xf32, #tpu.memory_space<vmem>> -> memref<80x48xf32, #tpu.memory_space<vmem>>
      %dma_wait3A_354 = arith.constant 0 : i32
      %dma_wait3A_355 = tpu.memref_slice %arg7[%add3A_348, %dma_wait3A_354] : memref<125x80xi32, #tpu.memory_space<vmem>> -> memref<1x80xi32, #tpu.memory_space<vmem>>
      %dma_wait3A_356 = tpu.memref_squeeze %dma_wait3A_355 : memref<1x80xi32, #tpu.memory_space<vmem>> -> memref<80xi32, #tpu.memory_space<vmem>>
      %dma_wait3A_357 = arith.constant 0 : i32
      %dma_wait3A_358 = arith.constant 0 : i32
      %dma_wait3A_359 = tpu.memref_slice %arg2[%dma_wait3A_357, %dma_wait3A_358] : memref<10000x48xf32, #tpu.memory_space<hbm>> -> memref<10000x48xf32, #tpu.memory_space<hbm>>
      tpu.wait_indirect_dma semaphore(%arg13 : memref<!tpu.dma_semaphore, #tpu.memory_space<semaphore_mem>>) src(%dma_wait3A_359 : memref<10000x48xf32, #tpu.memory_space<hbm>>) dst(%dma_wait3A_353 : memref<80x48xf32, #tpu.memory_space<vmem>>)
      %dma_start3A_360 = arith.constant 2 : i32
      %dma_start3A_361 = arith.constant 0 : i32
      %dma_start3A_362 = arith.constant 0 : i32
      %dma_start3A_363 = tpu.memref_slice %arg9[%dma_start3A_360, %dma_start3A_361, %dma_start3A_362] : memref<5x80x48xf32, #tpu.memory_space<vmem>> -> memref<1x80x48xf32, #tpu.memory_space<vmem>>
      %dma_start3A_364 = tpu.memref_squeeze %dma_start3A_363 : memref<1x80x48xf32, #tpu.memory_space<vmem>> -> memref<80x48xf32, #tpu.memory_space<vmem>>
      %dma_start3A_365 = arith.constant 0 : i32
      %dma_start3A_366 = tpu.memref_slice %arg8[%add3A_348, %dma_start3A_365] : memref<125x80xi32, #tpu.memory_space<vmem>> -> memref<1x80xi32, #tpu.memory_space<vmem>>
      %dma_start3A_367 = tpu.memref_squeeze %dma_start3A_366 : memref<1x80xi32, #tpu.memory_space<vmem>> -> memref<80xi32, #tpu.memory_space<vmem>>
      %dma_start3A_368 = arith.constant 0 : i32
      %dma_start3A_369 = arith.constant 0 : i32
      %dma_start3A_370 = tpu.memref_slice %arg10[%dma_start3A_368, %dma_start3A_369] : memref<10240x48xf32, #tpu.memory_space<vmem_shared>> -> memref<10240x48xf32, #tpu.memory_space<vmem_shared>>
      tpu.enqueue_indirect_dma source(%dma_start3A_364 : memref<80x48xf32, #tpu.memory_space<vmem>>) target(%dma_start3A_370 : memref<10240x48xf32, #tpu.memory_space<vmem_shared>>) offsets(%dma_start3A_367 : memref<80xi32, #tpu.memory_space<vmem>>) semaphore(%arg18 : memref<!tpu.dma_semaphore, #tpu.memory_space<semaphore_mem>>) {add = true}
      %dma_wait3A_371 = arith.constant 2 : i32
      %dma_wait3A_372 = arith.constant 0 : i32
      %dma_wait3A_373 = arith.constant 0 : i32
      %dma_wait3A_374 = tpu.memref_slice %arg9[%dma_wait3A_371, %dma_wait3A_372, %dma_wait3A_373] : memref<5x80x48xf32, #tpu.memory_space<vmem>> -> memref<1x80x48xf32, #tpu.memory_space<vmem>>
      %dma_wait3A_375 = tpu.memref_squeeze %dma_wait3A_374 : memref<1x80x48xf32, #tpu.memory_space<vmem>> -> memref<80x48xf32, #tpu.memory_space<vmem>>
      %dma_wait3A_376 = arith.constant 0 : i32
      %dma_wait3A_377 = tpu.memref_slice %arg8[%add3A_348, %dma_wait3A_376] : memref<125x80xi32, #tpu.memory_space<vmem>> -> memref<1x80xi32, #tpu.memory_space<vmem>>
      %dma_wait3A_378 = tpu.memref_squeeze %dma_wait3A_377 : memref<1x80xi32, #tpu.memory_space<vmem>> -> memref<80xi32, #tpu.memory_space<vmem>>
      %dma_wait3A_379 = arith.constant 0 : i32
      %dma_wait3A_380 = arith.constant 0 : i32
      %dma_wait3A_381 = tpu.memref_slice %arg10[%dma_wait3A_379, %dma_wait3A_380] : memref<10240x48xf32, #tpu.memory_space<vmem_shared>> -> memref<10240x48xf32, #tpu.memory_space<vmem_shared>>
      tpu.wait_indirect_dma semaphore(%arg18 : memref<!tpu.dma_semaphore, #tpu.memory_space<semaphore_mem>>) src(%dma_wait3A_375 : memref<80x48xf32, #tpu.memory_space<vmem>>) dst(%dma_wait3A_381 : memref<10240x48xf32, #tpu.memory_space<vmem_shared>>)
      %add3A_382 = arith.constant 5 : i32
      %add3A_383 = arith.addi %add3A_348, %add3A_382 : i32
      %dma_start3A_384 = arith.constant 2 : i32
      %dma_start3A_385 = arith.constant 0 : i32
      %dma_start3A_386 = arith.constant 0 : i32
      %dma_start3A_387 = tpu.memref_slice %arg9[%dma_start3A_384, %dma_start3A_385, %dma_start3A_386] : memref<5x80x48xf32, #tpu.memory_space<vmem>> -> memref<1x80x48xf32, #tpu.memory_space<vmem>>
      %dma_start3A_388 = tpu.memref_squeeze %dma_start3A_387 : memref<1x80x48xf32, #tpu.memory_space<vmem>> -> memref<80x48xf32, #tpu.memory_space<vmem>>
      %dma_start3A_389 = arith.constant 0 : i32
      %dma_start3A_390 = tpu.memref_slice %arg7[%add3A_383, %dma_start3A_389] : memref<125x80xi32, #tpu.memory_space<vmem>> -> memref<1x80xi32, #tpu.memory_space<vmem>>
      %dma_start3A_391 = tpu.memref_squeeze %dma_start3A_390 : memref<1x80xi32, #tpu.memory_space<vmem>> -> memref<80xi32, #tpu.memory_space<vmem>>
      %dma_start3A_392 = arith.constant 0 : i32
      %dma_start3A_393 = arith.constant 0 : i32
      %dma_start3A_394 = tpu.memref_slice %arg2[%dma_start3A_392, %dma_start3A_393] : memref<10000x48xf32, #tpu.memory_space<hbm>> -> memref<10000x48xf32, #tpu.memory_space<hbm>>
      tpu.enqueue_indirect_dma source(%dma_start3A_394 : memref<10000x48xf32, #tpu.memory_space<hbm>>) target(%dma_start3A_388 : memref<80x48xf32, #tpu.memory_space<vmem>>) offsets(%dma_start3A_391 : memref<80xi32, #tpu.memory_space<vmem>>) semaphore(%arg13 : memref<!tpu.dma_semaphore, #tpu.memory_space<semaphore_mem>>)
      %add3A_395 = arith.constant 3 : i32
      %add3A_396 = arith.addi %add3A_250, %add3A_395 : i32
      %dma_wait3A_397 = arith.constant 3 : i32
      %dma_wait3A_398 = arith.constant 0 : i32
      %dma_wait3A_399 = arith.constant 0 : i32
      %dma_wait3A_400 = tpu.memref_slice %arg9[%dma_wait3A_397, %dma_wait3A_398, %dma_wait3A_399] : memref<5x80x48xf32, #tpu.memory_space<vmem>> -> memref<1x80x48xf32, #tpu.memory_space<vmem>>
      %dma_wait3A_401 = tpu.memref_squeeze %dma_wait3A_400 : memref<1x80x48xf32, #tpu.memory_space<vmem>> -> memref<80x48xf32, #tpu.memory_space<vmem>>
      %dma_wait3A_402 = arith.constant 0 : i32
      %dma_wait3A_403 = tpu.memref_slice %arg7[%add3A_396, %dma_wait3A_402] : memref<125x80xi32, #tpu.memory_space<vmem>> -> memref<1x80xi32, #tpu.memory_space<vmem>>
      %dma_wait3A_404 = tpu.memref_squeeze %dma_wait3A_403 : memref<1x80xi32, #tpu.memory_space<vmem>> -> memref<80xi32, #tpu.memory_space<vmem>>
      %dma_wait3A_405 = arith.constant 0 : i32
      %dma_wait3A_406 = arith.constant 0 : i32
      %dma_wait3A_407 = tpu.memref_slice %arg2[%dma_wait3A_405, %dma_wait3A_406] : memref<10000x48xf32, #tpu.memory_space<hbm>> -> memref<10000x48xf32, #tpu.memory_space<hbm>>
      tpu.wait_indirect_dma semaphore(%arg14 : memref<!tpu.dma_semaphore, #tpu.memory_space<semaphore_mem>>) src(%dma_wait3A_407 : memref<10000x48xf32, #tpu.memory_space<hbm>>) dst(%dma_wait3A_401 : memref<80x48xf32, #tpu.memory_space<vmem>>)
      %dma_start3A_408 = arith.constant 3 : i32
      %dma_start3A_409 = arith.constant 0 : i32
      %dma_start3A_410 = arith.constant 0 : i32
      %dma_start3A_411 = tpu.memref_slice %arg9[%dma_start3A_408, %dma_start3A_409, %dma_start3A_410] : memref<5x80x48xf32, #tpu.memory_space<vmem>> -> memref<1x80x48xf32, #tpu.memory_space<vmem>>
      %dma_start3A_412 = tpu.memref_squeeze %dma_start3A_411 : memref<1x80x48xf32, #tpu.memory_space<vmem>> -> memref<80x48xf32, #tpu.memory_space<vmem>>
      %dma_start3A_413 = arith.constant 0 : i32
      %dma_start3A_414 = tpu.memref_slice %arg8[%add3A_396, %dma_start3A_413] : memref<125x80xi32, #tpu.memory_space<vmem>> -> memref<1x80xi32, #tpu.memory_space<vmem>>
      %dma_start3A_415 = tpu.memref_squeeze %dma_start3A_414 : memref<1x80xi32, #tpu.memory_space<vmem>> -> memref<80xi32, #tpu.memory_space<vmem>>
      %dma_start3A_416 = arith.constant 0 : i32
      %dma_start3A_417 = arith.constant 0 : i32
      %dma_start3A_418 = tpu.memref_slice %arg10[%dma_start3A_416, %dma_start3A_417] : memref<10240x48xf32, #tpu.memory_space<vmem_shared>> -> memref<10240x48xf32, #tpu.memory_space<vmem_shared>>
      tpu.enqueue_indirect_dma source(%dma_start3A_412 : memref<80x48xf32, #tpu.memory_space<vmem>>) target(%dma_start3A_418 : memref<10240x48xf32, #tpu.memory_space<vmem_shared>>) offsets(%dma_start3A_415 : memref<80xi32, #tpu.memory_space<vmem>>) semaphore(%arg19 : memref<!tpu.dma_semaphore, #tpu.memory_space<semaphore_mem>>) {add = true}
      %dma_wait3A_419 = arith.constant 3 : i32
      %dma_wait3A_420 = arith.constant 0 : i32
      %dma_wait3A_421 = arith.constant 0 : i32
      %dma_wait3A_422 = tpu.memref_slice %arg9[%dma_wait3A_419, %dma_wait3A_420, %dma_wait3A_421] : memref<5x80x48xf32, #tpu.memory_space<vmem>> -> memref<1x80x48xf32, #tpu.memory_space<vmem>>
      %dma_wait3A_423 = tpu.memref_squeeze %dma_wait3A_422 : memref<1x80x48xf32, #tpu.memory_space<vmem>> -> memref<80x48xf32, #tpu.memory_space<vmem>>
      %dma_wait3A_424 = arith.constant 0 : i32
      %dma_wait3A_425 = tpu.memref_slice %arg8[%add3A_396, %dma_wait3A_424] : memref<125x80xi32, #tpu.memory_space<vmem>> -> memref<1x80xi32, #tpu.memory_space<vmem>>
      %dma_wait3A_426 = tpu.memref_squeeze %dma_wait3A_425 : memref<1x80xi32, #tpu.memory_space<vmem>> -> memref<80xi32, #tpu.memory_space<vmem>>
      %dma_wait3A_427 = arith.constant 0 : i32
      %dma_wait3A_428 = arith.constant 0 : i32
      %dma_wait3A_429 = tpu.memref_slice %arg10[%dma_wait3A_427, %dma_wait3A_428] : memref<10240x48xf32, #tpu.memory_space<vmem_shared>> -> memref<10240x48xf32, #tpu.memory_space<vmem_shared>>
      tpu.wait_indirect_dma semaphore(%arg19 : memref<!tpu.dma_semaphore, #tpu.memory_space<semaphore_mem>>) src(%dma_wait3A_423 : memref<80x48xf32, #tpu.memory_space<vmem>>) dst(%dma_wait3A_429 : memref<10240x48xf32, #tpu.memory_space<vmem_shared>>)
      %add3A_430 = arith.constant 5 : i32
      %add3A_431 = arith.addi %add3A_396, %add3A_430 : i32
      %dma_start3A_432 = arith.constant 3 : i32
      %dma_start3A_433 = arith.constant 0 : i32
      %dma_start3A_434 = arith.constant 0 : i32
      %dma_start3A_435 = tpu.memref_slice %arg9[%dma_start3A_432, %dma_start3A_433, %dma_start3A_434] : memref<5x80x48xf32, #tpu.memory_space<vmem>> -> memref<1x80x48xf32, #tpu.memory_space<vmem>>
      %dma_start3A_436 = tpu.memref_squeeze %dma_start3A_435 : memref<1x80x48xf32, #tpu.memory_space<vmem>> -> memref<80x48xf32, #tpu.memory_space<vmem>>
      %dma_start3A_437 = arith.constant 0 : i32
      %dma_start3A_438 = tpu.memref_slice %arg7[%add3A_431, %dma_start3A_437] : memref<125x80xi32, #tpu.memory_space<vmem>> -> memref<1x80xi32, #tpu.memory_space<vmem>>
      %dma_start3A_439 = tpu.memref_squeeze %dma_start3A_438 : memref<1x80xi32, #tpu.memory_space<vmem>> -> memref<80xi32, #tpu.memory_space<vmem>>
      %dma_start3A_440 = arith.constant 0 : i32
      %dma_start3A_441 = arith.constant 0 : i32
      %dma_start3A_442 = tpu.memref_slice %arg2[%dma_start3A_440, %dma_start3A_441] : memref<10000x48xf32, #tpu.memory_space<hbm>> -> memref<10000x48xf32, #tpu.memory_space<hbm>>
      tpu.enqueue_indirect_dma source(%dma_start3A_442 : memref<10000x48xf32, #tpu.memory_space<hbm>>) target(%dma_start3A_436 : memref<80x48xf32, #tpu.memory_space<vmem>>) offsets(%dma_start3A_439 : memref<80xi32, #tpu.memory_space<vmem>>) semaphore(%arg14 : memref<!tpu.dma_semaphore, #tpu.memory_space<semaphore_mem>>)
      %add3A_443 = arith.constant 4 : i32
      %add3A_444 = arith.addi %add3A_250, %add3A_443 : i32
      %dma_wait3A_445 = arith.constant 4 : i32
      %dma_wait3A_446 = arith.constant 0 : i32
      %dma_wait3A_447 = arith.constant 0 : i32
      %dma_wait3A_448 = tpu.memref_slice %arg9[%dma_wait3A_445, %dma_wait3A_446, %dma_wait3A_447] : memref<5x80x48xf32, #tpu.memory_space<vmem>> -> memref<1x80x48xf32, #tpu.memory_space<vmem>>
      %dma_wait3A_449 = tpu.memref_squeeze %dma_wait3A_448 : memref<1x80x48xf32, #tpu.memory_space<vmem>> -> memref<80x48xf32, #tpu.memory_space<vmem>>
      %dma_wait3A_450 = arith.constant 0 : i32
      %dma_wait3A_451 = tpu.memref_slice %arg7[%add3A_444, %dma_wait3A_450] : memref<125x80xi32, #tpu.memory_space<vmem>> -> memref<1x80xi32, #tpu.memory_space<vmem>>
      %dma_wait3A_452 = tpu.memref_squeeze %dma_wait3A_451 : memref<1x80xi32, #tpu.memory_space<vmem>> -> memref<80xi32, #tpu.memory_space<vmem>>
      %dma_wait3A_453 = arith.constant 0 : i32
      %dma_wait3A_454 = arith.constant 0 : i32
      %dma_wait3A_455 = tpu.memref_slice %arg2[%dma_wait3A_453, %dma_wait3A_454] : memref<10000x48xf32, #tpu.memory_space<hbm>> -> memref<10000x48xf32, #tpu.memory_space<hbm>>
      tpu.wait_indirect_dma semaphore(%arg15 : memref<!tpu.dma_semaphore, #tpu.memory_space<semaphore_mem>>) src(%dma_wait3A_455 : memref<10000x48xf32, #tpu.memory_space<hbm>>) dst(%dma_wait3A_449 : memref<80x48xf32, #tpu.memory_space<vmem>>)
      %dma_start3A_456 = arith.constant 4 : i32
      %dma_start3A_457 = arith.constant 0 : i32
      %dma_start3A_458 = arith.constant 0 : i32
      %dma_start3A_459 = tpu.memref_slice %arg9[%dma_start3A_456, %dma_start3A_457, %dma_start3A_458] : memref<5x80x48xf32, #tpu.memory_space<vmem>> -> memref<1x80x48xf32, #tpu.memory_space<vmem>>
      %dma_start3A_460 = tpu.memref_squeeze %dma_start3A_459 : memref<1x80x48xf32, #tpu.memory_space<vmem>> -> memref<80x48xf32, #tpu.memory_space<vmem>>
      %dma_start3A_461 = arith.constant 0 : i32
      %dma_start3A_462 = tpu.memref_slice %arg8[%add3A_444, %dma_start3A_461] : memref<125x80xi32, #tpu.memory_space<vmem>> -> memref<1x80xi32, #tpu.memory_space<vmem>>
      %dma_start3A_463 = tpu.memref_squeeze %dma_start3A_462 : memref<1x80xi32, #tpu.memory_space<vmem>> -> memref<80xi32, #tpu.memory_space<vmem>>
      %dma_start3A_464 = arith.constant 0 : i32
      %dma_start3A_465 = arith.constant 0 : i32
      %dma_start3A_466 = tpu.memref_slice %arg10[%dma_start3A_464, %dma_start3A_465] : memref<10240x48xf32, #tpu.memory_space<vmem_shared>> -> memref<10240x48xf32, #tpu.memory_space<vmem_shared>>
      tpu.enqueue_indirect_dma source(%dma_start3A_460 : memref<80x48xf32, #tpu.memory_space<vmem>>) target(%dma_start3A_466 : memref<10240x48xf32, #tpu.memory_space<vmem_shared>>) offsets(%dma_start3A_463 : memref<80xi32, #tpu.memory_space<vmem>>) semaphore(%arg20 : memref<!tpu.dma_semaphore, #tpu.memory_space<semaphore_mem>>) {add = true}
      %dma_wait3A_467 = arith.constant 4 : i32
      %dma_wait3A_468 = arith.constant 0 : i32
      %dma_wait3A_469 = arith.constant 0 : i32
      %dma_wait3A_470 = tpu.memref_slice %arg9[%dma_wait3A_467, %dma_wait3A_468, %dma_wait3A_469] : memref<5x80x48xf32, #tpu.memory_space<vmem>> -> memref<1x80x48xf32, #tpu.memory_space<vmem>>
      %dma_wait3A_471 = tpu.memref_squeeze %dma_wait3A_470 : memref<1x80x48xf32, #tpu.memory_space<vmem>> -> memref<80x48xf32, #tpu.memory_space<vmem>>
      %dma_wait3A_472 = arith.constant 0 : i32
      %dma_wait3A_473 = tpu.memref_slice %arg8[%add3A_444, %dma_wait3A_472] : memref<125x80xi32, #tpu.memory_space<vmem>> -> memref<1x80xi32, #tpu.memory_space<vmem>>
      %dma_wait3A_474 = tpu.memref_squeeze %dma_wait3A_473 : memref<1x80xi32, #tpu.memory_space<vmem>> -> memref<80xi32, #tpu.memory_space<vmem>>
      %dma_wait3A_475 = arith.constant 0 : i32
      %dma_wait3A_476 = arith.constant 0 : i32
      %dma_wait3A_477 = tpu.memref_slice %arg10[%dma_wait3A_475, %dma_wait3A_476] : memref<10240x48xf32, #tpu.memory_space<vmem_shared>> -> memref<10240x48xf32, #tpu.memory_space<vmem_shared>>
      tpu.wait_indirect_dma semaphore(%arg20 : memref<!tpu.dma_semaphore, #tpu.memory_space<semaphore_mem>>) src(%dma_wait3A_471 : memref<80x48xf32, #tpu.memory_space<vmem>>) dst(%dma_wait3A_477 : memref<10240x48xf32, #tpu.memory_space<vmem_shared>>)
      %add3A_478 = arith.constant 5 : i32
      %add3A_479 = arith.addi %add3A_444, %add3A_478 : i32
      %dma_start3A_480 = arith.constant 4 : i32
      %dma_start3A_481 = arith.constant 0 : i32
      %dma_start3A_482 = arith.constant 0 : i32
      %dma_start3A_483 = tpu.memref_slice %arg9[%dma_start3A_480, %dma_start3A_481, %dma_start3A_482] : memref<5x80x48xf32, #tpu.memory_space<vmem>> -> memref<1x80x48xf32, #tpu.memory_space<vmem>>
      %dma_start3A_484 = tpu.memref_squeeze %dma_start3A_483 : memref<1x80x48xf32, #tpu.memory_space<vmem>> -> memref<80x48xf32, #tpu.memory_space<vmem>>
      %dma_start3A_485 = arith.constant 0 : i32
      %dma_start3A_486 = tpu.memref_slice %arg7[%add3A_479, %dma_start3A_485] : memref<125x80xi32, #tpu.memory_space<vmem>> -> memref<1x80xi32, #tpu.memory_space<vmem>>
      %dma_start3A_487 = tpu.memref_squeeze %dma_start3A_486 : memref<1x80xi32, #tpu.memory_space<vmem>> -> memref<80xi32, #tpu.memory_space<vmem>>
      %dma_start3A_488 = arith.constant 0 : i32
      %dma_start3A_489 = arith.constant 0 : i32
      %dma_start3A_490 = tpu.memref_slice %arg2[%dma_start3A_488, %dma_start3A_489] : memref<10000x48xf32, #tpu.memory_space<hbm>> -> memref<10000x48xf32, #tpu.memory_space<hbm>>
      tpu.enqueue_indirect_dma source(%dma_start3A_490 : memref<10000x48xf32, #tpu.memory_space<hbm>>) target(%dma_start3A_484 : memref<80x48xf32, #tpu.memory_space<vmem>>) offsets(%dma_start3A_487 : memref<80xi32, #tpu.memory_space<vmem>>) semaphore(%arg15 : memref<!tpu.dma_semaphore, #tpu.memory_space<semaphore_mem>>)
    }
    %scan3A_65 = arith.constant 24 : i32
    %dma_wait3A = arith.constant 120 : i32
    %dma_wait3A_66 = arith.constant 0 : i32
    %dma_wait3A_67 = arith.constant 0 : i32
    %dma_wait3A_68 = arith.constant 0 : i32
    %dma_wait3A_69 = tpu.memref_slice %arg9[%dma_wait3A_66, %dma_wait3A_67, %dma_wait3A_68] : memref<5x80x48xf32, #tpu.memory_space<vmem>> -> memref<1x80x48xf32, #tpu.memory_space<vmem>>
    %dma_wait3A_70 = tpu.memref_squeeze %dma_wait3A_69 : memref<1x80x48xf32, #tpu.memory_space<vmem>> -> memref<80x48xf32, #tpu.memory_space<vmem>>
    %dma_wait3A_71 = arith.constant 0 : i32
    %dma_wait3A_72 = tpu.memref_slice %arg7[%dma_wait3A, %dma_wait3A_71] : memref<125x80xi32, #tpu.memory_space<vmem>> -> memref<1x80xi32, #tpu.memory_space<vmem>>
    %dma_wait3A_73 = tpu.memref_squeeze %dma_wait3A_72 : memref<1x80xi32, #tpu.memory_space<vmem>> -> memref<80xi32, #tpu.memory_space<vmem>>
    %dma_wait3A_74 = arith.constant 0 : i32
    %dma_wait3A_75 = arith.constant 0 : i32
    %dma_wait3A_76 = tpu.memref_slice %arg2[%dma_wait3A_74, %dma_wait3A_75] : memref<10000x48xf32, #tpu.memory_space<hbm>> -> memref<10000x48xf32, #tpu.memory_space<hbm>>
    tpu.wait_indirect_dma semaphore(%arg11 : memref<!tpu.dma_semaphore, #tpu.memory_space<semaphore_mem>>) src(%dma_wait3A_76 : memref<10000x48xf32, #tpu.memory_space<hbm>>) dst(%dma_wait3A_70 : memref<80x48xf32, #tpu.memory_space<vmem>>)
    %dma_start3A_77 = arith.constant 0 : i32
    %dma_start3A_78 = arith.constant 120 : i32
    %dma_start3A_79 = arith.constant 0 : i32
    %dma_start3A_80 = arith.constant 0 : i32
    %dma_start3A_81 = tpu.memref_slice %arg9[%dma_start3A_77, %dma_start3A_79, %dma_start3A_80] : memref<5x80x48xf32, #tpu.memory_space<vmem>> -> memref<1x80x48xf32, #tpu.memory_space<vmem>>
    %dma_start3A_82 = tpu.memref_squeeze %dma_start3A_81 : memref<1x80x48xf32, #tpu.memory_space<vmem>> -> memref<80x48xf32, #tpu.memory_space<vmem>>
    %dma_start3A_83 = arith.constant 0 : i32
    %dma_start3A_84 = tpu.memref_slice %arg8[%dma_start3A_78, %dma_start3A_83] : memref<125x80xi32, #tpu.memory_space<vmem>> -> memref<1x80xi32, #tpu.memory_space<vmem>>
    %dma_start3A_85 = tpu.memref_squeeze %dma_start3A_84 : memref<1x80xi32, #tpu.memory_space<vmem>> -> memref<80xi32, #tpu.memory_space<vmem>>
    %dma_start3A_86 = arith.constant 0 : i32
    %dma_start3A_87 = arith.constant 0 : i32
    %dma_start3A_88 = tpu.memref_slice %arg10[%dma_start3A_86, %dma_start3A_87] : memref<10240x48xf32, #tpu.memory_space<vmem_shared>> -> memref<10240x48xf32, #tpu.memory_space<vmem_shared>>
    tpu.enqueue_indirect_dma source(%dma_start3A_82 : memref<80x48xf32, #tpu.memory_space<vmem>>) target(%dma_start3A_88 : memref<10240x48xf32, #tpu.memory_space<vmem_shared>>) offsets(%dma_start3A_85 : memref<80xi32, #tpu.memory_space<vmem>>) semaphore(%arg16 : memref<!tpu.dma_semaphore, #tpu.memory_space<semaphore_mem>>) {add = true}
    %dma_wait3A_89 = arith.constant 0 : i32
    %dma_wait3A_90 = arith.constant 120 : i32
    %dma_wait3A_91 = arith.constant 0 : i32
    %dma_wait3A_92 = arith.constant 0 : i32
    %dma_wait3A_93 = tpu.memref_slice %arg9[%dma_wait3A_89, %dma_wait3A_91, %dma_wait3A_92] : memref<5x80x48xf32, #tpu.memory_space<vmem>> -> memref<1x80x48xf32, #tpu.memory_space<vmem>>
    %dma_wait3A_94 = tpu.memref_squeeze %dma_wait3A_93 : memref<1x80x48xf32, #tpu.memory_space<vmem>> -> memref<80x48xf32, #tpu.memory_space<vmem>>
    %dma_wait3A_95 = arith.constant 0 : i32
    %dma_wait3A_96 = tpu.memref_slice %arg8[%dma_wait3A_90, %dma_wait3A_95] : memref<125x80xi32, #tpu.memory_space<vmem>> -> memref<1x80xi32, #tpu.memory_space<vmem>>
    %dma_wait3A_97 = tpu.memref_squeeze %dma_wait3A_96 : memref<1x80xi32, #tpu.memory_space<vmem>> -> memref<80xi32, #tpu.memory_space<vmem>>
    %dma_wait3A_98 = arith.constant 0 : i32
    %dma_wait3A_99 = arith.constant 0 : i32
    %dma_wait3A_100 = tpu.memref_slice %arg10[%dma_wait3A_98, %dma_wait3A_99] : memref<10240x48xf32, #tpu.memory_space<vmem_shared>> -> memref<10240x48xf32, #tpu.memory_space<vmem_shared>>
    tpu.wait_indirect_dma semaphore(%arg16 : memref<!tpu.dma_semaphore, #tpu.memory_space<semaphore_mem>>) src(%dma_wait3A_94 : memref<80x48xf32, #tpu.memory_space<vmem>>) dst(%dma_wait3A_100 : memref<10240x48xf32, #tpu.memory_space<vmem_shared>>)
    %dma_wait3A_101 = arith.constant 121 : i32
    %dma_wait3A_102 = arith.constant 1 : i32
    %dma_wait3A_103 = arith.constant 0 : i32
    %dma_wait3A_104 = arith.constant 0 : i32
    %dma_wait3A_105 = tpu.memref_slice %arg9[%dma_wait3A_102, %dma_wait3A_103, %dma_wait3A_104] : memref<5x80x48xf32, #tpu.memory_space<vmem>> -> memref<1x80x48xf32, #tpu.memory_space<vmem>>
    %dma_wait3A_106 = tpu.memref_squeeze %dma_wait3A_105 : memref<1x80x48xf32, #tpu.memory_space<vmem>> -> memref<80x48xf32, #tpu.memory_space<vmem>>
    %dma_wait3A_107 = arith.constant 0 : i32
    %dma_wait3A_108 = tpu.memref_slice %arg7[%dma_wait3A_101, %dma_wait3A_107] : memref<125x80xi32, #tpu.memory_space<vmem>> -> memref<1x80xi32, #tpu.memory_space<vmem>>
    %dma_wait3A_109 = tpu.memref_squeeze %dma_wait3A_108 : memref<1x80xi32, #tpu.memory_space<vmem>> -> memref<80xi32, #tpu.memory_space<vmem>>
    %dma_wait3A_110 = arith.constant 0 : i32
    %dma_wait3A_111 = arith.constant 0 : i32
    %dma_wait3A_112 = tpu.memref_slice %arg2[%dma_wait3A_110, %dma_wait3A_111] : memref<10000x48xf32, #tpu.memory_space<hbm>> -> memref<10000x48xf32, #tpu.memory_space<hbm>>
    tpu.wait_indirect_dma semaphore(%arg12 : memref<!tpu.dma_semaphore, #tpu.memory_space<semaphore_mem>>) src(%dma_wait3A_112 : memref<10000x48xf32, #tpu.memory_space<hbm>>) dst(%dma_wait3A_106 : memref<80x48xf32, #tpu.memory_space<vmem>>)
    %dma_start3A_113 = arith.constant 1 : i32
    %dma_start3A_114 = arith.constant 121 : i32
    %dma_start3A_115 = arith.constant 0 : i32
    %dma_start3A_116 = arith.constant 0 : i32
    %dma_start3A_117 = tpu.memref_slice %arg9[%dma_start3A_113, %dma_start3A_115, %dma_start3A_116] : memref<5x80x48xf32, #tpu.memory_space<vmem>> -> memref<1x80x48xf32, #tpu.memory_space<vmem>>
    %dma_start3A_118 = tpu.memref_squeeze %dma_start3A_117 : memref<1x80x48xf32, #tpu.memory_space<vmem>> -> memref<80x48xf32, #tpu.memory_space<vmem>>
    %dma_start3A_119 = arith.constant 0 : i32
    %dma_start3A_120 = tpu.memref_slice %arg8[%dma_start3A_114, %dma_start3A_119] : memref<125x80xi32, #tpu.memory_space<vmem>> -> memref<1x80xi32, #tpu.memory_space<vmem>>
    %dma_start3A_121 = tpu.memref_squeeze %dma_start3A_120 : memref<1x80xi32, #tpu.memory_space<vmem>> -> memref<80xi32, #tpu.memory_space<vmem>>
    %dma_start3A_122 = arith.constant 0 : i32
    %dma_start3A_123 = arith.constant 0 : i32
    %dma_start3A_124 = tpu.memref_slice %arg10[%dma_start3A_122, %dma_start3A_123] : memref<10240x48xf32, #tpu.memory_space<vmem_shared>> -> memref<10240x48xf32, #tpu.memory_space<vmem_shared>>
    tpu.enqueue_indirect_dma source(%dma_start3A_118 : memref<80x48xf32, #tpu.memory_space<vmem>>) target(%dma_start3A_124 : memref<10240x48xf32, #tpu.memory_space<vmem_shared>>) offsets(%dma_start3A_121 : memref<80xi32, #tpu.memory_space<vmem>>) semaphore(%arg17 : memref<!tpu.dma_semaphore, #tpu.memory_space<semaphore_mem>>) {add = true}
    %dma_wait3A_125 = arith.constant 1 : i32
    %dma_wait3A_126 = arith.constant 121 : i32
    %dma_wait3A_127 = arith.constant 0 : i32
    %dma_wait3A_128 = arith.constant 0 : i32
    %dma_wait3A_129 = tpu.memref_slice %arg9[%dma_wait3A_125, %dma_wait3A_127, %dma_wait3A_128] : memref<5x80x48xf32, #tpu.memory_space<vmem>> -> memref<1x80x48xf32, #tpu.memory_space<vmem>>
    %dma_wait3A_130 = tpu.memref_squeeze %dma_wait3A_129 : memref<1x80x48xf32, #tpu.memory_space<vmem>> -> memref<80x48xf32, #tpu.memory_space<vmem>>
    %dma_wait3A_131 = arith.constant 0 : i32
    %dma_wait3A_132 = tpu.memref_slice %arg8[%dma_wait3A_126, %dma_wait3A_131] : memref<125x80xi32, #tpu.memory_space<vmem>> -> memref<1x80xi32, #tpu.memory_space<vmem>>
    %dma_wait3A_133 = tpu.memref_squeeze %dma_wait3A_132 : memref<1x80xi32, #tpu.memory_space<vmem>> -> memref<80xi32, #tpu.memory_space<vmem>>
    %dma_wait3A_134 = arith.constant 0 : i32
    %dma_wait3A_135 = arith.constant 0 : i32
    %dma_wait3A_136 = tpu.memref_slice %arg10[%dma_wait3A_134, %dma_wait3A_135] : memref<10240x48xf32, #tpu.memory_space<vmem_shared>> -> memref<10240x48xf32, #tpu.memory_space<vmem_shared>>
    tpu.wait_indirect_dma semaphore(%arg17 : memref<!tpu.dma_semaphore, #tpu.memory_space<semaphore_mem>>) src(%dma_wait3A_130 : memref<80x48xf32, #tpu.memory_space<vmem>>) dst(%dma_wait3A_136 : memref<10240x48xf32, #tpu.memory_space<vmem_shared>>)
    %dma_wait3A_137 = arith.constant 122 : i32
    %dma_wait3A_138 = arith.constant 2 : i32
    %dma_wait3A_139 = arith.constant 0 : i32
    %dma_wait3A_140 = arith.constant 0 : i32
    %dma_wait3A_141 = tpu.memref_slice %arg9[%dma_wait3A_138, %dma_wait3A_139, %dma_wait3A_140] : memref<5x80x48xf32, #tpu.memory_space<vmem>> -> memref<1x80x48xf32, #tpu.memory_space<vmem>>
    %dma_wait3A_142 = tpu.memref_squeeze %dma_wait3A_141 : memref<1x80x48xf32, #tpu.memory_space<vmem>> -> memref<80x48xf32, #tpu.memory_space<vmem>>
    %dma_wait3A_143 = arith.constant 0 : i32
    %dma_wait3A_144 = tpu.memref_slice %arg7[%dma_wait3A_137, %dma_wait3A_143] : memref<125x80xi32, #tpu.memory_space<vmem>> -> memref<1x80xi32, #tpu.memory_space<vmem>>
    %dma_wait3A_145 = tpu.memref_squeeze %dma_wait3A_144 : memref<1x80xi32, #tpu.memory_space<vmem>> -> memref<80xi32, #tpu.memory_space<vmem>>
    %dma_wait3A_146 = arith.constant 0 : i32
    %dma_wait3A_147 = arith.constant 0 : i32
    %dma_wait3A_148 = tpu.memref_slice %arg2[%dma_wait3A_146, %dma_wait3A_147] : memref<10000x48xf32, #tpu.memory_space<hbm>> -> memref<10000x48xf32, #tpu.memory_space<hbm>>
    tpu.wait_indirect_dma semaphore(%arg13 : memref<!tpu.dma_semaphore, #tpu.memory_space<semaphore_mem>>) src(%dma_wait3A_148 : memref<10000x48xf32, #tpu.memory_space<hbm>>) dst(%dma_wait3A_142 : memref<80x48xf32, #tpu.memory_space<vmem>>)
    %dma_start3A_149 = arith.constant 2 : i32
    %dma_start3A_150 = arith.constant 122 : i32
    %dma_start3A_151 = arith.constant 0 : i32
    %dma_start3A_152 = arith.constant 0 : i32
    %dma_start3A_153 = tpu.memref_slice %arg9[%dma_start3A_149, %dma_start3A_151, %dma_start3A_152] : memref<5x80x48xf32, #tpu.memory_space<vmem>> -> memref<1x80x48xf32, #tpu.memory_space<vmem>>
    %dma_start3A_154 = tpu.memref_squeeze %dma_start3A_153 : memref<1x80x48xf32, #tpu.memory_space<vmem>> -> memref<80x48xf32, #tpu.memory_space<vmem>>
    %dma_start3A_155 = arith.constant 0 : i32
    %dma_start3A_156 = tpu.memref_slice %arg8[%dma_start3A_150, %dma_start3A_155] : memref<125x80xi32, #tpu.memory_space<vmem>> -> memref<1x80xi32, #tpu.memory_space<vmem>>
    %dma_start3A_157 = tpu.memref_squeeze %dma_start3A_156 : memref<1x80xi32, #tpu.memory_space<vmem>> -> memref<80xi32, #tpu.memory_space<vmem>>
    %dma_start3A_158 = arith.constant 0 : i32
    %dma_start3A_159 = arith.constant 0 : i32
    %dma_start3A_160 = tpu.memref_slice %arg10[%dma_start3A_158, %dma_start3A_159] : memref<10240x48xf32, #tpu.memory_space<vmem_shared>> -> memref<10240x48xf32, #tpu.memory_space<vmem_shared>>
    tpu.enqueue_indirect_dma source(%dma_start3A_154 : memref<80x48xf32, #tpu.memory_space<vmem>>) target(%dma_start3A_160 : memref<10240x48xf32, #tpu.memory_space<vmem_shared>>) offsets(%dma_start3A_157 : memref<80xi32, #tpu.memory_space<vmem>>) semaphore(%arg18 : memref<!tpu.dma_semaphore, #tpu.memory_space<semaphore_mem>>) {add = true}
    %dma_wait3A_161 = arith.constant 2 : i32
    %dma_wait3A_162 = arith.constant 122 : i32
    %dma_wait3A_163 = arith.constant 0 : i32
    %dma_wait3A_164 = arith.constant 0 : i32
    %dma_wait3A_165 = tpu.memref_slice %arg9[%dma_wait3A_161, %dma_wait3A_163, %dma_wait3A_164] : memref<5x80x48xf32, #tpu.memory_space<vmem>> -> memref<1x80x48xf32, #tpu.memory_space<vmem>>
    %dma_wait3A_166 = tpu.memref_squeeze %dma_wait3A_165 : memref<1x80x48xf32, #tpu.memory_space<vmem>> -> memref<80x48xf32, #tpu.memory_space<vmem>>
    %dma_wait3A_167 = arith.constant 0 : i32
    %dma_wait3A_168 = tpu.memref_slice %arg8[%dma_wait3A_162, %dma_wait3A_167] : memref<125x80xi32, #tpu.memory_space<vmem>> -> memref<1x80xi32, #tpu.memory_space<vmem>>
    %dma_wait3A_169 = tpu.memref_squeeze %dma_wait3A_168 : memref<1x80xi32, #tpu.memory_space<vmem>> -> memref<80xi32, #tpu.memory_space<vmem>>
    %dma_wait3A_170 = arith.constant 0 : i32
    %dma_wait3A_171 = arith.constant 0 : i32
    %dma_wait3A_172 = tpu.memref_slice %arg10[%dma_wait3A_170, %dma_wait3A_171] : memref<10240x48xf32, #tpu.memory_space<vmem_shared>> -> memref<10240x48xf32, #tpu.memory_space<vmem_shared>>
    tpu.wait_indirect_dma semaphore(%arg18 : memref<!tpu.dma_semaphore, #tpu.memory_space<semaphore_mem>>) src(%dma_wait3A_166 : memref<80x48xf32, #tpu.memory_space<vmem>>) dst(%dma_wait3A_172 : memref<10240x48xf32, #tpu.memory_space<vmem_shared>>)
    %dma_wait3A_173 = arith.constant 123 : i32
    %dma_wait3A_174 = arith.constant 3 : i32
    %dma_wait3A_175 = arith.constant 0 : i32
    %dma_wait3A_176 = arith.constant 0 : i32
    %dma_wait3A_177 = tpu.memref_slice %arg9[%dma_wait3A_174, %dma_wait3A_175, %dma_wait3A_176] : memref<5x80x48xf32, #tpu.memory_space<vmem>> -> memref<1x80x48xf32, #tpu.memory_space<vmem>>
    %dma_wait3A_178 = tpu.memref_squeeze %dma_wait3A_177 : memref<1x80x48xf32, #tpu.memory_space<vmem>> -> memref<80x48xf32, #tpu.memory_space<vmem>>
    %dma_wait3A_179 = arith.constant 0 : i32
    %dma_wait3A_180 = tpu.memref_slice %arg7[%dma_wait3A_173, %dma_wait3A_179] : memref<125x80xi32, #tpu.memory_space<vmem>> -> memref<1x80xi32, #tpu.memory_space<vmem>>
    %dma_wait3A_181 = tpu.memref_squeeze %dma_wait3A_180 : memref<1x80xi32, #tpu.memory_space<vmem>> -> memref<80xi32, #tpu.memory_space<vmem>>
    %dma_wait3A_182 = arith.constant 0 : i32
    %dma_wait3A_183 = arith.constant 0 : i32
    %dma_wait3A_184 = tpu.memref_slice %arg2[%dma_wait3A_182, %dma_wait3A_183] : memref<10000x48xf32, #tpu.memory_space<hbm>> -> memref<10000x48xf32, #tpu.memory_space<hbm>>
    tpu.wait_indirect_dma semaphore(%arg14 : memref<!tpu.dma_semaphore, #tpu.memory_space<semaphore_mem>>) src(%dma_wait3A_184 : memref<10000x48xf32, #tpu.memory_space<hbm>>) dst(%dma_wait3A_178 : memref<80x48xf32, #tpu.memory_space<vmem>>)
    %dma_start3A_185 = arith.constant 3 : i32
    %dma_start3A_186 = arith.constant 123 : i32
    %dma_start3A_187 = arith.constant 0 : i32
    %dma_start3A_188 = arith.constant 0 : i32
    %dma_start3A_189 = tpu.memref_slice %arg9[%dma_start3A_185, %dma_start3A_187, %dma_start3A_188] : memref<5x80x48xf32, #tpu.memory_space<vmem>> -> memref<1x80x48xf32, #tpu.memory_space<vmem>>
    %dma_start3A_190 = tpu.memref_squeeze %dma_start3A_189 : memref<1x80x48xf32, #tpu.memory_space<vmem>> -> memref<80x48xf32, #tpu.memory_space<vmem>>
    %dma_start3A_191 = arith.constant 0 : i32
    %dma_start3A_192 = tpu.memref_slice %arg8[%dma_start3A_186, %dma_start3A_191] : memref<125x80xi32, #tpu.memory_space<vmem>> -> memref<1x80xi32, #tpu.memory_space<vmem>>
    %dma_start3A_193 = tpu.memref_squeeze %dma_start3A_192 : memref<1x80xi32, #tpu.memory_space<vmem>> -> memref<80xi32, #tpu.memory_space<vmem>>
    %dma_start3A_194 = arith.constant 0 : i32
    %dma_start3A_195 = arith.constant 0 : i32
    %dma_start3A_196 = tpu.memref_slice %arg10[%dma_start3A_194, %dma_start3A_195] : memref<10240x48xf32, #tpu.memory_space<vmem_shared>> -> memref<10240x48xf32, #tpu.memory_space<vmem_shared>>
    tpu.enqueue_indirect_dma source(%dma_start3A_190 : memref<80x48xf32, #tpu.memory_space<vmem>>) target(%dma_start3A_196 : memref<10240x48xf32, #tpu.memory_space<vmem_shared>>) offsets(%dma_start3A_193 : memref<80xi32, #tpu.memory_space<vmem>>) semaphore(%arg19 : memref<!tpu.dma_semaphore, #tpu.memory_space<semaphore_mem>>) {add = true}
    %dma_wait3A_197 = arith.constant 3 : i32
    %dma_wait3A_198 = arith.constant 123 : i32
    %dma_wait3A_199 = arith.constant 0 : i32
    %dma_wait3A_200 = arith.constant 0 : i32
    %dma_wait3A_201 = tpu.memref_slice %arg9[%dma_wait3A_197, %dma_wait3A_199, %dma_wait3A_200] : memref<5x80x48xf32, #tpu.memory_space<vmem>> -> memref<1x80x48xf32, #tpu.memory_space<vmem>>
    %dma_wait3A_202 = tpu.memref_squeeze %dma_wait3A_201 : memref<1x80x48xf32, #tpu.memory_space<vmem>> -> memref<80x48xf32, #tpu.memory_space<vmem>>
    %dma_wait3A_203 = arith.constant 0 : i32
    %dma_wait3A_204 = tpu.memref_slice %arg8[%dma_wait3A_198, %dma_wait3A_203] : memref<125x80xi32, #tpu.memory_space<vmem>> -> memref<1x80xi32, #tpu.memory_space<vmem>>
    %dma_wait3A_205 = tpu.memref_squeeze %dma_wait3A_204 : memref<1x80xi32, #tpu.memory_space<vmem>> -> memref<80xi32, #tpu.memory_space<vmem>>
    %dma_wait3A_206 = arith.constant 0 : i32
    %dma_wait3A_207 = arith.constant 0 : i32
    %dma_wait3A_208 = tpu.memref_slice %arg10[%dma_wait3A_206, %dma_wait3A_207] : memref<10240x48xf32, #tpu.memory_space<vmem_shared>> -> memref<10240x48xf32, #tpu.memory_space<vmem_shared>>
    tpu.wait_indirect_dma semaphore(%arg19 : memref<!tpu.dma_semaphore, #tpu.memory_space<semaphore_mem>>) src(%dma_wait3A_202 : memref<80x48xf32, #tpu.memory_space<vmem>>) dst(%dma_wait3A_208 : memref<10240x48xf32, #tpu.memory_space<vmem_shared>>)
    %dma_wait3A_209 = arith.constant 124 : i32
    %dma_wait3A_210 = arith.constant 4 : i32
    %dma_wait3A_211 = arith.constant 0 : i32
    %dma_wait3A_212 = arith.constant 0 : i32
    %dma_wait3A_213 = tpu.memref_slice %arg9[%dma_wait3A_210, %dma_wait3A_211, %dma_wait3A_212] : memref<5x80x48xf32, #tpu.memory_space<vmem>> -> memref<1x80x48xf32, #tpu.memory_space<vmem>>
    %dma_wait3A_214 = tpu.memref_squeeze %dma_wait3A_213 : memref<1x80x48xf32, #tpu.memory_space<vmem>> -> memref<80x48xf32, #tpu.memory_space<vmem>>
    %dma_wait3A_215 = arith.constant 0 : i32
    %dma_wait3A_216 = tpu.memref_slice %arg7[%dma_wait3A_209, %dma_wait3A_215] : memref<125x80xi32, #tpu.memory_space<vmem>> -> memref<1x80xi32, #tpu.memory_space<vmem>>
    %dma_wait3A_217 = tpu.memref_squeeze %dma_wait3A_216 : memref<1x80xi32, #tpu.memory_space<vmem>> -> memref<80xi32, #tpu.memory_space<vmem>>
    %dma_wait3A_218 = arith.constant 0 : i32
    %dma_wait3A_219 = arith.constant 0 : i32
    %dma_wait3A_220 = tpu.memref_slice %arg2[%dma_wait3A_218, %dma_wait3A_219] : memref<10000x48xf32, #tpu.memory_space<hbm>> -> memref<10000x48xf32, #tpu.memory_space<hbm>>
    tpu.wait_indirect_dma semaphore(%arg15 : memref<!tpu.dma_semaphore, #tpu.memory_space<semaphore_mem>>) src(%dma_wait3A_220 : memref<10000x48xf32, #tpu.memory_space<hbm>>) dst(%dma_wait3A_214 : memref<80x48xf32, #tpu.memory_space<vmem>>)
    %dma_start3A_221 = arith.constant 4 : i32
    %dma_start3A_222 = arith.constant 124 : i32
    %dma_start3A_223 = arith.constant 0 : i32
    %dma_start3A_224 = arith.constant 0 : i32
    %dma_start3A_225 = tpu.memref_slice %arg9[%dma_start3A_221, %dma_start3A_223, %dma_start3A_224] : memref<5x80x48xf32, #tpu.memory_space<vmem>> -> memref<1x80x48xf32, #tpu.memory_space<vmem>>
    %dma_start3A_226 = tpu.memref_squeeze %dma_start3A_225 : memref<1x80x48xf32, #tpu.memory_space<vmem>> -> memref<80x48xf32, #tpu.memory_space<vmem>>
    %dma_start3A_227 = arith.constant 0 : i32
    %dma_start3A_228 = tpu.memref_slice %arg8[%dma_start3A_222, %dma_start3A_227] : memref<125x80xi32, #tpu.memory_space<vmem>> -> memref<1x80xi32, #tpu.memory_space<vmem>>
    %dma_start3A_229 = tpu.memref_squeeze %dma_start3A_228 : memref<1x80xi32, #tpu.memory_space<vmem>> -> memref<80xi32, #tpu.memory_space<vmem>>
    %dma_start3A_230 = arith.constant 0 : i32
    %dma_start3A_231 = arith.constant 0 : i32
    %dma_start3A_232 = tpu.memref_slice %arg10[%dma_start3A_230, %dma_start3A_231] : memref<10240x48xf32, #tpu.memory_space<vmem_shared>> -> memref<10240x48xf32, #tpu.memory_space<vmem_shared>>
    tpu.enqueue_indirect_dma source(%dma_start3A_226 : memref<80x48xf32, #tpu.memory_space<vmem>>) target(%dma_start3A_232 : memref<10240x48xf32, #tpu.memory_space<vmem_shared>>) offsets(%dma_start3A_229 : memref<80xi32, #tpu.memory_space<vmem>>) semaphore(%arg20 : memref<!tpu.dma_semaphore, #tpu.memory_space<semaphore_mem>>) {add = true}
    %dma_wait3A_233 = arith.constant 4 : i32
    %dma_wait3A_234 = arith.constant 124 : i32
    %dma_wait3A_235 = arith.constant 0 : i32
    %dma_wait3A_236 = arith.constant 0 : i32
    %dma_wait3A_237 = tpu.memref_slice %arg9[%dma_wait3A_233, %dma_wait3A_235, %dma_wait3A_236] : memref<5x80x48xf32, #tpu.memory_space<vmem>> -> memref<1x80x48xf32, #tpu.memory_space<vmem>>
    %dma_wait3A_238 = tpu.memref_squeeze %dma_wait3A_237 : memref<1x80x48xf32, #tpu.memory_space<vmem>> -> memref<80x48xf32, #tpu.memory_space<vmem>>
    %dma_wait3A_239 = arith.constant 0 : i32
    %dma_wait3A_240 = tpu.memref_slice %arg8[%dma_wait3A_234, %dma_wait3A_239] : memref<125x80xi32, #tpu.memory_space<vmem>> -> memref<1x80xi32, #tpu.memory_space<vmem>>
    %dma_wait3A_241 = tpu.memref_squeeze %dma_wait3A_240 : memref<1x80xi32, #tpu.memory_space<vmem>> -> memref<80xi32, #tpu.memory_space<vmem>>
    %dma_wait3A_242 = arith.constant 0 : i32
    %dma_wait3A_243 = arith.constant 0 : i32
    %dma_wait3A_244 = tpu.memref_slice %arg10[%dma_wait3A_242, %dma_wait3A_243] : memref<10240x48xf32, #tpu.memory_space<vmem_shared>> -> memref<10240x48xf32, #tpu.memory_space<vmem_shared>>
    tpu.wait_indirect_dma semaphore(%arg20 : memref<!tpu.dma_semaphore, #tpu.memory_space<semaphore_mem>>) src(%dma_wait3A_238 : memref<80x48xf32, #tpu.memory_space<vmem>>) dst(%dma_wait3A_244 : memref<10240x48xf32, #tpu.memory_space<vmem_shared>>)
    %barrier3A_245 = arith.constant 0 : index
    tpu.barrier barrier_id(%barrier3A_245)
    "tpu.region"() ({
      %run_scoped3A = tpu.sem_alloc : memref<!tpu.dma_semaphore, #tpu.memory_space<semaphore_mem>>
      %dma_start3A_246 = arith.constant 0 : i32
      %dma_start3A_247 = tpu.memref_slice %arg6[%arg0, %mul3A_2, %dma_start3A_246] : memref<2x10240x48xf32, #tpu.memory_space<hbm>> -> memref<1x640x48xf32, #tpu.memory_space<hbm>>
      %dma_start3A_248 = tpu.memref_squeeze %dma_start3A_247 : memref<1x640x48xf32, #tpu.memory_space<hbm>> -> memref<640x48xf32, #tpu.memory_space<hbm>>
      %dma_start3A_249 = arith.constant 0 : i32
      %dma_start3A_250 = tpu.memref_slice %arg10[%mul3A_2, %dma_start3A_249] : memref<10240x48xf32, #tpu.memory_space<vmem_shared>> -> memref<640x48xf32, #tpu.memory_space<vmem_shared>>
      tpu.enqueue_dma source(%dma_start3A_250 : memref<640x48xf32, #tpu.memory_space<vmem_shared>>) target(%dma_start3A_248 : memref<640x48xf32, #tpu.memory_space<hbm>>) target_semaphore(%run_scoped3A : memref<!tpu.dma_semaphore, #tpu.memory_space<semaphore_mem>>)
      %dma_wait3A_251 = arith.constant 0 : i32
      %dma_wait3A_252 = tpu.memref_slice %arg6[%arg0, %mul3A_2, %dma_wait3A_251] : memref<2x10240x48xf32, #tpu.memory_space<hbm>> -> memref<1x640x48xf32, #tpu.memory_space<hbm>>
      %dma_wait3A_253 = tpu.memref_squeeze %dma_wait3A_252 : memref<1x640x48xf32, #tpu.memory_space<hbm>> -> memref<640x48xf32, #tpu.memory_space<hbm>>
      %dma_wait3A_254 = arith.constant 0 : i32
      %dma_wait3A_255 = tpu.memref_slice %arg10[%mul3A_2, %dma_wait3A_254] : memref<10240x48xf32, #tpu.memory_space<vmem_shared>> -> memref<640x48xf32, #tpu.memory_space<vmem_shared>>
      tpu.wait_dma2 semaphore(%run_scoped3A : memref<!tpu.dma_semaphore, #tpu.memory_space<semaphore_mem>>) src(%dma_wait3A_255 : memref<640x48xf32, #tpu.memory_space<vmem_shared>>) dst(%dma_wait3A_253 : memref<640x48xf32, #tpu.memory_space<hbm>>)
      tpu.yield
    }) : () -> ()
    return
  }
}

module attributes {stable_mosaic.version = 14 : i64} {
  func.func @body(%arg0: memref<10000x128xf32, #tpu.memory_space<vmem>>, %arg1: memref<128x64xf32, #tpu.memory_space<vmem>>, %arg2: memref<10000x64xf32, #tpu.memory_space<vmem>>) attributes {dimension_semantics = [], scalar_prefetch = 0 : i64, scratch_operands = 0 : i64, tpu.core_type = #tpu.core_type<tc>} {
    %get3A = arith.constant 0 : index
    %get3A_0 = arith.constant 0 : index
    %get3A_1 = vector.load %arg0[%get3A, %get3A_0] : memref<10000x128xf32, #tpu.memory_space<vmem>>, vector<10000x128xf32>
    %get3A_2 = arith.constant 0 : index
    %get3A_3 = arith.constant 0 : index
    %get3A_4 = vector.load %arg1[%get3A_2, %get3A_3] : memref<128x64xf32, #tpu.memory_space<vmem>>, vector<128x64xf32>
    %dot_general3A = arith.constant dense<0.000000e+00> : vector<10000x64xf32>
    %dot_general3A_5 = tpu.matmul %get3A_1, %get3A_4, %dot_general3A {dimension_numbers = #tpu.dot_dimension_numbers<[1], [0], [0], [1], [0, 0, 1, 1], [], []>, transpose_lhs_hint = false} : vector<10000x128xf32>, vector<128x64xf32>, vector<10000x64xf32> -> vector<10000x64xf32>
    %swap3A = arith.constant 0 : index
    %swap3A_6 = arith.constant 0 : index
    %swap3A_7 = vector.load %arg2[%swap3A, %swap3A_6] : memref<10000x64xf32, #tpu.memory_space<vmem>>, vector<10000x64xf32>
    tpu.vector_store %arg2[%swap3A, %swap3A_6], %dot_general3A_5 {strides = array<i32>} : memref<10000x64xf32, #tpu.memory_space<vmem>>, vector<10000x64xf32>,
    return
  }
}

module attributes {stable_mosaic.version = 14 : i64} {
  func.func @body(%arg0: memref<2x10240x16xf32, #tpu.memory_space<vmem>>, %arg1: memref<10000x64xf32, #tpu.memory_space<vmem>>, %arg2: memref<10000x1xf32, #tpu.memory_space<vmem>>, %arg3: memref<10000x64xf32, #tpu.memory_space<vmem>>) attributes {dimension_semantics = [], scalar_prefetch = 0 : i64, scratch_operands = 0 : i64, tpu.core_type = #tpu.core_type<tc>} {
    %get3A = arith.constant 0 : index
    %get3A_0 = arith.constant 0 : index
    %get3A_1 = arith.constant 0 : index
    %get3A_2 = vector.load %arg0[%get3A, %get3A_0, %get3A_1] : memref<2x10240x16xf32, #tpu.memory_space<vmem>>, vector<1x10000x1xf32>
    %get3A_3 = vector.shape_cast %get3A_2 : vector<1x10000x1xf32> to vector<10000x1xf32>
    %get3A_4 = arith.constant 1 : index
    %get3A_5 = arith.constant 0 : index
    %get3A_6 = arith.constant 0 : index
    %get3A_7 = vector.load %arg0[%get3A_4, %get3A_5, %get3A_6] : memref<2x10240x16xf32, #tpu.memory_space<vmem>>, vector<1x10000x1xf32>
    %get3A_8 = vector.shape_cast %get3A_7 : vector<1x10000x1xf32> to vector<10000x1xf32>
    %add3A = arith.addf %get3A_3, %get3A_8 : vector<10000x1xf32>
    %add3A_9 = arith.constant 1.000000e+00 : f32
    %add3A_10 = vector.broadcast %add3A_9 : f32 to vector<10000x1xf32>
    %add3A_11 = arith.addf %add3A, %add3A_10 : vector<10000x1xf32>
    %rsqrt3A = math.rsqrt %add3A_11 : vector<10000x1xf32>
    %swap3A = arith.constant 0 : index
    %swap3A_12 = arith.constant 0 : index
    %swap3A_13 = vector.load %arg2[%swap3A, %swap3A_12] : memref<10000x1xf32, #tpu.memory_space<vmem>>, vector<10000x1xf32>
    tpu.vector_store %arg2[%swap3A, %swap3A_12], %rsqrt3A {strides = array<i32>} : memref<10000x1xf32, #tpu.memory_space<vmem>>, vector<10000x1xf32>,
    %get3A_14 = arith.constant 0 : index
    %get3A_15 = arith.constant 0 : index
    %get3A_16 = vector.load %arg1[%get3A_14, %get3A_15] : memref<10000x64xf32, #tpu.memory_space<vmem>>, vector<10000x64xf32>
    %mul3A = vector.broadcast %rsqrt3A : vector<10000x1xf32> to vector<10000x64xf32>
    %mul3A_17 = arith.mulf %get3A_16, %mul3A : vector<10000x64xf32>
    %swap3A_18 = arith.constant 0 : index
    %swap3A_19 = arith.constant 0 : index
    %swap3A_20 = vector.load %arg3[%swap3A_18, %swap3A_19] : memref<10000x64xf32, #tpu.memory_space<vmem>>, vector<10000x64xf32>
    tpu.vector_store %arg3[%swap3A_18, %swap3A_19], %mul3A_17 {strides = array<i32>} : memref<10000x64xf32, #tpu.memory_space<vmem>>, vector<10000x64xf32>,
    return
  }
}

module attributes {stable_mosaic.version = 14 : i64} {
  func.func @body(%arg0: memref<2x10240x64xf32, #tpu.memory_space<vmem>>, %arg1: memref<10000x64xf32, #tpu.memory_space<vmem>>, %arg2: memref<10000x1xf32, #tpu.memory_space<vmem>>, %arg3: memref<1x64xf32, #tpu.memory_space<vmem>>, %arg4: memref<1x64xf32, #tpu.memory_space<vmem>>, %arg5: memref<1x64xf32, #tpu.memory_space<vmem>>, %arg6: memref<64x128xf32, #tpu.memory_space<vmem>>, %arg7: memref<10000x128xf32, #tpu.memory_space<vmem>>) attributes {dimension_semantics = [], scalar_prefetch = 0 : i64, scratch_operands = 0 : i64, tpu.core_type = #tpu.core_type<tc>} {
    %get3A = arith.constant 0 : index
    %get3A_0 = arith.constant 0 : index
    %get3A_1 = vector.load %arg2[%get3A, %get3A_0] : memref<10000x1xf32, #tpu.memory_space<vmem>>, vector<10000x1xf32>
    %get3A_2 = arith.constant 0 : index
    %get3A_3 = arith.constant 0 : index
    %get3A_4 = arith.constant 0 : index
    %get3A_5 = vector.load %arg0[%get3A_2, %get3A_3, %get3A_4] : memref<2x10240x64xf32, #tpu.memory_space<vmem>>, vector<1x10000x64xf32>
    %get3A_6 = vector.shape_cast %get3A_5 : vector<1x10000x64xf32> to vector<10000x64xf32>
    %get3A_7 = arith.constant 1 : index
    %get3A_8 = arith.constant 0 : index
    %get3A_9 = arith.constant 0 : index
    %get3A_10 = vector.load %arg0[%get3A_7, %get3A_8, %get3A_9] : memref<2x10240x64xf32, #tpu.memory_space<vmem>>, vector<1x10000x64xf32>
    %get3A_11 = vector.shape_cast %get3A_10 : vector<1x10000x64xf32> to vector<10000x64xf32>
    %add3A = arith.addf %get3A_6, %get3A_11 : vector<10000x64xf32>
    %get3A_12 = arith.constant 0 : index
    %get3A_13 = arith.constant 0 : index
    %get3A_14 = vector.load %arg1[%get3A_12, %get3A_13] : memref<10000x64xf32, #tpu.memory_space<vmem>>, vector<10000x64xf32>
    %add3A_15 = arith.addf %add3A, %get3A_14 : vector<10000x64xf32>
    %mul3A = vector.broadcast %get3A_1 : vector<10000x1xf32> to vector<10000x64xf32>
    %mul3A_16 = arith.mulf %add3A_15, %mul3A : vector<10000x64xf32>
    %get3A_17 = arith.constant 0 : index
    %get3A_18 = arith.constant 0 : index
    %get3A_19 = vector.load %arg3[%get3A_17, %get3A_18] : memref<1x64xf32, #tpu.memory_space<vmem>>, vector<1x64xf32>
    %add3A_20 = vector.broadcast %get3A_19 : vector<1x64xf32> to vector<10000x64xf32>
    %add3A_21 = arith.addf %mul3A_16, %add3A_20 : vector<10000x64xf32>
    %reduce_sum3A = arith.constant dense<0.000000e+00> : vector<64xf32>
    %reduce_sum3A_22 = vector.multi_reduction <add>, %add3A_21, %reduce_sum3A [0] : vector<10000x64xf32> to vector<64xf32>
    %broadcast_in_dim3A = vector.shape_cast %reduce_sum3A_22 : vector<64xf32> to vector<1x64xf32>
    %div3A = arith.constant 1.000000e+04 : f32
    %div3A_23 = vector.broadcast %div3A : f32 to vector<1x64xf32>
    %div3A_24 = arith.divf %broadcast_in_dim3A, %div3A_23 : vector<1x64xf32>
    %sub3A = vector.broadcast %div3A_24 : vector<1x64xf32> to vector<10000x64xf32>
    %sub3A_25 = arith.subf %add3A_21, %sub3A : vector<10000x64xf32>
    %mul3A_26 = arith.mulf %sub3A_25, %sub3A_25 : vector<10000x64xf32>
    %reduce_sum3A_27 = arith.constant dense<0.000000e+00> : vector<64xf32>
    %reduce_sum3A_28 = vector.multi_reduction <add>, %mul3A_26, %reduce_sum3A_27 [0] : vector<10000x64xf32> to vector<64xf32>
    %broadcast_in_dim3A_29 = vector.shape_cast %reduce_sum3A_28 : vector<64xf32> to vector<1x64xf32>
    %div3A_30 = arith.constant 1.000000e+04 : f32
    %div3A_31 = vector.broadcast %div3A_30 : f32 to vector<1x64xf32>
    %div3A_32 = arith.divf %broadcast_in_dim3A_29, %div3A_31 : vector<1x64xf32>
    %add3A_33 = arith.constant 9.99999974E-6 : f32
    %add3A_34 = vector.broadcast %add3A_33 : f32 to vector<1x64xf32>
    %add3A_35 = arith.addf %div3A_32, %add3A_34 : vector<1x64xf32>
    %rsqrt3A = math.rsqrt %add3A_35 : vector<1x64xf32>
    %mul3A_36 = vector.broadcast %rsqrt3A : vector<1x64xf32> to vector<10000x64xf32>
    %mul3A_37 = arith.mulf %sub3A_25, %mul3A_36 : vector<10000x64xf32>
    %get3A_38 = arith.constant 0 : index
    %get3A_39 = arith.constant 0 : index
    %get3A_40 = vector.load %arg4[%get3A_38, %get3A_39] : memref<1x64xf32, #tpu.memory_space<vmem>>, vector<1x64xf32>
    %mul3A_41 = vector.broadcast %get3A_40 : vector<1x64xf32> to vector<10000x64xf32>
    %mul3A_42 = arith.mulf %mul3A_37, %mul3A_41 : vector<10000x64xf32>
    %get3A_43 = arith.constant 0 : index
    %get3A_44 = arith.constant 0 : index
    %get3A_45 = vector.load %arg5[%get3A_43, %get3A_44] : memref<1x64xf32, #tpu.memory_space<vmem>>, vector<1x64xf32>
    %add3A_46 = vector.broadcast %get3A_45 : vector<1x64xf32> to vector<10000x64xf32>
    %add3A_47 = arith.addf %mul3A_42, %add3A_46 : vector<10000x64xf32>
    %max3A = arith.constant 0.000000e+00 : f32
    %max3A_48 = vector.broadcast %max3A : f32 to vector<10000x64xf32>
    %max3A_49 = arith.maximumf %add3A_47, %max3A_48 : vector<10000x64xf32>
    %get3A_50 = arith.constant 0 : index
    %get3A_51 = arith.constant 0 : index
    %get3A_52 = vector.load %arg6[%get3A_50, %get3A_51] : memref<64x128xf32, #tpu.memory_space<vmem>>, vector<64x128xf32>
    %dot_general3A = arith.constant dense<0.000000e+00> : vector<10000x128xf32>
    %dot_general3A_53 = tpu.matmul %max3A_49, %get3A_52, %dot_general3A {dimension_numbers = #tpu.dot_dimension_numbers<[1], [0], [0], [1], [0, 0, 1, 1], [], []>, transpose_lhs_hint = false} : vector<10000x64xf32>, vector<64x128xf32>, vector<10000x128xf32> -> vector<10000x128xf32>
    %mul3A_54 = vector.broadcast %get3A_1 : vector<10000x1xf32> to vector<10000x128xf32>
    %mul3A_55 = arith.mulf %dot_general3A_53, %mul3A_54 : vector<10000x128xf32>
    %swap3A = arith.constant 0 : index
    %swap3A_56 = arith.constant 0 : index
    %swap3A_57 = vector.load %arg7[%swap3A, %swap3A_56] : memref<10000x128xf32, #tpu.memory_space<vmem>>, vector<10000x128xf32>
    tpu.vector_store %arg7[%swap3A, %swap3A_56], %mul3A_55 {strides = array<i32>} : memref<10000x128xf32, #tpu.memory_space<vmem>>, vector<10000x128xf32>,
    return
  }
}

module attributes {stable_mosaic.version = 14 : i64} {
  func.func @body(%arg0: memref<2x10240x128xf32, #tpu.memory_space<vmem>>, %arg1: memref<10000x128xf32, #tpu.memory_space<vmem>>, %arg2: memref<10000x1xf32, #tpu.memory_space<vmem>>, %arg3: memref<1x128xf32, #tpu.memory_space<vmem>>, %arg4: memref<1x128xf32, #tpu.memory_space<vmem>>, %arg5: memref<1x128xf32, #tpu.memory_space<vmem>>, %arg6: memref<128x40xf32, #tpu.memory_space<vmem>>, %arg7: memref<10000x40xf32, #tpu.memory_space<vmem>>) attributes {dimension_semantics = [], scalar_prefetch = 0 : i64, scratch_operands = 0 : i64, tpu.core_type = #tpu.core_type<tc>} {
    %get3A = arith.constant 0 : index
    %get3A_0 = arith.constant 0 : index
    %get3A_1 = vector.load %arg2[%get3A, %get3A_0] : memref<10000x1xf32, #tpu.memory_space<vmem>>, vector<10000x1xf32>
    %get3A_2 = arith.constant 0 : index
    %get3A_3 = arith.constant 0 : index
    %get3A_4 = arith.constant 0 : index
    %get3A_5 = vector.load %arg0[%get3A_2, %get3A_3, %get3A_4] : memref<2x10240x128xf32, #tpu.memory_space<vmem>>, vector<1x10000x128xf32>
    %get3A_6 = vector.shape_cast %get3A_5 : vector<1x10000x128xf32> to vector<10000x128xf32>
    %get3A_7 = arith.constant 1 : index
    %get3A_8 = arith.constant 0 : index
    %get3A_9 = arith.constant 0 : index
    %get3A_10 = vector.load %arg0[%get3A_7, %get3A_8, %get3A_9] : memref<2x10240x128xf32, #tpu.memory_space<vmem>>, vector<1x10000x128xf32>
    %get3A_11 = vector.shape_cast %get3A_10 : vector<1x10000x128xf32> to vector<10000x128xf32>
    %add3A = arith.addf %get3A_6, %get3A_11 : vector<10000x128xf32>
    %get3A_12 = arith.constant 0 : index
    %get3A_13 = arith.constant 0 : index
    %get3A_14 = vector.load %arg1[%get3A_12, %get3A_13] : memref<10000x128xf32, #tpu.memory_space<vmem>>, vector<10000x128xf32>
    %add3A_15 = arith.addf %add3A, %get3A_14 : vector<10000x128xf32>
    %mul3A = vector.broadcast %get3A_1 : vector<10000x1xf32> to vector<10000x128xf32>
    %mul3A_16 = arith.mulf %add3A_15, %mul3A : vector<10000x128xf32>
    %get3A_17 = arith.constant 0 : index
    %get3A_18 = arith.constant 0 : index
    %get3A_19 = vector.load %arg3[%get3A_17, %get3A_18] : memref<1x128xf32, #tpu.memory_space<vmem>>, vector<1x128xf32>
    %add3A_20 = vector.broadcast %get3A_19 : vector<1x128xf32> to vector<10000x128xf32>
    %add3A_21 = arith.addf %mul3A_16, %add3A_20 : vector<10000x128xf32>
    %reduce_sum3A = arith.constant dense<0.000000e+00> : vector<128xf32>
    %reduce_sum3A_22 = vector.multi_reduction <add>, %add3A_21, %reduce_sum3A [0] : vector<10000x128xf32> to vector<128xf32>
    %broadcast_in_dim3A = vector.shape_cast %reduce_sum3A_22 : vector<128xf32> to vector<1x128xf32>
    %div3A = arith.constant 1.000000e+04 : f32
    %div3A_23 = vector.broadcast %div3A : f32 to vector<1x128xf32>
    %div3A_24 = arith.divf %broadcast_in_dim3A, %div3A_23 : vector<1x128xf32>
    %sub3A = vector.broadcast %div3A_24 : vector<1x128xf32> to vector<10000x128xf32>
    %sub3A_25 = arith.subf %add3A_21, %sub3A : vector<10000x128xf32>
    %mul3A_26 = arith.mulf %sub3A_25, %sub3A_25 : vector<10000x128xf32>
    %reduce_sum3A_27 = arith.constant dense<0.000000e+00> : vector<128xf32>
    %reduce_sum3A_28 = vector.multi_reduction <add>, %mul3A_26, %reduce_sum3A_27 [0] : vector<10000x128xf32> to vector<128xf32>
    %broadcast_in_dim3A_29 = vector.shape_cast %reduce_sum3A_28 : vector<128xf32> to vector<1x128xf32>
    %div3A_30 = arith.constant 1.000000e+04 : f32
    %div3A_31 = vector.broadcast %div3A_30 : f32 to vector<1x128xf32>
    %div3A_32 = arith.divf %broadcast_in_dim3A_29, %div3A_31 : vector<1x128xf32>
    %add3A_33 = arith.constant 9.99999974E-6 : f32
    %add3A_34 = vector.broadcast %add3A_33 : f32 to vector<1x128xf32>
    %add3A_35 = arith.addf %div3A_32, %add3A_34 : vector<1x128xf32>
    %rsqrt3A = math.rsqrt %add3A_35 : vector<1x128xf32>
    %mul3A_36 = vector.broadcast %rsqrt3A : vector<1x128xf32> to vector<10000x128xf32>
    %mul3A_37 = arith.mulf %sub3A_25, %mul3A_36 : vector<10000x128xf32>
    %get3A_38 = arith.constant 0 : index
    %get3A_39 = arith.constant 0 : index
    %get3A_40 = vector.load %arg4[%get3A_38, %get3A_39] : memref<1x128xf32, #tpu.memory_space<vmem>>, vector<1x128xf32>
    %mul3A_41 = vector.broadcast %get3A_40 : vector<1x128xf32> to vector<10000x128xf32>
    %mul3A_42 = arith.mulf %mul3A_37, %mul3A_41 : vector<10000x128xf32>
    %get3A_43 = arith.constant 0 : index
    %get3A_44 = arith.constant 0 : index
    %get3A_45 = vector.load %arg5[%get3A_43, %get3A_44] : memref<1x128xf32, #tpu.memory_space<vmem>>, vector<1x128xf32>
    %add3A_46 = vector.broadcast %get3A_45 : vector<1x128xf32> to vector<10000x128xf32>
    %add3A_47 = arith.addf %mul3A_42, %add3A_46 : vector<10000x128xf32>
    %max3A = arith.constant 0.000000e+00 : f32
    %max3A_48 = vector.broadcast %max3A : f32 to vector<10000x128xf32>
    %max3A_49 = arith.maximumf %add3A_47, %max3A_48 : vector<10000x128xf32>
    %get3A_50 = arith.constant 0 : index
    %get3A_51 = arith.constant 0 : index
    %get3A_52 = vector.load %arg6[%get3A_50, %get3A_51] : memref<128x40xf32, #tpu.memory_space<vmem>>, vector<128x40xf32>
    %dot_general3A = arith.constant dense<0.000000e+00> : vector<10000x40xf32>
    %dot_general3A_53 = tpu.matmul %max3A_49, %get3A_52, %dot_general3A {dimension_numbers = #tpu.dot_dimension_numbers<[1], [0], [0], [1], [0, 0, 1, 1], [], []>, transpose_lhs_hint = false} : vector<10000x128xf32>, vector<128x40xf32>, vector<10000x40xf32> -> vector<10000x40xf32>
    %mul3A_54 = vector.broadcast %get3A_1 : vector<10000x1xf32> to vector<10000x40xf32>
    %mul3A_55 = arith.mulf %dot_general3A_53, %mul3A_54 : vector<10000x40xf32>
    %swap3A = arith.constant 0 : index
    %swap3A_56 = arith.constant 0 : index
    %swap3A_57 = vector.load %arg7[%swap3A, %swap3A_56] : memref<10000x40xf32, #tpu.memory_space<vmem>>, vector<10000x40xf32>
    tpu.vector_store %arg7[%swap3A, %swap3A_56], %mul3A_55 {strides = array<i32>} : memref<10000x40xf32, #tpu.memory_space<vmem>>, vector<10000x40xf32>,
    return
  }
}

module attributes {stable_mosaic.version = 14 : i64} {
  func.func @body(%arg0: memref<2x10240x48xf32, #tpu.memory_space<vmem>>, %arg1: memref<10000x40xf32, #tpu.memory_space<vmem>>, %arg2: memref<10000x1xf32, #tpu.memory_space<vmem>>, %arg3: memref<1x40xf32, #tpu.memory_space<vmem>>, %arg4: memref<10000x40xf32, #tpu.memory_space<vmem>>) attributes {dimension_semantics = [], scalar_prefetch = 0 : i64, scratch_operands = 0 : i64, tpu.core_type = #tpu.core_type<tc>} {
    %get3A = arith.constant 0 : index
    %get3A_0 = arith.constant 0 : index
    %get3A_1 = arith.constant 0 : index
    %get3A_2 = vector.load %arg0[%get3A, %get3A_0, %get3A_1] : memref<2x10240x48xf32, #tpu.memory_space<vmem>>, vector<1x10000x40xf32>
    %get3A_3 = vector.shape_cast %get3A_2 : vector<1x10000x40xf32> to vector<10000x40xf32>
    %get3A_4 = arith.constant 1 : index
    %get3A_5 = arith.constant 0 : index
    %get3A_6 = arith.constant 0 : index
    %get3A_7 = vector.load %arg0[%get3A_4, %get3A_5, %get3A_6] : memref<2x10240x48xf32, #tpu.memory_space<vmem>>, vector<1x10000x40xf32>
    %get3A_8 = vector.shape_cast %get3A_7 : vector<1x10000x40xf32> to vector<10000x40xf32>
    %add3A = arith.addf %get3A_3, %get3A_8 : vector<10000x40xf32>
    %get3A_9 = arith.constant 0 : index
    %get3A_10 = arith.constant 0 : index
    %get3A_11 = vector.load %arg1[%get3A_9, %get3A_10] : memref<10000x40xf32, #tpu.memory_space<vmem>>, vector<10000x40xf32>
    %add3A_12 = arith.addf %add3A, %get3A_11 : vector<10000x40xf32>
    %get3A_13 = arith.constant 0 : index
    %get3A_14 = arith.constant 0 : index
    %get3A_15 = vector.load %arg2[%get3A_13, %get3A_14] : memref<10000x1xf32, #tpu.memory_space<vmem>>, vector<10000x1xf32>
    %mul3A = vector.broadcast %get3A_15 : vector<10000x1xf32> to vector<10000x40xf32>
    %mul3A_16 = arith.mulf %add3A_12, %mul3A : vector<10000x40xf32>
    %get3A_17 = arith.constant 0 : index
    %get3A_18 = arith.constant 0 : index
    %get3A_19 = vector.load %arg3[%get3A_17, %get3A_18] : memref<1x40xf32, #tpu.memory_space<vmem>>, vector<1x40xf32>
    %add3A_20 = vector.broadcast %get3A_19 : vector<1x40xf32> to vector<10000x40xf32>
    %add3A_21 = arith.addf %mul3A_16, %add3A_20 : vector<10000x40xf32>
    %reduce_max3A = arith.constant dense<0xFF800000> : vector<10000xf32>
    %reduce_max3A_22 = vector.multi_reduction <maximumf>, %add3A_21, %reduce_max3A [1] : vector<10000x40xf32> to vector<10000xf32>
    %broadcast_in_dim3A = vector.shape_cast %reduce_max3A_22 : vector<10000xf32> to vector<10000x1xf32>
    %sub3A = vector.broadcast %broadcast_in_dim3A : vector<10000x1xf32> to vector<10000x40xf32>
    %sub3A_23 = arith.subf %add3A_21, %sub3A : vector<10000x40xf32>
    %exp3A = math.exp %sub3A_23 : vector<10000x40xf32>
    %reduce_sum3A = arith.constant dense<0.000000e+00> : vector<10000xf32>
    %reduce_sum3A_24 = vector.multi_reduction <add>, %exp3A, %reduce_sum3A [1] : vector<10000x40xf32> to vector<10000xf32>
    %broadcast_in_dim3A_25 = vector.shape_cast %reduce_sum3A_24 : vector<10000xf32> to vector<10000x1xf32>
    %log3A = math.log %broadcast_in_dim3A_25 : vector<10000x1xf32>
    %add3A_26 = arith.addf %log3A, %broadcast_in_dim3A : vector<10000x1xf32>
    %sub3A_27 = vector.broadcast %add3A_26 : vector<10000x1xf32> to vector<10000x40xf32>
    %sub3A_28 = arith.subf %add3A_21, %sub3A_27 : vector<10000x40xf32>
    %swap3A = arith.constant 0 : index
    %swap3A_29 = arith.constant 0 : index
    %swap3A_30 = vector.load %arg4[%swap3A, %swap3A_29] : memref<10000x40xf32, #tpu.memory_space<vmem>>, vector<10000x40xf32>
    tpu.vector_store %arg4[%swap3A, %swap3A_29], %sub3A_28 {strides = array<i32>} : memref<10000x40xf32, #tpu.memory_space<vmem>>, vector<10000x40xf32>,
    return
  }
}

</mosaic_0001>

<sc_bundles>
// kernel: kernel.11.cloned.1.call-start
scs
__scs_entry_jumppad:
0x0: {  	(pc) =	sbr.rel $0x88, $3  }
0x1: {  	(tag) =	ssettag $0x0;
	lr =	simm.s32 $0x1  }
0x2: {  	[smem:$0x3F95] =	sst lr;
	_ =	strace $0xD0000000  }
0x3: {  	_ = 	snop  }
0x4: {  	_ = 	snop  }
0x5: {  	_ = 	snop  }
0x6: {  	_ = 	snop  }
0x7: {  	_ = 	snop  }
__scs_overlays_trampoline_lowered:
0x8: {  	[smem:$0x3FA4] =	sst s0  }
0x9: {  	[smem:$0x3FA5] =	sst s1  }
0xa: {  	[smem:$0x3FA6] =	sst s2  }
0xb: {  	[smem:$0x3FA7] =	sst s3  }
0xc: {  	[smem:$0x3FA8] =	sst s4  }
0xd: {  	[smem:$0x3FA9] =	sst s5  }
0xe: {  	[smem:$0x3FAA] =	sst s6  }
0xf: {  	[smem:$0x3FAB] =	sst s7  }
0x10: {  	[smem:$0x3FAC] =	sst s8  }
0x11: {  	[smem:$0x3FAD] =	sst s9;
	s0 =	simm.s32 @!p0 $0x0  }
0x12: {  	s1 =	sld [smem:$0x3F93];
	s0 =	simm.s32 @p0 $0x1  }
0x13: {  	[smem:$0x3FAE] =	sst s0;
	s0 =	simm.s32 @!p1 $0x0  }
0x14: {  	s2 =	sld [smem:$0x3F92];
	s0 =	simm.s32 @p1 $0x1  }
0x15: {  	[smem:$0x3FAF] =	sst s0;
	s0 =	simm.s32 @!p2 $0x0  }
0x16: {  	s3 =	sld [smem:$0x3FDB];
	s0 =	simm.s32 @p2 $0x1  }
0x17: {  	s4 =	simm.s32 $0x1BF5;
	[smem:$0x3FB1] =	sst s0  }
0x18: {  	s0 =	sld [smem:$0x3F94];
	_ =	swait.ge [sflag:s4], $0x0  }
0x19: {  	s7 =	sld [smem:$0x3F95]  }
0x1a: {  	s8 =	sadd.s32 $0xFFFFE003, lr  }
0x1b: {  	s9 =	sadd.s32 $0xFFFFFEF7, lr;
	s5 =	simm.s32 $0xFFFFFFFF;
	p2 =	slt.u32 s8, $0xFFFFF086  }
0x1c: {  	p1 =	slt.u32 s9, $0xF7A;
	s5 =	simm.s32 @!p2 $0x0  }
0x1d: {  	s5 =	simm.s32 @p1 $0x1;
	p0 =	seq.s32 s7, s2  }
0x1e: {  	s7 =	smul.u32 @!p0 $0xF7A, s2;
	p2 =	seq.s32 @!p0 s5, $0x0  }
0x1f: {  	s9 =	smul.u32 $0xF7A, s1;
	s8 =	simm.s32 @!p0 $0x1BF5;
	p2 =	por !p2, p0  }
0x20: {  	[sflag:s8] =	ssyncset.s32 @!p0 $0xFFFFF086;
	s6 =	sadd.s32 @!p0 s3, s7;
	s7 =	simm.s32 @!p0 $0x108  }
0x21: {  	s3 =	sadd.s32 s3, s9;
	s6 =	sadd.s32 @!p0 $0x88, s6;
	s7 =	simm.s32 @p2 $0x1082  }
0x22: {  	[simem:s7], [sflag:s8] =	dma.local @!p0 [hbm:s6], $0xF7A  }
0x23: {  	s9 =	sor.u32 $0xD0000000, s2;
	s6 =	simm.s32 $0x108;
	_ =	swait.ge @!p0 [sflag:s8], $0x0  }
0x24: {  	s3 =	sadd.s32 $0x88, s3;
	s6 =	simm.s32 @!p1 $0x1082;
	[sflag:s4] =	ssyncset.s32 $0xFFFFF086  }
0x25: {  	[simem:s6], [sflag:s4] =	dma.local [hbm:s3], $0xF7A  }
0x26: {  	[smem:$0x3F95] =	sst s1;
	(tag) =	ssettag s2;
	_ =	strace s9  }
0x27: {  	s1 =	sld [smem:$0x3FA5]  }
0x28: {  	s2 =	sld [smem:$0x3FA6]  }
0x29: {  	s4 =	sld [smem:$0x3FA8]  }
0x2a: {  	p0 =	seq.s32 s5, $0x0;
	s5 =	sld [smem:$0x3FA9]  }
0x2b: {  	s6 =	sld [smem:$0x3FAA]  }
0x2c: {  	s7 =	sld [smem:$0x3FAB]  }
0x2d: {  	s3 =	simm.s32 $0x108;
	s8 =	sld [smem:$0x3FAC]  }
0x2e: {  	s3 =	simm.s32 @!p0 $0x1082;
	s9 =	sld [smem:$0x3FAD]  }
0x2f: {  	lr =	sadd.s32 s0, s3;
	s0 =	sld [smem:$0x3FA4]  }
0x30: {  	s3 =	sld [smem:$0x3FA7]  }
0x31: {  	[smem:$0x3FB0] =	sst s10  }
0x32: {  	s10 =	sld [smem:$0x3FAE];
	_ =	sdelay $0x3  }
0x33: {  	p0 =	seq.s32 s10, $0x1;
	s10 =	sld [smem:$0x3FB0];
	_ =	sdelay $0x3  }
0x34: {  	[smem:$0x3FB0] =	sst s10  }
0x35: {  	s10 =	sld [smem:$0x3FAF];
	_ =	sdelay $0x3  }
0x36: {  	p1 =	seq.s32 s10, $0x1;
	s10 =	sld [smem:$0x3FB0];
	_ =	sdelay $0x3  }
0x37: {  	[smem:$0x3FB0] =	sst s10  }
0x38: {  	s10 =	sld [smem:$0x3FB1]  }
0x39: {  	_ = 	snop;
	(pc) =	sbr.ind lr, $3  }
0x3a: {  	_ = 	snop  }
0x3b: {  	_ = 	snop  }
0x3c: {  	p2 =	seq.s32 s10, $0x1;
	s10 =	sld [smem:$0x3FB0]  }
0x3d: {  	_ =	shalt  }
0x3e: {  	_ =	shalt  }
0x3f: {  	_ =	shalt  }
0x40: {  	_ =	shalt  }
0x41: {  	_ =	shalt  }
0x42: {  	_ =	shalt  }
0x43: {  	_ =	shalt  }
0x44: {  	_ =	shalt  }
0x45: {  	_ =	shalt  }
0x46: {  	_ =	shalt  }
0x47: {  	_ =	shalt  }
0x48: {  	_ =	shalt  }
0x49: {  	_ =	shalt  }
0x4a: {  	_ =	shalt  }
0x4b: {  	_ =	shalt  }
0x4c: {  	_ =	shalt  }
0x4d: {  	_ =	shalt  }
0x4e: {  	_ =	shalt  }
0x4f: {  	_ =	shalt  }
0x50: {  	_ =	shalt  }
0x51: {  	_ =	shalt  }
0x52: {  	_ =	shalt  }
0x53: {  	_ =	shalt  }
0x54: {  	_ =	shalt  }
0x55: {  	_ =	shalt  }
0x56: {  	_ =	shalt  }
0x57: {  	_ =	shalt  }
0x58: {  	_ =	shalt  }
0x59: {  	_ =	shalt  }
0x5a: {  	_ =	shalt  }
0x5b: {  	_ =	shalt  }
0x5c: {  	_ =	shalt  }
0x5d: {  	_ =	shalt  }
0x5e: {  	_ =	shalt  }
0x5f: {  	_ =	shalt  }
0x60: {  	_ =	shalt  }
0x61: {  	_ =	shalt  }
0x62: {  	_ =	shalt  }
0x63: {  	_ =	shalt  }
0x64: {  	_ =	shalt  }
0x65: {  	_ =	shalt  }
0x66: {  	_ =	shalt  }
0x67: {  	_ =	shalt  }
0x68: {  	_ =	shalt  }
0x69: {  	_ =	shalt  }
0x6a: {  	_ =	shalt  }
0x6b: {  	_ =	shalt  }
0x6c: {  	_ =	shalt  }
0x6d: {  	_ =	shalt  }
0x6e: {  	_ =	shalt  }
0x6f: {  	_ =	shalt  }
0x70: {  	_ =	shalt  }
0x71: {  	_ =	shalt  }
0x72: {  	_ =	shalt  }
0x73: {  	_ =	shalt  }
0x74: {  	_ =	shalt  }
0x75: {  	_ =	shalt  }
0x76: {  	_ =	shalt  }
0x77: {  	_ =	shalt  }
0x78: {  	_ =	shalt  }
0x79: {  	_ =	shalt  }
0x7a: {  	_ =	shalt  }
0x7b: {  	_ =	shalt  }
0x7c: {  	_ =	shalt  }
0x7d: {  	_ =	shalt  }
0x7e: {  	_ =	shalt  }
0x7f: {  	_ =	shalt  }
0x80: {  	_ =	shalt  }
0x81: {  	_ =	shalt  }
0x82: {  	_ =	shalt  }
0x83: {  	_ =	shalt  }
0x84: {  	_ =	shalt  }
0x85: {  	_ =	shalt  }
0x86: {  	_ =	shalt  }
0x87: {  	_ =	shalt  }
.Lfunc_end0:
.L_simem_size_0:
called_computation_lowered:
.L_overlay_start_0:
0x88: {  	s2 =	sld [smem:$0x3FD9]  }
0x89: {  	s3 =	sld [smem:$0x3FFE];
	_ =	sdelay $0x1  }
0x8a: {  	s1 =	srdreg.scid  }
0x8b: {  	s0 =	sand.u32 $0x1, s1  }
0x8c: {  	s17 =	sshll.u32 s0, $0xA;
	s2 =	sadd.s32 s3, s2  }
0x8d: {  	s2 =	sadd.s32 s2, s17  }
0x8e: {  	[smem:$0x3FBC] =	sst s2  }
0x8f: {  	_ = 	snop  }
0x90: {  	s2 =	sld [smem:$0x3FD0];
	(tm) =	ssettm $0x1  }
0x91: {  	s18 =	sld [smem:$0x3FFB];
	_ =	sdelay $0x3  }
0x92: {  	_ =	strace s18  }
0x93: {  	s3 =	sld [smem:$0x3FFC];
	_ =	sdelay $0x3  }
0x94: {  	_ =	strace s3  }
0x95: {  	s3 =	sld [smem:$0x3FFD];
	_ =	sdelay $0x3  }
0x96: {  	_ =	strace s3  }
0x97: {  	_ =	strace $0x8FFFFFFF  }
0x98: {  	s19 =	sld [smem:$0x3FDB];
	_ =	sdelay $0x1  }
0x99: {  	s4 =	simm.s32 $_scs_section_size  }
0x9a: {  	s5 =	simm.s32 $_size__tile_overlayer_lowered;
	s6 =	simm.s32 $_tile_overlayer_lowered  }
0x9b: {  	s22 =	simm.s32 $0x1BFF;
	s21 =	sshll.u32 s6, $0x1;
	s3 =	sadd.s32 s4, s19  }
0x9c: {  	s7 =	simm.s32 $0x0;
	s20 =	sshll.u32 s5, $0x1;
	s5 =	sadd.s32 s21, s3  }
0x9d: {  	[timem:s7], [sflag:s22] =	dma.local [hbm:s5], s20  }
0x9e: {  	_ =	swait.ge [sflag:s22], s20  }
0x9f: {  	s4 =	ssub.s32 $0x0, s20;
	[sflag:s22] =	ssyncset.done $0x0  }
0xa0: {  	[sflag:s22] =	ssyncadd.s32 s4;
	_ =	sdelay $0x1  }
0xa1: {  	s23 =	simm.s32 $0x1B8B  }
0xa2: {  	_ =	swait.ge [sflag:s23], $0x1  }
0xa3: {  	[sflag:s23] =	ssyncset.done $0x0  }
0xa4: {  	s25 =	simm.s32 $0x1B8E;
	s24 =	sld [smem:$0x3FFE];
	[sflag:s23] =	ssyncadd.s32 $0xFFFFFFFF  }
0xa5: {  	s26 =	simm.s32 $execute0_lowered;
	[smem:$0x3FD2] =	sst s25  }
0xa6: {  	s5 =	sshll.u32 s26, $0x1;
	_ =	strace $0x80000046;
	[dreg:$0x1] =	wrdreg $0xFFFFFFFF  }
0xa7: {  	s28 =	simm.s32 $_size_execute0_lowered;
	s3 =	sadd.s32 s3, s5;
	[dreg:$0x0] =	wrdreg $0x0  }
0xa8: {  	s5 =	sshll.u32 s28, $0x1;
	[dreg:$0x2] =	wrdreg s3  }
0xa9: {  	[dreg:$0x3] =	wrdreg s5  }
0xaa: {  	[dreg:$0x4] =	wrdreg $0xC0  }
0xab: {  	_ =	task [dreg:s7], $0x5FFFF  }
0xac: {  	[dreg:$0x1] =	wrdreg $0xFFFFFFFF  }
0xad: {  	[dreg:$0x0] =	wrdreg $0x60  }
0xae: {  	[dreg:$0x2] =	wrdreg s24  }
0xaf: {  	[dreg:$0x3] =	wrdreg s2  }
0xb0: {  	[dreg:$0x4] =	wrdreg $0x2C100  }
0xb1: {  	[dreg:$0x5] =	wrdreg $0x9  }
0xb2: {  	_ =	task.clear_ibuf [dreg:s7], $0x6FFFF;
	_ =	strace $0x90000046  }
0xb3: {  	s29 =	simm.s32 $0x9;
	_ =	strace $0x80000048  }
0xb4: {  	_ =	swait.ge [sflag:s29], $0x1  }
0xb5: {  	[sflag:s29] =	ssyncadd.s32 $0xFFFFFFFF  }
0xb6: {  	_ =	strace $0x90000048  }
0xb7: {  	_ =	sfence  }
0xb8: {  	s30 =	sld [smem:$0x0];
	_ =	sdelay $0x2  }
0xb9: {  	s31 =	sshll.u32 s1, $0xD;
	s1 =	sshrl.u32 s1, $0x2  }
0xba: {  	s3 =	sand.u32 $0x4000, s31;
	s1 =	sadd.s32 s1, s30  }
0xbb: {  	s0 =	sor.u32 s3, s0;
	s1 =	sshll.u32 s1, $0x11  }
0xbc: {  	s0 =	sor.u32 s1, s0  }
0xbd: {  	s0 =	sadd.s32 $0x8F2B, s0  }
0xbe: {  	[sflag:s0] =	ssyncadd.remote.s32 $0x1  }
0xbf: {  	_ =	sfence.sel $0xFFFF  }
0xc0: {  	[dreg:$0x0] =	wrdreg $0xFFFFFFFF;
	(pc) =	sbr.abs _section_cstart, $3  }
0xc1: {  	[dreg:$0x1] =	wrdreg $0xFFFFFFFF  }
0xc2: {  	_ =	task.clear_ibuf [dreg:s7], $0x2FFFF;
	_ =	strace $0x9FFFFFFF  }
0xc3: {  	(tm) =	ssettm $0x7FFFFFFF  }
tec
execute0_lowered:
.L_overlay_start_1:
0x0: {  	(tag) =	ssettag $0x1  }
0x1: {  	s4 =	rddreg [dreg:$0x0]  }
0x2: {  	s7 =	rddreg [dreg:$0x1]  }
0x3: {  	s2 =	rddreg [dreg:$0x2];
	s3 =	srdreg.scid  }
0x4: {  	s1 =	stileid.u32;
	s0 =	rddreg [dreg:$0x3];
	s13 =	simm.s32 $0x50  }
0x5: {  	s14 =	simm.s32 $0x1;
	s15 =	simm.s32 $0x0;
	s5 =	sand.u32 $0x1, s3  }
0x6: {  	s6 =	sshll.u32 s1, $0x1;
	s3 =	simm.s32 $0x0;
	s8 =	smul.u32 $0x2800, s1  }
0x7: {  	s31 =	sshll.u32 s1, $0x6;
	s6 =	sor.u32 s5, s6;
	s10 =	smul.u32 $0x28000, s5  }
0x8: {  	[smem:$0x7FF] =	sst s3;
	s5 =	ssub.s32 $0x2, s5;
	s6 =	smul.u32 $0x4E2, s6  }
0x9: {  	_ =	strace $0x80000047;
	s9 =	sshrl.u32 s8, $0x3;
	s11 =	sshrl.u32 s5, $0x1  }
0xa: {  	s12 =	sadd.s32 s8, s2;
	s9 =	sadd.s32 s9, s4;
	s10 =	sadd.s32 s8, s10  }
0xb: {  	s11 =	ssub.s32 s5, s11;
	s12 =	sshrl.u32 s12, $0x3;
	s6 =	sadd.s32 s6, s4  }
0xc: {  	s4 =	sadd.s32 $0x1B600, s4;
	s10 =	sshrl.u32 s10, $0x3;
	s8 =	smax.u32 s11, $0x1  }
0xd: {  	s11 =	sor.u32 $0x1C02, s31;
	s5 =	sadd.s32 $0xC800, s6;
	s6 =	sadd.s32 $0x16600, s9  }
0xe: {  	s7 =	sadd.s32 s7, s10;
	s9 =	simm.s32 $0x2;
	s10 =	simm.s32 $0x2710  }
.LBB2_1:
0xf: {  	[tilespmem:s3], [sflag:$0x2] =	stream.linear.gather [hbm4b:s5+s3], $0x2710, $0x38;
	[tilespmem:$0x5410] =	vst v63  }
0x10: {  	_ =	swait.ge [sflag:s9], $0x2710  }
0x11: {  	[sflag:s9] =	ssyncset.done $0x0  }
0x12: {  	[sflag:s9] =	ssyncadd.s32 $0xFFFFD8F0  }
0x13: {  	[tilespmem:s10], [sflag:$0x2] =	stream.linear.gather [hbm4b:s4+s3], $0x500, $0x38;
	[tilespmem:$0x5410] =	vst v63  }
0x14: {  	_ =	swait.ge [sflag:s9], $0x500  }
0x15: {  	[sflag:s9] =	ssyncset.done $0x0  }
0x16: {  	[sflag:s9] =	ssyncadd.s32 $0xFFFFFB00  }
0x17: {  	[spmem:s12], [sflag:s11] =	dma.local [hbm:s6], $0x500  }
0x18: {  	_ =	swait.ge [sflag:s9], $0x500  }
0x19: {  	[sflag:s9] =	ssyncset.done $0x0  }
0x1a: {  	[sflag:s9] =	ssyncadd.s32 $0xFFFFFB00  }
0x1b: {  	s16 =	simm.s32 $0x0;
	[bflag:$0x0] =	sbarrier.arrive $0xFFFF  }
.LBB2_2:
0x1c: {  	p0 =	sne.s32 s16, $0x9B00  }
.Ltmp0:
0x1d: {  	_ = 	snop;
	(pc) =	sbr.rel @p0 .LBB2_2-.Ltmp0, $3  }
0x1e: {  	_ =	sdelay $0x1  }
0x1f: {  	s17 =	sshra.s32 s16, $0x2;
	s16 =	sadd.s32 $0x140, s16  }
0x20: {  	[spmem:s2] =	stream.indirect.scatter.add.f32 [tilespmem:s10], [sflag:$0x1], $0x10, s17, s13, $0xb8;
	[tilespmem:$0x5410] =	vst v63  }
0x21: {  	_ =	swait.ge [sflag:s14], $0x500  }
0x22: {  	s16 =	simm.s32 $0x7C;
	[sflag:s14] =	ssyncset.done $0x0  }
.LBB2_4:
0x23: {  	p0 =	sne.s32 s16, $0x1;
	s16 =	sadd.s32 $0xFFFFFFFF, s16;
	[sflag:s14] =	ssyncadd.s32 $0xFFFFFB00  }
.Ltmp1:
0x24: {  	(pc) =	sbr.rel @p0 .LBB2_4-.Ltmp1, $3  }
0x25: {  	_ =	sdelay $0x1  }
0x26: {  	_ =	swait.ge [sflag:s14], $0x500  }
0x27: {  	[sflag:s14] =	ssyncset.done $0x0  }
0x28: {  	s15 =	sadd.s32 $0x1, s15  }
0x29: {  	[sflag:s14] =	ssyncadd.s32 $0xFFFFFB00;
	p0 =	sne.s32 s15, s8  }
.Ltmp2:
0x2a: {  	[bflag:$0x0] =	sbarrier.arrive $0xFFFF;
	(pc) =	sbr.rel @p0 .LBB2_1-.Ltmp2, $4  }
0x2b: {  	[hbm:s7], [sflag:s11] =	dma.local [spmem:s12], $0x500  }
0x2c: {  	_ =	swait.ge [sflag:s9], $0x500  }
0x2d: {  	[sflag:s9] =	ssyncset.done $0x0  }
0x2e: {  	[sflag:s9] =	ssyncadd.s32 $0xFFFFFB00  }
0x2f: {  	_ =	sfence.sel $0x180000  }
0x30: {  	[bflag:$0x0] =	sbarrier.arrive $0xFFFF  }
0x31: {  	p0 =	sne.s32 s1, $0x0;
	_ =	strace $0x90000047  }
0x32: {  	s0 =	sadd.s32 @!p0 $0x100000, s0;
	[bflag:$0x2] =	sbarrier.arrive $0xFFFF  }
0x33: {  	[sflag:s0] =	ssyncadd.tile.s32 @!p0 $0x1;
	_ =	shalt  }
.Lfunc_end2:
_tile_overlayer_lowered:
.L_overlay_start_2:
0x34: {  	(tag) =	ssettag $0x2  }
0x35: {  	s0 =	rddreg [dreg:$0x0];
	s2 =	stileid.u32  }
0x36: {  	s1 =	rddreg [dreg:$0x1];
	p0 =	sne.s32 s2, $0x0  }
0x37: {  	s3 =	rddreg [dreg:$0x2];
	[bflag:$0x3] =	sbarrier.arrive $0xFFFF;
	s2 =	simm.s32 @!p0 $0x1C02  }
0x38: {  	[timem:s3], [sflag:s2] =	dma.local @!p0 [hbm:s0], s1  }
0x39: {  	s0 =	simm.s32 @!p0 $0x2  }
0x3a: {  	_ =	swait.ge @!p0 [sflag:s0], s1  }
0x3b: {  	s1 =	ssub.s32 @!p0 $0x0, s1;
	[sflag:s0] =	ssyncset.done @!p0 $0x0  }
0x3c: {  	[sflag:s0] =	ssyncadd.s32 @!p0 s1  }
0x3d: {  	[bflag:$0x3] =	sbarrier.arrive $0xFFFF  }
0x3e: {  	_ =	shalt  }

// kernel: kernel.14.cloned.1.call-start
scs
__scs_entry_jumppad:
0x0: {  	(pc) =	sbr.rel $0x88, $3  }
0x1: {  	(tag) =	ssettag $0x0;
	lr =	simm.s32 $0x1  }
0x2: {  	[smem:$0x3F95] =	sst lr;
	_ =	strace $0xD0000000  }
0x3: {  	_ = 	snop  }
0x4: {  	_ = 	snop  }
0x5: {  	_ = 	snop  }
0x6: {  	_ = 	snop  }
0x7: {  	_ = 	snop  }
__scs_overlays_trampoline_lowered:
0x8: {  	[smem:$0x3FA4] =	sst s0  }
0x9: {  	[smem:$0x3FA5] =	sst s1  }
0xa: {  	[smem:$0x3FA6] =	sst s2  }
0xb: {  	[smem:$0x3FA7] =	sst s3  }
0xc: {  	[smem:$0x3FA8] =	sst s4  }
0xd: {  	[smem:$0x3FA9] =	sst s5  }
0xe: {  	[smem:$0x3FAA] =	sst s6  }
0xf: {  	[smem:$0x3FAB] =	sst s7  }
0x10: {  	[smem:$0x3FAC] =	sst s8  }
0x11: {  	[smem:$0x3FAD] =	sst s9;
	s0 =	simm.s32 @!p0 $0x0  }
0x12: {  	s1 =	sld [smem:$0x3F93];
	s0 =	simm.s32 @p0 $0x1  }
0x13: {  	[smem:$0x3FAE] =	sst s0;
	s0 =	simm.s32 @!p1 $0x0  }
0x14: {  	s2 =	sld [smem:$0x3F92];
	s0 =	simm.s32 @p1 $0x1  }
0x15: {  	[smem:$0x3FAF] =	sst s0;
	s0 =	simm.s32 @!p2 $0x0  }
0x16: {  	s3 =	sld [smem:$0x3FDB];
	s0 =	simm.s32 @p2 $0x1  }
0x17: {  	s4 =	simm.s32 $0x1BF5;
	[smem:$0x3FB1] =	sst s0  }
0x18: {  	s0 =	sld [smem:$0x3F94];
	_ =	swait.ge [sflag:s4], $0x0  }
0x19: {  	s7 =	sld [smem:$0x3F95]  }
0x1a: {  	s8 =	sadd.s32 $0xFFFFE003, lr  }
0x1b: {  	s9 =	sadd.s32 $0xFFFFFEF7, lr;
	s5 =	simm.s32 $0xFFFFFFFF;
	p2 =	slt.u32 s8, $0xFFFFF086  }
0x1c: {  	p1 =	slt.u32 s9, $0xF7A;
	s5 =	simm.s32 @!p2 $0x0  }
0x1d: {  	s5 =	simm.s32 @p1 $0x1;
	p0 =	seq.s32 s7, s2  }
0x1e: {  	s7 =	smul.u32 @!p0 $0xF7A, s2;
	p2 =	seq.s32 @!p0 s5, $0x0  }
0x1f: {  	s9 =	smul.u32 $0xF7A, s1;
	s8 =	simm.s32 @!p0 $0x1BF5;
	p2 =	por !p2, p0  }
0x20: {  	[sflag:s8] =	ssyncset.s32 @!p0 $0xFFFFF086;
	s6 =	sadd.s32 @!p0 s3, s7;
	s7 =	simm.s32 @!p0 $0x108  }
0x21: {  	s3 =	sadd.s32 s3, s9;
	s6 =	sadd.s32 @!p0 $0x88, s6;
	s7 =	simm.s32 @p2 $0x1082  }
0x22: {  	[simem:s7], [sflag:s8] =	dma.local @!p0 [hbm:s6], $0xF7A  }
0x23: {  	s9 =	sor.u32 $0xD0000000, s2;
	s6 =	simm.s32 $0x108;
	_ =	swait.ge @!p0 [sflag:s8], $0x0  }
0x24: {  	s3 =	sadd.s32 $0x88, s3;
	s6 =	simm.s32 @!p1 $0x1082;
	[sflag:s4] =	ssyncset.s32 $0xFFFFF086  }
0x25: {  	[simem:s6], [sflag:s4] =	dma.local [hbm:s3], $0xF7A  }
0x26: {  	[smem:$0x3F95] =	sst s1;
	(tag) =	ssettag s2;
	_ =	strace s9  }
0x27: {  	s1 =	sld [smem:$0x3FA5]  }
0x28: {  	s2 =	sld [smem:$0x3FA6]  }
0x29: {  	s4 =	sld [smem:$0x3FA8]  }
0x2a: {  	p0 =	seq.s32 s5, $0x0;
	s5 =	sld [smem:$0x3FA9]  }
0x2b: {  	s6 =	sld [smem:$0x3FAA]  }
0x2c: {  	s7 =	sld [smem:$0x3FAB]  }
0x2d: {  	s3 =	simm.s32 $0x108;
	s8 =	sld [smem:$0x3FAC]  }
0x2e: {  	s3 =	simm.s32 @!p0 $0x1082;
	s9 =	sld [smem:$0x3FAD]  }
0x2f: {  	lr =	sadd.s32 s0, s3;
	s0 =	sld [smem:$0x3FA4]  }
0x30: {  	s3 =	sld [smem:$0x3FA7]  }
0x31: {  	[smem:$0x3FB0] =	sst s10  }
0x32: {  	s10 =	sld [smem:$0x3FAE];
	_ =	sdelay $0x3  }
0x33: {  	p0 =	seq.s32 s10, $0x1;
	s10 =	sld [smem:$0x3FB0];
	_ =	sdelay $0x3  }
0x34: {  	[smem:$0x3FB0] =	sst s10  }
0x35: {  	s10 =	sld [smem:$0x3FAF];
	_ =	sdelay $0x3  }
0x36: {  	p1 =	seq.s32 s10, $0x1;
	s10 =	sld [smem:$0x3FB0];
	_ =	sdelay $0x3  }
0x37: {  	[smem:$0x3FB0] =	sst s10  }
0x38: {  	s10 =	sld [smem:$0x3FB1]  }
0x39: {  	_ = 	snop;
	(pc) =	sbr.ind lr, $3  }
0x3a: {  	_ = 	snop  }
0x3b: {  	_ = 	snop  }
0x3c: {  	p2 =	seq.s32 s10, $0x1;
	s10 =	sld [smem:$0x3FB0]  }
0x3d: {  	_ =	shalt  }
0x3e: {  	_ =	shalt  }
0x3f: {  	_ =	shalt  }
0x40: {  	_ =	shalt  }
0x41: {  	_ =	shalt  }
0x42: {  	_ =	shalt  }
0x43: {  	_ =	shalt  }
0x44: {  	_ =	shalt  }
0x45: {  	_ =	shalt  }
0x46: {  	_ =	shalt  }
0x47: {  	_ =	shalt  }
0x48: {  	_ =	shalt  }
0x49: {  	_ =	shalt  }
0x4a: {  	_ =	shalt  }
0x4b: {  	_ =	shalt  }
0x4c: {  	_ =	shalt  }
0x4d: {  	_ =	shalt  }
0x4e: {  	_ =	shalt  }
0x4f: {  	_ =	shalt  }
0x50: {  	_ =	shalt  }
0x51: {  	_ =	shalt  }
0x52: {  	_ =	shalt  }
0x53: {  	_ =	shalt  }
0x54: {  	_ =	shalt  }
0x55: {  	_ =	shalt  }
0x56: {  	_ =	shalt  }
0x57: {  	_ =	shalt  }
0x58: {  	_ =	shalt  }
0x59: {  	_ =	shalt  }
0x5a: {  	_ =	shalt  }
0x5b: {  	_ =	shalt  }
0x5c: {  	_ =	shalt  }
0x5d: {  	_ =	shalt  }
0x5e: {  	_ =	shalt  }
0x5f: {  	_ =	shalt  }
0x60: {  	_ =	shalt  }
0x61: {  	_ =	shalt  }
0x62: {  	_ =	shalt  }
0x63: {  	_ =	shalt  }
0x64: {  	_ =	shalt  }
0x65: {  	_ =	shalt  }
0x66: {  	_ =	shalt  }
0x67: {  	_ =	shalt  }
0x68: {  	_ =	shalt  }
0x69: {  	_ =	shalt  }
0x6a: {  	_ =	shalt  }
0x6b: {  	_ =	shalt  }
0x6c: {  	_ =	shalt  }
0x6d: {  	_ =	shalt  }
0x6e: {  	_ =	shalt  }
0x6f: {  	_ =	shalt  }
0x70: {  	_ =	shalt  }
0x71: {  	_ =	shalt  }
0x72: {  	_ =	shalt  }
0x73: {  	_ =	shalt  }
0x74: {  	_ =	shalt  }
0x75: {  	_ =	shalt  }
0x76: {  	_ =	shalt  }
0x77: {  	_ =	shalt  }
0x78: {  	_ =	shalt  }
0x79: {  	_ =	shalt  }
0x7a: {  	_ =	shalt  }
0x7b: {  	_ =	shalt  }
0x7c: {  	_ =	shalt  }
0x7d: {  	_ =	shalt  }
0x7e: {  	_ =	shalt  }
0x7f: {  	_ =	shalt  }
0x80: {  	_ =	shalt  }
0x81: {  	_ =	shalt  }
0x82: {  	_ =	shalt  }
0x83: {  	_ =	shalt  }
0x84: {  	_ =	shalt  }
0x85: {  	_ =	shalt  }
0x86: {  	_ =	shalt  }
0x87: {  	_ =	shalt  }
.Lfunc_end0:
.L_simem_size_0:
called_computation.1_lowered:
.L_overlay_start_0:
0x88: {  	s2 =	sld [smem:$0x3FD9]  }
0x89: {  	s3 =	sld [smem:$0x3FFE];
	_ =	sdelay $0x1  }
0x8a: {  	s1 =	srdreg.scid  }
0x8b: {  	s0 =	sand.u32 $0x1, s1  }
0x8c: {  	s16 =	sshll.u32 s0, $0xA;
	s2 =	sadd.s32 s3, s2  }
0x8d: {  	s2 =	sadd.s32 s2, s16  }
0x8e: {  	[smem:$0x3FBC] =	sst s2  }
0x8f: {  	_ = 	snop  }
0x90: {  	(tm) =	ssettm $0x1  }
0x91: {  	s17 =	sld [smem:$0x3FFB];
	_ =	sdelay $0x3  }
0x92: {  	_ =	strace s17  }
0x93: {  	s2 =	sld [smem:$0x3FFC];
	_ =	sdelay $0x3  }
0x94: {  	_ =	strace s2  }
0x95: {  	s2 =	sld [smem:$0x3FFD];
	_ =	sdelay $0x3  }
0x96: {  	_ =	strace s2  }
0x97: {  	_ =	strace $0x8FFFFFFF  }
0x98: {  	s18 =	sld [smem:$0x3FDB];
	_ =	sdelay $0x1  }
0x99: {  	s19 =	simm.s32 $_scs_section_size  }
0x9a: {  	s4 =	simm.s32 $_size__tile_overlayer_lowered;
	s5 =	simm.s32 $_tile_overlayer_lowered  }
0x9b: {  	s22 =	simm.s32 $0x1BFF;
	s21 =	sshll.u32 s5, $0x1;
	s2 =	sadd.s32 s19, s18  }
0x9c: {  	s6 =	simm.s32 $0x0;
	s20 =	sshll.u32 s4, $0x1;
	s4 =	sadd.s32 s21, s2  }
0x9d: {  	[timem:s6], [sflag:s22] =	dma.local [hbm:s4], s20  }
0x9e: {  	_ =	swait.ge [sflag:s22], s20  }
0x9f: {  	s3 =	ssub.s32 $0x0, s20;
	[sflag:s22] =	ssyncset.done $0x0  }
0xa0: {  	[sflag:s22] =	ssyncadd.s32 s3;
	_ =	sdelay $0x1  }
0xa1: {  	s23 =	simm.s32 $0x1B8B  }
0xa2: {  	_ =	swait.ge [sflag:s23], $0x1  }
0xa3: {  	[sflag:s23] =	ssyncset.done $0x0  }
0xa4: {  	s25 =	simm.s32 $0x1B8E;
	s24 =	sld [smem:$0x3FFE];
	[sflag:s23] =	ssyncadd.s32 $0xFFFFFFFF  }
0xa5: {  	s26 =	simm.s32 $execute0_lowered;
	[smem:$0x3FD2] =	sst s25  }
0xa6: {  	s4 =	sshll.u32 s26, $0x1;
	_ =	strace $0x80000049;
	[dreg:$0x1] =	wrdreg $0xFFFFFFFF  }
0xa7: {  	s28 =	simm.s32 $_size_execute0_lowered;
	s2 =	sadd.s32 s2, s4;
	[dreg:$0x0] =	wrdreg $0x0  }
0xa8: {  	s4 =	sshll.u32 s28, $0x1;
	[dreg:$0x2] =	wrdreg s2  }
0xa9: {  	[dreg:$0x3] =	wrdreg s4  }
0xaa: {  	[dreg:$0x4] =	wrdreg $0xC0  }
0xab: {  	_ =	task [dreg:s6], $0x5FFFF  }
0xac: {  	[dreg:$0x1] =	wrdreg $0xFFFFFFFF  }
0xad: {  	[dreg:$0x0] =	wrdreg $0x60  }
0xae: {  	[dreg:$0x2] =	wrdreg s24  }
0xaf: {  	[dreg:$0x3] =	wrdreg $0xB2200  }
0xb0: {  	[dreg:$0x4] =	wrdreg $0x9  }
0xb1: {  	_ =	task.clear_ibuf [dreg:s6], $0x5FFFF;
	_ =	strace $0x90000049  }
0xb2: {  	s29 =	simm.s32 $0x9;
	_ =	strace $0x8000004B  }
0xb3: {  	_ =	swait.ge [sflag:s29], $0x1  }
0xb4: {  	[sflag:s29] =	ssyncadd.s32 $0xFFFFFFFF  }
0xb5: {  	_ =	strace $0x9000004B  }
0xb6: {  	_ =	sfence  }
0xb7: {  	s30 =	sld [smem:$0x0];
	_ =	sdelay $0x2  }
0xb8: {  	s31 =	sshll.u32 s1, $0xD;
	s1 =	sshrl.u32 s1, $0x2  }
0xb9: {  	s3 =	sand.u32 $0x4000, s31;
	s1 =	sadd.s32 s1, s30  }
0xba: {  	s0 =	sor.u32 s3, s0;
	s1 =	sshll.u32 s1, $0x11  }
0xbb: {  	s0 =	sor.u32 s1, s0  }
0xbc: {  	s0 =	sadd.s32 $0x8F2B, s0  }
0xbd: {  	[sflag:s0] =	ssyncadd.remote.s32 $0x1  }
0xbe: {  	_ =	sfence.sel $0xFFFF  }
0xbf: {  	[dreg:$0x0] =	wrdreg $0xFFFFFFFF;
	(pc) =	sbr.abs _section_cstart, $3  }
0xc0: {  	[dreg:$0x1] =	wrdreg $0xFFFFFFFF  }
0xc1: {  	_ =	task.clear_ibuf [dreg:s6], $0x2FFFF;
	_ =	strace $0x9FFFFFFF  }
0xc2: {  	(tm) =	ssettm $0x7FFFFFFF  }
0xc3: {  	_ =	shalt  }
tec
execute0_lowered:
.L_overlay_start_1:
0x0: {  	(tag) =	ssettag $0x1  }
0x1: {  	s0 =	srdreg.scid;
	s5 =	rddreg [dreg:$0x0]  }
0x2: {  	s11 =	stileid.u32;
	s2 =	rddreg [dreg:$0x1];
	s3 =	simm.s32 $0x0  }
0x3: {  	s14 =	simm.s32 $0x50;
	s15 =	simm.s32 $0x4E20;
	s16 =	simm.s32 $0x6220  }
0x4: {  	s18 =	simm.s32 $0x7620;
	s20 =	simm.s32 $0x8A20;
	s22 =	simm.s32 $0x9E20  }
0x5: {  	s23 =	simm.s32 $0x1;
	s24 =	simm.s32 $0x6;
	s28 =	simm.s32 $0x3  }
0x6: {  	s29 =	simm.s32 $0x8;
	s30 =	simm.s32 $0x4;
	s31 =	simm.s32 $0x9  }
0x7: {  	s17 =	simm.s32 $0x0;
	s0 =	sand.u32 $0x1, s0;
	s1 =	sshll.u32 s11, $0x1  }
0x8: {  	s7 =	smul.u32 $0xA000, s11;
	[smem:$0x7FF] =	sst s3;
	s4 =	sadd.s32 $0x16600, s5  }
0x9: {  	s26 =	sshll.u32 s11, $0x6;
	s1 =	sor.u32 s0, s1;
	s6 =	smul.u32 $0xA0000, s0  }
0xa: {  	_ =	strace $0x8000004A;
	s0 =	ssub.s32 $0x2, s0;
	s12 =	sor.u32 $0x1C0B, s26  }
0xb: {  	s26 =	simm.s32 $0x7;
	s1 =	smul.u32 $0x4E2, s1;
	s8 =	sshrl.u32 s7, $0x3  }
0xc: {  	s9 =	sshrl.u32 s0, $0x1;
	s25 =	sadd.s32 s7, s2;
	s6 =	sadd.s32 s7, s6  }
0xd: {  	s8 =	sadd.s32 s8, s5;
	s0 =	ssub.s32 s0, s9;
	s13 =	sshrl.u32 s25, $0x3  }
0xe: {  	s25 =	simm.s32 $0x2;
	s1 =	sadd.s32 s1, s5;
	s6 =	sshrl.u32 s6, $0x3  }
0xf: {  	s7 =	sadd.s32 $0x2A000, s8;
	s9 =	smax.u32 s0, $0x1;
	s0 =	simm.s32 $0xA  }
0x10: {  	s10 =	sadd.s32 s6, s5;
	s5 =	sadd.s32 $0x2A00, s1;
	s6 =	sadd.s32 $0xC800, s1  }
0x11: {  	s1 =	simm.s32 $0x5;
	s8 =	sadd.s32 $0x3E000, s10;
	s10 =	simm.s32 $0xB  }
.LBB2_1:
0x12: {  	[tilespmem:s3], [sflag:$0xB] =	stream.linear.gather [hbm4b:s5+s3], $0x2710, $0x38;
	[tilespmem:$0x15220] =	vst v63  }
0x13: {  	_ =	swait.ge [sflag:s10], $0x2710  }
0x14: {  	[sflag:s10] =	ssyncset.done $0x0  }
0x15: {  	s11 =	simm.s32 $0x2710;
	[sflag:s10] =	ssyncadd.s32 $0xFFFFD8F0  }
0x16: {  	[tilespmem:s11], [sflag:$0xB] =	stream.linear.gather [hbm4b:s6+s3], $0x2710, $0x38;
	[tilespmem:$0x15220] =	vst v63  }
0x17: {  	_ =	swait.ge [sflag:s10], $0x2710  }
0x18: {  	[sflag:s10] =	ssyncset.done $0x0  }
0x19: {  	[sflag:s10] =	ssyncadd.s32 $0xFFFFD8F0  }
0x1a: {  	[spmem:s13], [sflag:s12] =	dma.local [hbm:s7], $0x1400  }
0x1b: {  	_ =	swait.ge [sflag:s10], $0x1400  }
0x1c: {  	[sflag:s10] =	ssyncset.done $0x0  }
0x1d: {  	[sflag:s10] =	ssyncadd.s32 $0xFFFFEC00  }
0x1e: {  	[bflag:$0x0] =	sbarrier.arrive $0xFFFF  }
0x1f: {  	[tilespmem:s15], [sflag:$0x1] =	stream.indirect.gather [hbm4b:s4+s14], $0x40, s3, s14, $0xb8;
	[tilespmem:$0x15220] =	vst v63  }
0x20: {  	_ = 	snop  }
0x21: {  	[tilespmem:s16], [sflag:$0x2] =	stream.indirect.gather [hbm4b:s4+s14], $0x40, s14, s14, $0xb8;
	[tilespmem:$0x15220] =	vst v63  }
0x22: {  	s21 =	simm.s32 $0xA0  }
0x23: {  	[tilespmem:s18], [sflag:$0x3] =	stream.indirect.gather [hbm4b:s4+s14], $0x40, s21, s14, $0xb8;
	[tilespmem:$0x15220] =	vst v63  }
0x24: {  	s19 =	simm.s32 $0xF0  }
0x25: {  	[tilespmem:s20], [sflag:$0x4] =	stream.indirect.gather [hbm4b:s4+s14], $0x40, s19, s14, $0xb8;
	[tilespmem:$0x15220] =	vst v63  }
0x26: {  	s21 =	simm.s32 $0x140  }
0x27: {  	[tilespmem:s22], [sflag:$0x5] =	stream.indirect.gather [hbm4b:s4+s14], $0x40, s21, s14, $0xb8;
	[tilespmem:$0x15220] =	vst v63  }
0x28: {  	_ =	swait.ge [sflag:s23], $0x1400  }
0x29: {  	[sflag:s23] =	ssyncset.done $0x0  }
0x2a: {  	s19 =	simm.s32 $0x2710;
	[sflag:s23] =	ssyncadd.s32 $0xFFFFEC00  }
0x2b: {  	[spmem:s2] =	stream.indirect.scatter.add.f32 [tilespmem:s15], [sflag:$0x6], $0x40, s19, s14, $0xb8;
	[tilespmem:$0x15220] =	vst v63  }
0x2c: {  	_ =	swait.ge [sflag:s24], $0x1400  }
0x2d: {  	[sflag:s24] =	ssyncset.done $0x0  }
0x2e: {  	s11 =	simm.s32 $0x190;
	[sflag:s24] =	ssyncadd.s32 $0xFFFFEC00  }
0x2f: {  	[tilespmem:s15], [sflag:$0x1] =	stream.indirect.gather [hbm4b:s4+s14], $0x40, s11, s14, $0xb8;
	[tilespmem:$0x15220] =	vst v63  }
0x30: {  	_ =	swait.ge [sflag:s25], $0x1400  }
0x31: {  	[sflag:s25] =	ssyncset.done $0x0  }
0x32: {  	s21 =	simm.s32 $0x2760;
	[sflag:s25] =	ssyncadd.s32 $0xFFFFEC00  }
0x33: {  	[spmem:s2] =	stream.indirect.scatter.add.f32 [tilespmem:s16], [sflag:$0x7], $0x40, s21, s14, $0xb8;
	[tilespmem:$0x15220] =	vst v63  }
0x34: {  	_ =	swait.ge [sflag:s26], $0x1400  }
0x35: {  	[sflag:s26] =	ssyncset.done $0x0  }
0x36: {  	s11 =	simm.s32 $0x1E0;
	[sflag:s26] =	ssyncadd.s32 $0xFFFFEC00  }
0x37: {  	[tilespmem:s16], [sflag:$0x2] =	stream.indirect.gather [hbm4b:s4+s14], $0x40, s11, s14, $0xb8;
	[tilespmem:$0x15220] =	vst v63  }
0x38: {  	_ =	swait.ge [sflag:s28], $0x1400  }
0x39: {  	[sflag:s28] =	ssyncset.done $0x0  }
0x3a: {  	s21 =	simm.s32 $0x27B0;
	[sflag:s28] =	ssyncadd.s32 $0xFFFFEC00  }
0x3b: {  	[spmem:s2] =	stream.indirect.scatter.add.f32 [tilespmem:s18], [sflag:$0x8], $0x40, s21, s14, $0xb8;
	[tilespmem:$0x15220] =	vst v63  }
0x3c: {  	_ =	swait.ge [sflag:s29], $0x1400  }
0x3d: {  	[sflag:s29] =	ssyncset.done $0x0  }
0x3e: {  	s11 =	simm.s32 $0x230;
	[sflag:s29] =	ssyncadd.s32 $0xFFFFEC00  }
0x3f: {  	[tilespmem:s18], [sflag:$0x3] =	stream.indirect.gather [hbm4b:s4+s14], $0x40, s11, s14, $0xb8;
	[tilespmem:$0x15220] =	vst v63  }
0x40: {  	_ =	swait.ge [sflag:s30], $0x1400  }
0x41: {  	[sflag:s30] =	ssyncset.done $0x0  }
0x42: {  	s21 =	simm.s32 $0x2800;
	[sflag:s30] =	ssyncadd.s32 $0xFFFFEC00  }
0x43: {  	[spmem:s2] =	stream.indirect.scatter.add.f32 [tilespmem:s20], [sflag:$0x9], $0x40, s21, s14, $0xb8;
	[tilespmem:$0x15220] =	vst v63  }
0x44: {  	_ =	swait.ge [sflag:s31], $0x1400  }
0x45: {  	[sflag:s31] =	ssyncset.done $0x0  }
0x46: {  	s11 =	simm.s32 $0x280;
	[sflag:s31] =	ssyncadd.s32 $0xFFFFEC00  }
0x47: {  	[tilespmem:s20], [sflag:$0x4] =	stream.indirect.gather [hbm4b:s4+s14], $0x40, s11, s14, $0xb8;
	[tilespmem:$0x15220] =	vst v63  }
0x48: {  	_ =	swait.ge [sflag:s1], $0x1400  }
0x49: {  	[sflag:s1] =	ssyncset.done $0x0  }
0x4a: {  	s21 =	simm.s32 $0x2850;
	[sflag:s1] =	ssyncadd.s32 $0xFFFFEC00  }
0x4b: {  	[spmem:s2] =	stream.indirect.scatter.add.f32 [tilespmem:s22], [sflag:$0xA], $0x40, s21, s14, $0xb8;
	[tilespmem:$0x15220] =	vst v63  }
0x4c: {  	_ =	swait.ge [sflag:s0], $0x1400  }
0x4d: {  	[sflag:s0] =	ssyncset.done $0x0  }
0x4e: {  	s19 =	simm.s32 $0x640;
	s21 =	simm.s32 $0x2D0;
	[sflag:s0] =	ssyncadd.s32 $0xFFFFEC00  }
.LBB2_2:
0x4f: {  	[tilespmem:s22], [sflag:$0x5] =	stream.indirect.gather [hbm4b:s4+s14], $0x40, s21, s14, $0xb8;
	[tilespmem:$0x15220] =	vst v63  }
0x50: {  	s21 =	smov.u32 s19  }
0x51: {  	p0 =	sne.s32 s19, $0x8FC0;
	s19 =	sadd.s32 $0x640, s19;
	_ =	swait.ge [sflag:s23], $0x1400  }
0x52: {  	s21 =	sshra.s32 s21, $0x2;
	[sflag:s23] =	ssyncset.done $0x0  }
0x53: {  	s11 =	sadd.s32 $0x2710, s21;
	[sflag:s23] =	ssyncadd.s32 $0xFFFFEC00  }
0x54: {  	[spmem:s2] =	stream.indirect.scatter.add.f32 [tilespmem:s15], [sflag:$0x6], $0x40, s11, s14, $0xb8;
	[tilespmem:$0x15220] =	vst v63  }
0x55: {  	_ =	swait.ge [sflag:s24], $0x1400  }
0x56: {  	[sflag:s24] =	ssyncset.done $0x0  }
0x57: {  	s11 =	sadd.s32 $0x190, s21;
	[sflag:s24] =	ssyncadd.s32 $0xFFFFEC00  }
0x58: {  	[tilespmem:s15], [sflag:$0x1] =	stream.indirect.gather [hbm4b:s4+s14], $0x40, s11, s14, $0xb8;
	[tilespmem:$0x15220] =	vst v63  }
0x59: {  	_ =	swait.ge [sflag:s25], $0x1400  }
0x5a: {  	[sflag:s25] =	ssyncset.done $0x0  }
0x5b: {  	s11 =	sadd.s32 $0x2760, s21;
	[sflag:s25] =	ssyncadd.s32 $0xFFFFEC00  }
0x5c: {  	[spmem:s2] =	stream.indirect.scatter.add.f32 [tilespmem:s16], [sflag:$0x7], $0x40, s11, s14, $0xb8;
	[tilespmem:$0x15220] =	vst v63  }
0x5d: {  	_ =	swait.ge [sflag:s26], $0x1400  }
0x5e: {  	[sflag:s26] =	ssyncset.done $0x0  }
0x5f: {  	s11 =	sadd.s32 $0x1E0, s21;
	[sflag:s26] =	ssyncadd.s32 $0xFFFFEC00  }
0x60: {  	[tilespmem:s16], [sflag:$0x2] =	stream.indirect.gather [hbm4b:s4+s14], $0x40, s11, s14, $0xb8;
	[tilespmem:$0x15220] =	vst v63  }
0x61: {  	_ =	swait.ge [sflag:s28], $0x1400  }
0x62: {  	[sflag:s28] =	ssyncset.done $0x0  }
0x63: {  	s11 =	sadd.s32 $0x27B0, s21;
	[sflag:s28] =	ssyncadd.s32 $0xFFFFEC00  }
0x64: {  	[spmem:s2] =	stream.indirect.scatter.add.f32 [tilespmem:s18], [sflag:$0x8], $0x40, s11, s14, $0xb8;
	[tilespmem:$0x15220] =	vst v63  }
0x65: {  	_ =	swait.ge [sflag:s29], $0x1400  }
0x66: {  	[sflag:s29] =	ssyncset.done $0x0  }
0x67: {  	s11 =	sadd.s32 $0x230, s21;
	[sflag:s29] =	ssyncadd.s32 $0xFFFFEC00  }
0x68: {  	[tilespmem:s18], [sflag:$0x3] =	stream.indirect.gather [hbm4b:s4+s14], $0x40, s11, s14, $0xb8;
	[tilespmem:$0x15220] =	vst v63  }
0x69: {  	_ =	swait.ge [sflag:s30], $0x1400  }
0x6a: {  	[sflag:s30] =	ssyncset.done $0x0  }
0x6b: {  	s11 =	sadd.s32 $0x2800, s21;
	[sflag:s30] =	ssyncadd.s32 $0xFFFFEC00  }
0x6c: {  	[spmem:s2] =	stream.indirect.scatter.add.f32 [tilespmem:s20], [sflag:$0x9], $0x40, s11, s14, $0xb8;
	[tilespmem:$0x15220] =	vst v63  }
0x6d: {  	_ =	swait.ge [sflag:s31], $0x1400  }
0x6e: {  	[sflag:s31] =	ssyncset.done $0x0  }
0x6f: {  	s11 =	sadd.s32 $0x280, s21;
	[sflag:s31] =	ssyncadd.s32 $0xFFFFEC00  }
0x70: {  	[tilespmem:s20], [sflag:$0x4] =	stream.indirect.gather [hbm4b:s4+s14], $0x40, s11, s14, $0xb8;
	[tilespmem:$0x15220] =	vst v63  }
0x71: {  	_ =	swait.ge [sflag:s1], $0x1400  }
0x72: {  	[sflag:s1] =	ssyncset.done $0x0  }
.Ltmp0:
0x73: {  	s11 =	sadd.s32 $0x2850, s21;
	[sflag:s1] =	ssyncadd.s32 $0xFFFFEC00;
	(pc) =	sbr.rel @p0 .LBB2_2-.Ltmp0, $4  }
0x74: {  	[spmem:s2] =	stream.indirect.scatter.add.f32 [tilespmem:s22], [sflag:$0xA], $0x40, s11, s14, $0xb8;
	[tilespmem:$0x15220] =	vst v63  }
0x75: {  	_ =	swait.ge [sflag:s0], $0x1400  }
0x76: {  	[sflag:s0] =	ssyncset.done $0x0  }
0x77: {  	s21 =	sadd.s32 $0x2D0, s21;
	[sflag:s0] =	ssyncadd.s32 $0xFFFFEC00  }
0x78: {  	[tilespmem:s22], [sflag:$0x5] =	stream.indirect.gather [hbm4b:s4+s14], $0x40, s21, s14, $0xb8;
	[tilespmem:$0x15220] =	vst v63  }
0x79: {  	_ =	swait.ge [sflag:s23], $0x1400  }
0x7a: {  	[sflag:s23] =	ssyncset.done $0x0  }
0x7b: {  	s11 =	simm.s32 $0x4C90;
	[sflag:s23] =	ssyncadd.s32 $0xFFFFEC00  }
0x7c: {  	[spmem:s2] =	stream.indirect.scatter.add.f32 [tilespmem:s15], [sflag:$0x6], $0x40, s11, s14, $0xb8;
	[tilespmem:$0x15220] =	vst v63  }
0x7d: {  	_ =	swait.ge [sflag:s24], $0x1400  }
0x7e: {  	[sflag:s24] =	ssyncset.done $0x0  }
0x7f: {  	[sflag:s24] =	ssyncadd.s32 $0xFFFFEC00  }
0x80: {  	_ =	swait.ge [sflag:s25], $0x1400  }
0x81: {  	[sflag:s25] =	ssyncset.done $0x0  }
0x82: {  	s19 =	simm.s32 $0x4CE0;
	[sflag:s25] =	ssyncadd.s32 $0xFFFFEC00  }
0x83: {  	[spmem:s2] =	stream.indirect.scatter.add.f32 [tilespmem:s16], [sflag:$0x7], $0x40, s19, s14, $0xb8;
	[tilespmem:$0x15220] =	vst v63  }
0x84: {  	_ =	swait.ge [sflag:s26], $0x1400  }
0x85: {  	[sflag:s26] =	ssyncset.done $0x0  }
0x86: {  	[sflag:s26] =	ssyncadd.s32 $0xFFFFEC00  }
0x87: {  	_ =	swait.ge [sflag:s28], $0x1400  }
0x88: {  	[sflag:s28] =	ssyncset.done $0x0  }
0x89: {  	s21 =	simm.s32 $0x4D30;
	[sflag:s28] =	ssyncadd.s32 $0xFFFFEC00  }
0x8a: {  	[spmem:s2] =	stream.indirect.scatter.add.f32 [tilespmem:s18], [sflag:$0x8], $0x40, s21, s14, $0xb8;
	[tilespmem:$0x15220] =	vst v63  }
0x8b: {  	_ =	swait.ge [sflag:s29], $0x1400  }
0x8c: {  	[sflag:s29] =	ssyncset.done $0x0  }
0x8d: {  	[sflag:s29] =	ssyncadd.s32 $0xFFFFEC00  }
0x8e: {  	_ =	swait.ge [sflag:s30], $0x1400  }
0x8f: {  	[sflag:s30] =	ssyncset.done $0x0  }
0x90: {  	s19 =	simm.s32 $0x4D80;
	[sflag:s30] =	ssyncadd.s32 $0xFFFFEC00  }
0x91: {  	[spmem:s2] =	stream.indirect.scatter.add.f32 [tilespmem:s20], [sflag:$0x9], $0x40, s19, s14, $0xb8;
	[tilespmem:$0x15220] =	vst v63  }
0x92: {  	_ =	swait.ge [sflag:s31], $0x1400  }
0x93: {  	[sflag:s31] =	ssyncset.done $0x0  }
0x94: {  	[sflag:s31] =	ssyncadd.s32 $0xFFFFEC00  }
0x95: {  	_ =	swait.ge [sflag:s1], $0x1400  }
0x96: {  	[sflag:s1] =	ssyncset.done $0x0  }
0x97: {  	s21 =	simm.s32 $0x4DD0;
	[sflag:s1] =	ssyncadd.s32 $0xFFFFEC00  }
0x98: {  	[spmem:s2] =	stream.indirect.scatter.add.f32 [tilespmem:s22], [sflag:$0xA], $0x40, s21, s14, $0xb8;
	[tilespmem:$0x15220] =	vst v63  }
0x99: {  	_ =	swait.ge [sflag:s0], $0x1400  }
0x9a: {  	s17 =	sadd.s32 $0x1, s17;
	[sflag:s0] =	ssyncset.done $0x0  }
0x9b: {  	p0 =	sne.s32 s17, s9;
	[sflag:s0] =	ssyncadd.s32 $0xFFFFEC00  }
.Ltmp1:
0x9c: {  	[bflag:$0x0] =	sbarrier.arrive $0xFFFF;
	(pc) =	sbr.rel @p0 .LBB2_1-.Ltmp1, $4  }
0x9d: {  	[hbm:s8], [sflag:s12] =	dma.local [spmem:s13], $0x1400  }
0x9e: {  	_ =	swait.ge [sflag:s10], $0x1400  }
0x9f: {  	[sflag:s10] =	ssyncset.done $0x0  }
0xa0: {  	[sflag:s10] =	ssyncadd.s32 $0xFFFFEC00  }
0xa1: {  	_ =	sfence.sel $0x180000  }
0xa2: {  	[bflag:$0x0] =	sbarrier.arrive $0xFFFF  }
0xa3: {  	_ =	strace $0x9000004A  }
0xa4: {  	s0 =	stileid.u32;
	[bflag:$0x2] =	sbarrier.arrive $0xFFFF  }
0xa5: {  	p0 =	sne.s32 s0, $0x0;
	s0 =	rddreg [dreg:$0x2]  }
0xa6: {  	s0 =	sadd.s32 @!p0 $0x100000, s0  }
0xa7: {  	[sflag:s0] =	ssyncadd.tile.s32 @!p0 $0x1;
	_ =	shalt  }
.Lfunc_end2:
_tile_overlayer_lowered:
.L_overlay_start_2:
0xa8: {  	(tag) =	ssettag $0x2  }
0xa9: {  	s0 =	rddreg [dreg:$0x0];
	s2 =	stileid.u32  }
0xaa: {  	s1 =	rddreg [dreg:$0x1];
	p0 =	sne.s32 s2, $0x0  }
0xab: {  	s3 =	rddreg [dreg:$0x2];
	[bflag:$0x3] =	sbarrier.arrive $0xFFFF;
	s2 =	simm.s32 @!p0 $0x1C0B  }
0xac: {  	[timem:s3], [sflag:s2] =	dma.local @!p0 [hbm:s0], s1  }
0xad: {  	s0 =	simm.s32 @!p0 $0xB  }
0xae: {  	_ =	swait.ge @!p0 [sflag:s0], s1  }
0xaf: {  	s1 =	ssub.s32 @!p0 $0x0, s1;
	[sflag:s0] =	ssyncset.done @!p0 $0x0  }
0xb0: {  	[sflag:s0] =	ssyncadd.s32 @!p0 s1  }
0xb1: {  	[bflag:$0x3] =	sbarrier.arrive $0xFFFF  }
0xb2: {  	_ =	shalt  }

// kernel: kernel.17.cloned.1.call-start
scs
__scs_entry_jumppad:
0x0: {  	(pc) =	sbr.rel $0x88, $3  }
0x1: {  	(tag) =	ssettag $0x0;
	lr =	simm.s32 $0x1  }
0x2: {  	[smem:$0x3F95] =	sst lr;
	_ =	strace $0xD0000000  }
0x3: {  	_ = 	snop  }
0x4: {  	_ = 	snop  }
0x5: {  	_ = 	snop  }
0x6: {  	_ = 	snop  }
0x7: {  	_ = 	snop  }
__scs_overlays_trampoline_lowered:
0x8: {  	[smem:$0x3FA4] =	sst s0  }
0x9: {  	[smem:$0x3FA5] =	sst s1  }
0xa: {  	[smem:$0x3FA6] =	sst s2  }
0xb: {  	[smem:$0x3FA7] =	sst s3  }
0xc: {  	[smem:$0x3FA8] =	sst s4  }
0xd: {  	[smem:$0x3FA9] =	sst s5  }
0xe: {  	[smem:$0x3FAA] =	sst s6  }
0xf: {  	[smem:$0x3FAB] =	sst s7  }
0x10: {  	[smem:$0x3FAC] =	sst s8  }
0x11: {  	[smem:$0x3FAD] =	sst s9;
	s0 =	simm.s32 @!p0 $0x0  }
0x12: {  	s1 =	sld [smem:$0x3F93];
	s0 =	simm.s32 @p0 $0x1  }
0x13: {  	[smem:$0x3FAE] =	sst s0;
	s0 =	simm.s32 @!p1 $0x0  }
0x14: {  	s2 =	sld [smem:$0x3F92];
	s0 =	simm.s32 @p1 $0x1  }
0x15: {  	[smem:$0x3FAF] =	sst s0;
	s0 =	simm.s32 @!p2 $0x0  }
0x16: {  	s3 =	sld [smem:$0x3FDB];
	s0 =	simm.s32 @p2 $0x1  }
0x17: {  	s4 =	simm.s32 $0x1BF5;
	[smem:$0x3FB1] =	sst s0  }
0x18: {  	s0 =	sld [smem:$0x3F94];
	_ =	swait.ge [sflag:s4], $0x0  }
0x19: {  	s7 =	sld [smem:$0x3F95]  }
0x1a: {  	s8 =	sadd.s32 $0xFFFFE003, lr  }
0x1b: {  	s9 =	sadd.s32 $0xFFFFFEF7, lr;
	s5 =	simm.s32 $0xFFFFFFFF;
	p2 =	slt.u32 s8, $0xFFFFF086  }
0x1c: {  	p1 =	slt.u32 s9, $0xF7A;
	s5 =	simm.s32 @!p2 $0x0  }
0x1d: {  	s5 =	simm.s32 @p1 $0x1;
	p0 =	seq.s32 s7, s2  }
0x1e: {  	s7 =	smul.u32 @!p0 $0xF7A, s2;
	p2 =	seq.s32 @!p0 s5, $0x0  }
0x1f: {  	s9 =	smul.u32 $0xF7A, s1;
	s8 =	simm.s32 @!p0 $0x1BF5;
	p2 =	por !p2, p0  }
0x20: {  	[sflag:s8] =	ssyncset.s32 @!p0 $0xFFFFF086;
	s6 =	sadd.s32 @!p0 s3, s7;
	s7 =	simm.s32 @!p0 $0x108  }
0x21: {  	s3 =	sadd.s32 s3, s9;
	s6 =	sadd.s32 @!p0 $0x88, s6;
	s7 =	simm.s32 @p2 $0x1082  }
0x22: {  	[simem:s7], [sflag:s8] =	dma.local @!p0 [hbm:s6], $0xF7A  }
0x23: {  	s9 =	sor.u32 $0xD0000000, s2;
	s6 =	simm.s32 $0x108;
	_ =	swait.ge @!p0 [sflag:s8], $0x0  }
0x24: {  	s3 =	sadd.s32 $0x88, s3;
	s6 =	simm.s32 @!p1 $0x1082;
	[sflag:s4] =	ssyncset.s32 $0xFFFFF086  }
0x25: {  	[simem:s6], [sflag:s4] =	dma.local [hbm:s3], $0xF7A  }
0x26: {  	[smem:$0x3F95] =	sst s1;
	(tag) =	ssettag s2;
	_ =	strace s9  }
0x27: {  	s1 =	sld [smem:$0x3FA5]  }
0x28: {  	s2 =	sld [smem:$0x3FA6]  }
0x29: {  	s4 =	sld [smem:$0x3FA8]  }
0x2a: {  	p0 =	seq.s32 s5, $0x0;
	s5 =	sld [smem:$0x3FA9]  }
0x2b: {  	s6 =	sld [smem:$0x3FAA]  }
0x2c: {  	s7 =	sld [smem:$0x3FAB]  }
0x2d: {  	s3 =	simm.s32 $0x108;
	s8 =	sld [smem:$0x3FAC]  }
0x2e: {  	s3 =	simm.s32 @!p0 $0x1082;
	s9 =	sld [smem:$0x3FAD]  }
0x2f: {  	lr =	sadd.s32 s0, s3;
	s0 =	sld [smem:$0x3FA4]  }
0x30: {  	s3 =	sld [smem:$0x3FA7]  }
0x31: {  	[smem:$0x3FB0] =	sst s10  }
0x32: {  	s10 =	sld [smem:$0x3FAE];
	_ =	sdelay $0x3  }
0x33: {  	p0 =	seq.s32 s10, $0x1;
	s10 =	sld [smem:$0x3FB0];
	_ =	sdelay $0x3  }
0x34: {  	[smem:$0x3FB0] =	sst s10  }
0x35: {  	s10 =	sld [smem:$0x3FAF];
	_ =	sdelay $0x3  }
0x36: {  	p1 =	seq.s32 s10, $0x1;
	s10 =	sld [smem:$0x3FB0];
	_ =	sdelay $0x3  }
0x37: {  	[smem:$0x3FB0] =	sst s10  }
0x38: {  	s10 =	sld [smem:$0x3FB1]  }
0x39: {  	_ = 	snop;
	(pc) =	sbr.ind lr, $3  }
0x3a: {  	_ = 	snop  }
0x3b: {  	_ = 	snop  }
0x3c: {  	p2 =	seq.s32 s10, $0x1;
	s10 =	sld [smem:$0x3FB0]  }
0x3d: {  	_ =	shalt  }
0x3e: {  	_ =	shalt  }
0x3f: {  	_ =	shalt  }
0x40: {  	_ =	shalt  }
0x41: {  	_ =	shalt  }
0x42: {  	_ =	shalt  }
0x43: {  	_ =	shalt  }
0x44: {  	_ =	shalt  }
0x45: {  	_ =	shalt  }
0x46: {  	_ =	shalt  }
0x47: {  	_ =	shalt  }
0x48: {  	_ =	shalt  }
0x49: {  	_ =	shalt  }
0x4a: {  	_ =	shalt  }
0x4b: {  	_ =	shalt  }
0x4c: {  	_ =	shalt  }
0x4d: {  	_ =	shalt  }
0x4e: {  	_ =	shalt  }
0x4f: {  	_ =	shalt  }
0x50: {  	_ =	shalt  }
0x51: {  	_ =	shalt  }
0x52: {  	_ =	shalt  }
0x53: {  	_ =	shalt  }
0x54: {  	_ =	shalt  }
0x55: {  	_ =	shalt  }
0x56: {  	_ =	shalt  }
0x57: {  	_ =	shalt  }
0x58: {  	_ =	shalt  }
0x59: {  	_ =	shalt  }
0x5a: {  	_ =	shalt  }
0x5b: {  	_ =	shalt  }
0x5c: {  	_ =	shalt  }
0x5d: {  	_ =	shalt  }
0x5e: {  	_ =	shalt  }
0x5f: {  	_ =	shalt  }
0x60: {  	_ =	shalt  }
0x61: {  	_ =	shalt  }
0x62: {  	_ =	shalt  }
0x63: {  	_ =	shalt  }
0x64: {  	_ =	shalt  }
0x65: {  	_ =	shalt  }
0x66: {  	_ =	shalt  }
0x67: {  	_ =	shalt  }
0x68: {  	_ =	shalt  }
0x69: {  	_ =	shalt  }
0x6a: {  	_ =	shalt  }
0x6b: {  	_ =	shalt  }
0x6c: {  	_ =	shalt  }
0x6d: {  	_ =	shalt  }
0x6e: {  	_ =	shalt  }
0x6f: {  	_ =	shalt  }
0x70: {  	_ =	shalt  }
0x71: {  	_ =	shalt  }
0x72: {  	_ =	shalt  }
0x73: {  	_ =	shalt  }
0x74: {  	_ =	shalt  }
0x75: {  	_ =	shalt  }
0x76: {  	_ =	shalt  }
0x77: {  	_ =	shalt  }
0x78: {  	_ =	shalt  }
0x79: {  	_ =	shalt  }
0x7a: {  	_ =	shalt  }
0x7b: {  	_ =	shalt  }
0x7c: {  	_ =	shalt  }
0x7d: {  	_ =	shalt  }
0x7e: {  	_ =	shalt  }
0x7f: {  	_ =	shalt  }
0x80: {  	_ =	shalt  }
0x81: {  	_ =	shalt  }
0x82: {  	_ =	shalt  }
0x83: {  	_ =	shalt  }
0x84: {  	_ =	shalt  }
0x85: {  	_ =	shalt  }
0x86: {  	_ =	shalt  }
0x87: {  	_ =	shalt  }
.Lfunc_end0:
.L_simem_size_0:
called_computation.2_lowered:
.L_overlay_start_0:
0x88: {  	s2 =	sld [smem:$0x3FD9]  }
0x89: {  	s3 =	sld [smem:$0x3FFE];
	_ =	sdelay $0x1  }
0x8a: {  	s1 =	srdreg.scid  }
0x8b: {  	s0 =	sand.u32 $0x1, s1  }
0x8c: {  	s16 =	sshll.u32 s0, $0xA;
	s2 =	sadd.s32 s3, s2  }
0x8d: {  	s2 =	sadd.s32 s2, s16  }
0x8e: {  	[smem:$0x3FBC] =	sst s2  }
0x8f: {  	_ = 	snop  }
0x90: {  	(tm) =	ssettm $0x1  }
0x91: {  	s17 =	sld [smem:$0x3FFB];
	_ =	sdelay $0x3  }
0x92: {  	_ =	strace s17  }
0x93: {  	s2 =	sld [smem:$0x3FFC];
	_ =	sdelay $0x3  }
0x94: {  	_ =	strace s2  }
0x95: {  	s2 =	sld [smem:$0x3FFD];
	_ =	sdelay $0x3  }
0x96: {  	_ =	strace s2  }
0x97: {  	_ =	strace $0x8FFFFFFF  }
0x98: {  	s18 =	sld [smem:$0x3FDB];
	_ =	sdelay $0x1  }
0x99: {  	s19 =	simm.s32 $_scs_section_size  }
0x9a: {  	s4 =	simm.s32 $_size__tile_overlayer_lowered;
	s5 =	simm.s32 $_tile_overlayer_lowered  }
0x9b: {  	s22 =	simm.s32 $0x1BFF;
	s21 =	sshll.u32 s5, $0x1;
	s2 =	sadd.s32 s19, s18  }
0x9c: {  	s6 =	simm.s32 $0x0;
	s20 =	sshll.u32 s4, $0x1;
	s4 =	sadd.s32 s21, s2  }
0x9d: {  	[timem:s6], [sflag:s22] =	dma.local [hbm:s4], s20  }
0x9e: {  	_ =	swait.ge [sflag:s22], s20  }
0x9f: {  	s3 =	ssub.s32 $0x0, s20;
	[sflag:s22] =	ssyncset.done $0x0  }
0xa0: {  	[sflag:s22] =	ssyncadd.s32 s3;
	_ =	sdelay $0x1  }
0xa1: {  	s23 =	simm.s32 $0x1B8B  }
0xa2: {  	_ =	swait.ge [sflag:s23], $0x1  }
0xa3: {  	[sflag:s23] =	ssyncset.done $0x0  }
0xa4: {  	s25 =	simm.s32 $0x1B8E;
	s24 =	sld [smem:$0x3FFE];
	[sflag:s23] =	ssyncadd.s32 $0xFFFFFFFF  }
0xa5: {  	s26 =	simm.s32 $execute0_lowered;
	[smem:$0x3FD2] =	sst s25  }
0xa6: {  	s4 =	sshll.u32 s26, $0x1;
	_ =	strace $0x8000004C;
	[dreg:$0x1] =	wrdreg $0xFFFFFFFF  }
0xa7: {  	s28 =	simm.s32 $_size_execute0_lowered;
	s2 =	sadd.s32 s2, s4;
	[dreg:$0x0] =	wrdreg $0x0  }
0xa8: {  	s4 =	sshll.u32 s28, $0x1;
	[dreg:$0x2] =	wrdreg s2  }
0xa9: {  	[dreg:$0x3] =	wrdreg s4  }
0xaa: {  	[dreg:$0x4] =	wrdreg $0xC0  }
0xab: {  	_ =	task [dreg:s6], $0x5FFFF  }
0xac: {  	[dreg:$0x1] =	wrdreg $0xFFFFFFFF  }
0xad: {  	[dreg:$0x0] =	wrdreg $0x60  }
0xae: {  	[dreg:$0x2] =	wrdreg s24  }
0xaf: {  	[dreg:$0x3] =	wrdreg $0xB2200  }
0xb0: {  	[dreg:$0x4] =	wrdreg $0x9  }
0xb1: {  	_ =	task.clear_ibuf [dreg:s6], $0x5FFFF;
	_ =	strace $0x9000004C  }
0xb2: {  	s29 =	simm.s32 $0x9;
	_ =	strace $0x8000004E  }
0xb3: {  	_ =	swait.ge [sflag:s29], $0x1  }
0xb4: {  	[sflag:s29] =	ssyncadd.s32 $0xFFFFFFFF  }
0xb5: {  	_ =	strace $0x9000004E  }
0xb6: {  	_ =	sfence  }
0xb7: {  	s30 =	sld [smem:$0x0];
	_ =	sdelay $0x2  }
0xb8: {  	s31 =	sshll.u32 s1, $0xD;
	s1 =	sshrl.u32 s1, $0x2  }
0xb9: {  	s3 =	sand.u32 $0x4000, s31;
	s1 =	sadd.s32 s1, s30  }
0xba: {  	s0 =	sor.u32 s3, s0;
	s1 =	sshll.u32 s1, $0x11  }
0xbb: {  	s0 =	sor.u32 s1, s0  }
0xbc: {  	s0 =	sadd.s32 $0x8F2B, s0  }
0xbd: {  	[sflag:s0] =	ssyncadd.remote.s32 $0x1  }
0xbe: {  	_ =	sfence.sel $0xFFFF  }
0xbf: {  	[dreg:$0x0] =	wrdreg $0xFFFFFFFF;
	(pc) =	sbr.abs _section_cstart, $3  }
0xc0: {  	[dreg:$0x1] =	wrdreg $0xFFFFFFFF  }
0xc1: {  	_ =	task.clear_ibuf [dreg:s6], $0x2FFFF;
	_ =	strace $0x9FFFFFFF  }
0xc2: {  	(tm) =	ssettm $0x7FFFFFFF  }
0xc3: {  	_ =	shalt  }
tec
execute0_lowered:
.L_overlay_start_1:
0x0: {  	(tag) =	ssettag $0x1  }
0x1: {  	s0 =	srdreg.scid;
	s5 =	rddreg [dreg:$0x0]  }
0x2: {  	s11 =	stileid.u32;
	s2 =	rddreg [dreg:$0x1];
	s3 =	simm.s32 $0x0  }
0x3: {  	s14 =	simm.s32 $0x28;
	s15 =	simm.s32 $0x4E20;
	s16 =	simm.s32 $0x6220  }
0x4: {  	s18 =	simm.s32 $0x7620;
	s20 =	simm.s32 $0x8A20;
	s22 =	simm.s32 $0x9E20  }
0x5: {  	s23 =	simm.s32 $0x1;
	s24 =	simm.s32 $0x6;
	s28 =	simm.s32 $0x3  }
0x6: {  	s29 =	simm.s32 $0x8;
	s30 =	simm.s32 $0x4;
	s31 =	simm.s32 $0x9  }
0x7: {  	s17 =	simm.s32 $0x0;
	s0 =	sand.u32 $0x1, s0;
	s1 =	sshll.u32 s11, $0x1  }
0x8: {  	s7 =	smul.u32 $0x14000, s11;
	[smem:$0x7FF] =	sst s3;
	s4 =	sadd.s32 $0x16600, s5  }
0x9: {  	s26 =	sshll.u32 s11, $0x6;
	s1 =	sor.u32 s0, s1;
	s6 =	smul.u32 $0x140000, s0  }
0xa: {  	_ =	strace $0x8000004D;
	s0 =	ssub.s32 $0x2, s0;
	s12 =	sor.u32 $0x1C0B, s26  }
0xb: {  	s26 =	simm.s32 $0x7;
	s1 =	smul.u32 $0x4E2, s1;
	s8 =	sshrl.u32 s7, $0x3  }
0xc: {  	s9 =	sshrl.u32 s0, $0x1;
	s25 =	sadd.s32 s7, s2;
	s6 =	sadd.s32 s7, s6  }
0xd: {  	s8 =	sadd.s32 s8, s5;
	s0 =	ssub.s32 s0, s9;
	s13 =	sshrl.u32 s25, $0x3  }
0xe: {  	s25 =	simm.s32 $0x2;
	s1 =	sadd.s32 s1, s5;
	s6 =	sshrl.u32 s6, $0x3  }
0xf: {  	s7 =	sadd.s32 $0x3D800, s8;
	s9 =	smax.u32 s0, $0x1;
	s0 =	simm.s32 $0xA  }
0x10: {  	s10 =	sadd.s32 s6, s5;
	s5 =	sadd.s32 $0x2A00, s1;
	s6 =	sadd.s32 $0xC800, s1  }
0x11: {  	s1 =	simm.s32 $0x5;
	s8 =	sadd.s32 $0x65800, s10;
	s10 =	simm.s32 $0xB  }
.LBB2_1:
0x12: {  	[tilespmem:s3], [sflag:$0xB] =	stream.linear.gather [hbm4b:s5+s3], $0x2710, $0x38;
	[tilespmem:$0x1F220] =	vst v63  }
0x13: {  	_ =	swait.ge [sflag:s10], $0x2710  }
0x14: {  	[sflag:s10] =	ssyncset.done $0x0  }
0x15: {  	s11 =	simm.s32 $0x2710;
	[sflag:s10] =	ssyncadd.s32 $0xFFFFD8F0  }
0x16: {  	[tilespmem:s11], [sflag:$0xB] =	stream.linear.gather [hbm4b:s6+s3], $0x2710, $0x38;
	[tilespmem:$0x1F220] =	vst v63  }
0x17: {  	_ =	swait.ge [sflag:s10], $0x2710  }
0x18: {  	[sflag:s10] =	ssyncset.done $0x0  }
0x19: {  	[sflag:s10] =	ssyncadd.s32 $0xFFFFD8F0  }
0x1a: {  	[spmem:s13], [sflag:s12] =	dma.local [hbm:s7], $0x2800  }
0x1b: {  	_ =	swait.ge [sflag:s10], $0x2800  }
0x1c: {  	[sflag:s10] =	ssyncset.done $0x0  }
0x1d: {  	[sflag:s10] =	ssyncadd.s32 $0xFFFFD800  }
0x1e: {  	[bflag:$0x0] =	sbarrier.arrive $0xFFFF  }
0x1f: {  	[tilespmem:s15], [sflag:$0x1] =	stream.indirect.gather [hbm4b:s4+s14], $0x80, s3, s14, $0xb8;
	[tilespmem:$0x1F220] =	vst v63  }
0x20: {  	_ = 	snop  }
0x21: {  	[tilespmem:s16], [sflag:$0x2] =	stream.indirect.gather [hbm4b:s4+s14], $0x80, s14, s14, $0xb8;
	[tilespmem:$0x1F220] =	vst v63  }
0x22: {  	s21 =	simm.s32 $0x50  }
0x23: {  	[tilespmem:s18], [sflag:$0x3] =	stream.indirect.gather [hbm4b:s4+s14], $0x80, s21, s14, $0xb8;
	[tilespmem:$0x1F220] =	vst v63  }
0x24: {  	s19 =	simm.s32 $0x78  }
0x25: {  	[tilespmem:s20], [sflag:$0x4] =	stream.indirect.gather [hbm4b:s4+s14], $0x80, s19, s14, $0xb8;
	[tilespmem:$0x1F220] =	vst v63  }
0x26: {  	s21 =	simm.s32 $0xA0  }
0x27: {  	[tilespmem:s22], [sflag:$0x5] =	stream.indirect.gather [hbm4b:s4+s14], $0x80, s21, s14, $0xb8;
	[tilespmem:$0x1F220] =	vst v63  }
0x28: {  	_ =	swait.ge [sflag:s23], $0x1400  }
0x29: {  	[sflag:s23] =	ssyncset.done $0x0  }
0x2a: {  	s19 =	simm.s32 $0x2710;
	[sflag:s23] =	ssyncadd.s32 $0xFFFFEC00  }
0x2b: {  	[spmem:s2] =	stream.indirect.scatter.add.f32 [tilespmem:s15], [sflag:$0x6], $0x80, s19, s14, $0xb8;
	[tilespmem:$0x1F220] =	vst v63  }
0x2c: {  	_ =	swait.ge [sflag:s24], $0x1400  }
0x2d: {  	[sflag:s24] =	ssyncset.done $0x0  }
0x2e: {  	s11 =	simm.s32 $0xC8;
	[sflag:s24] =	ssyncadd.s32 $0xFFFFEC00  }
0x2f: {  	[tilespmem:s15], [sflag:$0x1] =	stream.indirect.gather [hbm4b:s4+s14], $0x80, s11, s14, $0xb8;
	[tilespmem:$0x1F220] =	vst v63  }
0x30: {  	_ =	swait.ge [sflag:s25], $0x1400  }
0x31: {  	[sflag:s25] =	ssyncset.done $0x0  }
0x32: {  	s21 =	simm.s32 $0x2738;
	[sflag:s25] =	ssyncadd.s32 $0xFFFFEC00  }
0x33: {  	[spmem:s2] =	stream.indirect.scatter.add.f32 [tilespmem:s16], [sflag:$0x7], $0x80, s21, s14, $0xb8;
	[tilespmem:$0x1F220] =	vst v63  }
0x34: {  	_ =	swait.ge [sflag:s26], $0x1400  }
0x35: {  	[sflag:s26] =	ssyncset.done $0x0  }
0x36: {  	s11 =	simm.s32 $0xF0;
	[sflag:s26] =	ssyncadd.s32 $0xFFFFEC00  }
0x37: {  	[tilespmem:s16], [sflag:$0x2] =	stream.indirect.gather [hbm4b:s4+s14], $0x80, s11, s14, $0xb8;
	[tilespmem:$0x1F220] =	vst v63  }
0x38: {  	_ =	swait.ge [sflag:s28], $0x1400  }
0x39: {  	[sflag:s28] =	ssyncset.done $0x0  }
0x3a: {  	s21 =	simm.s32 $0x2760;
	[sflag:s28] =	ssyncadd.s32 $0xFFFFEC00  }
0x3b: {  	[spmem:s2] =	stream.indirect.scatter.add.f32 [tilespmem:s18], [sflag:$0x8], $0x80, s21, s14, $0xb8;
	[tilespmem:$0x1F220] =	vst v63  }
0x3c: {  	_ =	swait.ge [sflag:s29], $0x1400  }
0x3d: {  	[sflag:s29] =	ssyncset.done $0x0  }
0x3e: {  	s11 =	simm.s32 $0x118;
	[sflag:s29] =	ssyncadd.s32 $0xFFFFEC00  }
0x3f: {  	[tilespmem:s18], [sflag:$0x3] =	stream.indirect.gather [hbm4b:s4+s14], $0x80, s11, s14, $0xb8;
	[tilespmem:$0x1F220] =	vst v63  }
0x40: {  	_ =	swait.ge [sflag:s30], $0x1400  }
0x41: {  	[sflag:s30] =	ssyncset.done $0x0  }
0x42: {  	s21 =	simm.s32 $0x2788;
	[sflag:s30] =	ssyncadd.s32 $0xFFFFEC00  }
0x43: {  	[spmem:s2] =	stream.indirect.scatter.add.f32 [tilespmem:s20], [sflag:$0x9], $0x80, s21, s14, $0xb8;
	[tilespmem:$0x1F220] =	vst v63  }
0x44: {  	_ =	swait.ge [sflag:s31], $0x1400  }
0x45: {  	[sflag:s31] =	ssyncset.done $0x0  }
0x46: {  	s11 =	simm.s32 $0x140;
	[sflag:s31] =	ssyncadd.s32 $0xFFFFEC00  }
0x47: {  	[tilespmem:s20], [sflag:$0x4] =	stream.indirect.gather [hbm4b:s4+s14], $0x80, s11, s14, $0xb8;
	[tilespmem:$0x1F220] =	vst v63  }
0x48: {  	_ =	swait.ge [sflag:s1], $0x1400  }
0x49: {  	[sflag:s1] =	ssyncset.done $0x0  }
0x4a: {  	s21 =	simm.s32 $0x27B0;
	[sflag:s1] =	ssyncadd.s32 $0xFFFFEC00  }
0x4b: {  	[spmem:s2] =	stream.indirect.scatter.add.f32 [tilespmem:s22], [sflag:$0xA], $0x80, s21, s14, $0xb8;
	[tilespmem:$0x1F220] =	vst v63  }
0x4c: {  	_ =	swait.ge [sflag:s0], $0x1400  }
0x4d: {  	[sflag:s0] =	ssyncset.done $0x0  }
0x4e: {  	s19 =	simm.s32 $0x320;
	s21 =	simm.s32 $0x168;
	[sflag:s0] =	ssyncadd.s32 $0xFFFFEC00  }
.LBB2_2:
0x4f: {  	[tilespmem:s22], [sflag:$0x5] =	stream.indirect.gather [hbm4b:s4+s14], $0x80, s21, s14, $0xb8;
	[tilespmem:$0x1F220] =	vst v63  }
0x50: {  	s21 =	smov.u32 s19  }
0x51: {  	p0 =	sne.s32 s19, $0x9600;
	s19 =	sadd.s32 $0x320, s19;
	_ =	swait.ge [sflag:s23], $0x1400  }
0x52: {  	s21 =	sshra.s32 s21, $0x2;
	[sflag:s23] =	ssyncset.done $0x0  }
0x53: {  	s11 =	sadd.s32 $0x2710, s21;
	[sflag:s23] =	ssyncadd.s32 $0xFFFFEC00  }
0x54: {  	[spmem:s2] =	stream.indirect.scatter.add.f32 [tilespmem:s15], [sflag:$0x6], $0x80, s11, s14, $0xb8;
	[tilespmem:$0x1F220] =	vst v63  }
0x55: {  	_ =	swait.ge [sflag:s24], $0x1400  }
0x56: {  	[sflag:s24] =	ssyncset.done $0x0  }
0x57: {  	s11 =	sadd.s32 $0xC8, s21;
	[sflag:s24] =	ssyncadd.s32 $0xFFFFEC00  }
0x58: {  	[tilespmem:s15], [sflag:$0x1] =	stream.indirect.gather [hbm4b:s4+s14], $0x80, s11, s14, $0xb8;
	[tilespmem:$0x1F220] =	vst v63  }
0x59: {  	_ =	swait.ge [sflag:s25], $0x1400  }
0x5a: {  	[sflag:s25] =	ssyncset.done $0x0  }
0x5b: {  	s11 =	sadd.s32 $0x2738, s21;
	[sflag:s25] =	ssyncadd.s32 $0xFFFFEC00  }
0x5c: {  	[spmem:s2] =	stream.indirect.scatter.add.f32 [tilespmem:s16], [sflag:$0x7], $0x80, s11, s14, $0xb8;
	[tilespmem:$0x1F220] =	vst v63  }
0x5d: {  	_ =	swait.ge [sflag:s26], $0x1400  }
0x5e: {  	[sflag:s26] =	ssyncset.done $0x0  }
0x5f: {  	s11 =	sadd.s32 $0xF0, s21;
	[sflag:s26] =	ssyncadd.s32 $0xFFFFEC00  }
0x60: {  	[tilespmem:s16], [sflag:$0x2] =	stream.indirect.gather [hbm4b:s4+s14], $0x80, s11, s14, $0xb8;
	[tilespmem:$0x1F220] =	vst v63  }
0x61: {  	_ =	swait.ge [sflag:s28], $0x1400  }
0x62: {  	[sflag:s28] =	ssyncset.done $0x0  }
0x63: {  	s11 =	sadd.s32 $0x2760, s21;
	[sflag:s28] =	ssyncadd.s32 $0xFFFFEC00  }
0x64: {  	[spmem:s2] =	stream.indirect.scatter.add.f32 [tilespmem:s18], [sflag:$0x8], $0x80, s11, s14, $0xb8;
	[tilespmem:$0x1F220] =	vst v63  }
0x65: {  	_ =	swait.ge [sflag:s29], $0x1400  }
0x66: {  	[sflag:s29] =	ssyncset.done $0x0  }
0x67: {  	s11 =	sadd.s32 $0x118, s21;
	[sflag:s29] =	ssyncadd.s32 $0xFFFFEC00  }
0x68: {  	[tilespmem:s18], [sflag:$0x3] =	stream.indirect.gather [hbm4b:s4+s14], $0x80, s11, s14, $0xb8;
	[tilespmem:$0x1F220] =	vst v63  }
0x69: {  	_ =	swait.ge [sflag:s30], $0x1400  }
0x6a: {  	[sflag:s30] =	ssyncset.done $0x0  }
0x6b: {  	s11 =	sadd.s32 $0x2788, s21;
	[sflag:s30] =	ssyncadd.s32 $0xFFFFEC00  }
0x6c: {  	[spmem:s2] =	stream.indirect.scatter.add.f32 [tilespmem:s20], [sflag:$0x9], $0x80, s11, s14, $0xb8;
	[tilespmem:$0x1F220] =	vst v63  }
0x6d: {  	_ =	swait.ge [sflag:s31], $0x1400  }
0x6e: {  	[sflag:s31] =	ssyncset.done $0x0  }
0x6f: {  	s11 =	sadd.s32 $0x140, s21;
	[sflag:s31] =	ssyncadd.s32 $0xFFFFEC00  }
0x70: {  	[tilespmem:s20], [sflag:$0x4] =	stream.indirect.gather [hbm4b:s4+s14], $0x80, s11, s14, $0xb8;
	[tilespmem:$0x1F220] =	vst v63  }
0x71: {  	_ =	swait.ge [sflag:s1], $0x1400  }
0x72: {  	[sflag:s1] =	ssyncset.done $0x0  }
.Ltmp0:
0x73: {  	s11 =	sadd.s32 $0x27B0, s21;
	[sflag:s1] =	ssyncadd.s32 $0xFFFFEC00;
	(pc) =	sbr.rel @p0 .LBB2_2-.Ltmp0, $4  }
0x74: {  	[spmem:s2] =	stream.indirect.scatter.add.f32 [tilespmem:s22], [sflag:$0xA], $0x80, s11, s14, $0xb8;
	[tilespmem:$0x1F220] =	vst v63  }
0x75: {  	_ =	swait.ge [sflag:s0], $0x1400  }
0x76: {  	[sflag:s0] =	ssyncset.done $0x0  }
0x77: {  	s21 =	sadd.s32 $0x168, s21;
	[sflag:s0] =	ssyncadd.s32 $0xFFFFEC00  }
0x78: {  	[tilespmem:s22], [sflag:$0x5] =	stream.indirect.gather [hbm4b:s4+s14], $0x80, s21, s14, $0xb8;
	[tilespmem:$0x1F220] =	vst v63  }
0x79: {  	_ =	swait.ge [sflag:s23], $0x1400  }
0x7a: {  	[sflag:s23] =	ssyncset.done $0x0  }
0x7b: {  	s11 =	simm.s32 $0x4D58;
	[sflag:s23] =	ssyncadd.s32 $0xFFFFEC00  }
0x7c: {  	[spmem:s2] =	stream.indirect.scatter.add.f32 [tilespmem:s15], [sflag:$0x6], $0x80, s11, s14, $0xb8;
	[tilespmem:$0x1F220] =	vst v63  }
0x7d: {  	_ =	swait.ge [sflag:s24], $0x1400  }
0x7e: {  	[sflag:s24] =	ssyncset.done $0x0  }
0x7f: {  	[sflag:s24] =	ssyncadd.s32 $0xFFFFEC00  }
0x80: {  	_ =	swait.ge [sflag:s25], $0x1400  }
0x81: {  	[sflag:s25] =	ssyncset.done $0x0  }
0x82: {  	s19 =	simm.s32 $0x4D80;
	[sflag:s25] =	ssyncadd.s32 $0xFFFFEC00  }
0x83: {  	[spmem:s2] =	stream.indirect.scatter.add.f32 [tilespmem:s16], [sflag:$0x7], $0x80, s19, s14, $0xb8;
	[tilespmem:$0x1F220] =	vst v63  }
0x84: {  	_ =	swait.ge [sflag:s26], $0x1400  }
0x85: {  	[sflag:s26] =	ssyncset.done $0x0  }
0x86: {  	[sflag:s26] =	ssyncadd.s32 $0xFFFFEC00  }
0x87: {  	_ =	swait.ge [sflag:s28], $0x1400  }
0x88: {  	[sflag:s28] =	ssyncset.done $0x0  }
0x89: {  	s21 =	simm.s32 $0x4DA8;
	[sflag:s28] =	ssyncadd.s32 $0xFFFFEC00  }
0x8a: {  	[spmem:s2] =	stream.indirect.scatter.add.f32 [tilespmem:s18], [sflag:$0x8], $0x80, s21, s14, $0xb8;
	[tilespmem:$0x1F220] =	vst v63  }
0x8b: {  	_ =	swait.ge [sflag:s29], $0x1400  }
0x8c: {  	[sflag:s29] =	ssyncset.done $0x0  }
0x8d: {  	[sflag:s29] =	ssyncadd.s32 $0xFFFFEC00  }
0x8e: {  	_ =	swait.ge [sflag:s30], $0x1400  }
0x8f: {  	[sflag:s30] =	ssyncset.done $0x0  }
0x90: {  	s19 =	simm.s32 $0x4DD0;
	[sflag:s30] =	ssyncadd.s32 $0xFFFFEC00  }
0x91: {  	[spmem:s2] =	stream.indirect.scatter.add.f32 [tilespmem:s20], [sflag:$0x9], $0x80, s19, s14, $0xb8;
	[tilespmem:$0x1F220] =	vst v63  }
0x92: {  	_ =	swait.ge [sflag:s31], $0x1400  }
0x93: {  	[sflag:s31] =	ssyncset.done $0x0  }
0x94: {  	[sflag:s31] =	ssyncadd.s32 $0xFFFFEC00  }
0x95: {  	_ =	swait.ge [sflag:s1], $0x1400  }
0x96: {  	[sflag:s1] =	ssyncset.done $0x0  }
0x97: {  	s21 =	simm.s32 $0x4DF8;
	[sflag:s1] =	ssyncadd.s32 $0xFFFFEC00  }
0x98: {  	[spmem:s2] =	stream.indirect.scatter.add.f32 [tilespmem:s22], [sflag:$0xA], $0x80, s21, s14, $0xb8;
	[tilespmem:$0x1F220] =	vst v63  }
0x99: {  	_ =	swait.ge [sflag:s0], $0x1400  }
0x9a: {  	s17 =	sadd.s32 $0x1, s17;
	[sflag:s0] =	ssyncset.done $0x0  }
0x9b: {  	p0 =	sne.s32 s17, s9;
	[sflag:s0] =	ssyncadd.s32 $0xFFFFEC00  }
.Ltmp1:
0x9c: {  	[bflag:$0x0] =	sbarrier.arrive $0xFFFF;
	(pc) =	sbr.rel @p0 .LBB2_1-.Ltmp1, $4  }
0x9d: {  	[hbm:s8], [sflag:s12] =	dma.local [spmem:s13], $0x2800  }
0x9e: {  	_ =	swait.ge [sflag:s10], $0x2800  }
0x9f: {  	[sflag:s10] =	ssyncset.done $0x0  }
0xa0: {  	[sflag:s10] =	ssyncadd.s32 $0xFFFFD800  }
0xa1: {  	_ =	sfence.sel $0x180000  }
0xa2: {  	[bflag:$0x0] =	sbarrier.arrive $0xFFFF  }
0xa3: {  	_ =	strace $0x9000004D  }
0xa4: {  	s0 =	stileid.u32;
	[bflag:$0x2] =	sbarrier.arrive $0xFFFF  }
0xa5: {  	p0 =	sne.s32 s0, $0x0;
	s0 =	rddreg [dreg:$0x2]  }
0xa6: {  	s0 =	sadd.s32 @!p0 $0x100000, s0  }
0xa7: {  	[sflag:s0] =	ssyncadd.tile.s32 @!p0 $0x1;
	_ =	shalt  }
.Lfunc_end2:
_tile_overlayer_lowered:
.L_overlay_start_2:
0xa8: {  	(tag) =	ssettag $0x2  }
0xa9: {  	s0 =	rddreg [dreg:$0x0];
	s2 =	stileid.u32  }
0xaa: {  	s1 =	rddreg [dreg:$0x1];
	p0 =	sne.s32 s2, $0x0  }
0xab: {  	s3 =	rddreg [dreg:$0x2];
	[bflag:$0x3] =	sbarrier.arrive $0xFFFF;
	s2 =	simm.s32 @!p0 $0x1C0B  }
0xac: {  	[timem:s3], [sflag:s2] =	dma.local @!p0 [hbm:s0], s1  }
0xad: {  	s0 =	simm.s32 @!p0 $0xB  }
0xae: {  	_ =	swait.ge @!p0 [sflag:s0], s1  }
0xaf: {  	s1 =	ssub.s32 @!p0 $0x0, s1;
	[sflag:s0] =	ssyncset.done @!p0 $0x0  }
0xb0: {  	[sflag:s0] =	ssyncadd.s32 @!p0 s1  }
0xb1: {  	[bflag:$0x3] =	sbarrier.arrive $0xFFFF  }
0xb2: {  	_ =	shalt  }

// kernel: kernel.20.cloned.1.call-start
scs
__scs_entry_jumppad:
0x0: {  	(pc) =	sbr.rel $0x88, $3  }
0x1: {  	(tag) =	ssettag $0x0;
	lr =	simm.s32 $0x1  }
0x2: {  	[smem:$0x3F95] =	sst lr;
	_ =	strace $0xD0000000  }
0x3: {  	_ = 	snop  }
0x4: {  	_ = 	snop  }
0x5: {  	_ = 	snop  }
0x6: {  	_ = 	snop  }
0x7: {  	_ = 	snop  }
__scs_overlays_trampoline_lowered:
0x8: {  	[smem:$0x3FA4] =	sst s0  }
0x9: {  	[smem:$0x3FA5] =	sst s1  }
0xa: {  	[smem:$0x3FA6] =	sst s2  }
0xb: {  	[smem:$0x3FA7] =	sst s3  }
0xc: {  	[smem:$0x3FA8] =	sst s4  }
0xd: {  	[smem:$0x3FA9] =	sst s5  }
0xe: {  	[smem:$0x3FAA] =	sst s6  }
0xf: {  	[smem:$0x3FAB] =	sst s7  }
0x10: {  	[smem:$0x3FAC] =	sst s8  }
0x11: {  	[smem:$0x3FAD] =	sst s9;
	s0 =	simm.s32 @!p0 $0x0  }
0x12: {  	s1 =	sld [smem:$0x3F93];
	s0 =	simm.s32 @p0 $0x1  }
0x13: {  	[smem:$0x3FAE] =	sst s0;
	s0 =	simm.s32 @!p1 $0x0  }
0x14: {  	s2 =	sld [smem:$0x3F92];
	s0 =	simm.s32 @p1 $0x1  }
0x15: {  	[smem:$0x3FAF] =	sst s0;
	s0 =	simm.s32 @!p2 $0x0  }
0x16: {  	s3 =	sld [smem:$0x3FDB];
	s0 =	simm.s32 @p2 $0x1  }
0x17: {  	s4 =	simm.s32 $0x1BF5;
	[smem:$0x3FB1] =	sst s0  }
0x18: {  	s0 =	sld [smem:$0x3F94];
	_ =	swait.ge [sflag:s4], $0x0  }
0x19: {  	s7 =	sld [smem:$0x3F95]  }
0x1a: {  	s8 =	sadd.s32 $0xFFFFE003, lr  }
0x1b: {  	s9 =	sadd.s32 $0xFFFFFEF7, lr;
	s5 =	simm.s32 $0xFFFFFFFF;
	p2 =	slt.u32 s8, $0xFFFFF086  }
0x1c: {  	p1 =	slt.u32 s9, $0xF7A;
	s5 =	simm.s32 @!p2 $0x0  }
0x1d: {  	s5 =	simm.s32 @p1 $0x1;
	p0 =	seq.s32 s7, s2  }
0x1e: {  	s7 =	smul.u32 @!p0 $0xF7A, s2;
	p2 =	seq.s32 @!p0 s5, $0x0  }
0x1f: {  	s9 =	smul.u32 $0xF7A, s1;
	s8 =	simm.s32 @!p0 $0x1BF5;
	p2 =	por !p2, p0  }
0x20: {  	[sflag:s8] =	ssyncset.s32 @!p0 $0xFFFFF086;
	s6 =	sadd.s32 @!p0 s3, s7;
	s7 =	simm.s32 @!p0 $0x108  }
0x21: {  	s3 =	sadd.s32 s3, s9;
	s6 =	sadd.s32 @!p0 $0x88, s6;
	s7 =	simm.s32 @p2 $0x1082  }
0x22: {  	[simem:s7], [sflag:s8] =	dma.local @!p0 [hbm:s6], $0xF7A  }
0x23: {  	s9 =	sor.u32 $0xD0000000, s2;
	s6 =	simm.s32 $0x108;
	_ =	swait.ge @!p0 [sflag:s8], $0x0  }
0x24: {  	s3 =	sadd.s32 $0x88, s3;
	s6 =	simm.s32 @!p1 $0x1082;
	[sflag:s4] =	ssyncset.s32 $0xFFFFF086  }
0x25: {  	[simem:s6], [sflag:s4] =	dma.local [hbm:s3], $0xF7A  }
0x26: {  	[smem:$0x3F95] =	sst s1;
	(tag) =	ssettag s2;
	_ =	strace s9  }
0x27: {  	s1 =	sld [smem:$0x3FA5]  }
0x28: {  	s2 =	sld [smem:$0x3FA6]  }
0x29: {  	s4 =	sld [smem:$0x3FA8]  }
0x2a: {  	p0 =	seq.s32 s5, $0x0;
	s5 =	sld [smem:$0x3FA9]  }
0x2b: {  	s6 =	sld [smem:$0x3FAA]  }
0x2c: {  	s7 =	sld [smem:$0x3FAB]  }
0x2d: {  	s3 =	simm.s32 $0x108;
	s8 =	sld [smem:$0x3FAC]  }
0x2e: {  	s3 =	simm.s32 @!p0 $0x1082;
	s9 =	sld [smem:$0x3FAD]  }
0x2f: {  	lr =	sadd.s32 s0, s3;
	s0 =	sld [smem:$0x3FA4]  }
0x30: {  	s3 =	sld [smem:$0x3FA7]  }
0x31: {  	[smem:$0x3FB0] =	sst s10  }
0x32: {  	s10 =	sld [smem:$0x3FAE];
	_ =	sdelay $0x3  }
0x33: {  	p0 =	seq.s32 s10, $0x1;
	s10 =	sld [smem:$0x3FB0];
	_ =	sdelay $0x3  }
0x34: {  	[smem:$0x3FB0] =	sst s10  }
0x35: {  	s10 =	sld [smem:$0x3FAF];
	_ =	sdelay $0x3  }
0x36: {  	p1 =	seq.s32 s10, $0x1;
	s10 =	sld [smem:$0x3FB0];
	_ =	sdelay $0x3  }
0x37: {  	[smem:$0x3FB0] =	sst s10  }
0x38: {  	s10 =	sld [smem:$0x3FB1]  }
0x39: {  	_ = 	snop;
	(pc) =	sbr.ind lr, $3  }
0x3a: {  	_ = 	snop  }
0x3b: {  	_ = 	snop  }
0x3c: {  	p2 =	seq.s32 s10, $0x1;
	s10 =	sld [smem:$0x3FB0]  }
0x3d: {  	_ =	shalt  }
0x3e: {  	_ =	shalt  }
0x3f: {  	_ =	shalt  }
0x40: {  	_ =	shalt  }
0x41: {  	_ =	shalt  }
0x42: {  	_ =	shalt  }
0x43: {  	_ =	shalt  }
0x44: {  	_ =	shalt  }
0x45: {  	_ =	shalt  }
0x46: {  	_ =	shalt  }
0x47: {  	_ =	shalt  }
0x48: {  	_ =	shalt  }
0x49: {  	_ =	shalt  }
0x4a: {  	_ =	shalt  }
0x4b: {  	_ =	shalt  }
0x4c: {  	_ =	shalt  }
0x4d: {  	_ =	shalt  }
0x4e: {  	_ =	shalt  }
0x4f: {  	_ =	shalt  }
0x50: {  	_ =	shalt  }
0x51: {  	_ =	shalt  }
0x52: {  	_ =	shalt  }
0x53: {  	_ =	shalt  }
0x54: {  	_ =	shalt  }
0x55: {  	_ =	shalt  }
0x56: {  	_ =	shalt  }
0x57: {  	_ =	shalt  }
0x58: {  	_ =	shalt  }
0x59: {  	_ =	shalt  }
0x5a: {  	_ =	shalt  }
0x5b: {  	_ =	shalt  }
0x5c: {  	_ =	shalt  }
0x5d: {  	_ =	shalt  }
0x5e: {  	_ =	shalt  }
0x5f: {  	_ =	shalt  }
0x60: {  	_ =	shalt  }
0x61: {  	_ =	shalt  }
0x62: {  	_ =	shalt  }
0x63: {  	_ =	shalt  }
0x64: {  	_ =	shalt  }
0x65: {  	_ =	shalt  }
0x66: {  	_ =	shalt  }
0x67: {  	_ =	shalt  }
0x68: {  	_ =	shalt  }
0x69: {  	_ =	shalt  }
0x6a: {  	_ =	shalt  }
0x6b: {  	_ =	shalt  }
0x6c: {  	_ =	shalt  }
0x6d: {  	_ =	shalt  }
0x6e: {  	_ =	shalt  }
0x6f: {  	_ =	shalt  }
0x70: {  	_ =	shalt  }
0x71: {  	_ =	shalt  }
0x72: {  	_ =	shalt  }
0x73: {  	_ =	shalt  }
0x74: {  	_ =	shalt  }
0x75: {  	_ =	shalt  }
0x76: {  	_ =	shalt  }
0x77: {  	_ =	shalt  }
0x78: {  	_ =	shalt  }
0x79: {  	_ =	shalt  }
0x7a: {  	_ =	shalt  }
0x7b: {  	_ =	shalt  }
0x7c: {  	_ =	shalt  }
0x7d: {  	_ =	shalt  }
0x7e: {  	_ =	shalt  }
0x7f: {  	_ =	shalt  }
0x80: {  	_ =	shalt  }
0x81: {  	_ =	shalt  }
0x82: {  	_ =	shalt  }
0x83: {  	_ =	shalt  }
0x84: {  	_ =	shalt  }
0x85: {  	_ =	shalt  }
0x86: {  	_ =	shalt  }
0x87: {  	_ =	shalt  }
.Lfunc_end0:
.L_simem_size_0:
called_computation.3_lowered:
.L_overlay_start_0:
0x88: {  	s2 =	sld [smem:$0x3FD9]  }
0x89: {  	s3 =	sld [smem:$0x3FFE];
	_ =	sdelay $0x1  }
0x8a: {  	s1 =	srdreg.scid  }
0x8b: {  	s0 =	sand.u32 $0x1, s1  }
0x8c: {  	s16 =	sshll.u32 s0, $0xA;
	s2 =	sadd.s32 s3, s2  }
0x8d: {  	s2 =	sadd.s32 s2, s16  }
0x8e: {  	[smem:$0x3FBC] =	sst s2  }
0x8f: {  	_ = 	snop  }
0x90: {  	(tm) =	ssettm $0x1  }
0x91: {  	s17 =	sld [smem:$0x3FFB];
	_ =	sdelay $0x3  }
0x92: {  	_ =	strace s17  }
0x93: {  	s2 =	sld [smem:$0x3FFC];
	_ =	sdelay $0x3  }
0x94: {  	_ =	strace s2  }
0x95: {  	s2 =	sld [smem:$0x3FFD];
	_ =	sdelay $0x3  }
0x96: {  	_ =	strace s2  }
0x97: {  	_ =	strace $0x8FFFFFFF  }
0x98: {  	s18 =	sld [smem:$0x3FDB];
	_ =	sdelay $0x1  }
0x99: {  	s19 =	simm.s32 $_scs_section_size  }
0x9a: {  	s4 =	simm.s32 $_size__tile_overlayer_lowered;
	s5 =	simm.s32 $_tile_overlayer_lowered  }
0x9b: {  	s22 =	simm.s32 $0x1BFF;
	s21 =	sshll.u32 s5, $0x1;
	s2 =	sadd.s32 s19, s18  }
0x9c: {  	s6 =	simm.s32 $0x0;
	s20 =	sshll.u32 s4, $0x1;
	s4 =	sadd.s32 s21, s2  }
0x9d: {  	[timem:s6], [sflag:s22] =	dma.local [hbm:s4], s20  }
0x9e: {  	_ =	swait.ge [sflag:s22], s20  }
0x9f: {  	s3 =	ssub.s32 $0x0, s20;
	[sflag:s22] =	ssyncset.done $0x0  }
0xa0: {  	[sflag:s22] =	ssyncadd.s32 s3;
	_ =	sdelay $0x1  }
0xa1: {  	s23 =	simm.s32 $0x1B8B  }
0xa2: {  	_ =	swait.ge [sflag:s23], $0x1  }
0xa3: {  	[sflag:s23] =	ssyncset.done $0x0  }
0xa4: {  	s25 =	simm.s32 $0x1B8E;
	s24 =	sld [smem:$0x3FFE];
	[sflag:s23] =	ssyncadd.s32 $0xFFFFFFFF  }
0xa5: {  	s26 =	simm.s32 $execute0_lowered;
	[smem:$0x3FD2] =	sst s25  }
0xa6: {  	s4 =	sshll.u32 s26, $0x1;
	_ =	strace $0x8000004F;
	[dreg:$0x1] =	wrdreg $0xFFFFFFFF  }
0xa7: {  	s28 =	simm.s32 $_size_execute0_lowered;
	s2 =	sadd.s32 s2, s4;
	[dreg:$0x0] =	wrdreg $0x0  }
0xa8: {  	s4 =	sshll.u32 s28, $0x1;
	[dreg:$0x2] =	wrdreg s2  }
0xa9: {  	[dreg:$0x3] =	wrdreg s4  }
0xaa: {  	[dreg:$0x4] =	wrdreg $0xC0  }
0xab: {  	_ =	task [dreg:s6], $0x5FFFF  }
0xac: {  	[dreg:$0x1] =	wrdreg $0xFFFFFFFF  }
0xad: {  	[dreg:$0x0] =	wrdreg $0x60  }
0xae: {  	[dreg:$0x2] =	wrdreg s24  }
0xaf: {  	[dreg:$0x3] =	wrdreg $0x99200  }
0xb0: {  	[dreg:$0x4] =	wrdreg $0x9  }
0xb1: {  	_ =	task.clear_ibuf [dreg:s6], $0x5FFFF;
	_ =	strace $0x9000004F  }
0xb2: {  	s29 =	simm.s32 $0x9;
	_ =	strace $0x80000051  }
0xb3: {  	_ =	swait.ge [sflag:s29], $0x1  }
0xb4: {  	[sflag:s29] =	ssyncadd.s32 $0xFFFFFFFF  }
0xb5: {  	_ =	strace $0x90000051  }
0xb6: {  	_ =	sfence  }
0xb7: {  	s30 =	sld [smem:$0x0];
	_ =	sdelay $0x2  }
0xb8: {  	s31 =	sshll.u32 s1, $0xD;
	s1 =	sshrl.u32 s1, $0x2  }
0xb9: {  	s3 =	sand.u32 $0x4000, s31;
	s1 =	sadd.s32 s1, s30  }
0xba: {  	s0 =	sor.u32 s3, s0;
	s1 =	sshll.u32 s1, $0x11  }
0xbb: {  	s0 =	sor.u32 s1, s0  }
0xbc: {  	s0 =	sadd.s32 $0x8F2B, s0  }
0xbd: {  	[sflag:s0] =	ssyncadd.remote.s32 $0x1  }
0xbe: {  	_ =	sfence.sel $0xFFFF  }
0xbf: {  	[dreg:$0x0] =	wrdreg $0xFFFFFFFF;
	(pc) =	sbr.abs _section_cstart, $3  }
0xc0: {  	[dreg:$0x1] =	wrdreg $0xFFFFFFFF  }
0xc1: {  	_ =	task.clear_ibuf [dreg:s6], $0x2FFFF;
	_ =	strace $0x9FFFFFFF  }
0xc2: {  	(tm) =	ssettm $0x7FFFFFFF  }
0xc3: {  	_ =	shalt  }
tec
execute0_lowered:
.L_overlay_start_1:
0x0: {  	(tag) =	ssettag $0x1  }
0x1: {  	s0 =	srdreg.scid;
	s5 =	rddreg [dreg:$0x0]  }
0x2: {  	s11 =	stileid.u32;
	s2 =	rddreg [dreg:$0x1];
	s3 =	simm.s32 $0x0  }
0x3: {  	s14 =	simm.s32 $0x50;
	s15 =	simm.s32 $0x4E20;
	s16 =	simm.s32 $0x5D20  }
0x4: {  	s18 =	simm.s32 $0x6C20;
	s20 =	simm.s32 $0x7B20;
	s22 =	simm.s32 $0x8A20  }
0x5: {  	s23 =	simm.s32 $0x1;
	s24 =	simm.s32 $0x6;
	s28 =	simm.s32 $0x3  }
0x6: {  	s29 =	simm.s32 $0x8;
	s30 =	simm.s32 $0x4;
	s31 =	simm.s32 $0x9  }
0x7: {  	s17 =	simm.s32 $0x0;
	s0 =	sand.u32 $0x1, s0;
	s1 =	sshll.u32 s11, $0x1  }
0x8: {  	s7 =	smul.u32 $0x7800, s11;
	[smem:$0x7FF] =	sst s3;
	s4 =	sadd.s32 $0x16600, s5  }
0x9: {  	s26 =	sshll.u32 s11, $0x6;
	s1 =	sor.u32 s0, s1;
	s6 =	smul.u32 $0x78000, s0  }
0xa: {  	_ =	strace $0x80000050;
	s0 =	ssub.s32 $0x2, s0;
	s12 =	sor.u32 $0x1C0B, s26  }
0xb: {  	s26 =	simm.s32 $0x7;
	s1 =	smul.u32 $0x4E2, s1;
	s8 =	sshrl.u32 s7, $0x3  }
0xc: {  	s9 =	sshrl.u32 s0, $0x1;
	s25 =	sadd.s32 s7, s2;
	s6 =	sadd.s32 s7, s6  }
0xd: {  	s8 =	sadd.s32 s8, s5;
	s0 =	ssub.s32 s0, s9;
	s13 =	sshrl.u32 s25, $0x3  }
0xe: {  	s25 =	simm.s32 $0x2;
	s1 =	sadd.s32 s1, s5;
	s6 =	sshrl.u32 s6, $0x3  }
0xf: {  	s7 =	sadd.s32 $0x25200, s8;
	s9 =	smax.u32 s0, $0x1;
	s0 =	simm.s32 $0xA  }
0x10: {  	s10 =	sadd.s32 s6, s5;
	s5 =	sadd.s32 $0x2A00, s1;
	s6 =	sadd.s32 $0xC800, s1  }
0x11: {  	s1 =	simm.s32 $0x5;
	s8 =	sadd.s32 $0x34200, s10;
	s10 =	simm.s32 $0xB  }
.LBB2_1:
0x12: {  	[tilespmem:s3], [sflag:$0xB] =	stream.linear.gather [hbm4b:s5+s3], $0x2710, $0x38;
	[tilespmem:$0x11120] =	vst v63  }
0x13: {  	_ =	swait.ge [sflag:s10], $0x2710  }
0x14: {  	[sflag:s10] =	ssyncset.done $0x0  }
0x15: {  	s11 =	simm.s32 $0x2710;
	[sflag:s10] =	ssyncadd.s32 $0xFFFFD8F0  }
0x16: {  	[tilespmem:s11], [sflag:$0xB] =	stream.linear.gather [hbm4b:s6+s3], $0x2710, $0x38;
	[tilespmem:$0x11120] =	vst v63  }
0x17: {  	_ =	swait.ge [sflag:s10], $0x2710  }
0x18: {  	[sflag:s10] =	ssyncset.done $0x0  }
0x19: {  	[sflag:s10] =	ssyncadd.s32 $0xFFFFD8F0  }
0x1a: {  	[spmem:s13], [sflag:s12] =	dma.local [hbm:s7], $0xF00  }
0x1b: {  	_ =	swait.ge [sflag:s10], $0xF00  }
0x1c: {  	[sflag:s10] =	ssyncset.done $0x0  }
0x1d: {  	[sflag:s10] =	ssyncadd.s32 $0xFFFFF100  }
0x1e: {  	[bflag:$0x0] =	sbarrier.arrive $0xFFFF  }
0x1f: {  	[tilespmem:s15], [sflag:$0x1] =	stream.indirect.gather [hbm4b:s4+s14], $0x30, s3, s14, $0xb8;
	[tilespmem:$0x11120] =	vst v63  }
0x20: {  	_ = 	snop  }
0x21: {  	[tilespmem:s16], [sflag:$0x2] =	stream.indirect.gather [hbm4b:s4+s14], $0x30, s14, s14, $0xb8;
	[tilespmem:$0x11120] =	vst v63  }
0x22: {  	s21 =	simm.s32 $0xA0  }
0x23: {  	[tilespmem:s18], [sflag:$0x3] =	stream.indirect.gather [hbm4b:s4+s14], $0x30, s21, s14, $0xb8;
	[tilespmem:$0x11120] =	vst v63  }
0x24: {  	s19 =	simm.s32 $0xF0  }
0x25: {  	[tilespmem:s20], [sflag:$0x4] =	stream.indirect.gather [hbm4b:s4+s14], $0x30, s19, s14, $0xb8;
	[tilespmem:$0x11120] =	vst v63  }
0x26: {  	s21 =	simm.s32 $0x140  }
0x27: {  	[tilespmem:s22], [sflag:$0x5] =	stream.indirect.gather [hbm4b:s4+s14], $0x30, s21, s14, $0xb8;
	[tilespmem:$0x11120] =	vst v63  }
0x28: {  	_ =	swait.ge [sflag:s23], $0xF00  }
0x29: {  	[sflag:s23] =	ssyncset.done $0x0  }
0x2a: {  	s19 =	simm.s32 $0x2710;
	[sflag:s23] =	ssyncadd.s32 $0xFFFFF100  }
0x2b: {  	[spmem:s2] =	stream.indirect.scatter.add.f32 [tilespmem:s15], [sflag:$0x6], $0x30, s19, s14, $0xb8;
	[tilespmem:$0x11120] =	vst v63  }
0x2c: {  	_ =	swait.ge [sflag:s24], $0xF00  }
0x2d: {  	[sflag:s24] =	ssyncset.done $0x0  }
0x2e: {  	s11 =	simm.s32 $0x190;
	[sflag:s24] =	ssyncadd.s32 $0xFFFFF100  }
0x2f: {  	[tilespmem:s15], [sflag:$0x1] =	stream.indirect.gather [hbm4b:s4+s14], $0x30, s11, s14, $0xb8;
	[tilespmem:$0x11120] =	vst v63  }
0x30: {  	_ =	swait.ge [sflag:s25], $0xF00  }
0x31: {  	[sflag:s25] =	ssyncset.done $0x0  }
0x32: {  	s21 =	simm.s32 $0x2760;
	[sflag:s25] =	ssyncadd.s32 $0xFFFFF100  }
0x33: {  	[spmem:s2] =	stream.indirect.scatter.add.f32 [tilespmem:s16], [sflag:$0x7], $0x30, s21, s14, $0xb8;
	[tilespmem:$0x11120] =	vst v63  }
0x34: {  	_ =	swait.ge [sflag:s26], $0xF00  }
0x35: {  	[sflag:s26] =	ssyncset.done $0x0  }
0x36: {  	s11 =	simm.s32 $0x1E0;
	[sflag:s26] =	ssyncadd.s32 $0xFFFFF100  }
0x37: {  	[tilespmem:s16], [sflag:$0x2] =	stream.indirect.gather [hbm4b:s4+s14], $0x30, s11, s14, $0xb8;
	[tilespmem:$0x11120] =	vst v63  }
0x38: {  	_ =	swait.ge [sflag:s28], $0xF00  }
0x39: {  	[sflag:s28] =	ssyncset.done $0x0  }
0x3a: {  	s21 =	simm.s32 $0x27B0;
	[sflag:s28] =	ssyncadd.s32 $0xFFFFF100  }
0x3b: {  	[spmem:s2] =	stream.indirect.scatter.add.f32 [tilespmem:s18], [sflag:$0x8], $0x30, s21, s14, $0xb8;
	[tilespmem:$0x11120] =	vst v63  }
0x3c: {  	_ =	swait.ge [sflag:s29], $0xF00  }
0x3d: {  	[sflag:s29] =	ssyncset.done $0x0  }
0x3e: {  	s11 =	simm.s32 $0x230;
	[sflag:s29] =	ssyncadd.s32 $0xFFFFF100  }
0x3f: {  	[tilespmem:s18], [sflag:$0x3] =	stream.indirect.gather [hbm4b:s4+s14], $0x30, s11, s14, $0xb8;
	[tilespmem:$0x11120] =	vst v63  }
0x40: {  	_ =	swait.ge [sflag:s30], $0xF00  }
0x41: {  	[sflag:s30] =	ssyncset.done $0x0  }
0x42: {  	s21 =	simm.s32 $0x2800;
	[sflag:s30] =	ssyncadd.s32 $0xFFFFF100  }
0x43: {  	[spmem:s2] =	stream.indirect.scatter.add.f32 [tilespmem:s20], [sflag:$0x9], $0x30, s21, s14, $0xb8;
	[tilespmem:$0x11120] =	vst v63  }
0x44: {  	_ =	swait.ge [sflag:s31], $0xF00  }
0x45: {  	[sflag:s31] =	ssyncset.done $0x0  }
0x46: {  	s11 =	simm.s32 $0x280;
	[sflag:s31] =	ssyncadd.s32 $0xFFFFF100  }
0x47: {  	[tilespmem:s20], [sflag:$0x4] =	stream.indirect.gather [hbm4b:s4+s14], $0x30, s11, s14, $0xb8;
	[tilespmem:$0x11120] =	vst v63  }
0x48: {  	_ =	swait.ge [sflag:s1], $0xF00  }
0x49: {  	[sflag:s1] =	ssyncset.done $0x0  }
0x4a: {  	s21 =	simm.s32 $0x2850;
	[sflag:s1] =	ssyncadd.s32 $0xFFFFF100  }
0x4b: {  	[spmem:s2] =	stream.indirect.scatter.add.f32 [tilespmem:s22], [sflag:$0xA], $0x30, s21, s14, $0xb8;
	[tilespmem:$0x11120] =	vst v63  }
0x4c: {  	_ =	swait.ge [sflag:s0], $0xF00  }
0x4d: {  	[sflag:s0] =	ssyncset.done $0x0  }
0x4e: {  	s19 =	simm.s32 $0x640;
	s21 =	simm.s32 $0x2D0;
	[sflag:s0] =	ssyncadd.s32 $0xFFFFF100  }
.LBB2_2:
0x4f: {  	[tilespmem:s22], [sflag:$0x5] =	stream.indirect.gather [hbm4b:s4+s14], $0x30, s21, s14, $0xb8;
	[tilespmem:$0x11120] =	vst v63  }
0x50: {  	s21 =	smov.u32 s19  }
0x51: {  	p0 =	sne.s32 s19, $0x8FC0;
	s19 =	sadd.s32 $0x640, s19;
	_ =	swait.ge [sflag:s23], $0xF00  }
0x52: {  	s21 =	sshra.s32 s21, $0x2;
	[sflag:s23] =	ssyncset.done $0x0  }
0x53: {  	s11 =	sadd.s32 $0x2710, s21;
	[sflag:s23] =	ssyncadd.s32 $0xFFFFF100  }
0x54: {  	[spmem:s2] =	stream.indirect.scatter.add.f32 [tilespmem:s15], [sflag:$0x6], $0x30, s11, s14, $0xb8;
	[tilespmem:$0x11120] =	vst v63  }
0x55: {  	_ =	swait.ge [sflag:s24], $0xF00  }
0x56: {  	[sflag:s24] =	ssyncset.done $0x0  }
0x57: {  	s11 =	sadd.s32 $0x190, s21;
	[sflag:s24] =	ssyncadd.s32 $0xFFFFF100  }
0x58: {  	[tilespmem:s15], [sflag:$0x1] =	stream.indirect.gather [hbm4b:s4+s14], $0x30, s11, s14, $0xb8;
	[tilespmem:$0x11120] =	vst v63  }
0x59: {  	_ =	swait.ge [sflag:s25], $0xF00  }
0x5a: {  	[sflag:s25] =	ssyncset.done $0x0  }
0x5b: {  	s11 =	sadd.s32 $0x2760, s21;
	[sflag:s25] =	ssyncadd.s32 $0xFFFFF100  }
0x5c: {  	[spmem:s2] =	stream.indirect.scatter.add.f32 [tilespmem:s16], [sflag:$0x7], $0x30, s11, s14, $0xb8;
	[tilespmem:$0x11120] =	vst v63  }
0x5d: {  	_ =	swait.ge [sflag:s26], $0xF00  }
0x5e: {  	[sflag:s26] =	ssyncset.done $0x0  }
0x5f: {  	s11 =	sadd.s32 $0x1E0, s21;
	[sflag:s26] =	ssyncadd.s32 $0xFFFFF100  }
0x60: {  	[tilespmem:s16], [sflag:$0x2] =	stream.indirect.gather [hbm4b:s4+s14], $0x30, s11, s14, $0xb8;
	[tilespmem:$0x11120] =	vst v63  }
0x61: {  	_ =	swait.ge [sflag:s28], $0xF00  }
0x62: {  	[sflag:s28] =	ssyncset.done $0x0  }
0x63: {  	s11 =	sadd.s32 $0x27B0, s21;
	[sflag:s28] =	ssyncadd.s32 $0xFFFFF100  }
0x64: {  	[spmem:s2] =	stream.indirect.scatter.add.f32 [tilespmem:s18], [sflag:$0x8], $0x30, s11, s14, $0xb8;
	[tilespmem:$0x11120] =	vst v63  }
0x65: {  	_ =	swait.ge [sflag:s29], $0xF00  }
0x66: {  	[sflag:s29] =	ssyncset.done $0x0  }
0x67: {  	s11 =	sadd.s32 $0x230, s21;
	[sflag:s29] =	ssyncadd.s32 $0xFFFFF100  }
0x68: {  	[tilespmem:s18], [sflag:$0x3] =	stream.indirect.gather [hbm4b:s4+s14], $0x30, s11, s14, $0xb8;
	[tilespmem:$0x11120] =	vst v63  }
0x69: {  	_ =	swait.ge [sflag:s30], $0xF00  }
0x6a: {  	[sflag:s30] =	ssyncset.done $0x0  }
0x6b: {  	s11 =	sadd.s32 $0x2800, s21;
	[sflag:s30] =	ssyncadd.s32 $0xFFFFF100  }
0x6c: {  	[spmem:s2] =	stream.indirect.scatter.add.f32 [tilespmem:s20], [sflag:$0x9], $0x30, s11, s14, $0xb8;
	[tilespmem:$0x11120] =	vst v63  }
0x6d: {  	_ =	swait.ge [sflag:s31], $0xF00  }
0x6e: {  	[sflag:s31] =	ssyncset.done $0x0  }
0x6f: {  	s11 =	sadd.s32 $0x280, s21;
	[sflag:s31] =	ssyncadd.s32 $0xFFFFF100  }
0x70: {  	[tilespmem:s20], [sflag:$0x4] =	stream.indirect.gather [hbm4b:s4+s14], $0x30, s11, s14, $0xb8;
	[tilespmem:$0x11120] =	vst v63  }
0x71: {  	_ =	swait.ge [sflag:s1], $0xF00  }
0x72: {  	[sflag:s1] =	ssyncset.done $0x0  }
.Ltmp0:
0x73: {  	s11 =	sadd.s32 $0x2850, s21;
	[sflag:s1] =	ssyncadd.s32 $0xFFFFF100;
	(pc) =	sbr.rel @p0 .LBB2_2-.Ltmp0, $4  }
0x74: {  	[spmem:s2] =	stream.indirect.scatter.add.f32 [tilespmem:s22], [sflag:$0xA], $0x30, s11, s14, $0xb8;
	[tilespmem:$0x11120] =	vst v63  }
0x75: {  	_ =	swait.ge [sflag:s0], $0xF00  }
0x76: {  	[sflag:s0] =	ssyncset.done $0x0  }
0x77: {  	s21 =	sadd.s32 $0x2D0, s21;
	[sflag:s0] =	ssyncadd.s32 $0xFFFFF100  }
0x78: {  	[tilespmem:s22], [sflag:$0x5] =	stream.indirect.gather [hbm4b:s4+s14], $0x30, s21, s14, $0xb8;
	[tilespmem:$0x11120] =	vst v63  }
0x79: {  	_ =	swait.ge [sflag:s23], $0xF00  }
0x7a: {  	[sflag:s23] =	ssyncset.done $0x0  }
0x7b: {  	s11 =	simm.s32 $0x4C90;
	[sflag:s23] =	ssyncadd.s32 $0xFFFFF100  }
0x7c: {  	[spmem:s2] =	stream.indirect.scatter.add.f32 [tilespmem:s15], [sflag:$0x6], $0x30, s11, s14, $0xb8;
	[tilespmem:$0x11120] =	vst v63  }
0x7d: {  	_ =	swait.ge [sflag:s24], $0xF00  }
0x7e: {  	[sflag:s24] =	ssyncset.done $0x0  }
0x7f: {  	[sflag:s24] =	ssyncadd.s32 $0xFFFFF100  }
0x80: {  	_ =	swait.ge [sflag:s25], $0xF00  }
0x81: {  	[sflag:s25] =	ssyncset.done $0x0  }
0x82: {  	s19 =	simm.s32 $0x4CE0;
	[sflag:s25] =	ssyncadd.s32 $0xFFFFF100  }
0x83: {  	[spmem:s2] =	stream.indirect.scatter.add.f32 [tilespmem:s16], [sflag:$0x7], $0x30, s19, s14, $0xb8;
	[tilespmem:$0x11120] =	vst v63  }
0x84: {  	_ =	swait.ge [sflag:s26], $0xF00  }
0x85: {  	[sflag:s26] =	ssyncset.done $0x0  }
0x86: {  	[sflag:s26] =	ssyncadd.s32 $0xFFFFF100  }
0x87: {  	_ =	swait.ge [sflag:s28], $0xF00  }
0x88: {  	[sflag:s28] =	ssyncset.done $0x0  }
0x89: {  	s21 =	simm.s32 $0x4D30;
	[sflag:s28] =	ssyncadd.s32 $0xFFFFF100  }
0x8a: {  	[spmem:s2] =	stream.indirect.scatter.add.f32 [tilespmem:s18], [sflag:$0x8], $0x30, s21, s14, $0xb8;
	[tilespmem:$0x11120] =	vst v63  }
0x8b: {  	_ =	swait.ge [sflag:s29], $0xF00  }
0x8c: {  	[sflag:s29] =	ssyncset.done $0x0  }
0x8d: {  	[sflag:s29] =	ssyncadd.s32 $0xFFFFF100  }
0x8e: {  	_ =	swait.ge [sflag:s30], $0xF00  }
0x8f: {  	[sflag:s30] =	ssyncset.done $0x0  }
0x90: {  	s19 =	simm.s32 $0x4D80;
	[sflag:s30] =	ssyncadd.s32 $0xFFFFF100  }
0x91: {  	[spmem:s2] =	stream.indirect.scatter.add.f32 [tilespmem:s20], [sflag:$0x9], $0x30, s19, s14, $0xb8;
	[tilespmem:$0x11120] =	vst v63  }
0x92: {  	_ =	swait.ge [sflag:s31], $0xF00  }
0x93: {  	[sflag:s31] =	ssyncset.done $0x0  }
0x94: {  	[sflag:s31] =	ssyncadd.s32 $0xFFFFF100  }
0x95: {  	_ =	swait.ge [sflag:s1], $0xF00  }
0x96: {  	[sflag:s1] =	ssyncset.done $0x0  }
0x97: {  	s21 =	simm.s32 $0x4DD0;
	[sflag:s1] =	ssyncadd.s32 $0xFFFFF100  }
0x98: {  	[spmem:s2] =	stream.indirect.scatter.add.f32 [tilespmem:s22], [sflag:$0xA], $0x30, s21, s14, $0xb8;
	[tilespmem:$0x11120] =	vst v63  }
0x99: {  	_ =	swait.ge [sflag:s0], $0xF00  }
0x9a: {  	s17 =	sadd.s32 $0x1, s17;
	[sflag:s0] =	ssyncset.done $0x0  }
0x9b: {  	p0 =	sne.s32 s17, s9;
	[sflag:s0] =	ssyncadd.s32 $0xFFFFF100  }
.Ltmp1:
0x9c: {  	[bflag:$0x0] =	sbarrier.arrive $0xFFFF;
	(pc) =	sbr.rel @p0 .LBB2_1-.Ltmp1, $4  }
0x9d: {  	[hbm:s8], [sflag:s12] =	dma.local [spmem:s13], $0xF00  }
0x9e: {  	_ =	swait.ge [sflag:s10], $0xF00  }
0x9f: {  	[sflag:s10] =	ssyncset.done $0x0  }
0xa0: {  	[sflag:s10] =	ssyncadd.s32 $0xFFFFF100  }
0xa1: {  	_ =	sfence.sel $0x180000  }
0xa2: {  	[bflag:$0x0] =	sbarrier.arrive $0xFFFF  }
0xa3: {  	_ =	strace $0x90000050  }
0xa4: {  	s0 =	stileid.u32;
	[bflag:$0x2] =	sbarrier.arrive $0xFFFF  }
0xa5: {  	p0 =	sne.s32 s0, $0x0;
	s0 =	rddreg [dreg:$0x2]  }
0xa6: {  	s0 =	sadd.s32 @!p0 $0x100000, s0  }
0xa7: {  	[sflag:s0] =	ssyncadd.tile.s32 @!p0 $0x1;
	_ =	shalt  }
.Lfunc_end2:
_tile_overlayer_lowered:
.L_overlay_start_2:
0xa8: {  	(tag) =	ssettag $0x2  }
0xa9: {  	s0 =	rddreg [dreg:$0x0];
	s2 =	stileid.u32  }
0xaa: {  	s1 =	rddreg [dreg:$0x1];
	p0 =	sne.s32 s2, $0x0  }
0xab: {  	s3 =	rddreg [dreg:$0x2];
	[bflag:$0x3] =	sbarrier.arrive $0xFFFF;
	s2 =	simm.s32 @!p0 $0x1C0B  }
0xac: {  	[timem:s3], [sflag:s2] =	dma.local @!p0 [hbm:s0], s1  }
0xad: {  	s0 =	simm.s32 @!p0 $0xB  }
0xae: {  	_ =	swait.ge @!p0 [sflag:s0], s1  }
0xaf: {  	s1 =	ssub.s32 @!p0 $0x0, s1;
	[sflag:s0] =	ssyncset.done @!p0 $0x0  }
0xb0: {  	[sflag:s0] =	ssyncadd.s32 @!p0 s1  }
0xb1: {  	[bflag:$0x3] =	sbarrier.arrive $0xFFFF  }
0xb2: {  	_ =	shalt  }

</sc_bundles>
